<compile_context>
chip_gen: v7x
topology: tpu7x:2x2x1
jax: 0.10.2.dev20260603
libtpu: 0.0.44.dev20260713+nightly
codegen_flags: <defaults>
</compile_context>

<pallas_src>
import functools
import math

import jax
import jax.numpy as jnp
from jax import lax
from jax.experimental import pallas as pl
from jax.experimental.pallas import tpu as pltpu
from jax.experimental.pallas import tpu_sc as plsc

HID = 128
NHEADS = 8
ATOM_CUTOFF = 5.0
GRID_CUTOFF = 8.0
LOG2 = math.log(2.0)

NC = 2
NS = 16
NW = NC * NS
KCH = 128


def _ssp(x):
    return jax.nn.softplus(x) - LOG2


def _ln(x, g, b):
    m = jnp.mean(x, axis=-1, keepdims=True)
    v = jnp.var(x, axis=-1, keepdims=True)
    return (x - m) * jax.lax.rsqrt(v + 1e-5) * g + b


def _full(shape):
    return pl.BlockSpec(shape, lambda *_: tuple(0 for _ in shape))


def _pre_atoms_body(x_ref, g_ref, b_ref, w_ref, o_ref):
    h = _ln(x_ref[...], g_ref[...], b_ref[...])
    o_ref[...] = jnp.dot(h, w_ref[...], preferred_element_type=jnp.float32)


def _pre_atoms(a_x, g, b, w, br=2000):
    n = a_x.shape[0]
    return pl.pallas_call(
        _pre_atoms_body,
        grid=(n // br,),
        in_specs=[pl.BlockSpec((br, HID), lambda i: (i, 0)),
                  _full((1, HID)), _full((1, HID)), _full((HID, HID))],
        out_specs=pl.BlockSpec((br, HID), lambda i: (i, 0)),
        out_shape=jax.ShapeDtypeStruct((n, HID), jnp.float32),
    )(a_x, g.reshape(1, HID), b.reshape(1, HID), w)


def _mesh_body(x_ref, g_ref, b_ref, wq_ref, bq_ref, wk_ref, bk_ref, wv_ref,
               bv_ref, wo_ref, bo_ref, w1_ref, mh_ref, hm_ref):
    x = _ln(x_ref[...], g_ref[...], b_ref[...])
    q = jnp.dot(x, wq_ref[...], preferred_element_type=jnp.float32) + bq_ref[...]
    k = jnp.dot(x, wk_ref[...], preferred_element_type=jnp.float32) + bk_ref[...]
    v = jnp.dot(x, wv_ref[...], preferred_element_type=jnp.float32) + bv_ref[...]
    dh = HID // NHEADS
    outs = []
    for h in range(NHEADS):
        qs = q[:, h * dh:(h + 1) * dh]
        ks = k[:, h * dh:(h + 1) * dh]
        vs = v[:, h * dh:(h + 1) * dh]
        att = lax.dot_general(qs, ks, (((1,), (1,)), ((), ())),
                              preferred_element_type=jnp.float32)
        att = jax.nn.softmax(att / math.sqrt(float(dh)), axis=-1)
        outs.append(jnp.dot(att, vs, preferred_element_type=jnp.float32))
    o = jnp.concatenate(outs, axis=1)
    mh = jnp.dot(o, wo_ref[...], preferred_element_type=jnp.float32) + bo_ref[...]
    mh_ref[...] = mh
    hm_ref[...] = jnp.dot(mh, w1_ref[...], preferred_element_type=jnp.float32)


def _mesh_branch(m_x, g, b, mha, w1):
    n = m_x.shape[0]
    vecs = [g, b, None, mha['bq'], None, mha['bk'], None, mha['bv'], None,
            mha['bo']]
    args = [m_x, g.reshape(1, HID), b.reshape(1, HID),
            mha['wq'], mha['bq'].reshape(1, HID),
            mha['wk'], mha['bk'].reshape(1, HID),
            mha['wv'], mha['bv'].reshape(1, HID),
            mha['wo'], mha['bo'].reshape(1, HID), w1]
    del vecs
    return pl.pallas_call(
        _mesh_body,
        out_shape=(jax.ShapeDtypeStruct((n, HID), jnp.float32),
                   jax.ShapeDtypeStruct((n, HID), jnp.float32)),
    )(*args)


def _filter_body(cutoff, ea_ref, ew_ref, h_ref, w1_ref, b1_ref, w2_ref,
                 b2_ref, o_ref):
    a1 = _ssp(jnp.dot(ea_ref[...], w1_ref[...],
                      preferred_element_type=jnp.float32) + b1_ref[...])
    w = jnp.dot(a1, w2_ref[...], preferred_element_type=jnp.float32) + b2_ref[...]
    ew = ew_ref[...]
    env = 0.5 * (jnp.cos(ew * (math.pi / cutoff)) + 1.0)
    env = jnp.where(ew <= cutoff, env, 0.0)
    o_ref[...] = w * env * h_ref[...]


def _edge_filter(ea, ew, hsrc, p, cutoff, be=1000):
    e = ea.shape[0]
    nrbf = ea.shape[1]
    body = functools.partial(_filter_body, cutoff)
    return pl.pallas_call(
        body,
        grid=(e // be,),
        in_specs=[pl.BlockSpec((be, nrbf), lambda i: (i, 0)),
                  pl.BlockSpec((be, 1), lambda i: (i, 0)),
                  pl.BlockSpec((be, HID), lambda i: (i, 0)),
                  _full((nrbf, HID)), _full((1, HID)),
                  _full((HID, HID)), _full((1, HID))],
        out_specs=pl.BlockSpec((be, HID), lambda i: (i, 0)),
        out_shape=jax.ShapeDtypeStruct((e, HID), jnp.float32),
    )(ea, ew.reshape(-1, 1), hsrc, p['mlp_w1'], p['mlp_b1'].reshape(1, HID),
      p['mlp_w2'], p['mlp_b2'].reshape(1, HID))


def _post_body(next_w, parts_ref, w2_ref, b2_ref, wl_ref, bl_ref, *rest):
    agg = parts_ref[0] + parts_ref[1]
    y = _ssp(jnp.dot(agg, w2_ref[...], preferred_element_type=jnp.float32)
             + b2_ref[...])
    y = jnp.dot(y, wl_ref[...], preferred_element_type=jnp.float32) + bl_ref[...]
    if next_w:
        nw_ref, y_ref, h2_ref = rest
        y_ref[...] = y
        h2_ref[...] = jnp.dot(y, nw_ref[...], preferred_element_type=jnp.float32)
    else:
        g_ref, b_ref, base_ref, res_ref, y_ref = rest
        y_ref[...] = base_ref[...] + _ln(y, g_ref[...], b_ref[...]) + res_ref[...]


def _post_interaction(parts, p, next_w, br):
    n = parts.shape[1]
    body = functools.partial(_post_body, True)
    return pl.pallas_call(
        body,
        grid=(n // br,),
        in_specs=[pl.BlockSpec((2, br, HID), lambda i: (0, i, 0)),
                  _full((HID, HID)), _full((1, HID)),
                  _full((HID, HID)), _full((1, HID)), _full((HID, HID))],
        out_specs=(pl.BlockSpec((br, HID), lambda i: (i, 0)),
                   pl.BlockSpec((br, HID), lambda i: (i, 0))),
        out_shape=(jax.ShapeDtypeStruct((n, HID), jnp.float32),
                   jax.ShapeDtypeStruct((n, HID), jnp.float32)),
    )(parts, p['lin2_w'], p['lin2_b'].reshape(1, HID),
      p['lin_w'], p['lin_b'].reshape(1, HID), next_w)


def _post_final(parts, p, g, b, base, res, br):
    n = parts.shape[1]
    body = functools.partial(_post_body, False)
    return pl.pallas_call(
        body,
        grid=(n // br,),
        in_specs=[pl.BlockSpec((2, br, HID), lambda i: (0, i, 0)),
                  _full((HID, HID)), _full((1, HID)),
                  _full((HID, HID)), _full((1, HID)),
                  _full((1, HID)), _full((1, HID)),
                  pl.BlockSpec((br, HID), lambda i: (i, 0)),
                  pl.BlockSpec((br, HID), lambda i: (i, 0))],
        out_specs=pl.BlockSpec((br, HID), lambda i: (i, 0)),
        out_shape=jax.ShapeDtypeStruct((n, HID), jnp.float32),
    )(parts, p['lin2_w'], p['lin2_b'].reshape(1, HID),
      p['lin_w'], p['lin_b'].reshape(1, HID),
      g.reshape(1, HID), b.reshape(1, HID), base, res)


def _make_sc_gather(e, n_rows, hid):
    assert e % KCH == 0 and n_rows % 8 == 0
    nchunk = e // KCH
    grp = n_rows // 8
    g_per, g_rem = grp // NS, grp % NS
    mesh = plsc.VectorSubcoreMesh(core_axis_name="c", subcore_axis_name="s",
                                  num_cores=NC, num_subcores=NS)

    def body(table_hbm, idx_hbm, out_hbm, tab_sh, idx_v, rows_v, piece_v):
        c = lax.axis_index("c")
        s = lax.axis_index("s")
        wid = s * NC + c
        r0 = (s * g_per + jnp.minimum(s, g_rem)) * 8
        ng = g_per + jnp.where(s < g_rem, 1, 0)

        def load(q, carry):
            pltpu.sync_copy(table_hbm.at[pl.ds(r0 + q * 8, 8)], piece_v)
            pltpu.sync_copy(piece_v, tab_sh.at[pl.ds(r0 + q * 8, 8)])
            return carry

        lax.fori_loop(0, ng, load, 0)
        plsc.subcore_barrier()

        my_n = (nchunk - 1 - wid) // NW + 1

        def step(i, carry):
            base = (wid + i * NW) * KCH
            pltpu.sync_copy(idx_hbm.at[pl.ds(base, KCH)], idx_v)
            pltpu.sync_copy(tab_sh.at[idx_v], rows_v)
            pltpu.sync_copy(rows_v, out_hbm.at[pl.ds(base, KCH)])
            return carry

        lax.fori_loop(0, my_n, step, 0)

    return pl.kernel(
        body,
        out_type=jax.ShapeDtypeStruct((e, hid), jnp.float32),
        mesh=mesh,
        scratch_types=[pltpu.VMEM_SHARED((n_rows, hid), jnp.float32),
                       pltpu.VMEM((KCH,), jnp.int32),
                       pltpu.VMEM((KCH, hid), jnp.float32),
                       pltpu.VMEM((8, hid), jnp.float32)],
    )


def _make_sc_scatter(e, n_rows, hid):
    assert e % KCH == 0 and n_rows % 8 == 0
    nchunk = e // KCH
    grp = n_rows // 8
    g_per, g_rem = grp // NS, grp % NS
    big, small = (g_per + 1) * 8, g_per * 8
    mesh = plsc.VectorSubcoreMesh(core_axis_name="c", subcore_axis_name="s",
                                  num_cores=NC, num_subcores=NS)

    del big, small

    paired = nchunk % 2 == 0
    npair = nchunk // 2

    def body(msg_hbm, dst_hbm, out_hbm, acc_sh, idx_v, msg_v, piece_v, sem,
             *extra):
        c = lax.axis_index("c")
        s = lax.axis_index("s")
        wid = s * NC + c
        r0 = (s * g_per + jnp.minimum(s, g_rem)) * 8
        ng = g_per + jnp.where(s < g_rem, 1, 0)

        zero = jnp.zeros((16,), jnp.float32)

        def zrow(r, carry):
            for j in range(hid // 16):
                piece_v[r, pl.ds(j * 16, 16)] = zero
            return carry

        lax.fori_loop(0, 8, zrow, 0)

        def zinit(q, carry):
            pltpu.sync_copy(piece_v, acc_sh.at[pl.ds(r0 + q * 8, 8)])
            return carry

        lax.fori_loop(0, ng, zinit, 0)
        plsc.subcore_barrier()

        if paired:
            idx1_v, msg1_v, sem1 = extra

            def step(i, carry):
                base0 = (wid + i * NW) * 2 * KCH
                base1 = base0 + KCH
                pltpu.sync_copy(dst_hbm.at[pl.ds(base0, KCH)], idx_v)
                h0 = pltpu.async_copy(msg_hbm.at[pl.ds(base0, KCH)], msg_v,
                                      sem)
                pltpu.sync_copy(dst_hbm.at[pl.ds(base1, KCH)], idx1_v)
                h1 = pltpu.async_copy(msg_hbm.at[pl.ds(base1, KCH)], msg1_v,
                                      sem1)
                h0.wait()
                pltpu.sync_copy(msg_v, acc_sh.at[idx_v], add=True)
                h1.wait()
                pltpu.sync_copy(msg1_v, acc_sh.at[idx1_v], add=True)
                return carry

            lax.fori_loop(0, (npair - 1 - wid) // NW + 1, step, 0)
        else:
            def step(i, carry):
                base = (wid + i * NW) * KCH
                pltpu.sync_copy(dst_hbm.at[pl.ds(base, KCH)], idx_v)
                pltpu.sync_copy(msg_hbm.at[pl.ds(base, KCH)], msg_v)
                pltpu.sync_copy(msg_v, acc_sh.at[idx_v], add=True)
                return carry

            lax.fori_loop(0, (nchunk - 1 - wid) // NW + 1, step, 0)
        plsc.subcore_barrier()

        def copy_out(q, carry):
            pltpu.sync_copy(acc_sh.at[pl.ds(r0 + q * 8, 8)], piece_v)
            pltpu.sync_copy(piece_v, out_hbm.at[c, pl.ds(r0 + q * 8, 8)])
            return carry

        lax.fori_loop(0, ng, copy_out, 0)

    scratch = [pltpu.VMEM_SHARED((n_rows, hid), jnp.float32),
               pltpu.VMEM((KCH,), jnp.int32),
               pltpu.VMEM((KCH, hid), jnp.float32),
               pltpu.VMEM((8, hid), jnp.float32),
               pltpu.SemaphoreType.DMA]
    if paired:
        scratch += [pltpu.VMEM((KCH,), jnp.int32),
                    pltpu.VMEM((KCH, hid), jnp.float32),
                    pltpu.SemaphoreType.DMA]

    return pl.kernel(
        body,
        out_type=jax.ShapeDtypeStruct((NC, n_rows, hid), jnp.float32),
        mesh=mesh,
        scratch_types=scratch,
    )


def kernel(a_x, m_x, a2a_edge_index, a2m_edge_index, m2a_edge_index,
           a2a_edge_weights, a2m_edge_weights, m2a_edge_weights,
           a2a_edge_attr, a2m_edge_attr, m2a_edge_attr, params):
    p = params
    n_atom = a_x.shape[0]
    n_mesh = m_x.shape[0]
    e_aa = a2a_edge_index.shape[1]
    e_am = a2m_edge_index.shape[1]

    src_aa, dst_aa = a2a_edge_index[0], a2a_edge_index[1]
    src_a2m, dst_a2m = a2m_edge_index[0], a2m_edge_index[1]
    src_m2a, dst_m2a = m2a_edge_index[0], m2a_edge_index[1]

    h_aa = _pre_atoms(a_x, p['ln_short_g'], p['ln_short_b'], p['short']['lin1_w'])
    m_h, h_m2a = _mesh_branch(m_x, p['ln_long_g'], p['ln_long_b'], p['mha'],
                              p['m2a']['lin1_w'])

    hsrc_aa = _make_sc_gather(e_aa, n_atom, HID)(h_aa, src_aa)
    hsrc_m2a = _make_sc_gather(e_am, n_mesh, HID)(h_m2a, src_m2a)

    msg_aa = _edge_filter(a2a_edge_attr, a2a_edge_weights, hsrc_aa,
                          p['short'], ATOM_CUTOFF)
    parts_aa = _make_sc_scatter(e_aa, n_atom, HID)(msg_aa, dst_aa)
    a_h, h_a2m = _post_interaction(parts_aa, p['short'], p['a2m']['lin1_w'],
                                   br=2000)

    msg_m2a = _edge_filter(m2a_edge_attr, m2a_edge_weights, hsrc_m2a,
                           p['m2a'], GRID_CUTOFF)
    parts_m2a = _make_sc_scatter(e_am, n_atom, HID)(msg_m2a, dst_m2a)

    hsrc_a2m = _make_sc_gather(e_am, n_atom, HID)(h_a2m, src_a2m)
    msg_a2m = _edge_filter(a2m_edge_attr, a2m_edge_weights, hsrc_a2m,
                           p['a2m'], GRID_CUTOFF)
    parts_a2m = _make_sc_scatter(e_am, n_mesh, HID)(msg_a2m, dst_a2m)

    out_a = _post_final(parts_m2a, p['m2a'], p['ln_m2a_g'], p['ln_m2a_b'],
                        a_h, a_x, br=2000)
    out_m = _post_final(parts_a2m, p['a2m'], p['ln_a2m_g'], p['ln_a2m_b'],
                        m_h, m_x, br=512)
    return out_a, out_m

# --- scband reference (transcript-rebuilt; emitter-appended) ---
"""Pipeline reference for scband-sch-net-p3-m-18081812316203 (READ-ONLY COPY).

The authoritative reference and input builder live on the scoring server;
editing this copy changes nothing except your own understanding.
"""

import jax, jax.numpy as jnp
import numpy as np

HID = 128
NRBF = 50
NFILT = 128
N_ATOM = 10000
N_MESH = 512
E_AA = 320000
E_AM = 80000
NHEADS = 8
ATOM_CUTOFF = 5.0
GRID_CUTOFF = 8.0


def _ssp(x):
    return jax.nn.softplus(x) - jnp.log(2.0)


def _ln(x, g, b):
    m = jnp.mean(x, axis=-1, keepdims=True)
    v = jnp.var(x, axis=-1, keepdims=True)
    return (x - m) / jnp.sqrt(v + 1e-5) * g + b


def _make_ib(key):
    k = jax.random.split(key, 5)
    s = 0.05
    return {
        'mlp_w1': jax.random.normal(k[0], (NRBF, NFILT), jnp.float32) * s,
        'mlp_b1': jnp.zeros((NFILT,), jnp.float32),
        'mlp_w2': jax.random.normal(k[1], (NFILT, NFILT), jnp.float32) * s,
        'mlp_b2': jnp.zeros((NFILT,), jnp.float32),
        'lin1_w': jax.random.normal(k[2], (HID, NFILT), jnp.float32) * s,
        'lin2_w': jax.random.normal(k[3], (NFILT, HID), jnp.float32) * s,
        'lin2_b': jnp.zeros((HID,), jnp.float32),
        'lin_w': jax.random.normal(k[4], (HID, HID), jnp.float32) * s,
        'lin_b': jnp.zeros((HID,), jnp.float32),
    }


def _make_mha(key):
    k = jax.random.split(key, 4)
    s = 0.05
    return {
        'wq': jax.random.normal(k[0], (HID, HID), jnp.float32) * s,
        'bq': jnp.zeros((HID,), jnp.float32),
        'wk': jax.random.normal(k[1], (HID, HID), jnp.float32) * s,
        'bk': jnp.zeros((HID,), jnp.float32),
        'wv': jax.random.normal(k[2], (HID, HID), jnp.float32) * s,
        'bv': jnp.zeros((HID,), jnp.float32),
        'wo': jax.random.normal(k[3], (HID, HID), jnp.float32) * s,
        'bo': jnp.zeros((HID,), jnp.float32),
    }


def _interaction(x, ei, ew, ea, p, cutoff, dim_size):
    # CFConv: filter-generating MLP on rbf edge_attr, cosine cutoff envelope
    C = 0.5 * (jnp.cos(ew * jnp.pi / cutoff) + 1.0) * (ew <= cutoff).astype(x.dtype)
    W = _ssp(ea @ p['mlp_w1'] + p['mlp_b1']) @ p['mlp_w2'] + p['mlp_b2']
    W = W * C[:, None]
    h = x @ p['lin1_w']
    msg = h[ei[0]] * W
    agg = jax.ops.segment_sum(msg, ei[1], num_segments=dim_size)
    out = agg @ p['lin2_w'] + p['lin2_b']
    out = _ssp(out)
    return out @ p['lin_w'] + p['lin_b']


def _mha(x, p):
    B, G, H = x.shape
    dh = H // NHEADS
    q = (x @ p['wq'] + p['bq']).reshape(B, G, NHEADS, dh).transpose(0, 2, 1, 3)
    k = (x @ p['wk'] + p['bk']).reshape(B, G, NHEADS, dh).transpose(0, 2, 1, 3)
    v = (x @ p['wv'] + p['bv']).reshape(B, G, NHEADS, dh).transpose(0, 2, 1, 3)
    att = jax.nn.softmax(q @ k.transpose(0, 1, 3, 2) / jnp.sqrt(float(dh)), axis=-1)
    o = (att @ v).transpose(0, 2, 1, 3).reshape(B, G, H)
    return o @ p['wo'] + p['bo']


def setup_inputs(seed: int = 0):
    key = jax.random.key(seed)
    ks = jax.random.split(key, 16)
    a_x = jax.random.normal(ks[0], (N_ATOM, HID), jnp.float32)
    m_x = jax.random.normal(ks[1], (N_MESH, HID), jnp.float32)
    a2a_edge_index = jax.random.randint(ks[2], (2, E_AA), 0, N_ATOM, jnp.int32)
    a2m_src = jax.random.randint(ks[3], (E_AM,), 0, N_ATOM, jnp.int32)
    a2m_dst = jax.random.randint(ks[4], (E_AM,), 0, N_MESH, jnp.int32)
    a2m_edge_index = jnp.stack([a2m_src, a2m_dst])
    m2a_edge_index = jnp.flip(a2m_edge_index, axis=0)
    a2a_edge_weights = jax.random.uniform(ks[5], (E_AA,), jnp.float32) * ATOM_CUTOFF
    a2m_edge_weights = jax.random.uniform(ks[6], (E_AM,), jnp.float32) * GRID_CUTOFF
    m2a_edge_weights = jax.random.uniform(ks[7], (E_AM,), jnp.float32) * GRID_CUTOFF
    a2a_edge_attr = jax.random.uniform(ks[8], (E_AA, NRBF), jnp.float32)
    a2m_edge_attr = jax.random.uniform(ks[9], (E_AM, NRBF), jnp.float32)
    m2a_edge_attr = jax.random.uniform(ks[10], (E_AM, NRBF), jnp.float32)
    params = {
        'short': _make_ib(ks[11]),
        'a2m': _make_ib(ks[12]),
        'm2a': _make_ib(ks[13]),
        'mha': _make_mha(ks[14]),
        'ln_short_g': jnp.ones((HID,), jnp.float32), 'ln_short_b': jnp.zeros((HID,), jnp.float32),
        'ln_long_g': jnp.ones((HID,), jnp.float32), 'ln_long_b': jnp.zeros((HID,), jnp.float32),
        'ln_a2m_g': jnp.ones((HID,), jnp.float32), 'ln_a2m_b': jnp.zeros((HID,), jnp.float32),
        'ln_m2a_g': jnp.ones((HID,), jnp.float32), 'ln_m2a_b': jnp.zeros((HID,), jnp.float32),
    }
    return {
        'a_x': a_x, 'm_x': m_x,
        'a2a_edge_index': a2a_edge_index, 'a2m_edge_index': a2m_edge_index, 'm2a_edge_index': m2a_edge_index,
        'a2a_edge_weights': a2a_edge_weights, 'a2m_edge_weights': a2m_edge_weights, 'm2a_edge_weights': m2a_edge_weights,
        'a2a_edge_attr': a2a_edge_attr, 'a2m_edge_attr': a2m_edge_attr, 'm2a_edge_attr': m2a_edge_attr,
        'params': params,
    }


def reference(a_x, m_x, a2a_edge_index, a2m_edge_index, m2a_edge_index,
              a2a_edge_weights, a2m_edge_weights, m2a_edge_weights,
              a2a_edge_attr, a2m_edge_attr, m2a_edge_attr, params):
    p = params
    delta_a, delta_m = a_x, m_x
    a_h = _ln(a_x, p['ln_short_g'], p['ln_short_b'])
    a_h = _interaction(a_h, a2a_edge_index, a2a_edge_weights, a2a_edge_attr, p['short'], ATOM_CUTOFF, a_x.shape[0])
    m_h = _ln(m_x, p['ln_long_g'], p['ln_long_b'])
    m_h = _mha(m_h.reshape(-1, N_MESH, HID), p['mha']).reshape(-1, HID)
    a2m_msg = _interaction(a_h, a2m_edge_index, a2m_edge_weights, a2m_edge_attr, p['a2m'], GRID_CUTOFF, m_h.shape[0])
    a2m_msg = _ln(a2m_msg, p['ln_a2m_g'], p['ln_a2m_b'])
    m2a_msg = _interaction(m_h, m2a_edge_index, m2a_edge_weights, m2a_edge_attr, p['m2a'], GRID_CUTOFF, a_h.shape[0])
    m2a_msg = _ln(m2a_msg, p['ln_m2a_g'], p['ln_m2a_b'])
    return (a_h + m2a_msg + delta_a, m_h + a2m_msg + delta_m)

if __name__ == "__main__":
    import jax
    _d = setup_inputs()
    print(jax.jit(kernel)(*tuple(_d.values())))

</pallas_src>

<mosaic_0001>
#map = affine_map<(d0, d1) -> (0, 0)>
#map1 = affine_map<(d0, d1) -> (0)>
module attributes {stable_mosaic.version = 14 : i64} {
  func.func @body(%arg0: i32, %arg1: i32, %arg2: memref<10000x128xf32, #tpu.memory_space<hbm>>, %arg3: memref<80000xi32, #tpu.memory_space<hbm>>, %arg4: memref<80000x128xf32, #tpu.memory_space<hbm>>, %arg5: memref<10000x128xf32, #tpu.memory_space<vmem_shared>>, %arg6: memref<128xi32, #tpu.memory_space<vmem>>, %arg7: memref<128x128xf32, #tpu.memory_space<vmem>>, %arg8: memref<8x128xf32, #tpu.memory_space<vmem>>) attributes {dimension_semantics = [#tpu.dimension_semantics<core_parallel>, #tpu.dimension_semantics<subcore_parallel>], iteration_bounds = array<i64: 2, 16>, scalar_prefetch = 0 : i64, scratch_operands = 4 : i64, tpu.core_type = #tpu.core_type<sc_vector_subcore>, window_params = [{transform_indices = #map}, {transform_indices = #map1}, {transform_indices = #map}]} {
    %mul3A = arith.constant 2 : i32
    %mul3A_0 = arith.muli %arg1, %mul3A : i32
    %add3A = arith.addi %mul3A_0, %arg0 : i32
    %mul3A_1 = arith.constant 78 : i32
    %mul3A_2 = arith.muli %arg1, %mul3A_1 : i32
    %min3A = arith.constant 2 : i32
    %min3A_3 = arith.minsi %arg1, %min3A : i32
    %add3A_4 = arith.addi %mul3A_2, %min3A_3 : i32
    %mul3A_5 = arith.constant 8 : i32
    %mul3A_6 = arith.muli %add3A_4, %mul3A_5 : i32
    %lt3A = arith.constant 2 : i32
    %lt3A_7 = arith.cmpi slt, %arg1, %lt3A : i32
    %jit3A = arith.constant 1 : i32
    %jit3A_8 = arith.constant 0 : i32
    %select_n3A = arith.select %lt3A_7, %jit3A, %jit3A_8 : i32
    %add3A_9 = arith.constant 78 : i32
    %add3A_10 = arith.addi %add3A_9, %select_n3A : i32
    %while3A = arith.constant 0 : i32
    %while3A_11 = arith.constant 0 : i32
    %while3A_12 = arith.subi %add3A_10, %while3A_11 : i32
    %while3A_13 = arith.addi %while3A_11, %while3A_12 : i32
    %while3A_14 = arith.constant 1 : i32
    %while3A_15 = arith.divsi %while3A_12, %while3A_14 : i32
    %while3A_16 = arith.muli %while3A_15, %while3A_14 : i32
    %while3A_17 = arith.addi %while3A_11, %while3A_16 : i32
    %while3A_18 = arith.constant 1 : i32
    scf.for %while3A_52 = %while3A_11 to %while3A_17 step %while3A_18  : i32 {
      %mul3A_53 = arith.constant 8 : i32
      %mul3A_54 = arith.muli %while3A_52, %mul3A_53 : i32
      %add3A_55 = arith.addi %mul3A_6, %mul3A_54 : i32
      "tpu.region"() ({
        %run_scoped3A = tpu.sem_alloc : memref<!tpu.dma_semaphore, #tpu.memory_space<semaphore_mem>>
        %dma_start3A = arith.constant 0 : i32
        %dma_start3A_59 = tpu.memref_slice %arg2[%add3A_55, %dma_start3A] : memref<10000x128xf32, #tpu.memory_space<hbm>> -> memref<8x128xf32, #tpu.memory_space<hbm>>
        %dma_start3A_60 = arith.constant 0 : i32
        %dma_start3A_61 = tpu.memref_slice %arg2[%add3A_55, %dma_start3A_60] : memref<10000x128xf32, #tpu.memory_space<hbm>> -> memref<8x128xf32, #tpu.memory_space<hbm>>
        tpu.enqueue_dma source(%dma_start3A_61 : memref<8x128xf32, #tpu.memory_space<hbm>>) target(%arg8 : memref<8x128xf32, #tpu.memory_space<vmem>>) target_semaphore(%run_scoped3A : memref<!tpu.dma_semaphore, #tpu.memory_space<semaphore_mem>>)
        %dma_wait3A = arith.constant 0 : i32
        %dma_wait3A_62 = tpu.memref_slice %arg2[%add3A_55, %dma_wait3A] : memref<10000x128xf32, #tpu.memory_space<hbm>> -> memref<8x128xf32, #tpu.memory_space<hbm>>
        %dma_wait3A_63 = arith.constant 0 : i32
        %dma_wait3A_64 = tpu.memref_slice %arg2[%add3A_55, %dma_wait3A_63] : memref<10000x128xf32, #tpu.memory_space<hbm>> -> memref<8x128xf32, #tpu.memory_space<hbm>>
        tpu.wait_dma2 semaphore(%run_scoped3A : memref<!tpu.dma_semaphore, #tpu.memory_space<semaphore_mem>>) src(%dma_wait3A_64 : memref<8x128xf32, #tpu.memory_space<hbm>>) dst(%arg8 : memref<8x128xf32, #tpu.memory_space<vmem>>)
        tpu.yield
      }) : () -> ()
      %mul3A_56 = arith.constant 8 : i32
      %mul3A_57 = arith.muli %while3A_52, %mul3A_56 : i32
      %add3A_58 = arith.addi %mul3A_6, %mul3A_57 : i32
      "tpu.region"() ({
        %run_scoped3A = tpu.sem_alloc : memref<!tpu.dma_semaphore, #tpu.memory_space<semaphore_mem>>
        %dma_start3A = arith.constant 0 : i32
        %dma_start3A_59 = tpu.memref_slice %arg5[%add3A_58, %dma_start3A] : memref<10000x128xf32, #tpu.memory_space<vmem_shared>> -> memref<8x128xf32, #tpu.memory_space<vmem_shared>>
        %dma_start3A_60 = arith.constant 0 : i32
        %dma_start3A_61 = tpu.memref_slice %arg5[%add3A_58, %dma_start3A_60] : memref<10000x128xf32, #tpu.memory_space<vmem_shared>> -> memref<8x128xf32, #tpu.memory_space<vmem_shared>>
        tpu.enqueue_dma source(%arg8 : memref<8x128xf32, #tpu.memory_space<vmem>>) target(%dma_start3A_61 : memref<8x128xf32, #tpu.memory_space<vmem_shared>>) target_semaphore(%run_scoped3A : memref<!tpu.dma_semaphore, #tpu.memory_space<semaphore_mem>>)
        %dma_wait3A = arith.constant 0 : i32
        %dma_wait3A_62 = tpu.memref_slice %arg5[%add3A_58, %dma_wait3A] : memref<10000x128xf32, #tpu.memory_space<vmem_shared>> -> memref<8x128xf32, #tpu.memory_space<vmem_shared>>
        %dma_wait3A_63 = arith.constant 0 : i32
        %dma_wait3A_64 = tpu.memref_slice %arg5[%add3A_58, %dma_wait3A_63] : memref<10000x128xf32, #tpu.memory_space<vmem_shared>> -> memref<8x128xf32, #tpu.memory_space<vmem_shared>>
        tpu.wait_dma2 semaphore(%run_scoped3A : memref<!tpu.dma_semaphore, #tpu.memory_space<semaphore_mem>>) src(%arg8 : memref<8x128xf32, #tpu.memory_space<vmem>>) dst(%dma_wait3A_64 : memref<8x128xf32, #tpu.memory_space<vmem_shared>>)
        tpu.yield
      }) : () -> ()
    }
    %while3A_19 = arith.constant 1 : i32
    scf.for %while3A_52 = %while3A_17 to %while3A_13 step %while3A_19  : i32 {
      %mul3A_53 = arith.constant 8 : i32
      %mul3A_54 = arith.muli %while3A_52, %mul3A_53 : i32
      %add3A_55 = arith.addi %mul3A_6, %mul3A_54 : i32
      "tpu.region"() ({
        %run_scoped3A = tpu.sem_alloc : memref<!tpu.dma_semaphore, #tpu.memory_space<semaphore_mem>>
        %dma_start3A = arith.constant 0 : i32
        %dma_start3A_59 = tpu.memref_slice %arg2[%add3A_55, %dma_start3A] : memref<10000x128xf32, #tpu.memory_space<hbm>> -> memref<8x128xf32, #tpu.memory_space<hbm>>
        %dma_start3A_60 = arith.constant 0 : i32
        %dma_start3A_61 = tpu.memref_slice %arg2[%add3A_55, %dma_start3A_60] : memref<10000x128xf32, #tpu.memory_space<hbm>> -> memref<8x128xf32, #tpu.memory_space<hbm>>
        tpu.enqueue_dma source(%dma_start3A_61 : memref<8x128xf32, #tpu.memory_space<hbm>>) target(%arg8 : memref<8x128xf32, #tpu.memory_space<vmem>>) target_semaphore(%run_scoped3A : memref<!tpu.dma_semaphore, #tpu.memory_space<semaphore_mem>>)
        %dma_wait3A = arith.constant 0 : i32
        %dma_wait3A_62 = tpu.memref_slice %arg2[%add3A_55, %dma_wait3A] : memref<10000x128xf32, #tpu.memory_space<hbm>> -> memref<8x128xf32, #tpu.memory_space<hbm>>
        %dma_wait3A_63 = arith.constant 0 : i32
        %dma_wait3A_64 = tpu.memref_slice %arg2[%add3A_55, %dma_wait3A_63] : memref<10000x128xf32, #tpu.memory_space<hbm>> -> memref<8x128xf32, #tpu.memory_space<hbm>>
        tpu.wait_dma2 semaphore(%run_scoped3A : memref<!tpu.dma_semaphore, #tpu.memory_space<semaphore_mem>>) src(%dma_wait3A_64 : memref<8x128xf32, #tpu.memory_space<hbm>>) dst(%arg8 : memref<8x128xf32, #tpu.memory_space<vmem>>)
        tpu.yield
      }) : () -> ()
      %mul3A_56 = arith.constant 8 : i32
      %mul3A_57 = arith.muli %while3A_52, %mul3A_56 : i32
      %add3A_58 = arith.addi %mul3A_6, %mul3A_57 : i32
      "tpu.region"() ({
        %run_scoped3A = tpu.sem_alloc : memref<!tpu.dma_semaphore, #tpu.memory_space<semaphore_mem>>
        %dma_start3A = arith.constant 0 : i32
        %dma_start3A_59 = tpu.memref_slice %arg5[%add3A_58, %dma_start3A] : memref<10000x128xf32, #tpu.memory_space<vmem_shared>> -> memref<8x128xf32, #tpu.memory_space<vmem_shared>>
        %dma_start3A_60 = arith.constant 0 : i32
        %dma_start3A_61 = tpu.memref_slice %arg5[%add3A_58, %dma_start3A_60] : memref<10000x128xf32, #tpu.memory_space<vmem_shared>> -> memref<8x128xf32, #tpu.memory_space<vmem_shared>>
        tpu.enqueue_dma source(%arg8 : memref<8x128xf32, #tpu.memory_space<vmem>>) target(%dma_start3A_61 : memref<8x128xf32, #tpu.memory_space<vmem_shared>>) target_semaphore(%run_scoped3A : memref<!tpu.dma_semaphore, #tpu.memory_space<semaphore_mem>>)
        %dma_wait3A = arith.constant 0 : i32
        %dma_wait3A_62 = tpu.memref_slice %arg5[%add3A_58, %dma_wait3A] : memref<10000x128xf32, #tpu.memory_space<vmem_shared>> -> memref<8x128xf32, #tpu.memory_space<vmem_shared>>
        %dma_wait3A_63 = arith.constant 0 : i32
        %dma_wait3A_64 = tpu.memref_slice %arg5[%add3A_58, %dma_wait3A_63] : memref<10000x128xf32, #tpu.memory_space<vmem_shared>> -> memref<8x128xf32, #tpu.memory_space<vmem_shared>>
        tpu.wait_dma2 semaphore(%run_scoped3A : memref<!tpu.dma_semaphore, #tpu.memory_space<semaphore_mem>>) src(%arg8 : memref<8x128xf32, #tpu.memory_space<vmem>>) dst(%dma_wait3A_64 : memref<8x128xf32, #tpu.memory_space<vmem_shared>>)
        tpu.yield
      }) : () -> ()
    }
    %barrier3A = arith.constant 0 : index
    tpu.barrier barrier_id(%barrier3A)
    %sub3A = arith.constant 624 : i32
    %sub3A_20 = arith.subi %sub3A, %add3A : i32
    %jit3A_21 = arith.constant 32 : i32
    %div3A = arith.divsi %sub3A_20, %jit3A_21 : i32
    %sign3A = arith.constant 0 : i32
    %sign3A_22 = arith.cmpi sgt, %sub3A_20, %sign3A : i32
    %sign3A_23 = arith.extui %sign3A_22 : i1 to i32
    %sign3A_24 = arith.constant 0 : i32
    %sign3A_25 = arith.cmpi slt, %sub3A_20, %sign3A_24 : i32
    %sign3A_26 = arith.extui %sign3A_25 : i1 to i32
    %sign3A_27 = arith.subi %sign3A_23, %sign3A_26 : i32
    %sign3A_28 = arith.constant 0 : i32
    %sign3A_29 = arith.cmpi sgt, %jit3A_21, %sign3A_28 : i32
    %sign3A_30 = arith.extui %sign3A_29 : i1 to i32
    %sign3A_31 = arith.constant 0 : i32
    %sign3A_32 = arith.cmpi slt, %jit3A_21, %sign3A_31 : i32
    %sign3A_33 = arith.extui %sign3A_32 : i1 to i32
    %sign3A_34 = arith.subi %sign3A_30, %sign3A_33 : i32
    %ne3A = arith.cmpi ne, %sign3A_27, %sign3A_34 : i32
    %rem3A = arith.remsi %sub3A_20, %jit3A_21 : i32
    %ne3A_35 = arith.constant 0 : i32
    %ne3A_36 = arith.cmpi ne, %rem3A, %ne3A_35 : i32
    %and3A = arith.andi %ne3A, %ne3A_36 : i1
    %sub3A_37 = arith.constant 1 : i32
    %sub3A_38 = arith.subi %div3A, %sub3A_37 : i32
    %select_n3A_39 = arith.select %and3A, %sub3A_38, %div3A : i32
    %add3A_40 = arith.constant 1 : i32
    %add3A_41 = arith.addi %select_n3A_39, %add3A_40 : i32
    %while3A_42 = arith.constant 0 : i32
    %while3A_43 = arith.constant 0 : i32
    %while3A_44 = arith.subi %add3A_41, %while3A_43 : i32
    %while3A_45 = arith.addi %while3A_43, %while3A_44 : i32
    %while3A_46 = arith.constant 1 : i32
    %while3A_47 = arith.divsi %while3A_44, %while3A_46 : i32
    %while3A_48 = arith.muli %while3A_47, %while3A_46 : i32
    %while3A_49 = arith.addi %while3A_43, %while3A_48 : i32
    %while3A_50 = arith.constant 1 : i32
    scf.for %while3A_52 = %while3A_43 to %while3A_49 step %while3A_50  : i32 {
      %mul3A_53 = arith.constant 32 : i32
      %mul3A_54 = arith.muli %while3A_52, %mul3A_53 : i32
      %add3A_55 = arith.addi %add3A, %mul3A_54 : i32
      %mul3A_56 = arith.constant 128 : i32
      %mul3A_57 = arith.muli %add3A_55, %mul3A_56 : i32
      "tpu.region"() ({
        %run_scoped3A = tpu.sem_alloc : memref<!tpu.dma_semaphore, #tpu.memory_space<semaphore_mem>>
        %dma_start3A = tpu.memref_slice %arg3[%mul3A_57] : memref<80000xi32, #tpu.memory_space<hbm>> -> memref<128xi32, #tpu.memory_space<hbm>>
        %dma_start3A_58 = tpu.memref_slice %arg3[%mul3A_57] : memref<80000xi32, #tpu.memory_space<hbm>> -> memref<128xi32, #tpu.memory_space<hbm>>
        tpu.enqueue_dma source(%dma_start3A_58 : memref<128xi32, #tpu.memory_space<hbm>>) target(%arg6 : memref<128xi32, #tpu.memory_space<vmem>>) target_semaphore(%run_scoped3A : memref<!tpu.dma_semaphore, #tpu.memory_space<semaphore_mem>>)
        %dma_wait3A = tpu.memref_slice %arg3[%mul3A_57] : memref<80000xi32, #tpu.memory_space<hbm>> -> memref<128xi32, #tpu.memory_space<hbm>>
        %dma_wait3A_59 = tpu.memref_slice %arg3[%mul3A_57] : memref<80000xi32, #tpu.memory_space<hbm>> -> memref<128xi32, #tpu.memory_space<hbm>>
        tpu.wait_dma2 semaphore(%run_scoped3A : memref<!tpu.dma_semaphore, #tpu.memory_space<semaphore_mem>>) src(%dma_wait3A_59 : memref<128xi32, #tpu.memory_space<hbm>>) dst(%arg6 : memref<128xi32, #tpu.memory_space<vmem>>)
        tpu.yield
      }) : () -> ()
      "tpu.region"() ({
        %run_scoped3A = tpu.sem_alloc : memref<!tpu.dma_semaphore, #tpu.memory_space<semaphore_mem>>
        %dma_start3A = arith.constant 0 : i32
        %dma_start3A_58 = arith.constant 0 : i32
        %dma_start3A_59 = tpu.memref_slice %arg5[%dma_start3A, %dma_start3A_58] : memref<10000x128xf32, #tpu.memory_space<vmem_shared>> -> memref<10000x128xf32, #tpu.memory_space<vmem_shared>>
        tpu.enqueue_indirect_dma source(%dma_start3A_59 : memref<10000x128xf32, #tpu.memory_space<vmem_shared>>) target(%arg7 : memref<128x128xf32, #tpu.memory_space<vmem>>) offsets(%arg6 : memref<128xi32, #tpu.memory_space<vmem>>) semaphore(%run_scoped3A : memref<!tpu.dma_semaphore, #tpu.memory_space<semaphore_mem>>)
        %dma_wait3A = arith.constant 0 : i32
        %dma_wait3A_60 = arith.constant 0 : i32
        %dma_wait3A_61 = tpu.memref_slice %arg5[%dma_wait3A, %dma_wait3A_60] : memref<10000x128xf32, #tpu.memory_space<vmem_shared>> -> memref<10000x128xf32, #tpu.memory_space<vmem_shared>>
        tpu.wait_indirect_dma semaphore(%run_scoped3A : memref<!tpu.dma_semaphore, #tpu.memory_space<semaphore_mem>>) src(%dma_wait3A_61 : memref<10000x128xf32, #tpu.memory_space<vmem_shared>>) dst(%arg7 : memref<128x128xf32, #tpu.memory_space<vmem>>)
        tpu.yield
      }) : () -> ()
      "tpu.region"() ({
        %run_scoped3A = tpu.sem_alloc : memref<!tpu.dma_semaphore, #tpu.memory_space<semaphore_mem>>
        %dma_start3A = arith.constant 0 : i32
        %dma_start3A_58 = tpu.memref_slice %arg4[%mul3A_57, %dma_start3A] : memref<80000x128xf32, #tpu.memory_space<hbm>> -> memref<128x128xf32, #tpu.memory_space<hbm>>
        %dma_start3A_59 = arith.constant 0 : i32
        %dma_start3A_60 = tpu.memref_slice %arg4[%mul3A_57, %dma_start3A_59] : memref<80000x128xf32, #tpu.memory_space<hbm>> -> memref<128x128xf32, #tpu.memory_space<hbm>>
        tpu.enqueue_dma source(%arg7 : memref<128x128xf32, #tpu.memory_space<vmem>>) target(%dma_start3A_60 : memref<128x128xf32, #tpu.memory_space<hbm>>) target_semaphore(%run_scoped3A : memref<!tpu.dma_semaphore, #tpu.memory_space<semaphore_mem>>)
        %dma_wait3A = arith.constant 0 : i32
        %dma_wait3A_61 = tpu.memref_slice %arg4[%mul3A_57, %dma_wait3A] : memref<80000x128xf32, #tpu.memory_space<hbm>> -> memref<128x128xf32, #tpu.memory_space<hbm>>
        %dma_wait3A_62 = arith.constant 0 : i32
        %dma_wait3A_63 = tpu.memref_slice %arg4[%mul3A_57, %dma_wait3A_62] : memref<80000x128xf32, #tpu.memory_space<hbm>> -> memref<128x128xf32, #tpu.memory_space<hbm>>
        tpu.wait_dma2 semaphore(%run_scoped3A : memref<!tpu.dma_semaphore, #tpu.memory_space<semaphore_mem>>) src(%arg7 : memref<128x128xf32, #tpu.memory_space<vmem>>) dst(%dma_wait3A_63 : memref<128x128xf32, #tpu.memory_space<hbm>>)
        tpu.yield
      }) : () -> ()
    }
    %while3A_51 = arith.constant 1 : i32
    scf.for %while3A_52 = %while3A_49 to %while3A_45 step %while3A_51  : i32 {
      %mul3A_53 = arith.constant 32 : i32
      %mul3A_54 = arith.muli %while3A_52, %mul3A_53 : i32
      %add3A_55 = arith.addi %add3A, %mul3A_54 : i32
      %mul3A_56 = arith.constant 128 : i32
      %mul3A_57 = arith.muli %add3A_55, %mul3A_56 : i32
      "tpu.region"() ({
        %run_scoped3A = tpu.sem_alloc : memref<!tpu.dma_semaphore, #tpu.memory_space<semaphore_mem>>
        %dma_start3A = tpu.memref_slice %arg3[%mul3A_57] : memref<80000xi32, #tpu.memory_space<hbm>> -> memref<128xi32, #tpu.memory_space<hbm>>
        %dma_start3A_58 = tpu.memref_slice %arg3[%mul3A_57] : memref<80000xi32, #tpu.memory_space<hbm>> -> memref<128xi32, #tpu.memory_space<hbm>>
        tpu.enqueue_dma source(%dma_start3A_58 : memref<128xi32, #tpu.memory_space<hbm>>) target(%arg6 : memref<128xi32, #tpu.memory_space<vmem>>) target_semaphore(%run_scoped3A : memref<!tpu.dma_semaphore, #tpu.memory_space<semaphore_mem>>)
        %dma_wait3A = tpu.memref_slice %arg3[%mul3A_57] : memref<80000xi32, #tpu.memory_space<hbm>> -> memref<128xi32, #tpu.memory_space<hbm>>
        %dma_wait3A_59 = tpu.memref_slice %arg3[%mul3A_57] : memref<80000xi32, #tpu.memory_space<hbm>> -> memref<128xi32, #tpu.memory_space<hbm>>
        tpu.wait_dma2 semaphore(%run_scoped3A : memref<!tpu.dma_semaphore, #tpu.memory_space<semaphore_mem>>) src(%dma_wait3A_59 : memref<128xi32, #tpu.memory_space<hbm>>) dst(%arg6 : memref<128xi32, #tpu.memory_space<vmem>>)
        tpu.yield
      }) : () -> ()
      "tpu.region"() ({
        %run_scoped3A = tpu.sem_alloc : memref<!tpu.dma_semaphore, #tpu.memory_space<semaphore_mem>>
        %dma_start3A = arith.constant 0 : i32
        %dma_start3A_58 = arith.constant 0 : i32
        %dma_start3A_59 = tpu.memref_slice %arg5[%dma_start3A, %dma_start3A_58] : memref<10000x128xf32, #tpu.memory_space<vmem_shared>> -> memref<10000x128xf32, #tpu.memory_space<vmem_shared>>
        tpu.enqueue_indirect_dma source(%dma_start3A_59 : memref<10000x128xf32, #tpu.memory_space<vmem_shared>>) target(%arg7 : memref<128x128xf32, #tpu.memory_space<vmem>>) offsets(%arg6 : memref<128xi32, #tpu.memory_space<vmem>>) semaphore(%run_scoped3A : memref<!tpu.dma_semaphore, #tpu.memory_space<semaphore_mem>>)
        %dma_wait3A = arith.constant 0 : i32
        %dma_wait3A_60 = arith.constant 0 : i32
        %dma_wait3A_61 = tpu.memref_slice %arg5[%dma_wait3A, %dma_wait3A_60] : memref<10000x128xf32, #tpu.memory_space<vmem_shared>> -> memref<10000x128xf32, #tpu.memory_space<vmem_shared>>
        tpu.wait_indirect_dma semaphore(%run_scoped3A : memref<!tpu.dma_semaphore, #tpu.memory_space<semaphore_mem>>) src(%dma_wait3A_61 : memref<10000x128xf32, #tpu.memory_space<vmem_shared>>) dst(%arg7 : memref<128x128xf32, #tpu.memory_space<vmem>>)
        tpu.yield
      }) : () -> ()
      "tpu.region"() ({
        %run_scoped3A = tpu.sem_alloc : memref<!tpu.dma_semaphore, #tpu.memory_space<semaphore_mem>>
        %dma_start3A = arith.constant 0 : i32
        %dma_start3A_58 = tpu.memref_slice %arg4[%mul3A_57, %dma_start3A] : memref<80000x128xf32, #tpu.memory_space<hbm>> -> memref<128x128xf32, #tpu.memory_space<hbm>>
        %dma_start3A_59 = arith.constant 0 : i32
        %dma_start3A_60 = tpu.memref_slice %arg4[%mul3A_57, %dma_start3A_59] : memref<80000x128xf32, #tpu.memory_space<hbm>> -> memref<128x128xf32, #tpu.memory_space<hbm>>
        tpu.enqueue_dma source(%arg7 : memref<128x128xf32, #tpu.memory_space<vmem>>) target(%dma_start3A_60 : memref<128x128xf32, #tpu.memory_space<hbm>>) target_semaphore(%run_scoped3A : memref<!tpu.dma_semaphore, #tpu.memory_space<semaphore_mem>>)
        %dma_wait3A = arith.constant 0 : i32
        %dma_wait3A_61 = tpu.memref_slice %arg4[%mul3A_57, %dma_wait3A] : memref<80000x128xf32, #tpu.memory_space<hbm>> -> memref<128x128xf32, #tpu.memory_space<hbm>>
        %dma_wait3A_62 = arith.constant 0 : i32
        %dma_wait3A_63 = tpu.memref_slice %arg4[%mul3A_57, %dma_wait3A_62] : memref<80000x128xf32, #tpu.memory_space<hbm>> -> memref<128x128xf32, #tpu.memory_space<hbm>>
        tpu.wait_dma2 semaphore(%run_scoped3A : memref<!tpu.dma_semaphore, #tpu.memory_space<semaphore_mem>>) src(%arg7 : memref<128x128xf32, #tpu.memory_space<vmem>>) dst(%dma_wait3A_63 : memref<128x128xf32, #tpu.memory_space<hbm>>)
        tpu.yield
      }) : () -> ()
    }
    return
  }
}

#map = affine_map<(d0, d1) -> (0, 0)>
#map1 = affine_map<(d0, d1) -> (0)>
#map2 = affine_map<(d0, d1) -> (0, 0, 0)>
module attributes {stable_mosaic.version = 14 : i64} {
  func.func @body(%arg0: i32, %arg1: i32, %arg2: memref<320000x128xf32, #tpu.memory_space<hbm>>, %arg3: memref<320000xi32, #tpu.memory_space<hbm>>, %arg4: memref<2x10000x128xf32, #tpu.memory_space<hbm>>, %arg5: memref<10000x128xf32, #tpu.memory_space<vmem_shared>>, %arg6: memref<128xi32, #tpu.memory_space<vmem>>, %arg7: memref<128x128xf32, #tpu.memory_space<vmem>>, %arg8: memref<8x128xf32, #tpu.memory_space<vmem>>, %arg9: memref<!tpu.dma_semaphore, #tpu.memory_space<semaphore_mem>>, %arg10: memref<128xi32, #tpu.memory_space<vmem>>, %arg11: memref<128x128xf32, #tpu.memory_space<vmem>>, %arg12: memref<!tpu.dma_semaphore, #tpu.memory_space<semaphore_mem>>) attributes {dimension_semantics = [#tpu.dimension_semantics<core_parallel>, #tpu.dimension_semantics<subcore_parallel>], iteration_bounds = array<i64: 2, 16>, scalar_prefetch = 0 : i64, scratch_operands = 8 : i64, tpu.core_type = #tpu.core_type<sc_vector_subcore>, window_params = [{transform_indices = #map}, {transform_indices = #map1}, {transform_indices = #map2}]} {
    %mul3A = arith.constant 2 : i32
    %mul3A_0 = arith.muli %arg1, %mul3A : i32
    %add3A = arith.addi %mul3A_0, %arg0 : i32
    %mul3A_1 = arith.constant 78 : i32
    %mul3A_2 = arith.muli %arg1, %mul3A_1 : i32
    %min3A = arith.constant 2 : i32
    %min3A_3 = arith.minsi %arg1, %min3A : i32
    %add3A_4 = arith.addi %mul3A_2, %min3A_3 : i32
    %mul3A_5 = arith.constant 8 : i32
    %mul3A_6 = arith.muli %add3A_4, %mul3A_5 : i32
    %lt3A = arith.constant 2 : i32
    %lt3A_7 = arith.cmpi slt, %arg1, %lt3A : i32
    %jit3A = arith.constant 1 : i32
    %jit3A_8 = arith.constant 0 : i32
    %select_n3A = arith.select %lt3A_7, %jit3A, %jit3A_8 : i32
    %add3A_9 = arith.constant 78 : i32
    %add3A_10 = arith.addi %add3A_9, %select_n3A : i32
    %broadcast_in_dim3A = arith.constant 0.000000e+00 : f32
    %broadcast_in_dim3A_11 = vector.broadcast %broadcast_in_dim3A : f32 to vector<16xf32>
    %scan3A = arith.constant 0 : i32
    %scan3A_12 = arith.constant 0 : i32
    %scan3A_13 = arith.constant 8 : i32
    %scan3A_14 = arith.addi %scan3A_12, %scan3A_13 : i32
    %scan3A_15 = arith.constant 1 : i32
    scf.for %scan3A_69 = %scan3A_12 to %scan3A_14 step %scan3A_15  : i32 {
      %swap3A = arith.index_cast %scan3A_69 : i32 to index
      %swap3A_70 = arith.constant 0 : index
      %swap3A_71 = tpu.vector_load %arg8[%swap3A, %swap3A_70] {strides = array<i32>} : memref<8x128xf32, #tpu.memory_space<vmem>>, vector<1x16xf32>,
      %swap3A_72 = vector.shape_cast %swap3A_71 : vector<1x16xf32> to vector<16xf32>
      %swap3A_73 = vector.shape_cast %broadcast_in_dim3A_11 : vector<16xf32> to vector<1x16xf32>
      tpu.vector_store %arg8[%swap3A, %swap3A_70], %swap3A_73 {strides = array<i32>} : memref<8x128xf32, #tpu.memory_space<vmem>>, vector<1x16xf32>,
      %swap3A_74 = arith.index_cast %scan3A_69 : i32 to index
      %swap3A_75 = arith.constant 16 : index
      %swap3A_76 = tpu.vector_load %arg8[%swap3A_74, %swap3A_75] {strides = array<i32>} : memref<8x128xf32, #tpu.memory_space<vmem>>, vector<1x16xf32>,
      %swap3A_77 = vector.shape_cast %swap3A_76 : vector<1x16xf32> to vector<16xf32>
      %swap3A_78 = vector.shape_cast %broadcast_in_dim3A_11 : vector<16xf32> to vector<1x16xf32>
      tpu.vector_store %arg8[%swap3A_74, %swap3A_75], %swap3A_78 {strides = array<i32>} : memref<8x128xf32, #tpu.memory_space<vmem>>, vector<1x16xf32>,
      %swap3A_79 = arith.index_cast %scan3A_69 : i32 to index
      %swap3A_80 = arith.constant 32 : index
      %swap3A_81 = tpu.vector_load %arg8[%swap3A_79, %swap3A_80] {strides = array<i32>} : memref<8x128xf32, #tpu.memory_space<vmem>>, vector<1x16xf32>,
      %swap3A_82 = vector.shape_cast %swap3A_81 : vector<1x16xf32> to vector<16xf32>
      %swap3A_83 = vector.shape_cast %broadcast_in_dim3A_11 : vector<16xf32> to vector<1x16xf32>
      tpu.vector_store %arg8[%swap3A_79, %swap3A_80], %swap3A_83 {strides = array<i32>} : memref<8x128xf32, #tpu.memory_space<vmem>>, vector<1x16xf32>,
      %swap3A_84 = arith.index_cast %scan3A_69 : i32 to index
      %swap3A_85 = arith.constant 48 : index
      %swap3A_86 = tpu.vector_load %arg8[%swap3A_84, %swap3A_85] {strides = array<i32>} : memref<8x128xf32, #tpu.memory_space<vmem>>, vector<1x16xf32>,
      %swap3A_87 = vector.shape_cast %swap3A_86 : vector<1x16xf32> to vector<16xf32>
      %swap3A_88 = vector.shape_cast %broadcast_in_dim3A_11 : vector<16xf32> to vector<1x16xf32>
      tpu.vector_store %arg8[%swap3A_84, %swap3A_85], %swap3A_88 {strides = array<i32>} : memref<8x128xf32, #tpu.memory_space<vmem>>, vector<1x16xf32>,
      %swap3A_89 = arith.index_cast %scan3A_69 : i32 to index
      %swap3A_90 = arith.constant 64 : index
      %swap3A_91 = tpu.vector_load %arg8[%swap3A_89, %swap3A_90] {strides = array<i32>} : memref<8x128xf32, #tpu.memory_space<vmem>>, vector<1x16xf32>,
      %swap3A_92 = vector.shape_cast %swap3A_91 : vector<1x16xf32> to vector<16xf32>
      %swap3A_93 = vector.shape_cast %broadcast_in_dim3A_11 : vector<16xf32> to vector<1x16xf32>
      tpu.vector_store %arg8[%swap3A_89, %swap3A_90], %swap3A_93 {strides = array<i32>} : memref<8x128xf32, #tpu.memory_space<vmem>>, vector<1x16xf32>,
      %swap3A_94 = arith.index_cast %scan3A_69 : i32 to index
      %swap3A_95 = arith.constant 80 : index
      %swap3A_96 = tpu.vector_load %arg8[%swap3A_94, %swap3A_95] {strides = array<i32>} : memref<8x128xf32, #tpu.memory_space<vmem>>, vector<1x16xf32>,
      %swap3A_97 = vector.shape_cast %swap3A_96 : vector<1x16xf32> to vector<16xf32>
      %swap3A_98 = vector.shape_cast %broadcast_in_dim3A_11 : vector<16xf32> to vector<1x16xf32>
      tpu.vector_store %arg8[%swap3A_94, %swap3A_95], %swap3A_98 {strides = array<i32>} : memref<8x128xf32, #tpu.memory_space<vmem>>, vector<1x16xf32>,
      %swap3A_99 = arith.index_cast %scan3A_69 : i32 to index
      %swap3A_100 = arith.constant 96 : index
      %swap3A_101 = tpu.vector_load %arg8[%swap3A_99, %swap3A_100] {strides = array<i32>} : memref<8x128xf32, #tpu.memory_space<vmem>>, vector<1x16xf32>,
      %swap3A_102 = vector.shape_cast %swap3A_101 : vector<1x16xf32> to vector<16xf32>
      %swap3A_103 = vector.shape_cast %broadcast_in_dim3A_11 : vector<16xf32> to vector<1x16xf32>
      tpu.vector_store %arg8[%swap3A_99, %swap3A_100], %swap3A_103 {strides = array<i32>} : memref<8x128xf32, #tpu.memory_space<vmem>>, vector<1x16xf32>,
      %swap3A_104 = arith.index_cast %scan3A_69 : i32 to index
      %swap3A_105 = arith.constant 112 : index
      %swap3A_106 = tpu.vector_load %arg8[%swap3A_104, %swap3A_105] {strides = array<i32>} : memref<8x128xf32, #tpu.memory_space<vmem>>, vector<1x16xf32>,
      %swap3A_107 = vector.shape_cast %swap3A_106 : vector<1x16xf32> to vector<16xf32>
      %swap3A_108 = vector.shape_cast %broadcast_in_dim3A_11 : vector<16xf32> to vector<1x16xf32>
      tpu.vector_store %arg8[%swap3A_104, %swap3A_105], %swap3A_108 {strides = array<i32>} : memref<8x128xf32, #tpu.memory_space<vmem>>, vector<1x16xf32>,
    }
    %scan3A_16 = arith.constant 8 : i32
    %while3A = arith.constant 0 : i32
    %while3A_17 = arith.constant 0 : i32
    %while3A_18 = arith.subi %add3A_10, %while3A_17 : i32
    %while3A_19 = arith.addi %while3A_17, %while3A_18 : i32
    %while3A_20 = arith.constant 1 : i32
    %while3A_21 = arith.divsi %while3A_18, %while3A_20 : i32
    %while3A_22 = arith.muli %while3A_21, %while3A_20 : i32
    %while3A_23 = arith.addi %while3A_17, %while3A_22 : i32
    %while3A_24 = arith.constant 1 : i32
    scf.for %while3A_69 = %while3A_17 to %while3A_23 step %while3A_24  : i32 {
      %mul3A_70 = arith.constant 8 : i32
      %mul3A_71 = arith.muli %while3A_69, %mul3A_70 : i32
      %add3A_72 = arith.addi %mul3A_6, %mul3A_71 : i32
      "tpu.region"() ({
        %run_scoped3A = tpu.sem_alloc : memref<!tpu.dma_semaphore, #tpu.memory_space<semaphore_mem>>
        %dma_start3A = arith.constant 0 : i32
        %dma_start3A_73 = tpu.memref_slice %arg5[%add3A_72, %dma_start3A] : memref<10000x128xf32, #tpu.memory_space<vmem_shared>> -> memref<8x128xf32, #tpu.memory_space<vmem_shared>>
        %dma_start3A_74 = arith.constant 0 : i32
        %dma_start3A_75 = tpu.memref_slice %arg5[%add3A_72, %dma_start3A_74] : memref<10000x128xf32, #tpu.memory_space<vmem_shared>> -> memref<8x128xf32, #tpu.memory_space<vmem_shared>>
        tpu.enqueue_dma source(%arg8 : memref<8x128xf32, #tpu.memory_space<vmem>>) target(%dma_start3A_75 : memref<8x128xf32, #tpu.memory_space<vmem_shared>>) target_semaphore(%run_scoped3A : memref<!tpu.dma_semaphore, #tpu.memory_space<semaphore_mem>>)
        %dma_wait3A = arith.constant 0 : i32
        %dma_wait3A_76 = tpu.memref_slice %arg5[%add3A_72, %dma_wait3A] : memref<10000x128xf32, #tpu.memory_space<vmem_shared>> -> memref<8x128xf32, #tpu.memory_space<vmem_shared>>
        %dma_wait3A_77 = arith.constant 0 : i32
        %dma_wait3A_78 = tpu.memref_slice %arg5[%add3A_72, %dma_wait3A_77] : memref<10000x128xf32, #tpu.memory_space<vmem_shared>> -> memref<8x128xf32, #tpu.memory_space<vmem_shared>>
        tpu.wait_dma2 semaphore(%run_scoped3A : memref<!tpu.dma_semaphore, #tpu.memory_space<semaphore_mem>>) src(%arg8 : memref<8x128xf32, #tpu.memory_space<vmem>>) dst(%dma_wait3A_78 : memref<8x128xf32, #tpu.memory_space<vmem_shared>>)
        tpu.yield
      }) : () -> ()
    }
    %while3A_25 = arith.constant 1 : i32
    scf.for %while3A_69 = %while3A_23 to %while3A_19 step %while3A_25  : i32 {
      %mul3A_70 = arith.constant 8 : i32
      %mul3A_71 = arith.muli %while3A_69, %mul3A_70 : i32
      %add3A_72 = arith.addi %mul3A_6, %mul3A_71 : i32
      "tpu.region"() ({
        %run_scoped3A = tpu.sem_alloc : memref<!tpu.dma_semaphore, #tpu.memory_space<semaphore_mem>>
        %dma_start3A = arith.constant 0 : i32
        %dma_start3A_73 = tpu.memref_slice %arg5[%add3A_72, %dma_start3A] : memref<10000x128xf32, #tpu.memory_space<vmem_shared>> -> memref<8x128xf32, #tpu.memory_space<vmem_shared>>
        %dma_start3A_74 = arith.constant 0 : i32
        %dma_start3A_75 = tpu.memref_slice %arg5[%add3A_72, %dma_start3A_74] : memref<10000x128xf32, #tpu.memory_space<vmem_shared>> -> memref<8x128xf32, #tpu.memory_space<vmem_shared>>
        tpu.enqueue_dma source(%arg8 : memref<8x128xf32, #tpu.memory_space<vmem>>) target(%dma_start3A_75 : memref<8x128xf32, #tpu.memory_space<vmem_shared>>) target_semaphore(%run_scoped3A : memref<!tpu.dma_semaphore, #tpu.memory_space<semaphore_mem>>)
        %dma_wait3A = arith.constant 0 : i32
        %dma_wait3A_76 = tpu.memref_slice %arg5[%add3A_72, %dma_wait3A] : memref<10000x128xf32, #tpu.memory_space<vmem_shared>> -> memref<8x128xf32, #tpu.memory_space<vmem_shared>>
        %dma_wait3A_77 = arith.constant 0 : i32
        %dma_wait3A_78 = tpu.memref_slice %arg5[%add3A_72, %dma_wait3A_77] : memref<10000x128xf32, #tpu.memory_space<vmem_shared>> -> memref<8x128xf32, #tpu.memory_space<vmem_shared>>
        tpu.wait_dma2 semaphore(%run_scoped3A : memref<!tpu.dma_semaphore, #tpu.memory_space<semaphore_mem>>) src(%arg8 : memref<8x128xf32, #tpu.memory_space<vmem>>) dst(%dma_wait3A_78 : memref<8x128xf32, #tpu.memory_space<vmem_shared>>)
        tpu.yield
      }) : () -> ()
    }
    %barrier3A = arith.constant 0 : index
    tpu.barrier barrier_id(%barrier3A)
    %sub3A = arith.constant 1249 : i32
    %sub3A_26 = arith.subi %sub3A, %add3A : i32
    %jit3A_27 = arith.constant 32 : i32
    %div3A = arith.divsi %sub3A_26, %jit3A_27 : i32
    %sign3A = arith.constant 0 : i32
    %sign3A_28 = arith.cmpi sgt, %sub3A_26, %sign3A : i32
    %sign3A_29 = arith.extui %sign3A_28 : i1 to i32
    %sign3A_30 = arith.constant 0 : i32
    %sign3A_31 = arith.cmpi slt, %sub3A_26, %sign3A_30 : i32
    %sign3A_32 = arith.extui %sign3A_31 : i1 to i32
    %sign3A_33 = arith.subi %sign3A_29, %sign3A_32 : i32
    %sign3A_34 = arith.constant 0 : i32
    %sign3A_35 = arith.cmpi sgt, %jit3A_27, %sign3A_34 : i32
    %sign3A_36 = arith.extui %sign3A_35 : i1 to i32
    %sign3A_37 = arith.constant 0 : i32
    %sign3A_38 = arith.cmpi slt, %jit3A_27, %sign3A_37 : i32
    %sign3A_39 = arith.extui %sign3A_38 : i1 to i32
    %sign3A_40 = arith.subi %sign3A_36, %sign3A_39 : i32
    %ne3A = arith.cmpi ne, %sign3A_33, %sign3A_40 : i32
    %rem3A = arith.remsi %sub3A_26, %jit3A_27 : i32
    %ne3A_41 = arith.constant 0 : i32
    %ne3A_42 = arith.cmpi ne, %rem3A, %ne3A_41 : i32
    %and3A = arith.andi %ne3A, %ne3A_42 : i1
    %sub3A_43 = arith.constant 1 : i32
    %sub3A_44 = arith.subi %div3A, %sub3A_43 : i32
    %select_n3A_45 = arith.select %and3A, %sub3A_44, %div3A : i32
    %add3A_46 = arith.constant 1 : i32
    %add3A_47 = arith.addi %select_n3A_45, %add3A_46 : i32
    %while3A_48 = arith.constant 0 : i32
    %while3A_49 = arith.constant 0 : i32
    %while3A_50 = arith.subi %add3A_47, %while3A_49 : i32
    %while3A_51 = arith.addi %while3A_49, %while3A_50 : i32
    %while3A_52 = arith.constant 1 : i32
    %while3A_53 = arith.divsi %while3A_50, %while3A_52 : i32
    %while3A_54 = arith.muli %while3A_53, %while3A_52 : i32
    %while3A_55 = arith.addi %while3A_49, %while3A_54 : i32
    %while3A_56 = arith.constant 1 : i32
    scf.for %while3A_69 = %while3A_49 to %while3A_55 step %while3A_56  : i32 {
      %mul3A_70 = arith.constant 32 : i32
      %mul3A_71 = arith.muli %while3A_69, %mul3A_70 : i32
      %add3A_72 = arith.addi %add3A, %mul3A_71 : i32
      %mul3A_73 = arith.constant 2 : i32
      %mul3A_74 = arith.muli %add3A_72, %mul3A_73 : i32
      %mul3A_75 = arith.constant 128 : i32
      %mul3A_76 = arith.muli %mul3A_74, %mul3A_75 : i32
      %add3A_77 = arith.constant 128 : i32
      %add3A_78 = arith.addi %mul3A_76, %add3A_77 : i32
      "tpu.region"() ({
        %run_scoped3A = tpu.sem_alloc : memref<!tpu.dma_semaphore, #tpu.memory_space<semaphore_mem>>
        %dma_start3A_93 = tpu.memref_slice %arg3[%mul3A_76] : memref<320000xi32, #tpu.memory_space<hbm>> -> memref<128xi32, #tpu.memory_space<hbm>>
        %dma_start3A_94 = tpu.memref_slice %arg3[%mul3A_76] : memref<320000xi32, #tpu.memory_space<hbm>> -> memref<128xi32, #tpu.memory_space<hbm>>
        tpu.enqueue_dma source(%dma_start3A_94 : memref<128xi32, #tpu.memory_space<hbm>>) target(%arg6 : memref<128xi32, #tpu.memory_space<vmem>>) target_semaphore(%run_scoped3A : memref<!tpu.dma_semaphore, #tpu.memory_space<semaphore_mem>>)
        %dma_wait3A_95 = tpu.memref_slice %arg3[%mul3A_76] : memref<320000xi32, #tpu.memory_space<hbm>> -> memref<128xi32, #tpu.memory_space<hbm>>
        %dma_wait3A_96 = tpu.memref_slice %arg3[%mul3A_76] : memref<320000xi32, #tpu.memory_space<hbm>> -> memref<128xi32, #tpu.memory_space<hbm>>
        tpu.wait_dma2 semaphore(%run_scoped3A : memref<!tpu.dma_semaphore, #tpu.memory_space<semaphore_mem>>) src(%dma_wait3A_96 : memref<128xi32, #tpu.memory_space<hbm>>) dst(%arg6 : memref<128xi32, #tpu.memory_space<vmem>>)
        tpu.yield
      }) : () -> ()
      %dma_start3A = arith.constant 0 : i32
      %dma_start3A_79 = tpu.memref_slice %arg2[%mul3A_76, %dma_start3A] : memref<320000x128xf32, #tpu.memory_space<hbm>> -> memref<128x128xf32, #tpu.memory_space<hbm>>
      %dma_start3A_80 = arith.constant 0 : i32
      %dma_start3A_81 = tpu.memref_slice %arg2[%mul3A_76, %dma_start3A_80] : memref<320000x128xf32, #tpu.memory_space<hbm>> -> memref<128x128xf32, #tpu.memory_space<hbm>>
      tpu.enqueue_dma source(%dma_start3A_81 : memref<128x128xf32, #tpu.memory_space<hbm>>) target(%arg7 : memref<128x128xf32, #tpu.memory_space<vmem>>) target_semaphore(%arg9 : memref<!tpu.dma_semaphore, #tpu.memory_space<semaphore_mem>>)
      "tpu.region"() ({
        %run_scoped3A = tpu.sem_alloc : memref<!tpu.dma_semaphore, #tpu.memory_space<semaphore_mem>>
        %dma_start3A_93 = tpu.memref_slice %arg3[%add3A_78] : memref<320000xi32, #tpu.memory_space<hbm>> -> memref<128xi32, #tpu.memory_space<hbm>>
        %dma_start3A_94 = tpu.memref_slice %arg3[%add3A_78] : memref<320000xi32, #tpu.memory_space<hbm>> -> memref<128xi32, #tpu.memory_space<hbm>>
        tpu.enqueue_dma source(%dma_start3A_94 : memref<128xi32, #tpu.memory_space<hbm>>) target(%arg10 : memref<128xi32, #tpu.memory_space<vmem>>) target_semaphore(%run_scoped3A : memref<!tpu.dma_semaphore, #tpu.memory_space<semaphore_mem>>)
        %dma_wait3A_95 = tpu.memref_slice %arg3[%add3A_78] : memref<320000xi32, #tpu.memory_space<hbm>> -> memref<128xi32, #tpu.memory_space<hbm>>
        %dma_wait3A_96 = tpu.memref_slice %arg3[%add3A_78] : memref<320000xi32, #tpu.memory_space<hbm>> -> memref<128xi32, #tpu.memory_space<hbm>>
        tpu.wait_dma2 semaphore(%run_scoped3A : memref<!tpu.dma_semaphore, #tpu.memory_space<semaphore_mem>>) src(%dma_wait3A_96 : memref<128xi32, #tpu.memory_space<hbm>>) dst(%arg10 : memref<128xi32, #tpu.memory_space<vmem>>)
        tpu.yield
      }) : () -> ()
      %dma_start3A_82 = arith.constant 0 : i32
      %dma_start3A_83 = tpu.memref_slice %arg2[%add3A_78, %dma_start3A_82] : memref<320000x128xf32, #tpu.memory_space<hbm>> -> memref<128x128xf32, #tpu.memory_space<hbm>>
      %dma_start3A_84 = arith.constant 0 : i32
      %dma_start3A_85 = tpu.memref_slice %arg2[%add3A_78, %dma_start3A_84] : memref<320000x128xf32, #tpu.memory_space<hbm>> -> memref<128x128xf32, #tpu.memory_space<hbm>>
      tpu.enqueue_dma source(%dma_start3A_85 : memref<128x128xf32, #tpu.memory_space<hbm>>) target(%arg11 : memref<128x128xf32, #tpu.memory_space<vmem>>) target_semaphore(%arg12 : memref<!tpu.dma_semaphore, #tpu.memory_space<semaphore_mem>>)
      %dma_wait3A = arith.constant 0 : i32
      %dma_wait3A_86 = tpu.memref_slice %arg2[%mul3A_76, %dma_wait3A] : memref<320000x128xf32, #tpu.memory_space<hbm>> -> memref<128x128xf32, #tpu.memory_space<hbm>>
      %dma_wait3A_87 = arith.constant 0 : i32
      %dma_wait3A_88 = tpu.memref_slice %arg2[%mul3A_76, %dma_wait3A_87] : memref<320000x128xf32, #tpu.memory_space<hbm>> -> memref<128x128xf32, #tpu.memory_space<hbm>>
      tpu.wait_dma2 semaphore(%arg9 : memref<!tpu.dma_semaphore, #tpu.memory_space<semaphore_mem>>) src(%dma_wait3A_88 : memref<128x128xf32, #tpu.memory_space<hbm>>) dst(%arg7 : memref<128x128xf32, #tpu.memory_space<vmem>>)
      "tpu.region"() ({
        %run_scoped3A = tpu.sem_alloc : memref<!tpu.dma_semaphore, #tpu.memory_space<semaphore_mem>>
        %dma_start3A_93 = arith.constant 0 : i32
        %dma_start3A_94 = arith.constant 0 : i32
        %dma_start3A_95 = tpu.memref_slice %arg5[%dma_start3A_93, %dma_start3A_94] : memref<10000x128xf32, #tpu.memory_space<vmem_shared>> -> memref<10000x128xf32, #tpu.memory_space<vmem_shared>>
        tpu.enqueue_indirect_dma source(%arg7 : memref<128x128xf32, #tpu.memory_space<vmem>>) target(%dma_start3A_95 : memref<10000x128xf32, #tpu.memory_space<vmem_shared>>) offsets(%arg6 : memref<128xi32, #tpu.memory_space<vmem>>) semaphore(%run_scoped3A : memref<!tpu.dma_semaphore, #tpu.memory_space<semaphore_mem>>) {add = true}
        %dma_wait3A_96 = arith.constant 0 : i32
        %dma_wait3A_97 = arith.constant 0 : i32
        %dma_wait3A_98 = tpu.memref_slice %arg5[%dma_wait3A_96, %dma_wait3A_97] : memref<10000x128xf32, #tpu.memory_space<vmem_shared>> -> memref<10000x128xf32, #tpu.memory_space<vmem_shared>>
        tpu.wait_indirect_dma semaphore(%run_scoped3A : memref<!tpu.dma_semaphore, #tpu.memory_space<semaphore_mem>>) src(%arg7 : memref<128x128xf32, #tpu.memory_space<vmem>>) dst(%dma_wait3A_98 : memref<10000x128xf32, #tpu.memory_space<vmem_shared>>)
        tpu.yield
      }) : () -> ()
      %dma_wait3A_89 = arith.constant 0 : i32
      %dma_wait3A_90 = tpu.memref_slice %arg2[%add3A_78, %dma_wait3A_89] : memref<320000x128xf32, #tpu.memory_space<hbm>> -> memref<128x128xf32, #tpu.memory_space<hbm>>
      %dma_wait3A_91 = arith.constant 0 : i32
      %dma_wait3A_92 = tpu.memref_slice %arg2[%add3A_78, %dma_wait3A_91] : memref<320000x128xf32, #tpu.memory_space<hbm>> -> memref<128x128xf32, #tpu.memory_space<hbm>>
      tpu.wait_dma2 semaphore(%arg12 : memref<!tpu.dma_semaphore, #tpu.memory_space<semaphore_mem>>) src(%dma_wait3A_92 : memref<128x128xf32, #tpu.memory_space<hbm>>) dst(%arg11 : memref<128x128xf32, #tpu.memory_space<vmem>>)
      "tpu.region"() ({
        %run_scoped3A = tpu.sem_alloc : memref<!tpu.dma_semaphore, #tpu.memory_space<semaphore_mem>>
        %dma_start3A_93 = arith.constant 0 : i32
        %dma_start3A_94 = arith.constant 0 : i32
        %dma_start3A_95 = tpu.memref_slice %arg5[%dma_start3A_93, %dma_start3A_94] : memref<10000x128xf32, #tpu.memory_space<vmem_shared>> -> memref<10000x128xf32, #tpu.memory_space<vmem_shared>>
        tpu.enqueue_indirect_dma source(%arg11 : memref<128x128xf32, #tpu.memory_space<vmem>>) target(%dma_start3A_95 : memref<10000x128xf32, #tpu.memory_space<vmem_shared>>) offsets(%arg10 : memref<128xi32, #tpu.memory_space<vmem>>) semaphore(%run_scoped3A : memref<!tpu.dma_semaphore, #tpu.memory_space<semaphore_mem>>) {add = true}
        %dma_wait3A_96 = arith.constant 0 : i32
        %dma_wait3A_97 = arith.constant 0 : i32
        %dma_wait3A_98 = tpu.memref_slice %arg5[%dma_wait3A_96, %dma_wait3A_97] : memref<10000x128xf32, #tpu.memory_space<vmem_shared>> -> memref<10000x128xf32, #tpu.memory_space<vmem_shared>>
        tpu.wait_indirect_dma semaphore(%run_scoped3A : memref<!tpu.dma_semaphore, #tpu.memory_space<semaphore_mem>>) src(%arg11 : memref<128x128xf32, #tpu.memory_space<vmem>>) dst(%dma_wait3A_98 : memref<10000x128xf32, #tpu.memory_space<vmem_shared>>)
        tpu.yield
      }) : () -> ()
    }
    %while3A_57 = arith.constant 1 : i32
    scf.for %while3A_69 = %while3A_55 to %while3A_51 step %while3A_57  : i32 {
      %mul3A_70 = arith.constant 32 : i32
      %mul3A_71 = arith.muli %while3A_69, %mul3A_70 : i32
      %add3A_72 = arith.addi %add3A, %mul3A_71 : i32
      %mul3A_73 = arith.constant 2 : i32
      %mul3A_74 = arith.muli %add3A_72, %mul3A_73 : i32
      %mul3A_75 = arith.constant 128 : i32
      %mul3A_76 = arith.muli %mul3A_74, %mul3A_75 : i32
      %add3A_77 = arith.constant 128 : i32
      %add3A_78 = arith.addi %mul3A_76, %add3A_77 : i32
      "tpu.region"() ({
        %run_scoped3A = tpu.sem_alloc : memref<!tpu.dma_semaphore, #tpu.memory_space<semaphore_mem>>
        %dma_start3A_93 = tpu.memref_slice %arg3[%mul3A_76] : memref<320000xi32, #tpu.memory_space<hbm>> -> memref<128xi32, #tpu.memory_space<hbm>>
        %dma_start3A_94 = tpu.memref_slice %arg3[%mul3A_76] : memref<320000xi32, #tpu.memory_space<hbm>> -> memref<128xi32, #tpu.memory_space<hbm>>
        tpu.enqueue_dma source(%dma_start3A_94 : memref<128xi32, #tpu.memory_space<hbm>>) target(%arg6 : memref<128xi32, #tpu.memory_space<vmem>>) target_semaphore(%run_scoped3A : memref<!tpu.dma_semaphore, #tpu.memory_space<semaphore_mem>>)
        %dma_wait3A_95 = tpu.memref_slice %arg3[%mul3A_76] : memref<320000xi32, #tpu.memory_space<hbm>> -> memref<128xi32, #tpu.memory_space<hbm>>
        %dma_wait3A_96 = tpu.memref_slice %arg3[%mul3A_76] : memref<320000xi32, #tpu.memory_space<hbm>> -> memref<128xi32, #tpu.memory_space<hbm>>
        tpu.wait_dma2 semaphore(%run_scoped3A : memref<!tpu.dma_semaphore, #tpu.memory_space<semaphore_mem>>) src(%dma_wait3A_96 : memref<128xi32, #tpu.memory_space<hbm>>) dst(%arg6 : memref<128xi32, #tpu.memory_space<vmem>>)
        tpu.yield
      }) : () -> ()
      %dma_start3A = arith.constant 0 : i32
      %dma_start3A_79 = tpu.memref_slice %arg2[%mul3A_76, %dma_start3A] : memref<320000x128xf32, #tpu.memory_space<hbm>> -> memref<128x128xf32, #tpu.memory_space<hbm>>
      %dma_start3A_80 = arith.constant 0 : i32
      %dma_start3A_81 = tpu.memref_slice %arg2[%mul3A_76, %dma_start3A_80] : memref<320000x128xf32, #tpu.memory_space<hbm>> -> memref<128x128xf32, #tpu.memory_space<hbm>>
      tpu.enqueue_dma source(%dma_start3A_81 : memref<128x128xf32, #tpu.memory_space<hbm>>) target(%arg7 : memref<128x128xf32, #tpu.memory_space<vmem>>) target_semaphore(%arg9 : memref<!tpu.dma_semaphore, #tpu.memory_space<semaphore_mem>>)
      "tpu.region"() ({
        %run_scoped3A = tpu.sem_alloc : memref<!tpu.dma_semaphore, #tpu.memory_space<semaphore_mem>>
        %dma_start3A_93 = tpu.memref_slice %arg3[%add3A_78] : memref<320000xi32, #tpu.memory_space<hbm>> -> memref<128xi32, #tpu.memory_space<hbm>>
        %dma_start3A_94 = tpu.memref_slice %arg3[%add3A_78] : memref<320000xi32, #tpu.memory_space<hbm>> -> memref<128xi32, #tpu.memory_space<hbm>>
        tpu.enqueue_dma source(%dma_start3A_94 : memref<128xi32, #tpu.memory_space<hbm>>) target(%arg10 : memref<128xi32, #tpu.memory_space<vmem>>) target_semaphore(%run_scoped3A : memref<!tpu.dma_semaphore, #tpu.memory_space<semaphore_mem>>)
        %dma_wait3A_95 = tpu.memref_slice %arg3[%add3A_78] : memref<320000xi32, #tpu.memory_space<hbm>> -> memref<128xi32, #tpu.memory_space<hbm>>
        %dma_wait3A_96 = tpu.memref_slice %arg3[%add3A_78] : memref<320000xi32, #tpu.memory_space<hbm>> -> memref<128xi32, #tpu.memory_space<hbm>>
        tpu.wait_dma2 semaphore(%run_scoped3A : memref<!tpu.dma_semaphore, #tpu.memory_space<semaphore_mem>>) src(%dma_wait3A_96 : memref<128xi32, #tpu.memory_space<hbm>>) dst(%arg10 : memref<128xi32, #tpu.memory_space<vmem>>)
        tpu.yield
      }) : () -> ()
      %dma_start3A_82 = arith.constant 0 : i32
      %dma_start3A_83 = tpu.memref_slice %arg2[%add3A_78, %dma_start3A_82] : memref<320000x128xf32, #tpu.memory_space<hbm>> -> memref<128x128xf32, #tpu.memory_space<hbm>>
      %dma_start3A_84 = arith.constant 0 : i32
      %dma_start3A_85 = tpu.memref_slice %arg2[%add3A_78, %dma_start3A_84] : memref<320000x128xf32, #tpu.memory_space<hbm>> -> memref<128x128xf32, #tpu.memory_space<hbm>>
      tpu.enqueue_dma source(%dma_start3A_85 : memref<128x128xf32, #tpu.memory_space<hbm>>) target(%arg11 : memref<128x128xf32, #tpu.memory_space<vmem>>) target_semaphore(%arg12 : memref<!tpu.dma_semaphore, #tpu.memory_space<semaphore_mem>>)
      %dma_wait3A = arith.constant 0 : i32
      %dma_wait3A_86 = tpu.memref_slice %arg2[%mul3A_76, %dma_wait3A] : memref<320000x128xf32, #tpu.memory_space<hbm>> -> memref<128x128xf32, #tpu.memory_space<hbm>>
      %dma_wait3A_87 = arith.constant 0 : i32
      %dma_wait3A_88 = tpu.memref_slice %arg2[%mul3A_76, %dma_wait3A_87] : memref<320000x128xf32, #tpu.memory_space<hbm>> -> memref<128x128xf32, #tpu.memory_space<hbm>>
      tpu.wait_dma2 semaphore(%arg9 : memref<!tpu.dma_semaphore, #tpu.memory_space<semaphore_mem>>) src(%dma_wait3A_88 : memref<128x128xf32, #tpu.memory_space<hbm>>) dst(%arg7 : memref<128x128xf32, #tpu.memory_space<vmem>>)
      "tpu.region"() ({
        %run_scoped3A = tpu.sem_alloc : memref<!tpu.dma_semaphore, #tpu.memory_space<semaphore_mem>>
        %dma_start3A_93 = arith.constant 0 : i32
        %dma_start3A_94 = arith.constant 0 : i32
        %dma_start3A_95 = tpu.memref_slice %arg5[%dma_start3A_93, %dma_start3A_94] : memref<10000x128xf32, #tpu.memory_space<vmem_shared>> -> memref<10000x128xf32, #tpu.memory_space<vmem_shared>>
        tpu.enqueue_indirect_dma source(%arg7 : memref<128x128xf32, #tpu.memory_space<vmem>>) target(%dma_start3A_95 : memref<10000x128xf32, #tpu.memory_space<vmem_shared>>) offsets(%arg6 : memref<128xi32, #tpu.memory_space<vmem>>) semaphore(%run_scoped3A : memref<!tpu.dma_semaphore, #tpu.memory_space<semaphore_mem>>) {add = true}
        %dma_wait3A_96 = arith.constant 0 : i32
        %dma_wait3A_97 = arith.constant 0 : i32
        %dma_wait3A_98 = tpu.memref_slice %arg5[%dma_wait3A_96, %dma_wait3A_97] : memref<10000x128xf32, #tpu.memory_space<vmem_shared>> -> memref<10000x128xf32, #tpu.memory_space<vmem_shared>>
        tpu.wait_indirect_dma semaphore(%run_scoped3A : memref<!tpu.dma_semaphore, #tpu.memory_space<semaphore_mem>>) src(%arg7 : memref<128x128xf32, #tpu.memory_space<vmem>>) dst(%dma_wait3A_98 : memref<10000x128xf32, #tpu.memory_space<vmem_shared>>)
        tpu.yield
      }) : () -> ()
      %dma_wait3A_89 = arith.constant 0 : i32
      %dma_wait3A_90 = tpu.memref_slice %arg2[%add3A_78, %dma_wait3A_89] : memref<320000x128xf32, #tpu.memory_space<hbm>> -> memref<128x128xf32, #tpu.memory_space<hbm>>
      %dma_wait3A_91 = arith.constant 0 : i32
      %dma_wait3A_92 = tpu.memref_slice %arg2[%add3A_78, %dma_wait3A_91] : memref<320000x128xf32, #tpu.memory_space<hbm>> -> memref<128x128xf32, #tpu.memory_space<hbm>>
      tpu.wait_dma2 semaphore(%arg12 : memref<!tpu.dma_semaphore, #tpu.memory_space<semaphore_mem>>) src(%dma_wait3A_92 : memref<128x128xf32, #tpu.memory_space<hbm>>) dst(%arg11 : memref<128x128xf32, #tpu.memory_space<vmem>>)
      "tpu.region"() ({
        %run_scoped3A = tpu.sem_alloc : memref<!tpu.dma_semaphore, #tpu.memory_space<semaphore_mem>>
        %dma_start3A_93 = arith.constant 0 : i32
        %dma_start3A_94 = arith.constant 0 : i32
        %dma_start3A_95 = tpu.memref_slice %arg5[%dma_start3A_93, %dma_start3A_94] : memref<10000x128xf32, #tpu.memory_space<vmem_shared>> -> memref<10000x128xf32, #tpu.memory_space<vmem_shared>>
        tpu.enqueue_indirect_dma source(%arg11 : memref<128x128xf32, #tpu.memory_space<vmem>>) target(%dma_start3A_95 : memref<10000x128xf32, #tpu.memory_space<vmem_shared>>) offsets(%arg10 : memref<128xi32, #tpu.memory_space<vmem>>) semaphore(%run_scoped3A : memref<!tpu.dma_semaphore, #tpu.memory_space<semaphore_mem>>) {add = true}
        %dma_wait3A_96 = arith.constant 0 : i32
        %dma_wait3A_97 = arith.constant 0 : i32
        %dma_wait3A_98 = tpu.memref_slice %arg5[%dma_wait3A_96, %dma_wait3A_97] : memref<10000x128xf32, #tpu.memory_space<vmem_shared>> -> memref<10000x128xf32, #tpu.memory_space<vmem_shared>>
        tpu.wait_indirect_dma semaphore(%run_scoped3A : memref<!tpu.dma_semaphore, #tpu.memory_space<semaphore_mem>>) src(%arg11 : memref<128x128xf32, #tpu.memory_space<vmem>>) dst(%dma_wait3A_98 : memref<10000x128xf32, #tpu.memory_space<vmem_shared>>)
        tpu.yield
      }) : () -> ()
    }
    %barrier3A_58 = arith.constant 0 : index
    tpu.barrier barrier_id(%barrier3A_58)
    %while3A_59 = arith.constant 0 : i32
    %while3A_60 = arith.constant 0 : i32
    %while3A_61 = arith.subi %add3A_10, %while3A_60 : i32
    %while3A_62 = arith.addi %while3A_60, %while3A_61 : i32
    %while3A_63 = arith.constant 1 : i32
    %while3A_64 = arith.divsi %while3A_61, %while3A_63 : i32
    %while3A_65 = arith.muli %while3A_64, %while3A_63 : i32
    %while3A_66 = arith.addi %while3A_60, %while3A_65 : i32
    %while3A_67 = arith.constant 1 : i32
    scf.for %while3A_69 = %while3A_60 to %while3A_66 step %while3A_67  : i32 {
      %mul3A_70 = arith.constant 8 : i32
      %mul3A_71 = arith.muli %while3A_69, %mul3A_70 : i32
      %add3A_72 = arith.addi %mul3A_6, %mul3A_71 : i32
      "tpu.region"() ({
        %run_scoped3A = tpu.sem_alloc : memref<!tpu.dma_semaphore, #tpu.memory_space<semaphore_mem>>
        %dma_start3A = arith.constant 0 : i32
        %dma_start3A_76 = tpu.memref_slice %arg5[%add3A_72, %dma_start3A] : memref<10000x128xf32, #tpu.memory_space<vmem_shared>> -> memref<8x128xf32, #tpu.memory_space<vmem_shared>>
        %dma_start3A_77 = arith.constant 0 : i32
        %dma_start3A_78 = tpu.memref_slice %arg5[%add3A_72, %dma_start3A_77] : memref<10000x128xf32, #tpu.memory_space<vmem_shared>> -> memref<8x128xf32, #tpu.memory_space<vmem_shared>>
        tpu.enqueue_dma source(%dma_start3A_78 : memref<8x128xf32, #tpu.memory_space<vmem_shared>>) target(%arg8 : memref<8x128xf32, #tpu.memory_space<vmem>>) target_semaphore(%run_scoped3A : memref<!tpu.dma_semaphore, #tpu.memory_space<semaphore_mem>>)
        %dma_wait3A = arith.constant 0 : i32
        %dma_wait3A_79 = tpu.memref_slice %arg5[%add3A_72, %dma_wait3A] : memref<10000x128xf32, #tpu.memory_space<vmem_shared>> -> memref<8x128xf32, #tpu.memory_space<vmem_shared>>
        %dma_wait3A_80 = arith.constant 0 : i32
        %dma_wait3A_81 = tpu.memref_slice %arg5[%add3A_72, %dma_wait3A_80] : memref<10000x128xf32, #tpu.memory_space<vmem_shared>> -> memref<8x128xf32, #tpu.memory_space<vmem_shared>>
        tpu.wait_dma2 semaphore(%run_scoped3A : memref<!tpu.dma_semaphore, #tpu.memory_space<semaphore_mem>>) src(%dma_wait3A_81 : memref<8x128xf32, #tpu.memory_space<vmem_shared>>) dst(%arg8 : memref<8x128xf32, #tpu.memory_space<vmem>>)
        tpu.yield
      }) : () -> ()
      %mul3A_73 = arith.constant 8 : i32
      %mul3A_74 = arith.muli %while3A_69, %mul3A_73 : i32
      %add3A_75 = arith.addi %mul3A_6, %mul3A_74 : i32
      "tpu.region"() ({
        %run_scoped3A = tpu.sem_alloc : memref<!tpu.dma_semaphore, #tpu.memory_space<semaphore_mem>>
        %dma_start3A = arith.constant 0 : i32
        %dma_start3A_76 = tpu.memref_slice %arg4[%arg0, %add3A_75, %dma_start3A] : memref<2x10000x128xf32, #tpu.memory_space<hbm>> -> memref<1x8x128xf32, #tpu.memory_space<hbm>>
        %dma_start3A_77 = tpu.memref_squeeze %dma_start3A_76 : memref<1x8x128xf32, #tpu.memory_space<hbm>> -> memref<8x128xf32, #tpu.memory_space<hbm>>
        %dma_start3A_78 = arith.constant 0 : i32
        %dma_start3A_79 = tpu.memref_slice %arg4[%arg0, %add3A_75, %dma_start3A_78] : memref<2x10000x128xf32, #tpu.memory_space<hbm>> -> memref<1x8x128xf32, #tpu.memory_space<hbm>>
        %dma_start3A_80 = tpu.memref_squeeze %dma_start3A_79 : memref<1x8x128xf32, #tpu.memory_space<hbm>> -> memref<8x128xf32, #tpu.memory_space<hbm>>
        tpu.enqueue_dma source(%arg8 : memref<8x128xf32, #tpu.memory_space<vmem>>) target(%dma_start3A_80 : memref<8x128xf32, #tpu.memory_space<hbm>>) target_semaphore(%run_scoped3A : memref<!tpu.dma_semaphore, #tpu.memory_space<semaphore_mem>>)
        %dma_wait3A = arith.constant 0 : i32
        %dma_wait3A_81 = tpu.memref_slice %arg4[%arg0, %add3A_75, %dma_wait3A] : memref<2x10000x128xf32, #tpu.memory_space<hbm>> -> memref<1x8x128xf32, #tpu.memory_space<hbm>>
        %dma_wait3A_82 = tpu.memref_squeeze %dma_wait3A_81 : memref<1x8x128xf32, #tpu.memory_space<hbm>> -> memref<8x128xf32, #tpu.memory_space<hbm>>
        %dma_wait3A_83 = arith.constant 0 : i32
        %dma_wait3A_84 = tpu.memref_slice %arg4[%arg0, %add3A_75, %dma_wait3A_83] : memref<2x10000x128xf32, #tpu.memory_space<hbm>> -> memref<1x8x128xf32, #tpu.memory_space<hbm>>
        %dma_wait3A_85 = tpu.memref_squeeze %dma_wait3A_84 : memref<1x8x128xf32, #tpu.memory_space<hbm>> -> memref<8x128xf32, #tpu.memory_space<hbm>>
        tpu.wait_dma2 semaphore(%run_scoped3A : memref<!tpu.dma_semaphore, #tpu.memory_space<semaphore_mem>>) src(%arg8 : memref<8x128xf32, #tpu.memory_space<vmem>>) dst(%dma_wait3A_85 : memref<8x128xf32, #tpu.memory_space<hbm>>)
        tpu.yield
      }) : () -> ()
    }
    %while3A_68 = arith.constant 1 : i32
    scf.for %while3A_69 = %while3A_66 to %while3A_62 step %while3A_68  : i32 {
      %mul3A_70 = arith.constant 8 : i32
      %mul3A_71 = arith.muli %while3A_69, %mul3A_70 : i32
      %add3A_72 = arith.addi %mul3A_6, %mul3A_71 : i32
      "tpu.region"() ({
        %run_scoped3A = tpu.sem_alloc : memref<!tpu.dma_semaphore, #tpu.memory_space<semaphore_mem>>
        %dma_start3A = arith.constant 0 : i32
        %dma_start3A_76 = tpu.memref_slice %arg5[%add3A_72, %dma_start3A] : memref<10000x128xf32, #tpu.memory_space<vmem_shared>> -> memref<8x128xf32, #tpu.memory_space<vmem_shared>>
        %dma_start3A_77 = arith.constant 0 : i32
        %dma_start3A_78 = tpu.memref_slice %arg5[%add3A_72, %dma_start3A_77] : memref<10000x128xf32, #tpu.memory_space<vmem_shared>> -> memref<8x128xf32, #tpu.memory_space<vmem_shared>>
        tpu.enqueue_dma source(%dma_start3A_78 : memref<8x128xf32, #tpu.memory_space<vmem_shared>>) target(%arg8 : memref<8x128xf32, #tpu.memory_space<vmem>>) target_semaphore(%run_scoped3A : memref<!tpu.dma_semaphore, #tpu.memory_space<semaphore_mem>>)
        %dma_wait3A = arith.constant 0 : i32
        %dma_wait3A_79 = tpu.memref_slice %arg5[%add3A_72, %dma_wait3A] : memref<10000x128xf32, #tpu.memory_space<vmem_shared>> -> memref<8x128xf32, #tpu.memory_space<vmem_shared>>
        %dma_wait3A_80 = arith.constant 0 : i32
        %dma_wait3A_81 = tpu.memref_slice %arg5[%add3A_72, %dma_wait3A_80] : memref<10000x128xf32, #tpu.memory_space<vmem_shared>> -> memref<8x128xf32, #tpu.memory_space<vmem_shared>>
        tpu.wait_dma2 semaphore(%run_scoped3A : memref<!tpu.dma_semaphore, #tpu.memory_space<semaphore_mem>>) src(%dma_wait3A_81 : memref<8x128xf32, #tpu.memory_space<vmem_shared>>) dst(%arg8 : memref<8x128xf32, #tpu.memory_space<vmem>>)
        tpu.yield
      }) : () -> ()
      %mul3A_73 = arith.constant 8 : i32
      %mul3A_74 = arith.muli %while3A_69, %mul3A_73 : i32
      %add3A_75 = arith.addi %mul3A_6, %mul3A_74 : i32
      "tpu.region"() ({
        %run_scoped3A = tpu.sem_alloc : memref<!tpu.dma_semaphore, #tpu.memory_space<semaphore_mem>>
        %dma_start3A = arith.constant 0 : i32
        %dma_start3A_76 = tpu.memref_slice %arg4[%arg0, %add3A_75, %dma_start3A] : memref<2x10000x128xf32, #tpu.memory_space<hbm>> -> memref<1x8x128xf32, #tpu.memory_space<hbm>>
        %dma_start3A_77 = tpu.memref_squeeze %dma_start3A_76 : memref<1x8x128xf32, #tpu.memory_space<hbm>> -> memref<8x128xf32, #tpu.memory_space<hbm>>
        %dma_start3A_78 = arith.constant 0 : i32
        %dma_start3A_79 = tpu.memref_slice %arg4[%arg0, %add3A_75, %dma_start3A_78] : memref<2x10000x128xf32, #tpu.memory_space<hbm>> -> memref<1x8x128xf32, #tpu.memory_space<hbm>>
        %dma_start3A_80 = tpu.memref_squeeze %dma_start3A_79 : memref<1x8x128xf32, #tpu.memory_space<hbm>> -> memref<8x128xf32, #tpu.memory_space<hbm>>
        tpu.enqueue_dma source(%arg8 : memref<8x128xf32, #tpu.memory_space<vmem>>) target(%dma_start3A_80 : memref<8x128xf32, #tpu.memory_space<hbm>>) target_semaphore(%run_scoped3A : memref<!tpu.dma_semaphore, #tpu.memory_space<semaphore_mem>>)
        %dma_wait3A = arith.constant 0 : i32
        %dma_wait3A_81 = tpu.memref_slice %arg4[%arg0, %add3A_75, %dma_wait3A] : memref<2x10000x128xf32, #tpu.memory_space<hbm>> -> memref<1x8x128xf32, #tpu.memory_space<hbm>>
        %dma_wait3A_82 = tpu.memref_squeeze %dma_wait3A_81 : memref<1x8x128xf32, #tpu.memory_space<hbm>> -> memref<8x128xf32, #tpu.memory_space<hbm>>
        %dma_wait3A_83 = arith.constant 0 : i32
        %dma_wait3A_84 = tpu.memref_slice %arg4[%arg0, %add3A_75, %dma_wait3A_83] : memref<2x10000x128xf32, #tpu.memory_space<hbm>> -> memref<1x8x128xf32, #tpu.memory_space<hbm>>
        %dma_wait3A_85 = tpu.memref_squeeze %dma_wait3A_84 : memref<1x8x128xf32, #tpu.memory_space<hbm>> -> memref<8x128xf32, #tpu.memory_space<hbm>>
        tpu.wait_dma2 semaphore(%run_scoped3A : memref<!tpu.dma_semaphore, #tpu.memory_space<semaphore_mem>>) src(%arg8 : memref<8x128xf32, #tpu.memory_space<vmem>>) dst(%dma_wait3A_85 : memref<8x128xf32, #tpu.memory_space<hbm>>)
        tpu.yield
      }) : () -> ()
    }
    return
  }
}

#map = affine_map<(d0, d1) -> (0, 0)>
#map1 = affine_map<(d0, d1) -> (0)>
module attributes {stable_mosaic.version = 14 : i64} {
  func.func @body(%arg0: i32, %arg1: i32, %arg2: memref<512x128xf32, #tpu.memory_space<hbm>>, %arg3: memref<80000xi32, #tpu.memory_space<hbm>>, %arg4: memref<80000x128xf32, #tpu.memory_space<hbm>>, %arg5: memref<512x128xf32, #tpu.memory_space<vmem_shared>>, %arg6: memref<128xi32, #tpu.memory_space<vmem>>, %arg7: memref<128x128xf32, #tpu.memory_space<vmem>>, %arg8: memref<8x128xf32, #tpu.memory_space<vmem>>) attributes {dimension_semantics = [#tpu.dimension_semantics<core_parallel>, #tpu.dimension_semantics<subcore_parallel>], iteration_bounds = array<i64: 2, 16>, scalar_prefetch = 0 : i64, scratch_operands = 4 : i64, tpu.core_type = #tpu.core_type<sc_vector_subcore>, window_params = [{transform_indices = #map}, {transform_indices = #map1}, {transform_indices = #map}]} {
    %mul3A = arith.constant 2 : i32
    %mul3A_0 = arith.muli %arg1, %mul3A : i32
    %add3A = arith.addi %mul3A_0, %arg0 : i32
    %mul3A_1 = arith.constant 4 : i32
    %mul3A_2 = arith.muli %arg1, %mul3A_1 : i32
    %min3A = arith.constant 0 : i32
    %min3A_3 = arith.minsi %arg1, %min3A : i32
    %add3A_4 = arith.addi %mul3A_2, %min3A_3 : i32
    %mul3A_5 = arith.constant 8 : i32
    %mul3A_6 = arith.muli %add3A_4, %mul3A_5 : i32
    %lt3A = arith.constant 0 : i32
    %lt3A_7 = arith.cmpi slt, %arg1, %lt3A : i32
    %jit3A = arith.constant 1 : i32
    %jit3A_8 = arith.constant 0 : i32
    %select_n3A = arith.select %lt3A_7, %jit3A, %jit3A_8 : i32
    %add3A_9 = arith.constant 4 : i32
    %add3A_10 = arith.addi %add3A_9, %select_n3A : i32
    %while3A = arith.constant 0 : i32
    %while3A_11 = arith.constant 0 : i32
    %while3A_12 = arith.subi %add3A_10, %while3A_11 : i32
    %while3A_13 = arith.addi %while3A_11, %while3A_12 : i32
    %while3A_14 = arith.constant 1 : i32
    %while3A_15 = arith.divsi %while3A_12, %while3A_14 : i32
    %while3A_16 = arith.muli %while3A_15, %while3A_14 : i32
    %while3A_17 = arith.addi %while3A_11, %while3A_16 : i32
    %while3A_18 = arith.constant 1 : i32
    scf.for %while3A_52 = %while3A_11 to %while3A_17 step %while3A_18  : i32 {
      %mul3A_53 = arith.constant 8 : i32
      %mul3A_54 = arith.muli %while3A_52, %mul3A_53 : i32
      %add3A_55 = arith.addi %mul3A_6, %mul3A_54 : i32
      "tpu.region"() ({
        %run_scoped3A = tpu.sem_alloc : memref<!tpu.dma_semaphore, #tpu.memory_space<semaphore_mem>>
        %dma_start3A = arith.constant 0 : i32
        %dma_start3A_59 = tpu.memref_slice %arg2[%add3A_55, %dma_start3A] : memref<512x128xf32, #tpu.memory_space<hbm>> -> memref<8x128xf32, #tpu.memory_space<hbm>>
        %dma_start3A_60 = arith.constant 0 : i32
        %dma_start3A_61 = tpu.memref_slice %arg2[%add3A_55, %dma_start3A_60] : memref<512x128xf32, #tpu.memory_space<hbm>> -> memref<8x128xf32, #tpu.memory_space<hbm>>
        tpu.enqueue_dma source(%dma_start3A_61 : memref<8x128xf32, #tpu.memory_space<hbm>>) target(%arg8 : memref<8x128xf32, #tpu.memory_space<vmem>>) target_semaphore(%run_scoped3A : memref<!tpu.dma_semaphore, #tpu.memory_space<semaphore_mem>>)
        %dma_wait3A = arith.constant 0 : i32
        %dma_wait3A_62 = tpu.memref_slice %arg2[%add3A_55, %dma_wait3A] : memref<512x128xf32, #tpu.memory_space<hbm>> -> memref<8x128xf32, #tpu.memory_space<hbm>>
        %dma_wait3A_63 = arith.constant 0 : i32
        %dma_wait3A_64 = tpu.memref_slice %arg2[%add3A_55, %dma_wait3A_63] : memref<512x128xf32, #tpu.memory_space<hbm>> -> memref<8x128xf32, #tpu.memory_space<hbm>>
        tpu.wait_dma2 semaphore(%run_scoped3A : memref<!tpu.dma_semaphore, #tpu.memory_space<semaphore_mem>>) src(%dma_wait3A_64 : memref<8x128xf32, #tpu.memory_space<hbm>>) dst(%arg8 : memref<8x128xf32, #tpu.memory_space<vmem>>)
        tpu.yield
      }) : () -> ()
      %mul3A_56 = arith.constant 8 : i32
      %mul3A_57 = arith.muli %while3A_52, %mul3A_56 : i32
      %add3A_58 = arith.addi %mul3A_6, %mul3A_57 : i32
      "tpu.region"() ({
        %run_scoped3A = tpu.sem_alloc : memref<!tpu.dma_semaphore, #tpu.memory_space<semaphore_mem>>
        %dma_start3A = arith.constant 0 : i32
        %dma_start3A_59 = tpu.memref_slice %arg5[%add3A_58, %dma_start3A] : memref<512x128xf32, #tpu.memory_space<vmem_shared>> -> memref<8x128xf32, #tpu.memory_space<vmem_shared>>
        %dma_start3A_60 = arith.constant 0 : i32
        %dma_start3A_61 = tpu.memref_slice %arg5[%add3A_58, %dma_start3A_60] : memref<512x128xf32, #tpu.memory_space<vmem_shared>> -> memref<8x128xf32, #tpu.memory_space<vmem_shared>>
        tpu.enqueue_dma source(%arg8 : memref<8x128xf32, #tpu.memory_space<vmem>>) target(%dma_start3A_61 : memref<8x128xf32, #tpu.memory_space<vmem_shared>>) target_semaphore(%run_scoped3A : memref<!tpu.dma_semaphore, #tpu.memory_space<semaphore_mem>>)
        %dma_wait3A = arith.constant 0 : i32
        %dma_wait3A_62 = tpu.memref_slice %arg5[%add3A_58, %dma_wait3A] : memref<512x128xf32, #tpu.memory_space<vmem_shared>> -> memref<8x128xf32, #tpu.memory_space<vmem_shared>>
        %dma_wait3A_63 = arith.constant 0 : i32
        %dma_wait3A_64 = tpu.memref_slice %arg5[%add3A_58, %dma_wait3A_63] : memref<512x128xf32, #tpu.memory_space<vmem_shared>> -> memref<8x128xf32, #tpu.memory_space<vmem_shared>>
        tpu.wait_dma2 semaphore(%run_scoped3A : memref<!tpu.dma_semaphore, #tpu.memory_space<semaphore_mem>>) src(%arg8 : memref<8x128xf32, #tpu.memory_space<vmem>>) dst(%dma_wait3A_64 : memref<8x128xf32, #tpu.memory_space<vmem_shared>>)
        tpu.yield
      }) : () -> ()
    }
    %while3A_19 = arith.constant 1 : i32
    scf.for %while3A_52 = %while3A_17 to %while3A_13 step %while3A_19  : i32 {
      %mul3A_53 = arith.constant 8 : i32
      %mul3A_54 = arith.muli %while3A_52, %mul3A_53 : i32
      %add3A_55 = arith.addi %mul3A_6, %mul3A_54 : i32
      "tpu.region"() ({
        %run_scoped3A = tpu.sem_alloc : memref<!tpu.dma_semaphore, #tpu.memory_space<semaphore_mem>>
        %dma_start3A = arith.constant 0 : i32
        %dma_start3A_59 = tpu.memref_slice %arg2[%add3A_55, %dma_start3A] : memref<512x128xf32, #tpu.memory_space<hbm>> -> memref<8x128xf32, #tpu.memory_space<hbm>>
        %dma_start3A_60 = arith.constant 0 : i32
        %dma_start3A_61 = tpu.memref_slice %arg2[%add3A_55, %dma_start3A_60] : memref<512x128xf32, #tpu.memory_space<hbm>> -> memref<8x128xf32, #tpu.memory_space<hbm>>
        tpu.enqueue_dma source(%dma_start3A_61 : memref<8x128xf32, #tpu.memory_space<hbm>>) target(%arg8 : memref<8x128xf32, #tpu.memory_space<vmem>>) target_semaphore(%run_scoped3A : memref<!tpu.dma_semaphore, #tpu.memory_space<semaphore_mem>>)
        %dma_wait3A = arith.constant 0 : i32
        %dma_wait3A_62 = tpu.memref_slice %arg2[%add3A_55, %dma_wait3A] : memref<512x128xf32, #tpu.memory_space<hbm>> -> memref<8x128xf32, #tpu.memory_space<hbm>>
        %dma_wait3A_63 = arith.constant 0 : i32
        %dma_wait3A_64 = tpu.memref_slice %arg2[%add3A_55, %dma_wait3A_63] : memref<512x128xf32, #tpu.memory_space<hbm>> -> memref<8x128xf32, #tpu.memory_space<hbm>>
        tpu.wait_dma2 semaphore(%run_scoped3A : memref<!tpu.dma_semaphore, #tpu.memory_space<semaphore_mem>>) src(%dma_wait3A_64 : memref<8x128xf32, #tpu.memory_space<hbm>>) dst(%arg8 : memref<8x128xf32, #tpu.memory_space<vmem>>)
        tpu.yield
      }) : () -> ()
      %mul3A_56 = arith.constant 8 : i32
      %mul3A_57 = arith.muli %while3A_52, %mul3A_56 : i32
      %add3A_58 = arith.addi %mul3A_6, %mul3A_57 : i32
      "tpu.region"() ({
        %run_scoped3A = tpu.sem_alloc : memref<!tpu.dma_semaphore, #tpu.memory_space<semaphore_mem>>
        %dma_start3A = arith.constant 0 : i32
        %dma_start3A_59 = tpu.memref_slice %arg5[%add3A_58, %dma_start3A] : memref<512x128xf32, #tpu.memory_space<vmem_shared>> -> memref<8x128xf32, #tpu.memory_space<vmem_shared>>
        %dma_start3A_60 = arith.constant 0 : i32
        %dma_start3A_61 = tpu.memref_slice %arg5[%add3A_58, %dma_start3A_60] : memref<512x128xf32, #tpu.memory_space<vmem_shared>> -> memref<8x128xf32, #tpu.memory_space<vmem_shared>>
        tpu.enqueue_dma source(%arg8 : memref<8x128xf32, #tpu.memory_space<vmem>>) target(%dma_start3A_61 : memref<8x128xf32, #tpu.memory_space<vmem_shared>>) target_semaphore(%run_scoped3A : memref<!tpu.dma_semaphore, #tpu.memory_space<semaphore_mem>>)
        %dma_wait3A = arith.constant 0 : i32
        %dma_wait3A_62 = tpu.memref_slice %arg5[%add3A_58, %dma_wait3A] : memref<512x128xf32, #tpu.memory_space<vmem_shared>> -> memref<8x128xf32, #tpu.memory_space<vmem_shared>>
        %dma_wait3A_63 = arith.constant 0 : i32
        %dma_wait3A_64 = tpu.memref_slice %arg5[%add3A_58, %dma_wait3A_63] : memref<512x128xf32, #tpu.memory_space<vmem_shared>> -> memref<8x128xf32, #tpu.memory_space<vmem_shared>>
        tpu.wait_dma2 semaphore(%run_scoped3A : memref<!tpu.dma_semaphore, #tpu.memory_space<semaphore_mem>>) src(%arg8 : memref<8x128xf32, #tpu.memory_space<vmem>>) dst(%dma_wait3A_64 : memref<8x128xf32, #tpu.memory_space<vmem_shared>>)
        tpu.yield
      }) : () -> ()
    }
    %barrier3A = arith.constant 0 : index
    tpu.barrier barrier_id(%barrier3A)
    %sub3A = arith.constant 624 : i32
    %sub3A_20 = arith.subi %sub3A, %add3A : i32
    %jit3A_21 = arith.constant 32 : i32
    %div3A = arith.divsi %sub3A_20, %jit3A_21 : i32
    %sign3A = arith.constant 0 : i32
    %sign3A_22 = arith.cmpi sgt, %sub3A_20, %sign3A : i32
    %sign3A_23 = arith.extui %sign3A_22 : i1 to i32
    %sign3A_24 = arith.constant 0 : i32
    %sign3A_25 = arith.cmpi slt, %sub3A_20, %sign3A_24 : i32
    %sign3A_26 = arith.extui %sign3A_25 : i1 to i32
    %sign3A_27 = arith.subi %sign3A_23, %sign3A_26 : i32
    %sign3A_28 = arith.constant 0 : i32
    %sign3A_29 = arith.cmpi sgt, %jit3A_21, %sign3A_28 : i32
    %sign3A_30 = arith.extui %sign3A_29 : i1 to i32
    %sign3A_31 = arith.constant 0 : i32
    %sign3A_32 = arith.cmpi slt, %jit3A_21, %sign3A_31 : i32
    %sign3A_33 = arith.extui %sign3A_32 : i1 to i32
    %sign3A_34 = arith.subi %sign3A_30, %sign3A_33 : i32
    %ne3A = arith.cmpi ne, %sign3A_27, %sign3A_34 : i32
    %rem3A = arith.remsi %sub3A_20, %jit3A_21 : i32
    %ne3A_35 = arith.constant 0 : i32
    %ne3A_36 = arith.cmpi ne, %rem3A, %ne3A_35 : i32
    %and3A = arith.andi %ne3A, %ne3A_36 : i1
    %sub3A_37 = arith.constant 1 : i32
    %sub3A_38 = arith.subi %div3A, %sub3A_37 : i32
    %select_n3A_39 = arith.select %and3A, %sub3A_38, %div3A : i32
    %add3A_40 = arith.constant 1 : i32
    %add3A_41 = arith.addi %select_n3A_39, %add3A_40 : i32
    %while3A_42 = arith.constant 0 : i32
    %while3A_43 = arith.constant 0 : i32
    %while3A_44 = arith.subi %add3A_41, %while3A_43 : i32
    %while3A_45 = arith.addi %while3A_43, %while3A_44 : i32
    %while3A_46 = arith.constant 1 : i32
    %while3A_47 = arith.divsi %while3A_44, %while3A_46 : i32
    %while3A_48 = arith.muli %while3A_47, %while3A_46 : i32
    %while3A_49 = arith.addi %while3A_43, %while3A_48 : i32
    %while3A_50 = arith.constant 1 : i32
    scf.for %while3A_52 = %while3A_43 to %while3A_49 step %while3A_50  : i32 {
      %mul3A_53 = arith.constant 32 : i32
      %mul3A_54 = arith.muli %while3A_52, %mul3A_53 : i32
      %add3A_55 = arith.addi %add3A, %mul3A_54 : i32
      %mul3A_56 = arith.constant 128 : i32
      %mul3A_57 = arith.muli %add3A_55, %mul3A_56 : i32
      "tpu.region"() ({
        %run_scoped3A = tpu.sem_alloc : memref<!tpu.dma_semaphore, #tpu.memory_space<semaphore_mem>>
        %dma_start3A = tpu.memref_slice %arg3[%mul3A_57] : memref<80000xi32, #tpu.memory_space<hbm>> -> memref<128xi32, #tpu.memory_space<hbm>>
        %dma_start3A_58 = tpu.memref_slice %arg3[%mul3A_57] : memref<80000xi32, #tpu.memory_space<hbm>> -> memref<128xi32, #tpu.memory_space<hbm>>
        tpu.enqueue_dma source(%dma_start3A_58 : memref<128xi32, #tpu.memory_space<hbm>>) target(%arg6 : memref<128xi32, #tpu.memory_space<vmem>>) target_semaphore(%run_scoped3A : memref<!tpu.dma_semaphore, #tpu.memory_space<semaphore_mem>>)
        %dma_wait3A = tpu.memref_slice %arg3[%mul3A_57] : memref<80000xi32, #tpu.memory_space<hbm>> -> memref<128xi32, #tpu.memory_space<hbm>>
        %dma_wait3A_59 = tpu.memref_slice %arg3[%mul3A_57] : memref<80000xi32, #tpu.memory_space<hbm>> -> memref<128xi32, #tpu.memory_space<hbm>>
        tpu.wait_dma2 semaphore(%run_scoped3A : memref<!tpu.dma_semaphore, #tpu.memory_space<semaphore_mem>>) src(%dma_wait3A_59 : memref<128xi32, #tpu.memory_space<hbm>>) dst(%arg6 : memref<128xi32, #tpu.memory_space<vmem>>)
        tpu.yield
      }) : () -> ()
      "tpu.region"() ({
        %run_scoped3A = tpu.sem_alloc : memref<!tpu.dma_semaphore, #tpu.memory_space<semaphore_mem>>
        %dma_start3A = arith.constant 0 : i32
        %dma_start3A_58 = arith.constant 0 : i32
        %dma_start3A_59 = tpu.memref_slice %arg5[%dma_start3A, %dma_start3A_58] : memref<512x128xf32, #tpu.memory_space<vmem_shared>> -> memref<512x128xf32, #tpu.memory_space<vmem_shared>>
        tpu.enqueue_indirect_dma source(%dma_start3A_59 : memref<512x128xf32, #tpu.memory_space<vmem_shared>>) target(%arg7 : memref<128x128xf32, #tpu.memory_space<vmem>>) offsets(%arg6 : memref<128xi32, #tpu.memory_space<vmem>>) semaphore(%run_scoped3A : memref<!tpu.dma_semaphore, #tpu.memory_space<semaphore_mem>>)
        %dma_wait3A = arith.constant 0 : i32
        %dma_wait3A_60 = arith.constant 0 : i32
        %dma_wait3A_61 = tpu.memref_slice %arg5[%dma_wait3A, %dma_wait3A_60] : memref<512x128xf32, #tpu.memory_space<vmem_shared>> -> memref<512x128xf32, #tpu.memory_space<vmem_shared>>
        tpu.wait_indirect_dma semaphore(%run_scoped3A : memref<!tpu.dma_semaphore, #tpu.memory_space<semaphore_mem>>) src(%dma_wait3A_61 : memref<512x128xf32, #tpu.memory_space<vmem_shared>>) dst(%arg7 : memref<128x128xf32, #tpu.memory_space<vmem>>)
        tpu.yield
      }) : () -> ()
      "tpu.region"() ({
        %run_scoped3A = tpu.sem_alloc : memref<!tpu.dma_semaphore, #tpu.memory_space<semaphore_mem>>
        %dma_start3A = arith.constant 0 : i32
        %dma_start3A_58 = tpu.memref_slice %arg4[%mul3A_57, %dma_start3A] : memref<80000x128xf32, #tpu.memory_space<hbm>> -> memref<128x128xf32, #tpu.memory_space<hbm>>
        %dma_start3A_59 = arith.constant 0 : i32
        %dma_start3A_60 = tpu.memref_slice %arg4[%mul3A_57, %dma_start3A_59] : memref<80000x128xf32, #tpu.memory_space<hbm>> -> memref<128x128xf32, #tpu.memory_space<hbm>>
        tpu.enqueue_dma source(%arg7 : memref<128x128xf32, #tpu.memory_space<vmem>>) target(%dma_start3A_60 : memref<128x128xf32, #tpu.memory_space<hbm>>) target_semaphore(%run_scoped3A : memref<!tpu.dma_semaphore, #tpu.memory_space<semaphore_mem>>)
        %dma_wait3A = arith.constant 0 : i32
        %dma_wait3A_61 = tpu.memref_slice %arg4[%mul3A_57, %dma_wait3A] : memref<80000x128xf32, #tpu.memory_space<hbm>> -> memref<128x128xf32, #tpu.memory_space<hbm>>
        %dma_wait3A_62 = arith.constant 0 : i32
        %dma_wait3A_63 = tpu.memref_slice %arg4[%mul3A_57, %dma_wait3A_62] : memref<80000x128xf32, #tpu.memory_space<hbm>> -> memref<128x128xf32, #tpu.memory_space<hbm>>
        tpu.wait_dma2 semaphore(%run_scoped3A : memref<!tpu.dma_semaphore, #tpu.memory_space<semaphore_mem>>) src(%arg7 : memref<128x128xf32, #tpu.memory_space<vmem>>) dst(%dma_wait3A_63 : memref<128x128xf32, #tpu.memory_space<hbm>>)
        tpu.yield
      }) : () -> ()
    }
    %while3A_51 = arith.constant 1 : i32
    scf.for %while3A_52 = %while3A_49 to %while3A_45 step %while3A_51  : i32 {
      %mul3A_53 = arith.constant 32 : i32
      %mul3A_54 = arith.muli %while3A_52, %mul3A_53 : i32
      %add3A_55 = arith.addi %add3A, %mul3A_54 : i32
      %mul3A_56 = arith.constant 128 : i32
      %mul3A_57 = arith.muli %add3A_55, %mul3A_56 : i32
      "tpu.region"() ({
        %run_scoped3A = tpu.sem_alloc : memref<!tpu.dma_semaphore, #tpu.memory_space<semaphore_mem>>
        %dma_start3A = tpu.memref_slice %arg3[%mul3A_57] : memref<80000xi32, #tpu.memory_space<hbm>> -> memref<128xi32, #tpu.memory_space<hbm>>
        %dma_start3A_58 = tpu.memref_slice %arg3[%mul3A_57] : memref<80000xi32, #tpu.memory_space<hbm>> -> memref<128xi32, #tpu.memory_space<hbm>>
        tpu.enqueue_dma source(%dma_start3A_58 : memref<128xi32, #tpu.memory_space<hbm>>) target(%arg6 : memref<128xi32, #tpu.memory_space<vmem>>) target_semaphore(%run_scoped3A : memref<!tpu.dma_semaphore, #tpu.memory_space<semaphore_mem>>)
        %dma_wait3A = tpu.memref_slice %arg3[%mul3A_57] : memref<80000xi32, #tpu.memory_space<hbm>> -> memref<128xi32, #tpu.memory_space<hbm>>
        %dma_wait3A_59 = tpu.memref_slice %arg3[%mul3A_57] : memref<80000xi32, #tpu.memory_space<hbm>> -> memref<128xi32, #tpu.memory_space<hbm>>
        tpu.wait_dma2 semaphore(%run_scoped3A : memref<!tpu.dma_semaphore, #tpu.memory_space<semaphore_mem>>) src(%dma_wait3A_59 : memref<128xi32, #tpu.memory_space<hbm>>) dst(%arg6 : memref<128xi32, #tpu.memory_space<vmem>>)
        tpu.yield
      }) : () -> ()
      "tpu.region"() ({
        %run_scoped3A = tpu.sem_alloc : memref<!tpu.dma_semaphore, #tpu.memory_space<semaphore_mem>>
        %dma_start3A = arith.constant 0 : i32
        %dma_start3A_58 = arith.constant 0 : i32
        %dma_start3A_59 = tpu.memref_slice %arg5[%dma_start3A, %dma_start3A_58] : memref<512x128xf32, #tpu.memory_space<vmem_shared>> -> memref<512x128xf32, #tpu.memory_space<vmem_shared>>
        tpu.enqueue_indirect_dma source(%dma_start3A_59 : memref<512x128xf32, #tpu.memory_space<vmem_shared>>) target(%arg7 : memref<128x128xf32, #tpu.memory_space<vmem>>) offsets(%arg6 : memref<128xi32, #tpu.memory_space<vmem>>) semaphore(%run_scoped3A : memref<!tpu.dma_semaphore, #tpu.memory_space<semaphore_mem>>)
        %dma_wait3A = arith.constant 0 : i32
        %dma_wait3A_60 = arith.constant 0 : i32
        %dma_wait3A_61 = tpu.memref_slice %arg5[%dma_wait3A, %dma_wait3A_60] : memref<512x128xf32, #tpu.memory_space<vmem_shared>> -> memref<512x128xf32, #tpu.memory_space<vmem_shared>>
        tpu.wait_indirect_dma semaphore(%run_scoped3A : memref<!tpu.dma_semaphore, #tpu.memory_space<semaphore_mem>>) src(%dma_wait3A_61 : memref<512x128xf32, #tpu.memory_space<vmem_shared>>) dst(%arg7 : memref<128x128xf32, #tpu.memory_space<vmem>>)
        tpu.yield
      }) : () -> ()
      "tpu.region"() ({
        %run_scoped3A = tpu.sem_alloc : memref<!tpu.dma_semaphore, #tpu.memory_space<semaphore_mem>>
        %dma_start3A = arith.constant 0 : i32
        %dma_start3A_58 = tpu.memref_slice %arg4[%mul3A_57, %dma_start3A] : memref<80000x128xf32, #tpu.memory_space<hbm>> -> memref<128x128xf32, #tpu.memory_space<hbm>>
        %dma_start3A_59 = arith.constant 0 : i32
        %dma_start3A_60 = tpu.memref_slice %arg4[%mul3A_57, %dma_start3A_59] : memref<80000x128xf32, #tpu.memory_space<hbm>> -> memref<128x128xf32, #tpu.memory_space<hbm>>
        tpu.enqueue_dma source(%arg7 : memref<128x128xf32, #tpu.memory_space<vmem>>) target(%dma_start3A_60 : memref<128x128xf32, #tpu.memory_space<hbm>>) target_semaphore(%run_scoped3A : memref<!tpu.dma_semaphore, #tpu.memory_space<semaphore_mem>>)
        %dma_wait3A = arith.constant 0 : i32
        %dma_wait3A_61 = tpu.memref_slice %arg4[%mul3A_57, %dma_wait3A] : memref<80000x128xf32, #tpu.memory_space<hbm>> -> memref<128x128xf32, #tpu.memory_space<hbm>>
        %dma_wait3A_62 = arith.constant 0 : i32
        %dma_wait3A_63 = tpu.memref_slice %arg4[%mul3A_57, %dma_wait3A_62] : memref<80000x128xf32, #tpu.memory_space<hbm>> -> memref<128x128xf32, #tpu.memory_space<hbm>>
        tpu.wait_dma2 semaphore(%run_scoped3A : memref<!tpu.dma_semaphore, #tpu.memory_space<semaphore_mem>>) src(%arg7 : memref<128x128xf32, #tpu.memory_space<vmem>>) dst(%dma_wait3A_63 : memref<128x128xf32, #tpu.memory_space<hbm>>)
        tpu.yield
      }) : () -> ()
    }
    return
  }
}

#map = affine_map<(d0, d1) -> (0, 0)>
#map1 = affine_map<(d0, d1) -> (0)>
module attributes {stable_mosaic.version = 14 : i64} {
  func.func @body(%arg0: i32, %arg1: i32, %arg2: memref<10000x128xf32, #tpu.memory_space<hbm>>, %arg3: memref<320000xi32, #tpu.memory_space<hbm>>, %arg4: memref<320000x128xf32, #tpu.memory_space<hbm>>, %arg5: memref<10000x128xf32, #tpu.memory_space<vmem_shared>>, %arg6: memref<128xi32, #tpu.memory_space<vmem>>, %arg7: memref<128x128xf32, #tpu.memory_space<vmem>>, %arg8: memref<8x128xf32, #tpu.memory_space<vmem>>) attributes {dimension_semantics = [#tpu.dimension_semantics<core_parallel>, #tpu.dimension_semantics<subcore_parallel>], iteration_bounds = array<i64: 2, 16>, scalar_prefetch = 0 : i64, scratch_operands = 4 : i64, tpu.core_type = #tpu.core_type<sc_vector_subcore>, window_params = [{transform_indices = #map}, {transform_indices = #map1}, {transform_indices = #map}]} {
    %mul3A = arith.constant 2 : i32
    %mul3A_0 = arith.muli %arg1, %mul3A : i32
    %add3A = arith.addi %mul3A_0, %arg0 : i32
    %mul3A_1 = arith.constant 78 : i32
    %mul3A_2 = arith.muli %arg1, %mul3A_1 : i32
    %min3A = arith.constant 2 : i32
    %min3A_3 = arith.minsi %arg1, %min3A : i32
    %add3A_4 = arith.addi %mul3A_2, %min3A_3 : i32
    %mul3A_5 = arith.constant 8 : i32
    %mul3A_6 = arith.muli %add3A_4, %mul3A_5 : i32
    %lt3A = arith.constant 2 : i32
    %lt3A_7 = arith.cmpi slt, %arg1, %lt3A : i32
    %jit3A = arith.constant 1 : i32
    %jit3A_8 = arith.constant 0 : i32
    %select_n3A = arith.select %lt3A_7, %jit3A, %jit3A_8 : i32
    %add3A_9 = arith.constant 78 : i32
    %add3A_10 = arith.addi %add3A_9, %select_n3A : i32
    %while3A = arith.constant 0 : i32
    %while3A_11 = arith.constant 0 : i32
    %while3A_12 = arith.subi %add3A_10, %while3A_11 : i32
    %while3A_13 = arith.addi %while3A_11, %while3A_12 : i32
    %while3A_14 = arith.constant 1 : i32
    %while3A_15 = arith.divsi %while3A_12, %while3A_14 : i32
    %while3A_16 = arith.muli %while3A_15, %while3A_14 : i32
    %while3A_17 = arith.addi %while3A_11, %while3A_16 : i32
    %while3A_18 = arith.constant 1 : i32
    scf.for %while3A_52 = %while3A_11 to %while3A_17 step %while3A_18  : i32 {
      %mul3A_53 = arith.constant 8 : i32
      %mul3A_54 = arith.muli %while3A_52, %mul3A_53 : i32
      %add3A_55 = arith.addi %mul3A_6, %mul3A_54 : i32
      "tpu.region"() ({
        %run_scoped3A = tpu.sem_alloc : memref<!tpu.dma_semaphore, #tpu.memory_space<semaphore_mem>>
        %dma_start3A = arith.constant 0 : i32
        %dma_start3A_59 = tpu.memref_slice %arg2[%add3A_55, %dma_start3A] : memref<10000x128xf32, #tpu.memory_space<hbm>> -> memref<8x128xf32, #tpu.memory_space<hbm>>
        %dma_start3A_60 = arith.constant 0 : i32
        %dma_start3A_61 = tpu.memref_slice %arg2[%add3A_55, %dma_start3A_60] : memref<10000x128xf32, #tpu.memory_space<hbm>> -> memref<8x128xf32, #tpu.memory_space<hbm>>
        tpu.enqueue_dma source(%dma_start3A_61 : memref<8x128xf32, #tpu.memory_space<hbm>>) target(%arg8 : memref<8x128xf32, #tpu.memory_space<vmem>>) target_semaphore(%run_scoped3A : memref<!tpu.dma_semaphore, #tpu.memory_space<semaphore_mem>>)
        %dma_wait3A = arith.constant 0 : i32
        %dma_wait3A_62 = tpu.memref_slice %arg2[%add3A_55, %dma_wait3A] : memref<10000x128xf32, #tpu.memory_space<hbm>> -> memref<8x128xf32, #tpu.memory_space<hbm>>
        %dma_wait3A_63 = arith.constant 0 : i32
        %dma_wait3A_64 = tpu.memref_slice %arg2[%add3A_55, %dma_wait3A_63] : memref<10000x128xf32, #tpu.memory_space<hbm>> -> memref<8x128xf32, #tpu.memory_space<hbm>>
        tpu.wait_dma2 semaphore(%run_scoped3A : memref<!tpu.dma_semaphore, #tpu.memory_space<semaphore_mem>>) src(%dma_wait3A_64 : memref<8x128xf32, #tpu.memory_space<hbm>>) dst(%arg8 : memref<8x128xf32, #tpu.memory_space<vmem>>)
        tpu.yield
      }) : () -> ()
      %mul3A_56 = arith.constant 8 : i32
      %mul3A_57 = arith.muli %while3A_52, %mul3A_56 : i32
      %add3A_58 = arith.addi %mul3A_6, %mul3A_57 : i32
      "tpu.region"() ({
        %run_scoped3A = tpu.sem_alloc : memref<!tpu.dma_semaphore, #tpu.memory_space<semaphore_mem>>
        %dma_start3A = arith.constant 0 : i32
        %dma_start3A_59 = tpu.memref_slice %arg5[%add3A_58, %dma_start3A] : memref<10000x128xf32, #tpu.memory_space<vmem_shared>> -> memref<8x128xf32, #tpu.memory_space<vmem_shared>>
        %dma_start3A_60 = arith.constant 0 : i32
        %dma_start3A_61 = tpu.memref_slice %arg5[%add3A_58, %dma_start3A_60] : memref<10000x128xf32, #tpu.memory_space<vmem_shared>> -> memref<8x128xf32, #tpu.memory_space<vmem_shared>>
        tpu.enqueue_dma source(%arg8 : memref<8x128xf32, #tpu.memory_space<vmem>>) target(%dma_start3A_61 : memref<8x128xf32, #tpu.memory_space<vmem_shared>>) target_semaphore(%run_scoped3A : memref<!tpu.dma_semaphore, #tpu.memory_space<semaphore_mem>>)
        %dma_wait3A = arith.constant 0 : i32
        %dma_wait3A_62 = tpu.memref_slice %arg5[%add3A_58, %dma_wait3A] : memref<10000x128xf32, #tpu.memory_space<vmem_shared>> -> memref<8x128xf32, #tpu.memory_space<vmem_shared>>
        %dma_wait3A_63 = arith.constant 0 : i32
        %dma_wait3A_64 = tpu.memref_slice %arg5[%add3A_58, %dma_wait3A_63] : memref<10000x128xf32, #tpu.memory_space<vmem_shared>> -> memref<8x128xf32, #tpu.memory_space<vmem_shared>>
        tpu.wait_dma2 semaphore(%run_scoped3A : memref<!tpu.dma_semaphore, #tpu.memory_space<semaphore_mem>>) src(%arg8 : memref<8x128xf32, #tpu.memory_space<vmem>>) dst(%dma_wait3A_64 : memref<8x128xf32, #tpu.memory_space<vmem_shared>>)
        tpu.yield
      }) : () -> ()
    }
    %while3A_19 = arith.constant 1 : i32
    scf.for %while3A_52 = %while3A_17 to %while3A_13 step %while3A_19  : i32 {
      %mul3A_53 = arith.constant 8 : i32
      %mul3A_54 = arith.muli %while3A_52, %mul3A_53 : i32
      %add3A_55 = arith.addi %mul3A_6, %mul3A_54 : i32
      "tpu.region"() ({
        %run_scoped3A = tpu.sem_alloc : memref<!tpu.dma_semaphore, #tpu.memory_space<semaphore_mem>>
        %dma_start3A = arith.constant 0 : i32
        %dma_start3A_59 = tpu.memref_slice %arg2[%add3A_55, %dma_start3A] : memref<10000x128xf32, #tpu.memory_space<hbm>> -> memref<8x128xf32, #tpu.memory_space<hbm>>
        %dma_start3A_60 = arith.constant 0 : i32
        %dma_start3A_61 = tpu.memref_slice %arg2[%add3A_55, %dma_start3A_60] : memref<10000x128xf32, #tpu.memory_space<hbm>> -> memref<8x128xf32, #tpu.memory_space<hbm>>
        tpu.enqueue_dma source(%dma_start3A_61 : memref<8x128xf32, #tpu.memory_space<hbm>>) target(%arg8 : memref<8x128xf32, #tpu.memory_space<vmem>>) target_semaphore(%run_scoped3A : memref<!tpu.dma_semaphore, #tpu.memory_space<semaphore_mem>>)
        %dma_wait3A = arith.constant 0 : i32
        %dma_wait3A_62 = tpu.memref_slice %arg2[%add3A_55, %dma_wait3A] : memref<10000x128xf32, #tpu.memory_space<hbm>> -> memref<8x128xf32, #tpu.memory_space<hbm>>
        %dma_wait3A_63 = arith.constant 0 : i32
        %dma_wait3A_64 = tpu.memref_slice %arg2[%add3A_55, %dma_wait3A_63] : memref<10000x128xf32, #tpu.memory_space<hbm>> -> memref<8x128xf32, #tpu.memory_space<hbm>>
        tpu.wait_dma2 semaphore(%run_scoped3A : memref<!tpu.dma_semaphore, #tpu.memory_space<semaphore_mem>>) src(%dma_wait3A_64 : memref<8x128xf32, #tpu.memory_space<hbm>>) dst(%arg8 : memref<8x128xf32, #tpu.memory_space<vmem>>)
        tpu.yield
      }) : () -> ()
      %mul3A_56 = arith.constant 8 : i32
      %mul3A_57 = arith.muli %while3A_52, %mul3A_56 : i32
      %add3A_58 = arith.addi %mul3A_6, %mul3A_57 : i32
      "tpu.region"() ({
        %run_scoped3A = tpu.sem_alloc : memref<!tpu.dma_semaphore, #tpu.memory_space<semaphore_mem>>
        %dma_start3A = arith.constant 0 : i32
        %dma_start3A_59 = tpu.memref_slice %arg5[%add3A_58, %dma_start3A] : memref<10000x128xf32, #tpu.memory_space<vmem_shared>> -> memref<8x128xf32, #tpu.memory_space<vmem_shared>>
        %dma_start3A_60 = arith.constant 0 : i32
        %dma_start3A_61 = tpu.memref_slice %arg5[%add3A_58, %dma_start3A_60] : memref<10000x128xf32, #tpu.memory_space<vmem_shared>> -> memref<8x128xf32, #tpu.memory_space<vmem_shared>>
        tpu.enqueue_dma source(%arg8 : memref<8x128xf32, #tpu.memory_space<vmem>>) target(%dma_start3A_61 : memref<8x128xf32, #tpu.memory_space<vmem_shared>>) target_semaphore(%run_scoped3A : memref<!tpu.dma_semaphore, #tpu.memory_space<semaphore_mem>>)
        %dma_wait3A = arith.constant 0 : i32
        %dma_wait3A_62 = tpu.memref_slice %arg5[%add3A_58, %dma_wait3A] : memref<10000x128xf32, #tpu.memory_space<vmem_shared>> -> memref<8x128xf32, #tpu.memory_space<vmem_shared>>
        %dma_wait3A_63 = arith.constant 0 : i32
        %dma_wait3A_64 = tpu.memref_slice %arg5[%add3A_58, %dma_wait3A_63] : memref<10000x128xf32, #tpu.memory_space<vmem_shared>> -> memref<8x128xf32, #tpu.memory_space<vmem_shared>>
        tpu.wait_dma2 semaphore(%run_scoped3A : memref<!tpu.dma_semaphore, #tpu.memory_space<semaphore_mem>>) src(%arg8 : memref<8x128xf32, #tpu.memory_space<vmem>>) dst(%dma_wait3A_64 : memref<8x128xf32, #tpu.memory_space<vmem_shared>>)
        tpu.yield
      }) : () -> ()
    }
    %barrier3A = arith.constant 0 : index
    tpu.barrier barrier_id(%barrier3A)
    %sub3A = arith.constant 2499 : i32
    %sub3A_20 = arith.subi %sub3A, %add3A : i32
    %jit3A_21 = arith.constant 32 : i32
    %div3A = arith.divsi %sub3A_20, %jit3A_21 : i32
    %sign3A = arith.constant 0 : i32
    %sign3A_22 = arith.cmpi sgt, %sub3A_20, %sign3A : i32
    %sign3A_23 = arith.extui %sign3A_22 : i1 to i32
    %sign3A_24 = arith.constant 0 : i32
    %sign3A_25 = arith.cmpi slt, %sub3A_20, %sign3A_24 : i32
    %sign3A_26 = arith.extui %sign3A_25 : i1 to i32
    %sign3A_27 = arith.subi %sign3A_23, %sign3A_26 : i32
    %sign3A_28 = arith.constant 0 : i32
    %sign3A_29 = arith.cmpi sgt, %jit3A_21, %sign3A_28 : i32
    %sign3A_30 = arith.extui %sign3A_29 : i1 to i32
    %sign3A_31 = arith.constant 0 : i32
    %sign3A_32 = arith.cmpi slt, %jit3A_21, %sign3A_31 : i32
    %sign3A_33 = arith.extui %sign3A_32 : i1 to i32
    %sign3A_34 = arith.subi %sign3A_30, %sign3A_33 : i32
    %ne3A = arith.cmpi ne, %sign3A_27, %sign3A_34 : i32
    %rem3A = arith.remsi %sub3A_20, %jit3A_21 : i32
    %ne3A_35 = arith.constant 0 : i32
    %ne3A_36 = arith.cmpi ne, %rem3A, %ne3A_35 : i32
    %and3A = arith.andi %ne3A, %ne3A_36 : i1
    %sub3A_37 = arith.constant 1 : i32
    %sub3A_38 = arith.subi %div3A, %sub3A_37 : i32
    %select_n3A_39 = arith.select %and3A, %sub3A_38, %div3A : i32
    %add3A_40 = arith.constant 1 : i32
    %add3A_41 = arith.addi %select_n3A_39, %add3A_40 : i32
    %while3A_42 = arith.constant 0 : i32
    %while3A_43 = arith.constant 0 : i32
    %while3A_44 = arith.subi %add3A_41, %while3A_43 : i32
    %while3A_45 = arith.addi %while3A_43, %while3A_44 : i32
    %while3A_46 = arith.constant 1 : i32
    %while3A_47 = arith.divsi %while3A_44, %while3A_46 : i32
    %while3A_48 = arith.muli %while3A_47, %while3A_46 : i32
    %while3A_49 = arith.addi %while3A_43, %while3A_48 : i32
    %while3A_50 = arith.constant 1 : i32
    scf.for %while3A_52 = %while3A_43 to %while3A_49 step %while3A_50  : i32 {
      %mul3A_53 = arith.constant 32 : i32
      %mul3A_54 = arith.muli %while3A_52, %mul3A_53 : i32
      %add3A_55 = arith.addi %add3A, %mul3A_54 : i32
      %mul3A_56 = arith.constant 128 : i32
      %mul3A_57 = arith.muli %add3A_55, %mul3A_56 : i32
      "tpu.region"() ({
        %run_scoped3A = tpu.sem_alloc : memref<!tpu.dma_semaphore, #tpu.memory_space<semaphore_mem>>
        %dma_start3A = tpu.memref_slice %arg3[%mul3A_57] : memref<320000xi32, #tpu.memory_space<hbm>> -> memref<128xi32, #tpu.memory_space<hbm>>
        %dma_start3A_58 = tpu.memref_slice %arg3[%mul3A_57] : memref<320000xi32, #tpu.memory_space<hbm>> -> memref<128xi32, #tpu.memory_space<hbm>>
        tpu.enqueue_dma source(%dma_start3A_58 : memref<128xi32, #tpu.memory_space<hbm>>) target(%arg6 : memref<128xi32, #tpu.memory_space<vmem>>) target_semaphore(%run_scoped3A : memref<!tpu.dma_semaphore, #tpu.memory_space<semaphore_mem>>)
        %dma_wait3A = tpu.memref_slice %arg3[%mul3A_57] : memref<320000xi32, #tpu.memory_space<hbm>> -> memref<128xi32, #tpu.memory_space<hbm>>
        %dma_wait3A_59 = tpu.memref_slice %arg3[%mul3A_57] : memref<320000xi32, #tpu.memory_space<hbm>> -> memref<128xi32, #tpu.memory_space<hbm>>
        tpu.wait_dma2 semaphore(%run_scoped3A : memref<!tpu.dma_semaphore, #tpu.memory_space<semaphore_mem>>) src(%dma_wait3A_59 : memref<128xi32, #tpu.memory_space<hbm>>) dst(%arg6 : memref<128xi32, #tpu.memory_space<vmem>>)
        tpu.yield
      }) : () -> ()
      "tpu.region"() ({
        %run_scoped3A = tpu.sem_alloc : memref<!tpu.dma_semaphore, #tpu.memory_space<semaphore_mem>>
        %dma_start3A = arith.constant 0 : i32
        %dma_start3A_58 = arith.constant 0 : i32
        %dma_start3A_59 = tpu.memref_slice %arg5[%dma_start3A, %dma_start3A_58] : memref<10000x128xf32, #tpu.memory_space<vmem_shared>> -> memref<10000x128xf32, #tpu.memory_space<vmem_shared>>
        tpu.enqueue_indirect_dma source(%dma_start3A_59 : memref<10000x128xf32, #tpu.memory_space<vmem_shared>>) target(%arg7 : memref<128x128xf32, #tpu.memory_space<vmem>>) offsets(%arg6 : memref<128xi32, #tpu.memory_space<vmem>>) semaphore(%run_scoped3A : memref<!tpu.dma_semaphore, #tpu.memory_space<semaphore_mem>>)
        %dma_wait3A = arith.constant 0 : i32
        %dma_wait3A_60 = arith.constant 0 : i32
        %dma_wait3A_61 = tpu.memref_slice %arg5[%dma_wait3A, %dma_wait3A_60] : memref<10000x128xf32, #tpu.memory_space<vmem_shared>> -> memref<10000x128xf32, #tpu.memory_space<vmem_shared>>
        tpu.wait_indirect_dma semaphore(%run_scoped3A : memref<!tpu.dma_semaphore, #tpu.memory_space<semaphore_mem>>) src(%dma_wait3A_61 : memref<10000x128xf32, #tpu.memory_space<vmem_shared>>) dst(%arg7 : memref<128x128xf32, #tpu.memory_space<vmem>>)
        tpu.yield
      }) : () -> ()
      "tpu.region"() ({
        %run_scoped3A = tpu.sem_alloc : memref<!tpu.dma_semaphore, #tpu.memory_space<semaphore_mem>>
        %dma_start3A = arith.constant 0 : i32
        %dma_start3A_58 = tpu.memref_slice %arg4[%mul3A_57, %dma_start3A] : memref<320000x128xf32, #tpu.memory_space<hbm>> -> memref<128x128xf32, #tpu.memory_space<hbm>>
        %dma_start3A_59 = arith.constant 0 : i32
        %dma_start3A_60 = tpu.memref_slice %arg4[%mul3A_57, %dma_start3A_59] : memref<320000x128xf32, #tpu.memory_space<hbm>> -> memref<128x128xf32, #tpu.memory_space<hbm>>
        tpu.enqueue_dma source(%arg7 : memref<128x128xf32, #tpu.memory_space<vmem>>) target(%dma_start3A_60 : memref<128x128xf32, #tpu.memory_space<hbm>>) target_semaphore(%run_scoped3A : memref<!tpu.dma_semaphore, #tpu.memory_space<semaphore_mem>>)
        %dma_wait3A = arith.constant 0 : i32
        %dma_wait3A_61 = tpu.memref_slice %arg4[%mul3A_57, %dma_wait3A] : memref<320000x128xf32, #tpu.memory_space<hbm>> -> memref<128x128xf32, #tpu.memory_space<hbm>>
        %dma_wait3A_62 = arith.constant 0 : i32
        %dma_wait3A_63 = tpu.memref_slice %arg4[%mul3A_57, %dma_wait3A_62] : memref<320000x128xf32, #tpu.memory_space<hbm>> -> memref<128x128xf32, #tpu.memory_space<hbm>>
        tpu.wait_dma2 semaphore(%run_scoped3A : memref<!tpu.dma_semaphore, #tpu.memory_space<semaphore_mem>>) src(%arg7 : memref<128x128xf32, #tpu.memory_space<vmem>>) dst(%dma_wait3A_63 : memref<128x128xf32, #tpu.memory_space<hbm>>)
        tpu.yield
      }) : () -> ()
    }
    %while3A_51 = arith.constant 1 : i32
    scf.for %while3A_52 = %while3A_49 to %while3A_45 step %while3A_51  : i32 {
      %mul3A_53 = arith.constant 32 : i32
      %mul3A_54 = arith.muli %while3A_52, %mul3A_53 : i32
      %add3A_55 = arith.addi %add3A, %mul3A_54 : i32
      %mul3A_56 = arith.constant 128 : i32
      %mul3A_57 = arith.muli %add3A_55, %mul3A_56 : i32
      "tpu.region"() ({
        %run_scoped3A = tpu.sem_alloc : memref<!tpu.dma_semaphore, #tpu.memory_space<semaphore_mem>>
        %dma_start3A = tpu.memref_slice %arg3[%mul3A_57] : memref<320000xi32, #tpu.memory_space<hbm>> -> memref<128xi32, #tpu.memory_space<hbm>>
        %dma_start3A_58 = tpu.memref_slice %arg3[%mul3A_57] : memref<320000xi32, #tpu.memory_space<hbm>> -> memref<128xi32, #tpu.memory_space<hbm>>
        tpu.enqueue_dma source(%dma_start3A_58 : memref<128xi32, #tpu.memory_space<hbm>>) target(%arg6 : memref<128xi32, #tpu.memory_space<vmem>>) target_semaphore(%run_scoped3A : memref<!tpu.dma_semaphore, #tpu.memory_space<semaphore_mem>>)
        %dma_wait3A = tpu.memref_slice %arg3[%mul3A_57] : memref<320000xi32, #tpu.memory_space<hbm>> -> memref<128xi32, #tpu.memory_space<hbm>>
        %dma_wait3A_59 = tpu.memref_slice %arg3[%mul3A_57] : memref<320000xi32, #tpu.memory_space<hbm>> -> memref<128xi32, #tpu.memory_space<hbm>>
        tpu.wait_dma2 semaphore(%run_scoped3A : memref<!tpu.dma_semaphore, #tpu.memory_space<semaphore_mem>>) src(%dma_wait3A_59 : memref<128xi32, #tpu.memory_space<hbm>>) dst(%arg6 : memref<128xi32, #tpu.memory_space<vmem>>)
        tpu.yield
      }) : () -> ()
      "tpu.region"() ({
        %run_scoped3A = tpu.sem_alloc : memref<!tpu.dma_semaphore, #tpu.memory_space<semaphore_mem>>
        %dma_start3A = arith.constant 0 : i32
        %dma_start3A_58 = arith.constant 0 : i32
        %dma_start3A_59 = tpu.memref_slice %arg5[%dma_start3A, %dma_start3A_58] : memref<10000x128xf32, #tpu.memory_space<vmem_shared>> -> memref<10000x128xf32, #tpu.memory_space<vmem_shared>>
        tpu.enqueue_indirect_dma source(%dma_start3A_59 : memref<10000x128xf32, #tpu.memory_space<vmem_shared>>) target(%arg7 : memref<128x128xf32, #tpu.memory_space<vmem>>) offsets(%arg6 : memref<128xi32, #tpu.memory_space<vmem>>) semaphore(%run_scoped3A : memref<!tpu.dma_semaphore, #tpu.memory_space<semaphore_mem>>)
        %dma_wait3A = arith.constant 0 : i32
        %dma_wait3A_60 = arith.constant 0 : i32
        %dma_wait3A_61 = tpu.memref_slice %arg5[%dma_wait3A, %dma_wait3A_60] : memref<10000x128xf32, #tpu.memory_space<vmem_shared>> -> memref<10000x128xf32, #tpu.memory_space<vmem_shared>>
        tpu.wait_indirect_dma semaphore(%run_scoped3A : memref<!tpu.dma_semaphore, #tpu.memory_space<semaphore_mem>>) src(%dma_wait3A_61 : memref<10000x128xf32, #tpu.memory_space<vmem_shared>>) dst(%arg7 : memref<128x128xf32, #tpu.memory_space<vmem>>)
        tpu.yield
      }) : () -> ()
      "tpu.region"() ({
        %run_scoped3A = tpu.sem_alloc : memref<!tpu.dma_semaphore, #tpu.memory_space<semaphore_mem>>
        %dma_start3A = arith.constant 0 : i32
        %dma_start3A_58 = tpu.memref_slice %arg4[%mul3A_57, %dma_start3A] : memref<320000x128xf32, #tpu.memory_space<hbm>> -> memref<128x128xf32, #tpu.memory_space<hbm>>
        %dma_start3A_59 = arith.constant 0 : i32
        %dma_start3A_60 = tpu.memref_slice %arg4[%mul3A_57, %dma_start3A_59] : memref<320000x128xf32, #tpu.memory_space<hbm>> -> memref<128x128xf32, #tpu.memory_space<hbm>>
        tpu.enqueue_dma source(%arg7 : memref<128x128xf32, #tpu.memory_space<vmem>>) target(%dma_start3A_60 : memref<128x128xf32, #tpu.memory_space<hbm>>) target_semaphore(%run_scoped3A : memref<!tpu.dma_semaphore, #tpu.memory_space<semaphore_mem>>)
        %dma_wait3A = arith.constant 0 : i32
        %dma_wait3A_61 = tpu.memref_slice %arg4[%mul3A_57, %dma_wait3A] : memref<320000x128xf32, #tpu.memory_space<hbm>> -> memref<128x128xf32, #tpu.memory_space<hbm>>
        %dma_wait3A_62 = arith.constant 0 : i32
        %dma_wait3A_63 = tpu.memref_slice %arg4[%mul3A_57, %dma_wait3A_62] : memref<320000x128xf32, #tpu.memory_space<hbm>> -> memref<128x128xf32, #tpu.memory_space<hbm>>
        tpu.wait_dma2 semaphore(%run_scoped3A : memref<!tpu.dma_semaphore, #tpu.memory_space<semaphore_mem>>) src(%arg7 : memref<128x128xf32, #tpu.memory_space<vmem>>) dst(%dma_wait3A_63 : memref<128x128xf32, #tpu.memory_space<hbm>>)
        tpu.yield
      }) : () -> ()
    }
    return
  }
}

#map = affine_map<(d0, d1) -> (0, 0)>
#map1 = affine_map<(d0, d1) -> (0)>
#map2 = affine_map<(d0, d1) -> (0, 0, 0)>
module attributes {stable_mosaic.version = 14 : i64} {
  func.func @body(%arg0: i32, %arg1: i32, %arg2: memref<80000x128xf32, #tpu.memory_space<hbm>>, %arg3: memref<80000xi32, #tpu.memory_space<hbm>>, %arg4: memref<2x10000x128xf32, #tpu.memory_space<hbm>>, %arg5: memref<10000x128xf32, #tpu.memory_space<vmem_shared>>, %arg6: memref<128xi32, #tpu.memory_space<vmem>>, %arg7: memref<128x128xf32, #tpu.memory_space<vmem>>, %arg8: memref<8x128xf32, #tpu.memory_space<vmem>>, %arg9: memref<!tpu.dma_semaphore, #tpu.memory_space<semaphore_mem>>) attributes {dimension_semantics = [#tpu.dimension_semantics<core_parallel>, #tpu.dimension_semantics<subcore_parallel>], iteration_bounds = array<i64: 2, 16>, scalar_prefetch = 0 : i64, scratch_operands = 5 : i64, tpu.core_type = #tpu.core_type<sc_vector_subcore>, window_params = [{transform_indices = #map}, {transform_indices = #map1}, {transform_indices = #map2}]} {
    %mul3A = arith.constant 2 : i32
    %mul3A_0 = arith.muli %arg1, %mul3A : i32
    %add3A = arith.addi %mul3A_0, %arg0 : i32
    %mul3A_1 = arith.constant 78 : i32
    %mul3A_2 = arith.muli %arg1, %mul3A_1 : i32
    %min3A = arith.constant 2 : i32
    %min3A_3 = arith.minsi %arg1, %min3A : i32
    %add3A_4 = arith.addi %mul3A_2, %min3A_3 : i32
    %mul3A_5 = arith.constant 8 : i32
    %mul3A_6 = arith.muli %add3A_4, %mul3A_5 : i32
    %lt3A = arith.constant 2 : i32
    %lt3A_7 = arith.cmpi slt, %arg1, %lt3A : i32
    %jit3A = arith.constant 1 : i32
    %jit3A_8 = arith.constant 0 : i32
    %select_n3A = arith.select %lt3A_7, %jit3A, %jit3A_8 : i32
    %add3A_9 = arith.constant 78 : i32
    %add3A_10 = arith.addi %add3A_9, %select_n3A : i32
    %broadcast_in_dim3A = arith.constant 0.000000e+00 : f32
    %broadcast_in_dim3A_11 = vector.broadcast %broadcast_in_dim3A : f32 to vector<16xf32>
    %scan3A = arith.constant 0 : i32
    %scan3A_12 = arith.constant 0 : i32
    %scan3A_13 = arith.constant 8 : i32
    %scan3A_14 = arith.addi %scan3A_12, %scan3A_13 : i32
    %scan3A_15 = arith.constant 1 : i32
    scf.for %scan3A_69 = %scan3A_12 to %scan3A_14 step %scan3A_15  : i32 {
      %swap3A = arith.index_cast %scan3A_69 : i32 to index
      %swap3A_70 = arith.constant 0 : index
      %swap3A_71 = tpu.vector_load %arg8[%swap3A, %swap3A_70] {strides = array<i32>} : memref<8x128xf32, #tpu.memory_space<vmem>>, vector<1x16xf32>,
      %swap3A_72 = vector.shape_cast %swap3A_71 : vector<1x16xf32> to vector<16xf32>
      %swap3A_73 = vector.shape_cast %broadcast_in_dim3A_11 : vector<16xf32> to vector<1x16xf32>
      tpu.vector_store %arg8[%swap3A, %swap3A_70], %swap3A_73 {strides = array<i32>} : memref<8x128xf32, #tpu.memory_space<vmem>>, vector<1x16xf32>,
      %swap3A_74 = arith.index_cast %scan3A_69 : i32 to index
      %swap3A_75 = arith.constant 16 : index
      %swap3A_76 = tpu.vector_load %arg8[%swap3A_74, %swap3A_75] {strides = array<i32>} : memref<8x128xf32, #tpu.memory_space<vmem>>, vector<1x16xf32>,
      %swap3A_77 = vector.shape_cast %swap3A_76 : vector<1x16xf32> to vector<16xf32>
      %swap3A_78 = vector.shape_cast %broadcast_in_dim3A_11 : vector<16xf32> to vector<1x16xf32>
      tpu.vector_store %arg8[%swap3A_74, %swap3A_75], %swap3A_78 {strides = array<i32>} : memref<8x128xf32, #tpu.memory_space<vmem>>, vector<1x16xf32>,
      %swap3A_79 = arith.index_cast %scan3A_69 : i32 to index
      %swap3A_80 = arith.constant 32 : index
      %swap3A_81 = tpu.vector_load %arg8[%swap3A_79, %swap3A_80] {strides = array<i32>} : memref<8x128xf32, #tpu.memory_space<vmem>>, vector<1x16xf32>,
      %swap3A_82 = vector.shape_cast %swap3A_81 : vector<1x16xf32> to vector<16xf32>
      %swap3A_83 = vector.shape_cast %broadcast_in_dim3A_11 : vector<16xf32> to vector<1x16xf32>
      tpu.vector_store %arg8[%swap3A_79, %swap3A_80], %swap3A_83 {strides = array<i32>} : memref<8x128xf32, #tpu.memory_space<vmem>>, vector<1x16xf32>,
      %swap3A_84 = arith.index_cast %scan3A_69 : i32 to index
      %swap3A_85 = arith.constant 48 : index
      %swap3A_86 = tpu.vector_load %arg8[%swap3A_84, %swap3A_85] {strides = array<i32>} : memref<8x128xf32, #tpu.memory_space<vmem>>, vector<1x16xf32>,
      %swap3A_87 = vector.shape_cast %swap3A_86 : vector<1x16xf32> to vector<16xf32>
      %swap3A_88 = vector.shape_cast %broadcast_in_dim3A_11 : vector<16xf32> to vector<1x16xf32>
      tpu.vector_store %arg8[%swap3A_84, %swap3A_85], %swap3A_88 {strides = array<i32>} : memref<8x128xf32, #tpu.memory_space<vmem>>, vector<1x16xf32>,
      %swap3A_89 = arith.index_cast %scan3A_69 : i32 to index
      %swap3A_90 = arith.constant 64 : index
      %swap3A_91 = tpu.vector_load %arg8[%swap3A_89, %swap3A_90] {strides = array<i32>} : memref<8x128xf32, #tpu.memory_space<vmem>>, vector<1x16xf32>,
      %swap3A_92 = vector.shape_cast %swap3A_91 : vector<1x16xf32> to vector<16xf32>
      %swap3A_93 = vector.shape_cast %broadcast_in_dim3A_11 : vector<16xf32> to vector<1x16xf32>
      tpu.vector_store %arg8[%swap3A_89, %swap3A_90], %swap3A_93 {strides = array<i32>} : memref<8x128xf32, #tpu.memory_space<vmem>>, vector<1x16xf32>,
      %swap3A_94 = arith.index_cast %scan3A_69 : i32 to index
      %swap3A_95 = arith.constant 80 : index
      %swap3A_96 = tpu.vector_load %arg8[%swap3A_94, %swap3A_95] {strides = array<i32>} : memref<8x128xf32, #tpu.memory_space<vmem>>, vector<1x16xf32>,
      %swap3A_97 = vector.shape_cast %swap3A_96 : vector<1x16xf32> to vector<16xf32>
      %swap3A_98 = vector.shape_cast %broadcast_in_dim3A_11 : vector<16xf32> to vector<1x16xf32>
      tpu.vector_store %arg8[%swap3A_94, %swap3A_95], %swap3A_98 {strides = array<i32>} : memref<8x128xf32, #tpu.memory_space<vmem>>, vector<1x16xf32>,
      %swap3A_99 = arith.index_cast %scan3A_69 : i32 to index
      %swap3A_100 = arith.constant 96 : index
      %swap3A_101 = tpu.vector_load %arg8[%swap3A_99, %swap3A_100] {strides = array<i32>} : memref<8x128xf32, #tpu.memory_space<vmem>>, vector<1x16xf32>,
      %swap3A_102 = vector.shape_cast %swap3A_101 : vector<1x16xf32> to vector<16xf32>
      %swap3A_103 = vector.shape_cast %broadcast_in_dim3A_11 : vector<16xf32> to vector<1x16xf32>
      tpu.vector_store %arg8[%swap3A_99, %swap3A_100], %swap3A_103 {strides = array<i32>} : memref<8x128xf32, #tpu.memory_space<vmem>>, vector<1x16xf32>,
      %swap3A_104 = arith.index_cast %scan3A_69 : i32 to index
      %swap3A_105 = arith.constant 112 : index
      %swap3A_106 = tpu.vector_load %arg8[%swap3A_104, %swap3A_105] {strides = array<i32>} : memref<8x128xf32, #tpu.memory_space<vmem>>, vector<1x16xf32>,
      %swap3A_107 = vector.shape_cast %swap3A_106 : vector<1x16xf32> to vector<16xf32>
      %swap3A_108 = vector.shape_cast %broadcast_in_dim3A_11 : vector<16xf32> to vector<1x16xf32>
      tpu.vector_store %arg8[%swap3A_104, %swap3A_105], %swap3A_108 {strides = array<i32>} : memref<8x128xf32, #tpu.memory_space<vmem>>, vector<1x16xf32>,
    }
    %scan3A_16 = arith.constant 8 : i32
    %while3A = arith.constant 0 : i32
    %while3A_17 = arith.constant 0 : i32
    %while3A_18 = arith.subi %add3A_10, %while3A_17 : i32
    %while3A_19 = arith.addi %while3A_17, %while3A_18 : i32
    %while3A_20 = arith.constant 1 : i32
    %while3A_21 = arith.divsi %while3A_18, %while3A_20 : i32
    %while3A_22 = arith.muli %while3A_21, %while3A_20 : i32
    %while3A_23 = arith.addi %while3A_17, %while3A_22 : i32
    %while3A_24 = arith.constant 1 : i32
    scf.for %while3A_69 = %while3A_17 to %while3A_23 step %while3A_24  : i32 {
      %mul3A_70 = arith.constant 8 : i32
      %mul3A_71 = arith.muli %while3A_69, %mul3A_70 : i32
      %add3A_72 = arith.addi %mul3A_6, %mul3A_71 : i32
      "tpu.region"() ({
        %run_scoped3A = tpu.sem_alloc : memref<!tpu.dma_semaphore, #tpu.memory_space<semaphore_mem>>
        %dma_start3A = arith.constant 0 : i32
        %dma_start3A_73 = tpu.memref_slice %arg5[%add3A_72, %dma_start3A] : memref<10000x128xf32, #tpu.memory_space<vmem_shared>> -> memref<8x128xf32, #tpu.memory_space<vmem_shared>>
        %dma_start3A_74 = arith.constant 0 : i32
        %dma_start3A_75 = tpu.memref_slice %arg5[%add3A_72, %dma_start3A_74] : memref<10000x128xf32, #tpu.memory_space<vmem_shared>> -> memref<8x128xf32, #tpu.memory_space<vmem_shared>>
        tpu.enqueue_dma source(%arg8 : memref<8x128xf32, #tpu.memory_space<vmem>>) target(%dma_start3A_75 : memref<8x128xf32, #tpu.memory_space<vmem_shared>>) target_semaphore(%run_scoped3A : memref<!tpu.dma_semaphore, #tpu.memory_space<semaphore_mem>>)
        %dma_wait3A = arith.constant 0 : i32
        %dma_wait3A_76 = tpu.memref_slice %arg5[%add3A_72, %dma_wait3A] : memref<10000x128xf32, #tpu.memory_space<vmem_shared>> -> memref<8x128xf32, #tpu.memory_space<vmem_shared>>
        %dma_wait3A_77 = arith.constant 0 : i32
        %dma_wait3A_78 = tpu.memref_slice %arg5[%add3A_72, %dma_wait3A_77] : memref<10000x128xf32, #tpu.memory_space<vmem_shared>> -> memref<8x128xf32, #tpu.memory_space<vmem_shared>>
        tpu.wait_dma2 semaphore(%run_scoped3A : memref<!tpu.dma_semaphore, #tpu.memory_space<semaphore_mem>>) src(%arg8 : memref<8x128xf32, #tpu.memory_space<vmem>>) dst(%dma_wait3A_78 : memref<8x128xf32, #tpu.memory_space<vmem_shared>>)
        tpu.yield
      }) : () -> ()
    }
    %while3A_25 = arith.constant 1 : i32
    scf.for %while3A_69 = %while3A_23 to %while3A_19 step %while3A_25  : i32 {
      %mul3A_70 = arith.constant 8 : i32
      %mul3A_71 = arith.muli %while3A_69, %mul3A_70 : i32
      %add3A_72 = arith.addi %mul3A_6, %mul3A_71 : i32
      "tpu.region"() ({
        %run_scoped3A = tpu.sem_alloc : memref<!tpu.dma_semaphore, #tpu.memory_space<semaphore_mem>>
        %dma_start3A = arith.constant 0 : i32
        %dma_start3A_73 = tpu.memref_slice %arg5[%add3A_72, %dma_start3A] : memref<10000x128xf32, #tpu.memory_space<vmem_shared>> -> memref<8x128xf32, #tpu.memory_space<vmem_shared>>
        %dma_start3A_74 = arith.constant 0 : i32
        %dma_start3A_75 = tpu.memref_slice %arg5[%add3A_72, %dma_start3A_74] : memref<10000x128xf32, #tpu.memory_space<vmem_shared>> -> memref<8x128xf32, #tpu.memory_space<vmem_shared>>
        tpu.enqueue_dma source(%arg8 : memref<8x128xf32, #tpu.memory_space<vmem>>) target(%dma_start3A_75 : memref<8x128xf32, #tpu.memory_space<vmem_shared>>) target_semaphore(%run_scoped3A : memref<!tpu.dma_semaphore, #tpu.memory_space<semaphore_mem>>)
        %dma_wait3A = arith.constant 0 : i32
        %dma_wait3A_76 = tpu.memref_slice %arg5[%add3A_72, %dma_wait3A] : memref<10000x128xf32, #tpu.memory_space<vmem_shared>> -> memref<8x128xf32, #tpu.memory_space<vmem_shared>>
        %dma_wait3A_77 = arith.constant 0 : i32
        %dma_wait3A_78 = tpu.memref_slice %arg5[%add3A_72, %dma_wait3A_77] : memref<10000x128xf32, #tpu.memory_space<vmem_shared>> -> memref<8x128xf32, #tpu.memory_space<vmem_shared>>
        tpu.wait_dma2 semaphore(%run_scoped3A : memref<!tpu.dma_semaphore, #tpu.memory_space<semaphore_mem>>) src(%arg8 : memref<8x128xf32, #tpu.memory_space<vmem>>) dst(%dma_wait3A_78 : memref<8x128xf32, #tpu.memory_space<vmem_shared>>)
        tpu.yield
      }) : () -> ()
    }
    %barrier3A = arith.constant 0 : index
    tpu.barrier barrier_id(%barrier3A)
    %sub3A = arith.constant 624 : i32
    %sub3A_26 = arith.subi %sub3A, %add3A : i32
    %jit3A_27 = arith.constant 32 : i32
    %div3A = arith.divsi %sub3A_26, %jit3A_27 : i32
    %sign3A = arith.constant 0 : i32
    %sign3A_28 = arith.cmpi sgt, %sub3A_26, %sign3A : i32
    %sign3A_29 = arith.extui %sign3A_28 : i1 to i32
    %sign3A_30 = arith.constant 0 : i32
    %sign3A_31 = arith.cmpi slt, %sub3A_26, %sign3A_30 : i32
    %sign3A_32 = arith.extui %sign3A_31 : i1 to i32
    %sign3A_33 = arith.subi %sign3A_29, %sign3A_32 : i32
    %sign3A_34 = arith.constant 0 : i32
    %sign3A_35 = arith.cmpi sgt, %jit3A_27, %sign3A_34 : i32
    %sign3A_36 = arith.extui %sign3A_35 : i1 to i32
    %sign3A_37 = arith.constant 0 : i32
    %sign3A_38 = arith.cmpi slt, %jit3A_27, %sign3A_37 : i32
    %sign3A_39 = arith.extui %sign3A_38 : i1 to i32
    %sign3A_40 = arith.subi %sign3A_36, %sign3A_39 : i32
    %ne3A = arith.cmpi ne, %sign3A_33, %sign3A_40 : i32
    %rem3A = arith.remsi %sub3A_26, %jit3A_27 : i32
    %ne3A_41 = arith.constant 0 : i32
    %ne3A_42 = arith.cmpi ne, %rem3A, %ne3A_41 : i32
    %and3A = arith.andi %ne3A, %ne3A_42 : i1
    %sub3A_43 = arith.constant 1 : i32
    %sub3A_44 = arith.subi %div3A, %sub3A_43 : i32
    %select_n3A_45 = arith.select %and3A, %sub3A_44, %div3A : i32
    %add3A_46 = arith.constant 1 : i32
    %add3A_47 = arith.addi %select_n3A_45, %add3A_46 : i32
    %while3A_48 = arith.constant 0 : i32
    %while3A_49 = arith.constant 0 : i32
    %while3A_50 = arith.subi %add3A_47, %while3A_49 : i32
    %while3A_51 = arith.addi %while3A_49, %while3A_50 : i32
    %while3A_52 = arith.constant 1 : i32
    %while3A_53 = arith.divsi %while3A_50, %while3A_52 : i32
    %while3A_54 = arith.muli %while3A_53, %while3A_52 : i32
    %while3A_55 = arith.addi %while3A_49, %while3A_54 : i32
    %while3A_56 = arith.constant 1 : i32
    scf.for %while3A_69 = %while3A_49 to %while3A_55 step %while3A_56  : i32 {
      %mul3A_70 = arith.constant 32 : i32
      %mul3A_71 = arith.muli %while3A_69, %mul3A_70 : i32
      %add3A_72 = arith.addi %add3A, %mul3A_71 : i32
      %mul3A_73 = arith.constant 128 : i32
      %mul3A_74 = arith.muli %add3A_72, %mul3A_73 : i32
      "tpu.region"() ({
        %run_scoped3A = tpu.sem_alloc : memref<!tpu.dma_semaphore, #tpu.memory_space<semaphore_mem>>
        %dma_start3A = tpu.memref_slice %arg3[%mul3A_74] : memref<80000xi32, #tpu.memory_space<hbm>> -> memref<128xi32, #tpu.memory_space<hbm>>
        %dma_start3A_75 = tpu.memref_slice %arg3[%mul3A_74] : memref<80000xi32, #tpu.memory_space<hbm>> -> memref<128xi32, #tpu.memory_space<hbm>>
        tpu.enqueue_dma source(%dma_start3A_75 : memref<128xi32, #tpu.memory_space<hbm>>) target(%arg6 : memref<128xi32, #tpu.memory_space<vmem>>) target_semaphore(%run_scoped3A : memref<!tpu.dma_semaphore, #tpu.memory_space<semaphore_mem>>)
        %dma_wait3A = tpu.memref_slice %arg3[%mul3A_74] : memref<80000xi32, #tpu.memory_space<hbm>> -> memref<128xi32, #tpu.memory_space<hbm>>
        %dma_wait3A_76 = tpu.memref_slice %arg3[%mul3A_74] : memref<80000xi32, #tpu.memory_space<hbm>> -> memref<128xi32, #tpu.memory_space<hbm>>
        tpu.wait_dma2 semaphore(%run_scoped3A : memref<!tpu.dma_semaphore, #tpu.memory_space<semaphore_mem>>) src(%dma_wait3A_76 : memref<128xi32, #tpu.memory_space<hbm>>) dst(%arg6 : memref<128xi32, #tpu.memory_space<vmem>>)
        tpu.yield
      }) : () -> ()
      "tpu.region"() ({
        %run_scoped3A = tpu.sem_alloc : memref<!tpu.dma_semaphore, #tpu.memory_space<semaphore_mem>>
        %dma_start3A = arith.constant 0 : i32
        %dma_start3A_75 = tpu.memref_slice %arg2[%mul3A_74, %dma_start3A] : memref<80000x128xf32, #tpu.memory_space<hbm>> -> memref<128x128xf32, #tpu.memory_space<hbm>>
        %dma_start3A_76 = arith.constant 0 : i32
        %dma_start3A_77 = tpu.memref_slice %arg2[%mul3A_74, %dma_start3A_76] : memref<80000x128xf32, #tpu.memory_space<hbm>> -> memref<128x128xf32, #tpu.memory_space<hbm>>
        tpu.enqueue_dma source(%dma_start3A_77 : memref<128x128xf32, #tpu.memory_space<hbm>>) target(%arg7 : memref<128x128xf32, #tpu.memory_space<vmem>>) target_semaphore(%run_scoped3A : memref<!tpu.dma_semaphore, #tpu.memory_space<semaphore_mem>>)
        %dma_wait3A = arith.constant 0 : i32
        %dma_wait3A_78 = tpu.memref_slice %arg2[%mul3A_74, %dma_wait3A] : memref<80000x128xf32, #tpu.memory_space<hbm>> -> memref<128x128xf32, #tpu.memory_space<hbm>>
        %dma_wait3A_79 = arith.constant 0 : i32
        %dma_wait3A_80 = tpu.memref_slice %arg2[%mul3A_74, %dma_wait3A_79] : memref<80000x128xf32, #tpu.memory_space<hbm>> -> memref<128x128xf32, #tpu.memory_space<hbm>>
        tpu.wait_dma2 semaphore(%run_scoped3A : memref<!tpu.dma_semaphore, #tpu.memory_space<semaphore_mem>>) src(%dma_wait3A_80 : memref<128x128xf32, #tpu.memory_space<hbm>>) dst(%arg7 : memref<128x128xf32, #tpu.memory_space<vmem>>)
        tpu.yield
      }) : () -> ()
      "tpu.region"() ({
        %run_scoped3A = tpu.sem_alloc : memref<!tpu.dma_semaphore, #tpu.memory_space<semaphore_mem>>
        %dma_start3A = arith.constant 0 : i32
        %dma_start3A_75 = arith.constant 0 : i32
        %dma_start3A_76 = tpu.memref_slice %arg5[%dma_start3A, %dma_start3A_75] : memref<10000x128xf32, #tpu.memory_space<vmem_shared>> -> memref<10000x128xf32, #tpu.memory_space<vmem_shared>>
        tpu.enqueue_indirect_dma source(%arg7 : memref<128x128xf32, #tpu.memory_space<vmem>>) target(%dma_start3A_76 : memref<10000x128xf32, #tpu.memory_space<vmem_shared>>) offsets(%arg6 : memref<128xi32, #tpu.memory_space<vmem>>) semaphore(%run_scoped3A : memref<!tpu.dma_semaphore, #tpu.memory_space<semaphore_mem>>) {add = true}
        %dma_wait3A = arith.constant 0 : i32
        %dma_wait3A_77 = arith.constant 0 : i32
        %dma_wait3A_78 = tpu.memref_slice %arg5[%dma_wait3A, %dma_wait3A_77] : memref<10000x128xf32, #tpu.memory_space<vmem_shared>> -> memref<10000x128xf32, #tpu.memory_space<vmem_shared>>
        tpu.wait_indirect_dma semaphore(%run_scoped3A : memref<!tpu.dma_semaphore, #tpu.memory_space<semaphore_mem>>) src(%arg7 : memref<128x128xf32, #tpu.memory_space<vmem>>) dst(%dma_wait3A_78 : memref<10000x128xf32, #tpu.memory_space<vmem_shared>>)
        tpu.yield
      }) : () -> ()
    }
    %while3A_57 = arith.constant 1 : i32
    scf.for %while3A_69 = %while3A_55 to %while3A_51 step %while3A_57  : i32 {
      %mul3A_70 = arith.constant 32 : i32
      %mul3A_71 = arith.muli %while3A_69, %mul3A_70 : i32
      %add3A_72 = arith.addi %add3A, %mul3A_71 : i32
      %mul3A_73 = arith.constant 128 : i32
      %mul3A_74 = arith.muli %add3A_72, %mul3A_73 : i32
      "tpu.region"() ({
        %run_scoped3A = tpu.sem_alloc : memref<!tpu.dma_semaphore, #tpu.memory_space<semaphore_mem>>
        %dma_start3A = tpu.memref_slice %arg3[%mul3A_74] : memref<80000xi32, #tpu.memory_space<hbm>> -> memref<128xi32, #tpu.memory_space<hbm>>
        %dma_start3A_75 = tpu.memref_slice %arg3[%mul3A_74] : memref<80000xi32, #tpu.memory_space<hbm>> -> memref<128xi32, #tpu.memory_space<hbm>>
        tpu.enqueue_dma source(%dma_start3A_75 : memref<128xi32, #tpu.memory_space<hbm>>) target(%arg6 : memref<128xi32, #tpu.memory_space<vmem>>) target_semaphore(%run_scoped3A : memref<!tpu.dma_semaphore, #tpu.memory_space<semaphore_mem>>)
        %dma_wait3A = tpu.memref_slice %arg3[%mul3A_74] : memref<80000xi32, #tpu.memory_space<hbm>> -> memref<128xi32, #tpu.memory_space<hbm>>
        %dma_wait3A_76 = tpu.memref_slice %arg3[%mul3A_74] : memref<80000xi32, #tpu.memory_space<hbm>> -> memref<128xi32, #tpu.memory_space<hbm>>
        tpu.wait_dma2 semaphore(%run_scoped3A : memref<!tpu.dma_semaphore, #tpu.memory_space<semaphore_mem>>) src(%dma_wait3A_76 : memref<128xi32, #tpu.memory_space<hbm>>) dst(%arg6 : memref<128xi32, #tpu.memory_space<vmem>>)
        tpu.yield
      }) : () -> ()
      "tpu.region"() ({
        %run_scoped3A = tpu.sem_alloc : memref<!tpu.dma_semaphore, #tpu.memory_space<semaphore_mem>>
        %dma_start3A = arith.constant 0 : i32
        %dma_start3A_75 = tpu.memref_slice %arg2[%mul3A_74, %dma_start3A] : memref<80000x128xf32, #tpu.memory_space<hbm>> -> memref<128x128xf32, #tpu.memory_space<hbm>>
        %dma_start3A_76 = arith.constant 0 : i32
        %dma_start3A_77 = tpu.memref_slice %arg2[%mul3A_74, %dma_start3A_76] : memref<80000x128xf32, #tpu.memory_space<hbm>> -> memref<128x128xf32, #tpu.memory_space<hbm>>
        tpu.enqueue_dma source(%dma_start3A_77 : memref<128x128xf32, #tpu.memory_space<hbm>>) target(%arg7 : memref<128x128xf32, #tpu.memory_space<vmem>>) target_semaphore(%run_scoped3A : memref<!tpu.dma_semaphore, #tpu.memory_space<semaphore_mem>>)
        %dma_wait3A = arith.constant 0 : i32
        %dma_wait3A_78 = tpu.memref_slice %arg2[%mul3A_74, %dma_wait3A] : memref<80000x128xf32, #tpu.memory_space<hbm>> -> memref<128x128xf32, #tpu.memory_space<hbm>>
        %dma_wait3A_79 = arith.constant 0 : i32
        %dma_wait3A_80 = tpu.memref_slice %arg2[%mul3A_74, %dma_wait3A_79] : memref<80000x128xf32, #tpu.memory_space<hbm>> -> memref<128x128xf32, #tpu.memory_space<hbm>>
        tpu.wait_dma2 semaphore(%run_scoped3A : memref<!tpu.dma_semaphore, #tpu.memory_space<semaphore_mem>>) src(%dma_wait3A_80 : memref<128x128xf32, #tpu.memory_space<hbm>>) dst(%arg7 : memref<128x128xf32, #tpu.memory_space<vmem>>)
        tpu.yield
      }) : () -> ()
      "tpu.region"() ({
        %run_scoped3A = tpu.sem_alloc : memref<!tpu.dma_semaphore, #tpu.memory_space<semaphore_mem>>
        %dma_start3A = arith.constant 0 : i32
        %dma_start3A_75 = arith.constant 0 : i32
        %dma_start3A_76 = tpu.memref_slice %arg5[%dma_start3A, %dma_start3A_75] : memref<10000x128xf32, #tpu.memory_space<vmem_shared>> -> memref<10000x128xf32, #tpu.memory_space<vmem_shared>>
        tpu.enqueue_indirect_dma source(%arg7 : memref<128x128xf32, #tpu.memory_space<vmem>>) target(%dma_start3A_76 : memref<10000x128xf32, #tpu.memory_space<vmem_shared>>) offsets(%arg6 : memref<128xi32, #tpu.memory_space<vmem>>) semaphore(%run_scoped3A : memref<!tpu.dma_semaphore, #tpu.memory_space<semaphore_mem>>) {add = true}
        %dma_wait3A = arith.constant 0 : i32
        %dma_wait3A_77 = arith.constant 0 : i32
        %dma_wait3A_78 = tpu.memref_slice %arg5[%dma_wait3A, %dma_wait3A_77] : memref<10000x128xf32, #tpu.memory_space<vmem_shared>> -> memref<10000x128xf32, #tpu.memory_space<vmem_shared>>
        tpu.wait_indirect_dma semaphore(%run_scoped3A : memref<!tpu.dma_semaphore, #tpu.memory_space<semaphore_mem>>) src(%arg7 : memref<128x128xf32, #tpu.memory_space<vmem>>) dst(%dma_wait3A_78 : memref<10000x128xf32, #tpu.memory_space<vmem_shared>>)
        tpu.yield
      }) : () -> ()
    }
    %barrier3A_58 = arith.constant 0 : index
    tpu.barrier barrier_id(%barrier3A_58)
    %while3A_59 = arith.constant 0 : i32
    %while3A_60 = arith.constant 0 : i32
    %while3A_61 = arith.subi %add3A_10, %while3A_60 : i32
    %while3A_62 = arith.addi %while3A_60, %while3A_61 : i32
    %while3A_63 = arith.constant 1 : i32
    %while3A_64 = arith.divsi %while3A_61, %while3A_63 : i32
    %while3A_65 = arith.muli %while3A_64, %while3A_63 : i32
    %while3A_66 = arith.addi %while3A_60, %while3A_65 : i32
    %while3A_67 = arith.constant 1 : i32
    scf.for %while3A_69 = %while3A_60 to %while3A_66 step %while3A_67  : i32 {
      %mul3A_70 = arith.constant 8 : i32
      %mul3A_71 = arith.muli %while3A_69, %mul3A_70 : i32
      %add3A_72 = arith.addi %mul3A_6, %mul3A_71 : i32
      "tpu.region"() ({
        %run_scoped3A = tpu.sem_alloc : memref<!tpu.dma_semaphore, #tpu.memory_space<semaphore_mem>>
        %dma_start3A = arith.constant 0 : i32
        %dma_start3A_76 = tpu.memref_slice %arg5[%add3A_72, %dma_start3A] : memref<10000x128xf32, #tpu.memory_space<vmem_shared>> -> memref<8x128xf32, #tpu.memory_space<vmem_shared>>
        %dma_start3A_77 = arith.constant 0 : i32
        %dma_start3A_78 = tpu.memref_slice %arg5[%add3A_72, %dma_start3A_77] : memref<10000x128xf32, #tpu.memory_space<vmem_shared>> -> memref<8x128xf32, #tpu.memory_space<vmem_shared>>
        tpu.enqueue_dma source(%dma_start3A_78 : memref<8x128xf32, #tpu.memory_space<vmem_shared>>) target(%arg8 : memref<8x128xf32, #tpu.memory_space<vmem>>) target_semaphore(%run_scoped3A : memref<!tpu.dma_semaphore, #tpu.memory_space<semaphore_mem>>)
        %dma_wait3A = arith.constant 0 : i32
        %dma_wait3A_79 = tpu.memref_slice %arg5[%add3A_72, %dma_wait3A] : memref<10000x128xf32, #tpu.memory_space<vmem_shared>> -> memref<8x128xf32, #tpu.memory_space<vmem_shared>>
        %dma_wait3A_80 = arith.constant 0 : i32
        %dma_wait3A_81 = tpu.memref_slice %arg5[%add3A_72, %dma_wait3A_80] : memref<10000x128xf32, #tpu.memory_space<vmem_shared>> -> memref<8x128xf32, #tpu.memory_space<vmem_shared>>
        tpu.wait_dma2 semaphore(%run_scoped3A : memref<!tpu.dma_semaphore, #tpu.memory_space<semaphore_mem>>) src(%dma_wait3A_81 : memref<8x128xf32, #tpu.memory_space<vmem_shared>>) dst(%arg8 : memref<8x128xf32, #tpu.memory_space<vmem>>)
        tpu.yield
      }) : () -> ()
      %mul3A_73 = arith.constant 8 : i32
      %mul3A_74 = arith.muli %while3A_69, %mul3A_73 : i32
      %add3A_75 = arith.addi %mul3A_6, %mul3A_74 : i32
      "tpu.region"() ({
        %run_scoped3A = tpu.sem_alloc : memref<!tpu.dma_semaphore, #tpu.memory_space<semaphore_mem>>
        %dma_start3A = arith.constant 0 : i32
        %dma_start3A_76 = tpu.memref_slice %arg4[%arg0, %add3A_75, %dma_start3A] : memref<2x10000x128xf32, #tpu.memory_space<hbm>> -> memref<1x8x128xf32, #tpu.memory_space<hbm>>
        %dma_start3A_77 = tpu.memref_squeeze %dma_start3A_76 : memref<1x8x128xf32, #tpu.memory_space<hbm>> -> memref<8x128xf32, #tpu.memory_space<hbm>>
        %dma_start3A_78 = arith.constant 0 : i32
        %dma_start3A_79 = tpu.memref_slice %arg4[%arg0, %add3A_75, %dma_start3A_78] : memref<2x10000x128xf32, #tpu.memory_space<hbm>> -> memref<1x8x128xf32, #tpu.memory_space<hbm>>
        %dma_start3A_80 = tpu.memref_squeeze %dma_start3A_79 : memref<1x8x128xf32, #tpu.memory_space<hbm>> -> memref<8x128xf32, #tpu.memory_space<hbm>>
        tpu.enqueue_dma source(%arg8 : memref<8x128xf32, #tpu.memory_space<vmem>>) target(%dma_start3A_80 : memref<8x128xf32, #tpu.memory_space<hbm>>) target_semaphore(%run_scoped3A : memref<!tpu.dma_semaphore, #tpu.memory_space<semaphore_mem>>)
        %dma_wait3A = arith.constant 0 : i32
        %dma_wait3A_81 = tpu.memref_slice %arg4[%arg0, %add3A_75, %dma_wait3A] : memref<2x10000x128xf32, #tpu.memory_space<hbm>> -> memref<1x8x128xf32, #tpu.memory_space<hbm>>
        %dma_wait3A_82 = tpu.memref_squeeze %dma_wait3A_81 : memref<1x8x128xf32, #tpu.memory_space<hbm>> -> memref<8x128xf32, #tpu.memory_space<hbm>>
        %dma_wait3A_83 = arith.constant 0 : i32
        %dma_wait3A_84 = tpu.memref_slice %arg4[%arg0, %add3A_75, %dma_wait3A_83] : memref<2x10000x128xf32, #tpu.memory_space<hbm>> -> memref<1x8x128xf32, #tpu.memory_space<hbm>>
        %dma_wait3A_85 = tpu.memref_squeeze %dma_wait3A_84 : memref<1x8x128xf32, #tpu.memory_space<hbm>> -> memref<8x128xf32, #tpu.memory_space<hbm>>
        tpu.wait_dma2 semaphore(%run_scoped3A : memref<!tpu.dma_semaphore, #tpu.memory_space<semaphore_mem>>) src(%arg8 : memref<8x128xf32, #tpu.memory_space<vmem>>) dst(%dma_wait3A_85 : memref<8x128xf32, #tpu.memory_space<hbm>>)
        tpu.yield
      }) : () -> ()
    }
    %while3A_68 = arith.constant 1 : i32
    scf.for %while3A_69 = %while3A_66 to %while3A_62 step %while3A_68  : i32 {
      %mul3A_70 = arith.constant 8 : i32
      %mul3A_71 = arith.muli %while3A_69, %mul3A_70 : i32
      %add3A_72 = arith.addi %mul3A_6, %mul3A_71 : i32
      "tpu.region"() ({
        %run_scoped3A = tpu.sem_alloc : memref<!tpu.dma_semaphore, #tpu.memory_space<semaphore_mem>>
        %dma_start3A = arith.constant 0 : i32
        %dma_start3A_76 = tpu.memref_slice %arg5[%add3A_72, %dma_start3A] : memref<10000x128xf32, #tpu.memory_space<vmem_shared>> -> memref<8x128xf32, #tpu.memory_space<vmem_shared>>
        %dma_start3A_77 = arith.constant 0 : i32
        %dma_start3A_78 = tpu.memref_slice %arg5[%add3A_72, %dma_start3A_77] : memref<10000x128xf32, #tpu.memory_space<vmem_shared>> -> memref<8x128xf32, #tpu.memory_space<vmem_shared>>
        tpu.enqueue_dma source(%dma_start3A_78 : memref<8x128xf32, #tpu.memory_space<vmem_shared>>) target(%arg8 : memref<8x128xf32, #tpu.memory_space<vmem>>) target_semaphore(%run_scoped3A : memref<!tpu.dma_semaphore, #tpu.memory_space<semaphore_mem>>)
        %dma_wait3A = arith.constant 0 : i32
        %dma_wait3A_79 = tpu.memref_slice %arg5[%add3A_72, %dma_wait3A] : memref<10000x128xf32, #tpu.memory_space<vmem_shared>> -> memref<8x128xf32, #tpu.memory_space<vmem_shared>>
        %dma_wait3A_80 = arith.constant 0 : i32
        %dma_wait3A_81 = tpu.memref_slice %arg5[%add3A_72, %dma_wait3A_80] : memref<10000x128xf32, #tpu.memory_space<vmem_shared>> -> memref<8x128xf32, #tpu.memory_space<vmem_shared>>
        tpu.wait_dma2 semaphore(%run_scoped3A : memref<!tpu.dma_semaphore, #tpu.memory_space<semaphore_mem>>) src(%dma_wait3A_81 : memref<8x128xf32, #tpu.memory_space<vmem_shared>>) dst(%arg8 : memref<8x128xf32, #tpu.memory_space<vmem>>)
        tpu.yield
      }) : () -> ()
      %mul3A_73 = arith.constant 8 : i32
      %mul3A_74 = arith.muli %while3A_69, %mul3A_73 : i32
      %add3A_75 = arith.addi %mul3A_6, %mul3A_74 : i32
      "tpu.region"() ({
        %run_scoped3A = tpu.sem_alloc : memref<!tpu.dma_semaphore, #tpu.memory_space<semaphore_mem>>
        %dma_start3A = arith.constant 0 : i32
        %dma_start3A_76 = tpu.memref_slice %arg4[%arg0, %add3A_75, %dma_start3A] : memref<2x10000x128xf32, #tpu.memory_space<hbm>> -> memref<1x8x128xf32, #tpu.memory_space<hbm>>
        %dma_start3A_77 = tpu.memref_squeeze %dma_start3A_76 : memref<1x8x128xf32, #tpu.memory_space<hbm>> -> memref<8x128xf32, #tpu.memory_space<hbm>>
        %dma_start3A_78 = arith.constant 0 : i32
        %dma_start3A_79 = tpu.memref_slice %arg4[%arg0, %add3A_75, %dma_start3A_78] : memref<2x10000x128xf32, #tpu.memory_space<hbm>> -> memref<1x8x128xf32, #tpu.memory_space<hbm>>
        %dma_start3A_80 = tpu.memref_squeeze %dma_start3A_79 : memref<1x8x128xf32, #tpu.memory_space<hbm>> -> memref<8x128xf32, #tpu.memory_space<hbm>>
        tpu.enqueue_dma source(%arg8 : memref<8x128xf32, #tpu.memory_space<vmem>>) target(%dma_start3A_80 : memref<8x128xf32, #tpu.memory_space<hbm>>) target_semaphore(%run_scoped3A : memref<!tpu.dma_semaphore, #tpu.memory_space<semaphore_mem>>)
        %dma_wait3A = arith.constant 0 : i32
        %dma_wait3A_81 = tpu.memref_slice %arg4[%arg0, %add3A_75, %dma_wait3A] : memref<2x10000x128xf32, #tpu.memory_space<hbm>> -> memref<1x8x128xf32, #tpu.memory_space<hbm>>
        %dma_wait3A_82 = tpu.memref_squeeze %dma_wait3A_81 : memref<1x8x128xf32, #tpu.memory_space<hbm>> -> memref<8x128xf32, #tpu.memory_space<hbm>>
        %dma_wait3A_83 = arith.constant 0 : i32
        %dma_wait3A_84 = tpu.memref_slice %arg4[%arg0, %add3A_75, %dma_wait3A_83] : memref<2x10000x128xf32, #tpu.memory_space<hbm>> -> memref<1x8x128xf32, #tpu.memory_space<hbm>>
        %dma_wait3A_85 = tpu.memref_squeeze %dma_wait3A_84 : memref<1x8x128xf32, #tpu.memory_space<hbm>> -> memref<8x128xf32, #tpu.memory_space<hbm>>
        tpu.wait_dma2 semaphore(%run_scoped3A : memref<!tpu.dma_semaphore, #tpu.memory_space<semaphore_mem>>) src(%arg8 : memref<8x128xf32, #tpu.memory_space<vmem>>) dst(%dma_wait3A_85 : memref<8x128xf32, #tpu.memory_space<hbm>>)
        tpu.yield
      }) : () -> ()
    }
    return
  }
}

#map = affine_map<(d0, d1) -> (0, 0)>
#map1 = affine_map<(d0, d1) -> (0)>
#map2 = affine_map<(d0, d1) -> (0, 0, 0)>
module attributes {stable_mosaic.version = 14 : i64} {
  func.func @body(%arg0: i32, %arg1: i32, %arg2: memref<80000x128xf32, #tpu.memory_space<hbm>>, %arg3: memref<80000xi32, #tpu.memory_space<hbm>>, %arg4: memref<2x512x128xf32, #tpu.memory_space<hbm>>, %arg5: memref<512x128xf32, #tpu.memory_space<vmem_shared>>, %arg6: memref<128xi32, #tpu.memory_space<vmem>>, %arg7: memref<128x128xf32, #tpu.memory_space<vmem>>, %arg8: memref<8x128xf32, #tpu.memory_space<vmem>>, %arg9: memref<!tpu.dma_semaphore, #tpu.memory_space<semaphore_mem>>) attributes {dimension_semantics = [#tpu.dimension_semantics<core_parallel>, #tpu.dimension_semantics<subcore_parallel>], iteration_bounds = array<i64: 2, 16>, scalar_prefetch = 0 : i64, scratch_operands = 5 : i64, tpu.core_type = #tpu.core_type<sc_vector_subcore>, window_params = [{transform_indices = #map}, {transform_indices = #map1}, {transform_indices = #map2}]} {
    %mul3A = arith.constant 2 : i32
    %mul3A_0 = arith.muli %arg1, %mul3A : i32
    %add3A = arith.addi %mul3A_0, %arg0 : i32
    %mul3A_1 = arith.constant 4 : i32
    %mul3A_2 = arith.muli %arg1, %mul3A_1 : i32
    %min3A = arith.constant 0 : i32
    %min3A_3 = arith.minsi %arg1, %min3A : i32
    %add3A_4 = arith.addi %mul3A_2, %min3A_3 : i32
    %mul3A_5 = arith.constant 8 : i32
    %mul3A_6 = arith.muli %add3A_4, %mul3A_5 : i32
    %lt3A = arith.constant 0 : i32
    %lt3A_7 = arith.cmpi slt, %arg1, %lt3A : i32
    %jit3A = arith.constant 1 : i32
    %jit3A_8 = arith.constant 0 : i32
    %select_n3A = arith.select %lt3A_7, %jit3A, %jit3A_8 : i32
    %add3A_9 = arith.constant 4 : i32
    %add3A_10 = arith.addi %add3A_9, %select_n3A : i32
    %broadcast_in_dim3A = arith.constant 0.000000e+00 : f32
    %broadcast_in_dim3A_11 = vector.broadcast %broadcast_in_dim3A : f32 to vector<16xf32>
    %scan3A = arith.constant 0 : i32
    %scan3A_12 = arith.constant 0 : i32
    %scan3A_13 = arith.constant 8 : i32
    %scan3A_14 = arith.addi %scan3A_12, %scan3A_13 : i32
    %scan3A_15 = arith.constant 1 : i32
    scf.for %scan3A_69 = %scan3A_12 to %scan3A_14 step %scan3A_15  : i32 {
      %swap3A = arith.index_cast %scan3A_69 : i32 to index
      %swap3A_70 = arith.constant 0 : index
      %swap3A_71 = tpu.vector_load %arg8[%swap3A, %swap3A_70] {strides = array<i32>} : memref<8x128xf32, #tpu.memory_space<vmem>>, vector<1x16xf32>,
      %swap3A_72 = vector.shape_cast %swap3A_71 : vector<1x16xf32> to vector<16xf32>
      %swap3A_73 = vector.shape_cast %broadcast_in_dim3A_11 : vector<16xf32> to vector<1x16xf32>
      tpu.vector_store %arg8[%swap3A, %swap3A_70], %swap3A_73 {strides = array<i32>} : memref<8x128xf32, #tpu.memory_space<vmem>>, vector<1x16xf32>,
      %swap3A_74 = arith.index_cast %scan3A_69 : i32 to index
      %swap3A_75 = arith.constant 16 : index
      %swap3A_76 = tpu.vector_load %arg8[%swap3A_74, %swap3A_75] {strides = array<i32>} : memref<8x128xf32, #tpu.memory_space<vmem>>, vector<1x16xf32>,
      %swap3A_77 = vector.shape_cast %swap3A_76 : vector<1x16xf32> to vector<16xf32>
      %swap3A_78 = vector.shape_cast %broadcast_in_dim3A_11 : vector<16xf32> to vector<1x16xf32>
      tpu.vector_store %arg8[%swap3A_74, %swap3A_75], %swap3A_78 {strides = array<i32>} : memref<8x128xf32, #tpu.memory_space<vmem>>, vector<1x16xf32>,
      %swap3A_79 = arith.index_cast %scan3A_69 : i32 to index
      %swap3A_80 = arith.constant 32 : index
      %swap3A_81 = tpu.vector_load %arg8[%swap3A_79, %swap3A_80] {strides = array<i32>} : memref<8x128xf32, #tpu.memory_space<vmem>>, vector<1x16xf32>,
      %swap3A_82 = vector.shape_cast %swap3A_81 : vector<1x16xf32> to vector<16xf32>
      %swap3A_83 = vector.shape_cast %broadcast_in_dim3A_11 : vector<16xf32> to vector<1x16xf32>
      tpu.vector_store %arg8[%swap3A_79, %swap3A_80], %swap3A_83 {strides = array<i32>} : memref<8x128xf32, #tpu.memory_space<vmem>>, vector<1x16xf32>,
      %swap3A_84 = arith.index_cast %scan3A_69 : i32 to index
      %swap3A_85 = arith.constant 48 : index
      %swap3A_86 = tpu.vector_load %arg8[%swap3A_84, %swap3A_85] {strides = array<i32>} : memref<8x128xf32, #tpu.memory_space<vmem>>, vector<1x16xf32>,
      %swap3A_87 = vector.shape_cast %swap3A_86 : vector<1x16xf32> to vector<16xf32>
      %swap3A_88 = vector.shape_cast %broadcast_in_dim3A_11 : vector<16xf32> to vector<1x16xf32>
      tpu.vector_store %arg8[%swap3A_84, %swap3A_85], %swap3A_88 {strides = array<i32>} : memref<8x128xf32, #tpu.memory_space<vmem>>, vector<1x16xf32>,
      %swap3A_89 = arith.index_cast %scan3A_69 : i32 to index
      %swap3A_90 = arith.constant 64 : index
      %swap3A_91 = tpu.vector_load %arg8[%swap3A_89, %swap3A_90] {strides = array<i32>} : memref<8x128xf32, #tpu.memory_space<vmem>>, vector<1x16xf32>,
      %swap3A_92 = vector.shape_cast %swap3A_91 : vector<1x16xf32> to vector<16xf32>
      %swap3A_93 = vector.shape_cast %broadcast_in_dim3A_11 : vector<16xf32> to vector<1x16xf32>
      tpu.vector_store %arg8[%swap3A_89, %swap3A_90], %swap3A_93 {strides = array<i32>} : memref<8x128xf32, #tpu.memory_space<vmem>>, vector<1x16xf32>,
      %swap3A_94 = arith.index_cast %scan3A_69 : i32 to index
      %swap3A_95 = arith.constant 80 : index
      %swap3A_96 = tpu.vector_load %arg8[%swap3A_94, %swap3A_95] {strides = array<i32>} : memref<8x128xf32, #tpu.memory_space<vmem>>, vector<1x16xf32>,
      %swap3A_97 = vector.shape_cast %swap3A_96 : vector<1x16xf32> to vector<16xf32>
      %swap3A_98 = vector.shape_cast %broadcast_in_dim3A_11 : vector<16xf32> to vector<1x16xf32>
      tpu.vector_store %arg8[%swap3A_94, %swap3A_95], %swap3A_98 {strides = array<i32>} : memref<8x128xf32, #tpu.memory_space<vmem>>, vector<1x16xf32>,
      %swap3A_99 = arith.index_cast %scan3A_69 : i32 to index
      %swap3A_100 = arith.constant 96 : index
      %swap3A_101 = tpu.vector_load %arg8[%swap3A_99, %swap3A_100] {strides = array<i32>} : memref<8x128xf32, #tpu.memory_space<vmem>>, vector<1x16xf32>,
      %swap3A_102 = vector.shape_cast %swap3A_101 : vector<1x16xf32> to vector<16xf32>
      %swap3A_103 = vector.shape_cast %broadcast_in_dim3A_11 : vector<16xf32> to vector<1x16xf32>
      tpu.vector_store %arg8[%swap3A_99, %swap3A_100], %swap3A_103 {strides = array<i32>} : memref<8x128xf32, #tpu.memory_space<vmem>>, vector<1x16xf32>,
      %swap3A_104 = arith.index_cast %scan3A_69 : i32 to index
      %swap3A_105 = arith.constant 112 : index
      %swap3A_106 = tpu.vector_load %arg8[%swap3A_104, %swap3A_105] {strides = array<i32>} : memref<8x128xf32, #tpu.memory_space<vmem>>, vector<1x16xf32>,
      %swap3A_107 = vector.shape_cast %swap3A_106 : vector<1x16xf32> to vector<16xf32>
      %swap3A_108 = vector.shape_cast %broadcast_in_dim3A_11 : vector<16xf32> to vector<1x16xf32>
      tpu.vector_store %arg8[%swap3A_104, %swap3A_105], %swap3A_108 {strides = array<i32>} : memref<8x128xf32, #tpu.memory_space<vmem>>, vector<1x16xf32>,
    }
    %scan3A_16 = arith.constant 8 : i32
    %while3A = arith.constant 0 : i32
    %while3A_17 = arith.constant 0 : i32
    %while3A_18 = arith.subi %add3A_10, %while3A_17 : i32
    %while3A_19 = arith.addi %while3A_17, %while3A_18 : i32
    %while3A_20 = arith.constant 1 : i32
    %while3A_21 = arith.divsi %while3A_18, %while3A_20 : i32
    %while3A_22 = arith.muli %while3A_21, %while3A_20 : i32
    %while3A_23 = arith.addi %while3A_17, %while3A_22 : i32
    %while3A_24 = arith.constant 1 : i32
    scf.for %while3A_69 = %while3A_17 to %while3A_23 step %while3A_24  : i32 {
      %mul3A_70 = arith.constant 8 : i32
      %mul3A_71 = arith.muli %while3A_69, %mul3A_70 : i32
      %add3A_72 = arith.addi %mul3A_6, %mul3A_71 : i32
      "tpu.region"() ({
        %run_scoped3A = tpu.sem_alloc : memref<!tpu.dma_semaphore, #tpu.memory_space<semaphore_mem>>
        %dma_start3A = arith.constant 0 : i32
        %dma_start3A_73 = tpu.memref_slice %arg5[%add3A_72, %dma_start3A] : memref<512x128xf32, #tpu.memory_space<vmem_shared>> -> memref<8x128xf32, #tpu.memory_space<vmem_shared>>
        %dma_start3A_74 = arith.constant 0 : i32
        %dma_start3A_75 = tpu.memref_slice %arg5[%add3A_72, %dma_start3A_74] : memref<512x128xf32, #tpu.memory_space<vmem_shared>> -> memref<8x128xf32, #tpu.memory_space<vmem_shared>>
        tpu.enqueue_dma source(%arg8 : memref<8x128xf32, #tpu.memory_space<vmem>>) target(%dma_start3A_75 : memref<8x128xf32, #tpu.memory_space<vmem_shared>>) target_semaphore(%run_scoped3A : memref<!tpu.dma_semaphore, #tpu.memory_space<semaphore_mem>>)
        %dma_wait3A = arith.constant 0 : i32
        %dma_wait3A_76 = tpu.memref_slice %arg5[%add3A_72, %dma_wait3A] : memref<512x128xf32, #tpu.memory_space<vmem_shared>> -> memref<8x128xf32, #tpu.memory_space<vmem_shared>>
        %dma_wait3A_77 = arith.constant 0 : i32
        %dma_wait3A_78 = tpu.memref_slice %arg5[%add3A_72, %dma_wait3A_77] : memref<512x128xf32, #tpu.memory_space<vmem_shared>> -> memref<8x128xf32, #tpu.memory_space<vmem_shared>>
        tpu.wait_dma2 semaphore(%run_scoped3A : memref<!tpu.dma_semaphore, #tpu.memory_space<semaphore_mem>>) src(%arg8 : memref<8x128xf32, #tpu.memory_space<vmem>>) dst(%dma_wait3A_78 : memref<8x128xf32, #tpu.memory_space<vmem_shared>>)
        tpu.yield
      }) : () -> ()
    }
    %while3A_25 = arith.constant 1 : i32
    scf.for %while3A_69 = %while3A_23 to %while3A_19 step %while3A_25  : i32 {
      %mul3A_70 = arith.constant 8 : i32
      %mul3A_71 = arith.muli %while3A_69, %mul3A_70 : i32
      %add3A_72 = arith.addi %mul3A_6, %mul3A_71 : i32
      "tpu.region"() ({
        %run_scoped3A = tpu.sem_alloc : memref<!tpu.dma_semaphore, #tpu.memory_space<semaphore_mem>>
        %dma_start3A = arith.constant 0 : i32
        %dma_start3A_73 = tpu.memref_slice %arg5[%add3A_72, %dma_start3A] : memref<512x128xf32, #tpu.memory_space<vmem_shared>> -> memref<8x128xf32, #tpu.memory_space<vmem_shared>>
        %dma_start3A_74 = arith.constant 0 : i32
        %dma_start3A_75 = tpu.memref_slice %arg5[%add3A_72, %dma_start3A_74] : memref<512x128xf32, #tpu.memory_space<vmem_shared>> -> memref<8x128xf32, #tpu.memory_space<vmem_shared>>
        tpu.enqueue_dma source(%arg8 : memref<8x128xf32, #tpu.memory_space<vmem>>) target(%dma_start3A_75 : memref<8x128xf32, #tpu.memory_space<vmem_shared>>) target_semaphore(%run_scoped3A : memref<!tpu.dma_semaphore, #tpu.memory_space<semaphore_mem>>)
        %dma_wait3A = arith.constant 0 : i32
        %dma_wait3A_76 = tpu.memref_slice %arg5[%add3A_72, %dma_wait3A] : memref<512x128xf32, #tpu.memory_space<vmem_shared>> -> memref<8x128xf32, #tpu.memory_space<vmem_shared>>
        %dma_wait3A_77 = arith.constant 0 : i32
        %dma_wait3A_78 = tpu.memref_slice %arg5[%add3A_72, %dma_wait3A_77] : memref<512x128xf32, #tpu.memory_space<vmem_shared>> -> memref<8x128xf32, #tpu.memory_space<vmem_shared>>
        tpu.wait_dma2 semaphore(%run_scoped3A : memref<!tpu.dma_semaphore, #tpu.memory_space<semaphore_mem>>) src(%arg8 : memref<8x128xf32, #tpu.memory_space<vmem>>) dst(%dma_wait3A_78 : memref<8x128xf32, #tpu.memory_space<vmem_shared>>)
        tpu.yield
      }) : () -> ()
    }
    %barrier3A = arith.constant 0 : index
    tpu.barrier barrier_id(%barrier3A)
    %sub3A = arith.constant 624 : i32
    %sub3A_26 = arith.subi %sub3A, %add3A : i32
    %jit3A_27 = arith.constant 32 : i32
    %div3A = arith.divsi %sub3A_26, %jit3A_27 : i32
    %sign3A = arith.constant 0 : i32
    %sign3A_28 = arith.cmpi sgt, %sub3A_26, %sign3A : i32
    %sign3A_29 = arith.extui %sign3A_28 : i1 to i32
    %sign3A_30 = arith.constant 0 : i32
    %sign3A_31 = arith.cmpi slt, %sub3A_26, %sign3A_30 : i32
    %sign3A_32 = arith.extui %sign3A_31 : i1 to i32
    %sign3A_33 = arith.subi %sign3A_29, %sign3A_32 : i32
    %sign3A_34 = arith.constant 0 : i32
    %sign3A_35 = arith.cmpi sgt, %jit3A_27, %sign3A_34 : i32
    %sign3A_36 = arith.extui %sign3A_35 : i1 to i32
    %sign3A_37 = arith.constant 0 : i32
    %sign3A_38 = arith.cmpi slt, %jit3A_27, %sign3A_37 : i32
    %sign3A_39 = arith.extui %sign3A_38 : i1 to i32
    %sign3A_40 = arith.subi %sign3A_36, %sign3A_39 : i32
    %ne3A = arith.cmpi ne, %sign3A_33, %sign3A_40 : i32
    %rem3A = arith.remsi %sub3A_26, %jit3A_27 : i32
    %ne3A_41 = arith.constant 0 : i32
    %ne3A_42 = arith.cmpi ne, %rem3A, %ne3A_41 : i32
    %and3A = arith.andi %ne3A, %ne3A_42 : i1
    %sub3A_43 = arith.constant 1 : i32
    %sub3A_44 = arith.subi %div3A, %sub3A_43 : i32
    %select_n3A_45 = arith.select %and3A, %sub3A_44, %div3A : i32
    %add3A_46 = arith.constant 1 : i32
    %add3A_47 = arith.addi %select_n3A_45, %add3A_46 : i32
    %while3A_48 = arith.constant 0 : i32
    %while3A_49 = arith.constant 0 : i32
    %while3A_50 = arith.subi %add3A_47, %while3A_49 : i32
    %while3A_51 = arith.addi %while3A_49, %while3A_50 : i32
    %while3A_52 = arith.constant 1 : i32
    %while3A_53 = arith.divsi %while3A_50, %while3A_52 : i32
    %while3A_54 = arith.muli %while3A_53, %while3A_52 : i32
    %while3A_55 = arith.addi %while3A_49, %while3A_54 : i32
    %while3A_56 = arith.constant 1 : i32
    scf.for %while3A_69 = %while3A_49 to %while3A_55 step %while3A_56  : i32 {
      %mul3A_70 = arith.constant 32 : i32
      %mul3A_71 = arith.muli %while3A_69, %mul3A_70 : i32
      %add3A_72 = arith.addi %add3A, %mul3A_71 : i32
      %mul3A_73 = arith.constant 128 : i32
      %mul3A_74 = arith.muli %add3A_72, %mul3A_73 : i32
      "tpu.region"() ({
        %run_scoped3A = tpu.sem_alloc : memref<!tpu.dma_semaphore, #tpu.memory_space<semaphore_mem>>
        %dma_start3A = tpu.memref_slice %arg3[%mul3A_74] : memref<80000xi32, #tpu.memory_space<hbm>> -> memref<128xi32, #tpu.memory_space<hbm>>
        %dma_start3A_75 = tpu.memref_slice %arg3[%mul3A_74] : memref<80000xi32, #tpu.memory_space<hbm>> -> memref<128xi32, #tpu.memory_space<hbm>>
        tpu.enqueue_dma source(%dma_start3A_75 : memref<128xi32, #tpu.memory_space<hbm>>) target(%arg6 : memref<128xi32, #tpu.memory_space<vmem>>) target_semaphore(%run_scoped3A : memref<!tpu.dma_semaphore, #tpu.memory_space<semaphore_mem>>)
        %dma_wait3A = tpu.memref_slice %arg3[%mul3A_74] : memref<80000xi32, #tpu.memory_space<hbm>> -> memref<128xi32, #tpu.memory_space<hbm>>
        %dma_wait3A_76 = tpu.memref_slice %arg3[%mul3A_74] : memref<80000xi32, #tpu.memory_space<hbm>> -> memref<128xi32, #tpu.memory_space<hbm>>
        tpu.wait_dma2 semaphore(%run_scoped3A : memref<!tpu.dma_semaphore, #tpu.memory_space<semaphore_mem>>) src(%dma_wait3A_76 : memref<128xi32, #tpu.memory_space<hbm>>) dst(%arg6 : memref<128xi32, #tpu.memory_space<vmem>>)
        tpu.yield
      }) : () -> ()
      "tpu.region"() ({
        %run_scoped3A = tpu.sem_alloc : memref<!tpu.dma_semaphore, #tpu.memory_space<semaphore_mem>>
        %dma_start3A = arith.constant 0 : i32
        %dma_start3A_75 = tpu.memref_slice %arg2[%mul3A_74, %dma_start3A] : memref<80000x128xf32, #tpu.memory_space<hbm>> -> memref<128x128xf32, #tpu.memory_space<hbm>>
        %dma_start3A_76 = arith.constant 0 : i32
        %dma_start3A_77 = tpu.memref_slice %arg2[%mul3A_74, %dma_start3A_76] : memref<80000x128xf32, #tpu.memory_space<hbm>> -> memref<128x128xf32, #tpu.memory_space<hbm>>
        tpu.enqueue_dma source(%dma_start3A_77 : memref<128x128xf32, #tpu.memory_space<hbm>>) target(%arg7 : memref<128x128xf32, #tpu.memory_space<vmem>>) target_semaphore(%run_scoped3A : memref<!tpu.dma_semaphore, #tpu.memory_space<semaphore_mem>>)
        %dma_wait3A = arith.constant 0 : i32
        %dma_wait3A_78 = tpu.memref_slice %arg2[%mul3A_74, %dma_wait3A] : memref<80000x128xf32, #tpu.memory_space<hbm>> -> memref<128x128xf32, #tpu.memory_space<hbm>>
        %dma_wait3A_79 = arith.constant 0 : i32
        %dma_wait3A_80 = tpu.memref_slice %arg2[%mul3A_74, %dma_wait3A_79] : memref<80000x128xf32, #tpu.memory_space<hbm>> -> memref<128x128xf32, #tpu.memory_space<hbm>>
        tpu.wait_dma2 semaphore(%run_scoped3A : memref<!tpu.dma_semaphore, #tpu.memory_space<semaphore_mem>>) src(%dma_wait3A_80 : memref<128x128xf32, #tpu.memory_space<hbm>>) dst(%arg7 : memref<128x128xf32, #tpu.memory_space<vmem>>)
        tpu.yield
      }) : () -> ()
      "tpu.region"() ({
        %run_scoped3A = tpu.sem_alloc : memref<!tpu.dma_semaphore, #tpu.memory_space<semaphore_mem>>
        %dma_start3A = arith.constant 0 : i32
        %dma_start3A_75 = arith.constant 0 : i32
        %dma_start3A_76 = tpu.memref_slice %arg5[%dma_start3A, %dma_start3A_75] : memref<512x128xf32, #tpu.memory_space<vmem_shared>> -> memref<512x128xf32, #tpu.memory_space<vmem_shared>>
        tpu.enqueue_indirect_dma source(%arg7 : memref<128x128xf32, #tpu.memory_space<vmem>>) target(%dma_start3A_76 : memref<512x128xf32, #tpu.memory_space<vmem_shared>>) offsets(%arg6 : memref<128xi32, #tpu.memory_space<vmem>>) semaphore(%run_scoped3A : memref<!tpu.dma_semaphore, #tpu.memory_space<semaphore_mem>>) {add = true}
        %dma_wait3A = arith.constant 0 : i32
        %dma_wait3A_77 = arith.constant 0 : i32
        %dma_wait3A_78 = tpu.memref_slice %arg5[%dma_wait3A, %dma_wait3A_77] : memref<512x128xf32, #tpu.memory_space<vmem_shared>> -> memref<512x128xf32, #tpu.memory_space<vmem_shared>>
        tpu.wait_indirect_dma semaphore(%run_scoped3A : memref<!tpu.dma_semaphore, #tpu.memory_space<semaphore_mem>>) src(%arg7 : memref<128x128xf32, #tpu.memory_space<vmem>>) dst(%dma_wait3A_78 : memref<512x128xf32, #tpu.memory_space<vmem_shared>>)
        tpu.yield
      }) : () -> ()
    }
    %while3A_57 = arith.constant 1 : i32
    scf.for %while3A_69 = %while3A_55 to %while3A_51 step %while3A_57  : i32 {
      %mul3A_70 = arith.constant 32 : i32
      %mul3A_71 = arith.muli %while3A_69, %mul3A_70 : i32
      %add3A_72 = arith.addi %add3A, %mul3A_71 : i32
      %mul3A_73 = arith.constant 128 : i32
      %mul3A_74 = arith.muli %add3A_72, %mul3A_73 : i32
      "tpu.region"() ({
        %run_scoped3A = tpu.sem_alloc : memref<!tpu.dma_semaphore, #tpu.memory_space<semaphore_mem>>
        %dma_start3A = tpu.memref_slice %arg3[%mul3A_74] : memref<80000xi32, #tpu.memory_space<hbm>> -> memref<128xi32, #tpu.memory_space<hbm>>
        %dma_start3A_75 = tpu.memref_slice %arg3[%mul3A_74] : memref<80000xi32, #tpu.memory_space<hbm>> -> memref<128xi32, #tpu.memory_space<hbm>>
        tpu.enqueue_dma source(%dma_start3A_75 : memref<128xi32, #tpu.memory_space<hbm>>) target(%arg6 : memref<128xi32, #tpu.memory_space<vmem>>) target_semaphore(%run_scoped3A : memref<!tpu.dma_semaphore, #tpu.memory_space<semaphore_mem>>)
        %dma_wait3A = tpu.memref_slice %arg3[%mul3A_74] : memref<80000xi32, #tpu.memory_space<hbm>> -> memref<128xi32, #tpu.memory_space<hbm>>
        %dma_wait3A_76 = tpu.memref_slice %arg3[%mul3A_74] : memref<80000xi32, #tpu.memory_space<hbm>> -> memref<128xi32, #tpu.memory_space<hbm>>
        tpu.wait_dma2 semaphore(%run_scoped3A : memref<!tpu.dma_semaphore, #tpu.memory_space<semaphore_mem>>) src(%dma_wait3A_76 : memref<128xi32, #tpu.memory_space<hbm>>) dst(%arg6 : memref<128xi32, #tpu.memory_space<vmem>>)
        tpu.yield
      }) : () -> ()
      "tpu.region"() ({
        %run_scoped3A = tpu.sem_alloc : memref<!tpu.dma_semaphore, #tpu.memory_space<semaphore_mem>>
        %dma_start3A = arith.constant 0 : i32
        %dma_start3A_75 = tpu.memref_slice %arg2[%mul3A_74, %dma_start3A] : memref<80000x128xf32, #tpu.memory_space<hbm>> -> memref<128x128xf32, #tpu.memory_space<hbm>>
        %dma_start3A_76 = arith.constant 0 : i32
        %dma_start3A_77 = tpu.memref_slice %arg2[%mul3A_74, %dma_start3A_76] : memref<80000x128xf32, #tpu.memory_space<hbm>> -> memref<128x128xf32, #tpu.memory_space<hbm>>
        tpu.enqueue_dma source(%dma_start3A_77 : memref<128x128xf32, #tpu.memory_space<hbm>>) target(%arg7 : memref<128x128xf32, #tpu.memory_space<vmem>>) target_semaphore(%run_scoped3A : memref<!tpu.dma_semaphore, #tpu.memory_space<semaphore_mem>>)
        %dma_wait3A = arith.constant 0 : i32
        %dma_wait3A_78 = tpu.memref_slice %arg2[%mul3A_74, %dma_wait3A] : memref<80000x128xf32, #tpu.memory_space<hbm>> -> memref<128x128xf32, #tpu.memory_space<hbm>>
        %dma_wait3A_79 = arith.constant 0 : i32
        %dma_wait3A_80 = tpu.memref_slice %arg2[%mul3A_74, %dma_wait3A_79] : memref<80000x128xf32, #tpu.memory_space<hbm>> -> memref<128x128xf32, #tpu.memory_space<hbm>>
        tpu.wait_dma2 semaphore(%run_scoped3A : memref<!tpu.dma_semaphore, #tpu.memory_space<semaphore_mem>>) src(%dma_wait3A_80 : memref<128x128xf32, #tpu.memory_space<hbm>>) dst(%arg7 : memref<128x128xf32, #tpu.memory_space<vmem>>)
        tpu.yield
      }) : () -> ()
      "tpu.region"() ({
        %run_scoped3A = tpu.sem_alloc : memref<!tpu.dma_semaphore, #tpu.memory_space<semaphore_mem>>
        %dma_start3A = arith.constant 0 : i32
        %dma_start3A_75 = arith.constant 0 : i32
        %dma_start3A_76 = tpu.memref_slice %arg5[%dma_start3A, %dma_start3A_75] : memref<512x128xf32, #tpu.memory_space<vmem_shared>> -> memref<512x128xf32, #tpu.memory_space<vmem_shared>>
        tpu.enqueue_indirect_dma source(%arg7 : memref<128x128xf32, #tpu.memory_space<vmem>>) target(%dma_start3A_76 : memref<512x128xf32, #tpu.memory_space<vmem_shared>>) offsets(%arg6 : memref<128xi32, #tpu.memory_space<vmem>>) semaphore(%run_scoped3A : memref<!tpu.dma_semaphore, #tpu.memory_space<semaphore_mem>>) {add = true}
        %dma_wait3A = arith.constant 0 : i32
        %dma_wait3A_77 = arith.constant 0 : i32
        %dma_wait3A_78 = tpu.memref_slice %arg5[%dma_wait3A, %dma_wait3A_77] : memref<512x128xf32, #tpu.memory_space<vmem_shared>> -> memref<512x128xf32, #tpu.memory_space<vmem_shared>>
        tpu.wait_indirect_dma semaphore(%run_scoped3A : memref<!tpu.dma_semaphore, #tpu.memory_space<semaphore_mem>>) src(%arg7 : memref<128x128xf32, #tpu.memory_space<vmem>>) dst(%dma_wait3A_78 : memref<512x128xf32, #tpu.memory_space<vmem_shared>>)
        tpu.yield
      }) : () -> ()
    }
    %barrier3A_58 = arith.constant 0 : index
    tpu.barrier barrier_id(%barrier3A_58)
    %while3A_59 = arith.constant 0 : i32
    %while3A_60 = arith.constant 0 : i32
    %while3A_61 = arith.subi %add3A_10, %while3A_60 : i32
    %while3A_62 = arith.addi %while3A_60, %while3A_61 : i32
    %while3A_63 = arith.constant 1 : i32
    %while3A_64 = arith.divsi %while3A_61, %while3A_63 : i32
    %while3A_65 = arith.muli %while3A_64, %while3A_63 : i32
    %while3A_66 = arith.addi %while3A_60, %while3A_65 : i32
    %while3A_67 = arith.constant 1 : i32
    scf.for %while3A_69 = %while3A_60 to %while3A_66 step %while3A_67  : i32 {
      %mul3A_70 = arith.constant 8 : i32
      %mul3A_71 = arith.muli %while3A_69, %mul3A_70 : i32
      %add3A_72 = arith.addi %mul3A_6, %mul3A_71 : i32
      "tpu.region"() ({
        %run_scoped3A = tpu.sem_alloc : memref<!tpu.dma_semaphore, #tpu.memory_space<semaphore_mem>>
        %dma_start3A = arith.constant 0 : i32
        %dma_start3A_76 = tpu.memref_slice %arg5[%add3A_72, %dma_start3A] : memref<512x128xf32, #tpu.memory_space<vmem_shared>> -> memref<8x128xf32, #tpu.memory_space<vmem_shared>>
        %dma_start3A_77 = arith.constant 0 : i32
        %dma_start3A_78 = tpu.memref_slice %arg5[%add3A_72, %dma_start3A_77] : memref<512x128xf32, #tpu.memory_space<vmem_shared>> -> memref<8x128xf32, #tpu.memory_space<vmem_shared>>
        tpu.enqueue_dma source(%dma_start3A_78 : memref<8x128xf32, #tpu.memory_space<vmem_shared>>) target(%arg8 : memref<8x128xf32, #tpu.memory_space<vmem>>) target_semaphore(%run_scoped3A : memref<!tpu.dma_semaphore, #tpu.memory_space<semaphore_mem>>)
        %dma_wait3A = arith.constant 0 : i32
        %dma_wait3A_79 = tpu.memref_slice %arg5[%add3A_72, %dma_wait3A] : memref<512x128xf32, #tpu.memory_space<vmem_shared>> -> memref<8x128xf32, #tpu.memory_space<vmem_shared>>
        %dma_wait3A_80 = arith.constant 0 : i32
        %dma_wait3A_81 = tpu.memref_slice %arg5[%add3A_72, %dma_wait3A_80] : memref<512x128xf32, #tpu.memory_space<vmem_shared>> -> memref<8x128xf32, #tpu.memory_space<vmem_shared>>
        tpu.wait_dma2 semaphore(%run_scoped3A : memref<!tpu.dma_semaphore, #tpu.memory_space<semaphore_mem>>) src(%dma_wait3A_81 : memref<8x128xf32, #tpu.memory_space<vmem_shared>>) dst(%arg8 : memref<8x128xf32, #tpu.memory_space<vmem>>)
        tpu.yield
      }) : () -> ()
      %mul3A_73 = arith.constant 8 : i32
      %mul3A_74 = arith.muli %while3A_69, %mul3A_73 : i32
      %add3A_75 = arith.addi %mul3A_6, %mul3A_74 : i32
      "tpu.region"() ({
        %run_scoped3A = tpu.sem_alloc : memref<!tpu.dma_semaphore, #tpu.memory_space<semaphore_mem>>
        %dma_start3A = arith.constant 0 : i32
        %dma_start3A_76 = tpu.memref_slice %arg4[%arg0, %add3A_75, %dma_start3A] : memref<2x512x128xf32, #tpu.memory_space<hbm>> -> memref<1x8x128xf32, #tpu.memory_space<hbm>>
        %dma_start3A_77 = tpu.memref_squeeze %dma_start3A_76 : memref<1x8x128xf32, #tpu.memory_space<hbm>> -> memref<8x128xf32, #tpu.memory_space<hbm>>
        %dma_start3A_78 = arith.constant 0 : i32
        %dma_start3A_79 = tpu.memref_slice %arg4[%arg0, %add3A_75, %dma_start3A_78] : memref<2x512x128xf32, #tpu.memory_space<hbm>> -> memref<1x8x128xf32, #tpu.memory_space<hbm>>
        %dma_start3A_80 = tpu.memref_squeeze %dma_start3A_79 : memref<1x8x128xf32, #tpu.memory_space<hbm>> -> memref<8x128xf32, #tpu.memory_space<hbm>>
        tpu.enqueue_dma source(%arg8 : memref<8x128xf32, #tpu.memory_space<vmem>>) target(%dma_start3A_80 : memref<8x128xf32, #tpu.memory_space<hbm>>) target_semaphore(%run_scoped3A : memref<!tpu.dma_semaphore, #tpu.memory_space<semaphore_mem>>)
        %dma_wait3A = arith.constant 0 : i32
        %dma_wait3A_81 = tpu.memref_slice %arg4[%arg0, %add3A_75, %dma_wait3A] : memref<2x512x128xf32, #tpu.memory_space<hbm>> -> memref<1x8x128xf32, #tpu.memory_space<hbm>>
        %dma_wait3A_82 = tpu.memref_squeeze %dma_wait3A_81 : memref<1x8x128xf32, #tpu.memory_space<hbm>> -> memref<8x128xf32, #tpu.memory_space<hbm>>
        %dma_wait3A_83 = arith.constant 0 : i32
        %dma_wait3A_84 = tpu.memref_slice %arg4[%arg0, %add3A_75, %dma_wait3A_83] : memref<2x512x128xf32, #tpu.memory_space<hbm>> -> memref<1x8x128xf32, #tpu.memory_space<hbm>>
        %dma_wait3A_85 = tpu.memref_squeeze %dma_wait3A_84 : memref<1x8x128xf32, #tpu.memory_space<hbm>> -> memref<8x128xf32, #tpu.memory_space<hbm>>
        tpu.wait_dma2 semaphore(%run_scoped3A : memref<!tpu.dma_semaphore, #tpu.memory_space<semaphore_mem>>) src(%arg8 : memref<8x128xf32, #tpu.memory_space<vmem>>) dst(%dma_wait3A_85 : memref<8x128xf32, #tpu.memory_space<hbm>>)
        tpu.yield
      }) : () -> ()
    }
    %while3A_68 = arith.constant 1 : i32
    scf.for %while3A_69 = %while3A_66 to %while3A_62 step %while3A_68  : i32 {
      %mul3A_70 = arith.constant 8 : i32
      %mul3A_71 = arith.muli %while3A_69, %mul3A_70 : i32
      %add3A_72 = arith.addi %mul3A_6, %mul3A_71 : i32
      "tpu.region"() ({
        %run_scoped3A = tpu.sem_alloc : memref<!tpu.dma_semaphore, #tpu.memory_space<semaphore_mem>>
        %dma_start3A = arith.constant 0 : i32
        %dma_start3A_76 = tpu.memref_slice %arg5[%add3A_72, %dma_start3A] : memref<512x128xf32, #tpu.memory_space<vmem_shared>> -> memref<8x128xf32, #tpu.memory_space<vmem_shared>>
        %dma_start3A_77 = arith.constant 0 : i32
        %dma_start3A_78 = tpu.memref_slice %arg5[%add3A_72, %dma_start3A_77] : memref<512x128xf32, #tpu.memory_space<vmem_shared>> -> memref<8x128xf32, #tpu.memory_space<vmem_shared>>
        tpu.enqueue_dma source(%dma_start3A_78 : memref<8x128xf32, #tpu.memory_space<vmem_shared>>) target(%arg8 : memref<8x128xf32, #tpu.memory_space<vmem>>) target_semaphore(%run_scoped3A : memref<!tpu.dma_semaphore, #tpu.memory_space<semaphore_mem>>)
        %dma_wait3A = arith.constant 0 : i32
        %dma_wait3A_79 = tpu.memref_slice %arg5[%add3A_72, %dma_wait3A] : memref<512x128xf32, #tpu.memory_space<vmem_shared>> -> memref<8x128xf32, #tpu.memory_space<vmem_shared>>
        %dma_wait3A_80 = arith.constant 0 : i32
        %dma_wait3A_81 = tpu.memref_slice %arg5[%add3A_72, %dma_wait3A_80] : memref<512x128xf32, #tpu.memory_space<vmem_shared>> -> memref<8x128xf32, #tpu.memory_space<vmem_shared>>
        tpu.wait_dma2 semaphore(%run_scoped3A : memref<!tpu.dma_semaphore, #tpu.memory_space<semaphore_mem>>) src(%dma_wait3A_81 : memref<8x128xf32, #tpu.memory_space<vmem_shared>>) dst(%arg8 : memref<8x128xf32, #tpu.memory_space<vmem>>)
        tpu.yield
      }) : () -> ()
      %mul3A_73 = arith.constant 8 : i32
      %mul3A_74 = arith.muli %while3A_69, %mul3A_73 : i32
      %add3A_75 = arith.addi %mul3A_6, %mul3A_74 : i32
      "tpu.region"() ({
        %run_scoped3A = tpu.sem_alloc : memref<!tpu.dma_semaphore, #tpu.memory_space<semaphore_mem>>
        %dma_start3A = arith.constant 0 : i32
        %dma_start3A_76 = tpu.memref_slice %arg4[%arg0, %add3A_75, %dma_start3A] : memref<2x512x128xf32, #tpu.memory_space<hbm>> -> memref<1x8x128xf32, #tpu.memory_space<hbm>>
        %dma_start3A_77 = tpu.memref_squeeze %dma_start3A_76 : memref<1x8x128xf32, #tpu.memory_space<hbm>> -> memref<8x128xf32, #tpu.memory_space<hbm>>
        %dma_start3A_78 = arith.constant 0 : i32
        %dma_start3A_79 = tpu.memref_slice %arg4[%arg0, %add3A_75, %dma_start3A_78] : memref<2x512x128xf32, #tpu.memory_space<hbm>> -> memref<1x8x128xf32, #tpu.memory_space<hbm>>
        %dma_start3A_80 = tpu.memref_squeeze %dma_start3A_79 : memref<1x8x128xf32, #tpu.memory_space<hbm>> -> memref<8x128xf32, #tpu.memory_space<hbm>>
        tpu.enqueue_dma source(%arg8 : memref<8x128xf32, #tpu.memory_space<vmem>>) target(%dma_start3A_80 : memref<8x128xf32, #tpu.memory_space<hbm>>) target_semaphore(%run_scoped3A : memref<!tpu.dma_semaphore, #tpu.memory_space<semaphore_mem>>)
        %dma_wait3A = arith.constant 0 : i32
        %dma_wait3A_81 = tpu.memref_slice %arg4[%arg0, %add3A_75, %dma_wait3A] : memref<2x512x128xf32, #tpu.memory_space<hbm>> -> memref<1x8x128xf32, #tpu.memory_space<hbm>>
        %dma_wait3A_82 = tpu.memref_squeeze %dma_wait3A_81 : memref<1x8x128xf32, #tpu.memory_space<hbm>> -> memref<8x128xf32, #tpu.memory_space<hbm>>
        %dma_wait3A_83 = arith.constant 0 : i32
        %dma_wait3A_84 = tpu.memref_slice %arg4[%arg0, %add3A_75, %dma_wait3A_83] : memref<2x512x128xf32, #tpu.memory_space<hbm>> -> memref<1x8x128xf32, #tpu.memory_space<hbm>>
        %dma_wait3A_85 = tpu.memref_squeeze %dma_wait3A_84 : memref<1x8x128xf32, #tpu.memory_space<hbm>> -> memref<8x128xf32, #tpu.memory_space<hbm>>
        tpu.wait_dma2 semaphore(%run_scoped3A : memref<!tpu.dma_semaphore, #tpu.memory_space<semaphore_mem>>) src(%arg8 : memref<8x128xf32, #tpu.memory_space<vmem>>) dst(%dma_wait3A_85 : memref<8x128xf32, #tpu.memory_space<hbm>>)
        tpu.yield
      }) : () -> ()
    }
    return
  }
}

module attributes {stable_mosaic.version = 14 : i64} {
  func.func @_pre_atoms_body(%arg0: i32, %arg1: memref<2000x128xf32, #tpu.memory_space<vmem>>, %arg2: memref<1x128xf32, #tpu.memory_space<vmem>>, %arg3: memref<1x128xf32, #tpu.memory_space<vmem>>, %arg4: memref<128x128xf32, #tpu.memory_space<vmem>>, %arg5: memref<2000x128xf32, #tpu.memory_space<vmem>>) attributes {dimension_semantics = [#tpu.dimension_semantics<arbitrary>], iteration_bounds = array<i64: 5>, scalar_prefetch = 0 : i64, scratch_operands = 0 : i64, tpu.core_type = #tpu.core_type<tc>, window_params = [{transform_indices = @transform_0, window_bounds = array<i64: 2000, 128>}, {pipeline_mode = #tpu.pipeline_mode<synchronous>, transform_indices = @transform_1, window_bounds = array<i64: 1, 128>}, {pipeline_mode = #tpu.pipeline_mode<synchronous>, transform_indices = @transform_2, window_bounds = array<i64: 1, 128>}, {pipeline_mode = #tpu.pipeline_mode<synchronous>, transform_indices = @transform_3, window_bounds = array<i64: 128, 128>}, {transform_indices = @transform_4, window_bounds = array<i64: 2000, 128>}]} {
    %get3A = arith.constant 0 : index
    %get3A_0 = arith.constant 0 : index
    %get3A_1 = vector.load %arg1[%get3A, %get3A_0] : memref<2000x128xf32, #tpu.memory_space<vmem>>, vector<2000x128xf32>
    %get3A_2 = arith.constant 0 : index
    %get3A_3 = arith.constant 0 : index
    %get3A_4 = vector.load %arg2[%get3A_2, %get3A_3] : memref<1x128xf32, #tpu.memory_space<vmem>>, vector<1x128xf32>
    %get3A_5 = arith.constant 0 : index
    %get3A_6 = arith.constant 0 : index
    %get3A_7 = vector.load %arg3[%get3A_5, %get3A_6] : memref<1x128xf32, #tpu.memory_space<vmem>>, vector<1x128xf32>
    %reduce_sum3A = arith.constant dense<0.000000e+00> : vector<2000xf32>
    %reduce_sum3A_8 = vector.multi_reduction <add>, %get3A_1, %reduce_sum3A [1] : vector<2000x128xf32> to vector<2000xf32>
    %broadcast_in_dim3A = vector.shape_cast %reduce_sum3A_8 : vector<2000xf32> to vector<2000x1xf32>
    %div3A = arith.constant 1.280000e+02 : f32
    %div3A_9 = vector.broadcast %div3A : f32 to vector<2000x1xf32>
    %div3A_10 = arith.divf %broadcast_in_dim3A, %div3A_9 : vector<2000x1xf32>
    %jit3A = arith.constant 0 : i32
    %reduce_sum3A_11 = arith.constant dense<0.000000e+00> : vector<2000xf32>
    %reduce_sum3A_12 = vector.multi_reduction <add>, %get3A_1, %reduce_sum3A_11 [1] : vector<2000x128xf32> to vector<2000xf32>
    %broadcast_in_dim3A_13 = vector.shape_cast %reduce_sum3A_12 : vector<2000xf32> to vector<2000x1xf32>
    %div3A_14 = arith.constant 1.280000e+02 : f32
    %div3A_15 = vector.broadcast %div3A_14 : f32 to vector<2000x1xf32>
    %div3A_16 = arith.divf %broadcast_in_dim3A_13, %div3A_15 : vector<2000x1xf32>
    %sub3A = vector.broadcast %div3A_16 : vector<2000x1xf32> to vector<2000x128xf32>
    %sub3A_17 = arith.subf %get3A_1, %sub3A : vector<2000x128xf32>
    %square3A = arith.mulf %sub3A_17, %sub3A_17 : vector<2000x128xf32>
    %convert_element_type3A = arith.sitofp %jit3A : i32 to f32
    %sub3A_18 = arith.constant 1.280000e+02 : f32
    %sub3A_19 = arith.subf %sub3A_18, %convert_element_type3A : f32
    %reduce_sum3A_20 = arith.constant dense<0.000000e+00> : vector<2000xf32>
    %reduce_sum3A_21 = vector.multi_reduction <add>, %square3A, %reduce_sum3A_20 [1] : vector<2000x128xf32> to vector<2000xf32>
    %broadcast_in_dim3A_22 = vector.shape_cast %reduce_sum3A_21 : vector<2000xf32> to vector<2000x1xf32>
    %div3A_23 = vector.broadcast %sub3A_19 : f32 to vector<2000x1xf32>
    %div3A_24 = arith.divf %broadcast_in_dim3A_22, %div3A_23 : vector<2000x1xf32>
    %gt3A = arith.constant 0.000000e+00 : f32
    %gt3A_25 = arith.cmpf ogt, %sub3A_19, %gt3A : f32
    %jit3A_26 = arith.constant 0x7FC00000 : f32
    %broadcast_in_dim3A_27 = vector.broadcast %jit3A_26 : f32 to vector<2000x1xf32>
    %select_n3A = arith.select %gt3A_25, %div3A_24, %broadcast_in_dim3A_27 : vector<2000x1xf32>
    %sub3A_28 = vector.broadcast %div3A_10 : vector<2000x1xf32> to vector<2000x128xf32>
    %sub3A_29 = arith.subf %get3A_1, %sub3A_28 : vector<2000x128xf32>
    %add3A = arith.constant 9.99999974E-6 : f32
    %add3A_30 = vector.broadcast %add3A : f32 to vector<2000x1xf32>
    %add3A_31 = arith.addf %select_n3A, %add3A_30 : vector<2000x1xf32>
    %sqrt3A = math.sqrt %add3A_31 : vector<2000x1xf32>
    %div3A_32 = vector.broadcast %sqrt3A : vector<2000x1xf32> to vector<2000x128xf32>
    %div3A_33 = arith.divf %sub3A_29, %div3A_32 : vector<2000x128xf32>
    %mul3A = vector.broadcast %get3A_4 : vector<1x128xf32> to vector<2000x128xf32>
    %mul3A_34 = arith.mulf %div3A_33, %mul3A : vector<2000x128xf32>
    %add3A_35 = vector.broadcast %get3A_7 : vector<1x128xf32> to vector<2000x128xf32>
    %add3A_36 = arith.addf %mul3A_34, %add3A_35 : vector<2000x128xf32>
    %get3A_37 = arith.constant 0 : index
    %get3A_38 = arith.constant 0 : index
    %get3A_39 = vector.load %arg4[%get3A_37, %get3A_38] : memref<128x128xf32, #tpu.memory_space<vmem>>, vector<128x128xf32>
    %dot_general3A = arith.constant dense<0.000000e+00> : vector<2000x128xf32>
    %dot_general3A_40 = tpu.matmul %add3A_36, %get3A_39, %dot_general3A {dimension_numbers = #tpu.dot_dimension_numbers<[1], [0], [0], [1], [0, 0, 1, 1], [], []>, transpose_lhs_hint = false} : vector<2000x128xf32>, vector<128x128xf32>, vector<2000x128xf32> -> vector<2000x128xf32>
    %swap3A = arith.constant 0 : index
    %swap3A_41 = arith.constant 0 : index
    %swap3A_42 = vector.load %arg5[%swap3A, %swap3A_41] : memref<2000x128xf32, #tpu.memory_space<vmem>>, vector<2000x128xf32>
    tpu.vector_store %arg5[%swap3A, %swap3A_41], %dot_general3A_40 {strides = array<i32>} : memref<2000x128xf32, #tpu.memory_space<vmem>>, vector<2000x128xf32>,
    return
  }
  func.func @transform_0(%arg0: i32) -> (i32, i32) {
    %c0_i32 = arith.constant 0 : i32
    %c0_i32_0 = arith.constant 0 : i32
    return %arg0, %c0_i32 : i32, i32
  }
  func.func @transform_1(%arg0: i32) -> (i32, i32) {
    %c0_i32 = arith.constant 0 : i32
    %c0_i32_0 = arith.constant 0 : i32
    %c0_i32_1 = arith.constant 0 : i32
    return %c0_i32, %c0_i32_0 : i32, i32
  }
  func.func @transform_2(%arg0: i32) -> (i32, i32) {
    %c0_i32 = arith.constant 0 : i32
    %c0_i32_0 = arith.constant 0 : i32
    %c0_i32_1 = arith.constant 0 : i32
    return %c0_i32, %c0_i32_0 : i32, i32
  }
  func.func @transform_3(%arg0: i32) -> (i32, i32) {
    %c0_i32 = arith.constant 0 : i32
    %c0_i32_0 = arith.constant 0 : i32
    %c0_i32_1 = arith.constant 0 : i32
    return %c0_i32, %c0_i32_0 : i32, i32
  }
  func.func @transform_4(%arg0: i32) -> (i32, i32) {
    %c0_i32 = arith.constant 0 : i32
    %c0_i32_0 = arith.constant 0 : i32
    return %arg0, %c0_i32 : i32, i32
  }
}

module attributes {stable_mosaic.version = 14 : i64} {
  func.func @_filter_body(%arg0: i32, %arg1: memref<1000x50xf32, #tpu.memory_space<vmem>>, %arg2: memref<1000x1xf32, #tpu.memory_space<vmem>>, %arg3: memref<1000x128xf32, #tpu.memory_space<vmem>>, %arg4: memref<50x128xf32, #tpu.memory_space<vmem>>, %arg5: memref<1x128xf32, #tpu.memory_space<vmem>>, %arg6: memref<128x128xf32, #tpu.memory_space<vmem>>, %arg7: memref<1x128xf32, #tpu.memory_space<vmem>>, %arg8: memref<1000x128xf32, #tpu.memory_space<vmem>>) attributes {dimension_semantics = [#tpu.dimension_semantics<arbitrary>], iteration_bounds = array<i64: 320>, scalar_prefetch = 0 : i64, scratch_operands = 0 : i64, tpu.core_type = #tpu.core_type<tc>, window_params = [{transform_indices = @transform_0, window_bounds = array<i64: 1000, 50>}, {transform_indices = @transform_1, window_bounds = array<i64: 1000, 1>}, {transform_indices = @transform_2, window_bounds = array<i64: 1000, 128>}, {pipeline_mode = #tpu.pipeline_mode<synchronous>, transform_indices = @transform_3, window_bounds = array<i64: 50, 128>}, {pipeline_mode = #tpu.pipeline_mode<synchronous>, transform_indices = @transform_4, window_bounds = array<i64: 1, 128>}, {pipeline_mode = #tpu.pipeline_mode<synchronous>, transform_indices = @transform_5, window_bounds = array<i64: 128, 128>}, {pipeline_mode = #tpu.pipeline_mode<synchronous>, transform_indices = @transform_6, window_bounds = array<i64: 1, 128>}, {transform_indices = @transform_7, window_bounds = array<i64: 1000, 128>}]} {
    %get3A = arith.constant 0 : index
    %get3A_0 = arith.constant 0 : index
    %get3A_1 = vector.load %arg1[%get3A, %get3A_0] : memref<1000x50xf32, #tpu.memory_space<vmem>>, vector<1000x50xf32>
    %get3A_2 = arith.constant 0 : index
    %get3A_3 = arith.constant 0 : index
    %get3A_4 = vector.load %arg4[%get3A_2, %get3A_3] : memref<50x128xf32, #tpu.memory_space<vmem>>, vector<50x128xf32>
    %dot_general3A = arith.constant dense<0.000000e+00> : vector<1000x128xf32>
    %dot_general3A_5 = tpu.matmul %get3A_1, %get3A_4, %dot_general3A {dimension_numbers = #tpu.dot_dimension_numbers<[1], [0], [0], [1], [0, 0, 1, 1], [], []>, transpose_lhs_hint = false} : vector<1000x50xf32>, vector<50x128xf32>, vector<1000x128xf32> -> vector<1000x128xf32>
    %get3A_6 = arith.constant 0 : index
    %get3A_7 = arith.constant 0 : index
    %get3A_8 = vector.load %arg5[%get3A_6, %get3A_7] : memref<1x128xf32, #tpu.memory_space<vmem>>, vector<1x128xf32>
    %add3A = vector.broadcast %get3A_8 : vector<1x128xf32> to vector<1000x128xf32>
    %add3A_9 = arith.addf %dot_general3A_5, %add3A : vector<1000x128xf32>
    %custom_jvp_call3A = arith.constant 0.000000e+00 : f32
    %max3A = vector.broadcast %custom_jvp_call3A : f32 to vector<1000x128xf32>
    %max3A_10 = arith.maximumf %add3A_9, %max3A : vector<1000x128xf32>
    %sub3A = vector.broadcast %custom_jvp_call3A : f32 to vector<1000x128xf32>
    %sub3A_11 = arith.subf %add3A_9, %sub3A : vector<1000x128xf32>
    %ne3A = arith.cmpf one, %sub3A_11, %sub3A_11 : vector<1000x128xf32>
    %add3A_12 = vector.broadcast %custom_jvp_call3A : f32 to vector<1000x128xf32>
    %add3A_13 = arith.addf %add3A_9, %add3A_12 : vector<1000x128xf32>
    %abs3A = math.absf %sub3A_11 : vector<1000x128xf32>
    %neg3A = arith.constant 0.000000e+00 : f32
    %neg3A_14 = vector.broadcast %neg3A : f32 to vector<1000x128xf32>
    %neg3A_15 = arith.subf %neg3A_14, %abs3A : vector<1000x128xf32>
    %exp3A = math.exp %neg3A_15 : vector<1000x128xf32>
    %log1p3A = math.log1p %exp3A : vector<1000x128xf32>
    %add3A_16 = arith.addf %max3A_10, %log1p3A : vector<1000x128xf32>
    %select_n3A = arith.select %ne3A, %add3A_13, %add3A_16 : vector<1000x128xi1>, vector<1000x128xf32>
    %log3A = arith.constant 2.000000e+00 : f32
    %log3A_17 = math.log %log3A : f32
    %sub3A_18 = vector.broadcast %log3A_17 : f32 to vector<1000x128xf32>
    %sub3A_19 = arith.subf %select_n3A, %sub3A_18 : vector<1000x128xf32>
    %get3A_20 = arith.constant 0 : index
    %get3A_21 = arith.constant 0 : index
    %get3A_22 = vector.load %arg6[%get3A_20, %get3A_21] : memref<128x128xf32, #tpu.memory_space<vmem>>, vector<128x128xf32>
    %dot_general3A_23 = arith.constant dense<0.000000e+00> : vector<1000x128xf32>
    %dot_general3A_24 = tpu.matmul %sub3A_19, %get3A_22, %dot_general3A_23 {dimension_numbers = #tpu.dot_dimension_numbers<[1], [0], [0], [1], [0, 0, 1, 1], [], []>, transpose_lhs_hint = false} : vector<1000x128xf32>, vector<128x128xf32>, vector<1000x128xf32> -> vector<1000x128xf32>
    %get3A_25 = arith.constant 0 : index
    %get3A_26 = arith.constant 0 : index
    %get3A_27 = vector.load %arg7[%get3A_25, %get3A_26] : memref<1x128xf32, #tpu.memory_space<vmem>>, vector<1x128xf32>
    %add3A_28 = vector.broadcast %get3A_27 : vector<1x128xf32> to vector<1000x128xf32>
    %add3A_29 = arith.addf %dot_general3A_24, %add3A_28 : vector<1000x128xf32>
    %get3A_30 = arith.constant 0 : index
    %get3A_31 = arith.constant 0 : index
    %get3A_32 = vector.load %arg2[%get3A_30, %get3A_31] : memref<1000x1xf32, #tpu.memory_space<vmem>>, vector<1000x1xf32>
    %mul3A = arith.constant 0.628318548 : f32
    %mul3A_33 = vector.broadcast %mul3A : f32 to vector<1000x1xf32>
    %mul3A_34 = arith.mulf %get3A_32, %mul3A_33 : vector<1000x1xf32>
    %cos3A = math.cos %mul3A_34 : vector<1000x1xf32>
    %add3A_35 = arith.constant 1.000000e+00 : f32
    %add3A_36 = vector.broadcast %add3A_35 : f32 to vector<1000x1xf32>
    %add3A_37 = arith.addf %cos3A, %add3A_36 : vector<1000x1xf32>
    %mul3A_38 = arith.constant 5.000000e-01 : f32
    %mul3A_39 = vector.broadcast %mul3A_38 : f32 to vector<1000x1xf32>
    %mul3A_40 = arith.mulf %mul3A_39, %add3A_37 : vector<1000x1xf32>
    %le3A = arith.constant 5.000000e+00 : f32
    %le3A_41 = vector.broadcast %le3A : f32 to vector<1000x1xf32>
    %le3A_42 = arith.cmpf ole, %get3A_32, %le3A_41 : vector<1000x1xf32>
    %jit3A = arith.constant 0.000000e+00 : f32
    %broadcast_in_dim3A = vector.broadcast %jit3A : f32 to vector<1000x1xf32>
    %select_n3A_43 = arith.select %le3A_42, %mul3A_40, %broadcast_in_dim3A : vector<1000x1xi1>, vector<1000x1xf32>
    %mul3A_44 = vector.broadcast %select_n3A_43 : vector<1000x1xf32> to vector<1000x128xf32>
    %mul3A_45 = arith.mulf %add3A_29, %mul3A_44 : vector<1000x128xf32>
    %get3A_46 = arith.constant 0 : index
    %get3A_47 = arith.constant 0 : index
    %get3A_48 = vector.load %arg3[%get3A_46, %get3A_47] : memref<1000x128xf32, #tpu.memory_space<vmem>>, vector<1000x128xf32>
    %mul3A_49 = arith.mulf %mul3A_45, %get3A_48 : vector<1000x128xf32>
    %swap3A = arith.constant 0 : index
    %swap3A_50 = arith.constant 0 : index
    %swap3A_51 = vector.load %arg8[%swap3A, %swap3A_50] : memref<1000x128xf32, #tpu.memory_space<vmem>>, vector<1000x128xf32>
    tpu.vector_store %arg8[%swap3A, %swap3A_50], %mul3A_49 {strides = array<i32>} : memref<1000x128xf32, #tpu.memory_space<vmem>>, vector<1000x128xf32>,
    return
  }
  func.func @transform_0(%arg0: i32) -> (i32, i32) {
    %c0_i32 = arith.constant 0 : i32
    %c0_i32_0 = arith.constant 0 : i32
    return %arg0, %c0_i32 : i32, i32
  }
  func.func @transform_1(%arg0: i32) -> (i32, i32) {
    %c0_i32 = arith.constant 0 : i32
    %c0_i32_0 = arith.constant 0 : i32
    return %arg0, %c0_i32 : i32, i32
  }
  func.func @transform_2(%arg0: i32) -> (i32, i32) {
    %c0_i32 = arith.constant 0 : i32
    %c0_i32_0 = arith.constant 0 : i32
    return %arg0, %c0_i32 : i32, i32
  }
  func.func @transform_3(%arg0: i32) -> (i32, i32) {
    %c0_i32 = arith.constant 0 : i32
    %c0_i32_0 = arith.constant 0 : i32
    %c0_i32_1 = arith.constant 0 : i32
    return %c0_i32, %c0_i32_0 : i32, i32
  }
  func.func @transform_4(%arg0: i32) -> (i32, i32) {
    %c0_i32 = arith.constant 0 : i32
    %c0_i32_0 = arith.constant 0 : i32
    %c0_i32_1 = arith.constant 0 : i32
    return %c0_i32, %c0_i32_0 : i32, i32
  }
  func.func @transform_5(%arg0: i32) -> (i32, i32) {
    %c0_i32 = arith.constant 0 : i32
    %c0_i32_0 = arith.constant 0 : i32
    %c0_i32_1 = arith.constant 0 : i32
    return %c0_i32, %c0_i32_0 : i32, i32
  }
  func.func @transform_6(%arg0: i32) -> (i32, i32) {
    %c0_i32 = arith.constant 0 : i32
    %c0_i32_0 = arith.constant 0 : i32
    %c0_i32_1 = arith.constant 0 : i32
    return %c0_i32, %c0_i32_0 : i32, i32
  }
  func.func @transform_7(%arg0: i32) -> (i32, i32) {
    %c0_i32 = arith.constant 0 : i32
    %c0_i32_0 = arith.constant 0 : i32
    return %arg0, %c0_i32 : i32, i32
  }
}

module attributes {stable_mosaic.version = 14 : i64} {
  func.func @_mesh_body(%arg0: memref<512x128xf32, #tpu.memory_space<vmem>>, %arg1: memref<1x128xf32, #tpu.memory_space<vmem>>, %arg2: memref<1x128xf32, #tpu.memory_space<vmem>>, %arg3: memref<128x128xf32, #tpu.memory_space<vmem>>, %arg4: memref<1x128xf32, #tpu.memory_space<vmem>>, %arg5: memref<128x128xf32, #tpu.memory_space<vmem>>, %arg6: memref<1x128xf32, #tpu.memory_space<vmem>>, %arg7: memref<128x128xf32, #tpu.memory_space<vmem>>, %arg8: memref<1x128xf32, #tpu.memory_space<vmem>>, %arg9: memref<128x128xf32, #tpu.memory_space<vmem>>, %arg10: memref<1x128xf32, #tpu.memory_space<vmem>>, %arg11: memref<128x128xf32, #tpu.memory_space<vmem>>, %arg12: memref<512x128xf32, #tpu.memory_space<vmem>>, %arg13: memref<512x128xf32, #tpu.memory_space<vmem>>) attributes {dimension_semantics = [], scalar_prefetch = 0 : i64, scratch_operands = 0 : i64, tpu.core_type = #tpu.core_type<tc>} {
    %get3A = arith.constant 0 : index
    %get3A_0 = arith.constant 0 : index
    %get3A_1 = vector.load %arg0[%get3A, %get3A_0] : memref<512x128xf32, #tpu.memory_space<vmem>>, vector<512x128xf32>
    %get3A_2 = arith.constant 0 : index
    %get3A_3 = arith.constant 0 : index
    %get3A_4 = vector.load %arg1[%get3A_2, %get3A_3] : memref<1x128xf32, #tpu.memory_space<vmem>>, vector<1x128xf32>
    %get3A_5 = arith.constant 0 : index
    %get3A_6 = arith.constant 0 : index
    %get3A_7 = vector.load %arg2[%get3A_5, %get3A_6] : memref<1x128xf32, #tpu.memory_space<vmem>>, vector<1x128xf32>
    %reduce_sum3A = arith.constant dense<0.000000e+00> : vector<512xf32>
    %reduce_sum3A_8 = vector.multi_reduction <add>, %get3A_1, %reduce_sum3A [1] : vector<512x128xf32> to vector<512xf32>
    %broadcast_in_dim3A = vector.shape_cast %reduce_sum3A_8 : vector<512xf32> to vector<512x1xf32>
    %div3A = arith.constant 1.280000e+02 : f32
    %div3A_9 = vector.broadcast %div3A : f32 to vector<512x1xf32>
    %div3A_10 = arith.divf %broadcast_in_dim3A, %div3A_9 : vector<512x1xf32>
    %jit3A = arith.constant 0 : i32
    %reduce_sum3A_11 = arith.constant dense<0.000000e+00> : vector<512xf32>
    %reduce_sum3A_12 = vector.multi_reduction <add>, %get3A_1, %reduce_sum3A_11 [1] : vector<512x128xf32> to vector<512xf32>
    %broadcast_in_dim3A_13 = vector.shape_cast %reduce_sum3A_12 : vector<512xf32> to vector<512x1xf32>
    %div3A_14 = arith.constant 1.280000e+02 : f32
    %div3A_15 = vector.broadcast %div3A_14 : f32 to vector<512x1xf32>
    %div3A_16 = arith.divf %broadcast_in_dim3A_13, %div3A_15 : vector<512x1xf32>
    %sub3A = vector.broadcast %div3A_16 : vector<512x1xf32> to vector<512x128xf32>
    %sub3A_17 = arith.subf %get3A_1, %sub3A : vector<512x128xf32>
    %square3A = arith.mulf %sub3A_17, %sub3A_17 : vector<512x128xf32>
    %convert_element_type3A = arith.sitofp %jit3A : i32 to f32
    %sub3A_18 = arith.constant 1.280000e+02 : f32
    %sub3A_19 = arith.subf %sub3A_18, %convert_element_type3A : f32
    %reduce_sum3A_20 = arith.constant dense<0.000000e+00> : vector<512xf32>
    %reduce_sum3A_21 = vector.multi_reduction <add>, %square3A, %reduce_sum3A_20 [1] : vector<512x128xf32> to vector<512xf32>
    %broadcast_in_dim3A_22 = vector.shape_cast %reduce_sum3A_21 : vector<512xf32> to vector<512x1xf32>
    %div3A_23 = vector.broadcast %sub3A_19 : f32 to vector<512x1xf32>
    %div3A_24 = arith.divf %broadcast_in_dim3A_22, %div3A_23 : vector<512x1xf32>
    %gt3A = arith.constant 0.000000e+00 : f32
    %gt3A_25 = arith.cmpf ogt, %sub3A_19, %gt3A : f32
    %jit3A_26 = arith.constant 0x7FC00000 : f32
    %broadcast_in_dim3A_27 = vector.broadcast %jit3A_26 : f32 to vector<512x1xf32>
    %select_n3A = arith.select %gt3A_25, %div3A_24, %broadcast_in_dim3A_27 : vector<512x1xf32>
    %sub3A_28 = vector.broadcast %div3A_10 : vector<512x1xf32> to vector<512x128xf32>
    %sub3A_29 = arith.subf %get3A_1, %sub3A_28 : vector<512x128xf32>
    %add3A = arith.constant 9.99999974E-6 : f32
    %add3A_30 = vector.broadcast %add3A : f32 to vector<512x1xf32>
    %add3A_31 = arith.addf %select_n3A, %add3A_30 : vector<512x1xf32>
    %sqrt3A = math.sqrt %add3A_31 : vector<512x1xf32>
    %div3A_32 = vector.broadcast %sqrt3A : vector<512x1xf32> to vector<512x128xf32>
    %div3A_33 = arith.divf %sub3A_29, %div3A_32 : vector<512x128xf32>
    %mul3A = vector.broadcast %get3A_4 : vector<1x128xf32> to vector<512x128xf32>
    %mul3A_34 = arith.mulf %div3A_33, %mul3A : vector<512x128xf32>
    %add3A_35 = vector.broadcast %get3A_7 : vector<1x128xf32> to vector<512x128xf32>
    %add3A_36 = arith.addf %mul3A_34, %add3A_35 : vector<512x128xf32>
    %get3A_37 = arith.constant 0 : index
    %get3A_38 = arith.constant 0 : index
    %get3A_39 = vector.load %arg3[%get3A_37, %get3A_38] : memref<128x128xf32, #tpu.memory_space<vmem>>, vector<128x128xf32>
    %dot_general3A = arith.constant dense<0.000000e+00> : vector<512x128xf32>
    %dot_general3A_40 = tpu.matmul %add3A_36, %get3A_39, %dot_general3A {dimension_numbers = #tpu.dot_dimension_numbers<[1], [0], [0], [1], [0, 0, 1, 1], [], []>, transpose_lhs_hint = false} : vector<512x128xf32>, vector<128x128xf32>, vector<512x128xf32> -> vector<512x128xf32>
    %get3A_41 = arith.constant 0 : index
    %get3A_42 = arith.constant 0 : index
    %get3A_43 = vector.load %arg4[%get3A_41, %get3A_42] : memref<1x128xf32, #tpu.memory_space<vmem>>, vector<1x128xf32>
    %add3A_44 = vector.broadcast %get3A_43 : vector<1x128xf32> to vector<512x128xf32>
    %add3A_45 = arith.addf %dot_general3A_40, %add3A_44 : vector<512x128xf32>
    %get3A_46 = arith.constant 0 : index
    %get3A_47 = arith.constant 0 : index
    %get3A_48 = vector.load %arg5[%get3A_46, %get3A_47] : memref<128x128xf32, #tpu.memory_space<vmem>>, vector<128x128xf32>
    %dot_general3A_49 = arith.constant dense<0.000000e+00> : vector<512x128xf32>
    %dot_general3A_50 = tpu.matmul %add3A_36, %get3A_48, %dot_general3A_49 {dimension_numbers = #tpu.dot_dimension_numbers<[1], [0], [0], [1], [0, 0, 1, 1], [], []>, transpose_lhs_hint = false} : vector<512x128xf32>, vector<128x128xf32>, vector<512x128xf32> -> vector<512x128xf32>
    %get3A_51 = arith.constant 0 : index
    %get3A_52 = arith.constant 0 : index
    %get3A_53 = vector.load %arg6[%get3A_51, %get3A_52] : memref<1x128xf32, #tpu.memory_space<vmem>>, vector<1x128xf32>
    %add3A_54 = vector.broadcast %get3A_53 : vector<1x128xf32> to vector<512x128xf32>
    %add3A_55 = arith.addf %dot_general3A_50, %add3A_54 : vector<512x128xf32>
    %get3A_56 = arith.constant 0 : index
    %get3A_57 = arith.constant 0 : index
    %get3A_58 = vector.load %arg7[%get3A_56, %get3A_57] : memref<128x128xf32, #tpu.memory_space<vmem>>, vector<128x128xf32>
    %dot_general3A_59 = arith.constant dense<0.000000e+00> : vector<512x128xf32>
    %dot_general3A_60 = tpu.matmul %add3A_36, %get3A_58, %dot_general3A_59 {dimension_numbers = #tpu.dot_dimension_numbers<[1], [0], [0], [1], [0, 0, 1, 1], [], []>, transpose_lhs_hint = false} : vector<512x128xf32>, vector<128x128xf32>, vector<512x128xf32> -> vector<512x128xf32>
    %get3A_61 = arith.constant 0 : index
    %get3A_62 = arith.constant 0 : index
    %get3A_63 = vector.load %arg8[%get3A_61, %get3A_62] : memref<1x128xf32, #tpu.memory_space<vmem>>, vector<1x128xf32>
    %add3A_64 = vector.broadcast %get3A_63 : vector<1x128xf32> to vector<512x128xf32>
    %add3A_65 = arith.addf %dot_general3A_60, %add3A_64 : vector<512x128xf32>
    %slice3A = vector.extract_strided_slice %add3A_45 {offsets = [0, 0], sizes = [512, 16], strides = [1, 1]} : vector<512x128xf32> to vector<512x16xf32>
    %slice3A_66 = vector.extract_strided_slice %add3A_55 {offsets = [0, 0], sizes = [512, 16], strides = [1, 1]} : vector<512x128xf32> to vector<512x16xf32>
    %slice3A_67 = vector.extract_strided_slice %add3A_65 {offsets = [0, 0], sizes = [512, 16], strides = [1, 1]} : vector<512x128xf32> to vector<512x16xf32>
    %dot_general3A_68 = arith.constant dense<0.000000e+00> : vector<512x512xf32>
    %dot_general3A_69 = tpu.matmul %slice3A, %slice3A_66, %dot_general3A_68 {dimension_numbers = #tpu.dot_dimension_numbers<[1], [1], [0], [0], [0, 0, 1, 0], [], []>, transpose_lhs_hint = false} : vector<512x16xf32>, vector<512x16xf32>, vector<512x512xf32> -> vector<512x512xf32>
    %div3A_70 = arith.constant 4.000000e+00 : f32
    %div3A_71 = vector.broadcast %div3A_70 : f32 to vector<512x512xf32>
    %div3A_72 = arith.divf %dot_general3A_69, %div3A_71 : vector<512x512xf32>
    %reduce_max3A = arith.constant dense<0xFF800000> : vector<512xf32>
    %reduce_max3A_73 = vector.multi_reduction <maximumf>, %div3A_72, %reduce_max3A [1] : vector<512x512xf32> to vector<512xf32>
    %max3A = arith.constant 0xFF800000 : f32
    %max3A_74 = vector.broadcast %max3A : f32 to vector<512xf32>
    %max3A_75 = arith.maximumf %max3A_74, %reduce_max3A_73 : vector<512xf32>
    %broadcast_in_dim3A_76 = vector.shape_cast %max3A_75 : vector<512xf32> to vector<512x1xf32>
    %sub3A_77 = vector.broadcast %broadcast_in_dim3A_76 : vector<512x1xf32> to vector<512x512xf32>
    %sub3A_78 = arith.subf %div3A_72, %sub3A_77 : vector<512x512xf32>
    %exp3A = math.exp %sub3A_78 : vector<512x512xf32>
    %reduce_sum3A_79 = arith.constant dense<0.000000e+00> : vector<512xf32>
    %reduce_sum3A_80 = vector.multi_reduction <add>, %exp3A, %reduce_sum3A_79 [1] : vector<512x512xf32> to vector<512xf32>
    %broadcast_in_dim3A_81 = vector.shape_cast %reduce_sum3A_80 : vector<512xf32> to vector<512x1xf32>
    %div3A_82 = vector.broadcast %broadcast_in_dim3A_81 : vector<512x1xf32> to vector<512x512xf32>
    %div3A_83 = arith.divf %exp3A, %div3A_82 : vector<512x512xf32>
    %dot_general3A_84 = arith.constant dense<0.000000e+00> : vector<512x16xf32>
    %dot_general3A_85 = tpu.matmul %div3A_83, %slice3A_67, %dot_general3A_84 {dimension_numbers = #tpu.dot_dimension_numbers<[1], [0], [0], [1], [0, 0, 1, 1], [], []>, transpose_lhs_hint = false} : vector<512x512xf32>, vector<512x16xf32>, vector<512x16xf32> -> vector<512x16xf32>
    %slice3A_86 = vector.extract_strided_slice %add3A_45 {offsets = [0, 16], sizes = [512, 16], strides = [1, 1]} : vector<512x128xf32> to vector<512x16xf32>
    %slice3A_87 = vector.extract_strided_slice %add3A_55 {offsets = [0, 16], sizes = [512, 16], strides = [1, 1]} : vector<512x128xf32> to vector<512x16xf32>
    %slice3A_88 = vector.extract_strided_slice %add3A_65 {offsets = [0, 16], sizes = [512, 16], strides = [1, 1]} : vector<512x128xf32> to vector<512x16xf32>
    %dot_general3A_89 = arith.constant dense<0.000000e+00> : vector<512x512xf32>
    %dot_general3A_90 = tpu.matmul %slice3A_86, %slice3A_87, %dot_general3A_89 {dimension_numbers = #tpu.dot_dimension_numbers<[1], [1], [0], [0], [0, 0, 1, 0], [], []>, transpose_lhs_hint = false} : vector<512x16xf32>, vector<512x16xf32>, vector<512x512xf32> -> vector<512x512xf32>
    %div3A_91 = arith.constant 4.000000e+00 : f32
    %div3A_92 = vector.broadcast %div3A_91 : f32 to vector<512x512xf32>
    %div3A_93 = arith.divf %dot_general3A_90, %div3A_92 : vector<512x512xf32>
    %reduce_max3A_94 = arith.constant dense<0xFF800000> : vector<512xf32>
    %reduce_max3A_95 = vector.multi_reduction <maximumf>, %div3A_93, %reduce_max3A_94 [1] : vector<512x512xf32> to vector<512xf32>
    %max3A_96 = arith.constant 0xFF800000 : f32
    %max3A_97 = vector.broadcast %max3A_96 : f32 to vector<512xf32>
    %max3A_98 = arith.maximumf %max3A_97, %reduce_max3A_95 : vector<512xf32>
    %broadcast_in_dim3A_99 = vector.shape_cast %max3A_98 : vector<512xf32> to vector<512x1xf32>
    %sub3A_100 = vector.broadcast %broadcast_in_dim3A_99 : vector<512x1xf32> to vector<512x512xf32>
    %sub3A_101 = arith.subf %div3A_93, %sub3A_100 : vector<512x512xf32>
    %exp3A_102 = math.exp %sub3A_101 : vector<512x512xf32>
    %reduce_sum3A_103 = arith.constant dense<0.000000e+00> : vector<512xf32>
    %reduce_sum3A_104 = vector.multi_reduction <add>, %exp3A_102, %reduce_sum3A_103 [1] : vector<512x512xf32> to vector<512xf32>
    %broadcast_in_dim3A_105 = vector.shape_cast %reduce_sum3A_104 : vector<512xf32> to vector<512x1xf32>
    %div3A_106 = vector.broadcast %broadcast_in_dim3A_105 : vector<512x1xf32> to vector<512x512xf32>
    %div3A_107 = arith.divf %exp3A_102, %div3A_106 : vector<512x512xf32>
    %dot_general3A_108 = arith.constant dense<0.000000e+00> : vector<512x16xf32>
    %dot_general3A_109 = tpu.matmul %div3A_107, %slice3A_88, %dot_general3A_108 {dimension_numbers = #tpu.dot_dimension_numbers<[1], [0], [0], [1], [0, 0, 1, 1], [], []>, transpose_lhs_hint = false} : vector<512x512xf32>, vector<512x16xf32>, vector<512x16xf32> -> vector<512x16xf32>
    %slice3A_110 = vector.extract_strided_slice %add3A_45 {offsets = [0, 32], sizes = [512, 16], strides = [1, 1]} : vector<512x128xf32> to vector<512x16xf32>
    %slice3A_111 = vector.extract_strided_slice %add3A_55 {offsets = [0, 32], sizes = [512, 16], strides = [1, 1]} : vector<512x128xf32> to vector<512x16xf32>
    %slice3A_112 = vector.extract_strided_slice %add3A_65 {offsets = [0, 32], sizes = [512, 16], strides = [1, 1]} : vector<512x128xf32> to vector<512x16xf32>
    %dot_general3A_113 = arith.constant dense<0.000000e+00> : vector<512x512xf32>
    %dot_general3A_114 = tpu.matmul %slice3A_110, %slice3A_111, %dot_general3A_113 {dimension_numbers = #tpu.dot_dimension_numbers<[1], [1], [0], [0], [0, 0, 1, 0], [], []>, transpose_lhs_hint = false} : vector<512x16xf32>, vector<512x16xf32>, vector<512x512xf32> -> vector<512x512xf32>
    %div3A_115 = arith.constant 4.000000e+00 : f32
    %div3A_116 = vector.broadcast %div3A_115 : f32 to vector<512x512xf32>
    %div3A_117 = arith.divf %dot_general3A_114, %div3A_116 : vector<512x512xf32>
    %reduce_max3A_118 = arith.constant dense<0xFF800000> : vector<512xf32>
    %reduce_max3A_119 = vector.multi_reduction <maximumf>, %div3A_117, %reduce_max3A_118 [1] : vector<512x512xf32> to vector<512xf32>
    %max3A_120 = arith.constant 0xFF800000 : f32
    %max3A_121 = vector.broadcast %max3A_120 : f32 to vector<512xf32>
    %max3A_122 = arith.maximumf %max3A_121, %reduce_max3A_119 : vector<512xf32>
    %broadcast_in_dim3A_123 = vector.shape_cast %max3A_122 : vector<512xf32> to vector<512x1xf32>
    %sub3A_124 = vector.broadcast %broadcast_in_dim3A_123 : vector<512x1xf32> to vector<512x512xf32>
    %sub3A_125 = arith.subf %div3A_117, %sub3A_124 : vector<512x512xf32>
    %exp3A_126 = math.exp %sub3A_125 : vector<512x512xf32>
    %reduce_sum3A_127 = arith.constant dense<0.000000e+00> : vector<512xf32>
    %reduce_sum3A_128 = vector.multi_reduction <add>, %exp3A_126, %reduce_sum3A_127 [1] : vector<512x512xf32> to vector<512xf32>
    %broadcast_in_dim3A_129 = vector.shape_cast %reduce_sum3A_128 : vector<512xf32> to vector<512x1xf32>
    %div3A_130 = vector.broadcast %broadcast_in_dim3A_129 : vector<512x1xf32> to vector<512x512xf32>
    %div3A_131 = arith.divf %exp3A_126, %div3A_130 : vector<512x512xf32>
    %dot_general3A_132 = arith.constant dense<0.000000e+00> : vector<512x16xf32>
    %dot_general3A_133 = tpu.matmul %div3A_131, %slice3A_112, %dot_general3A_132 {dimension_numbers = #tpu.dot_dimension_numbers<[1], [0], [0], [1], [0, 0, 1, 1], [], []>, transpose_lhs_hint = false} : vector<512x512xf32>, vector<512x16xf32>, vector<512x16xf32> -> vector<512x16xf32>
    %slice3A_134 = vector.extract_strided_slice %add3A_45 {offsets = [0, 48], sizes = [512, 16], strides = [1, 1]} : vector<512x128xf32> to vector<512x16xf32>
    %slice3A_135 = vector.extract_strided_slice %add3A_55 {offsets = [0, 48], sizes = [512, 16], strides = [1, 1]} : vector<512x128xf32> to vector<512x16xf32>
    %slice3A_136 = vector.extract_strided_slice %add3A_65 {offsets = [0, 48], sizes = [512, 16], strides = [1, 1]} : vector<512x128xf32> to vector<512x16xf32>
    %dot_general3A_137 = arith.constant dense<0.000000e+00> : vector<512x512xf32>
    %dot_general3A_138 = tpu.matmul %slice3A_134, %slice3A_135, %dot_general3A_137 {dimension_numbers = #tpu.dot_dimension_numbers<[1], [1], [0], [0], [0, 0, 1, 0], [], []>, transpose_lhs_hint = false} : vector<512x16xf32>, vector<512x16xf32>, vector<512x512xf32> -> vector<512x512xf32>
    %div3A_139 = arith.constant 4.000000e+00 : f32
    %div3A_140 = vector.broadcast %div3A_139 : f32 to vector<512x512xf32>
    %div3A_141 = arith.divf %dot_general3A_138, %div3A_140 : vector<512x512xf32>
    %reduce_max3A_142 = arith.constant dense<0xFF800000> : vector<512xf32>
    %reduce_max3A_143 = vector.multi_reduction <maximumf>, %div3A_141, %reduce_max3A_142 [1] : vector<512x512xf32> to vector<512xf32>
    %max3A_144 = arith.constant 0xFF800000 : f32
    %max3A_145 = vector.broadcast %max3A_144 : f32 to vector<512xf32>
    %max3A_146 = arith.maximumf %max3A_145, %reduce_max3A_143 : vector<512xf32>
    %broadcast_in_dim3A_147 = vector.shape_cast %max3A_146 : vector<512xf32> to vector<512x1xf32>
    %sub3A_148 = vector.broadcast %broadcast_in_dim3A_147 : vector<512x1xf32> to vector<512x512xf32>
    %sub3A_149 = arith.subf %div3A_141, %sub3A_148 : vector<512x512xf32>
    %exp3A_150 = math.exp %sub3A_149 : vector<512x512xf32>
    %reduce_sum3A_151 = arith.constant dense<0.000000e+00> : vector<512xf32>
    %reduce_sum3A_152 = vector.multi_reduction <add>, %exp3A_150, %reduce_sum3A_151 [1] : vector<512x512xf32> to vector<512xf32>
    %broadcast_in_dim3A_153 = vector.shape_cast %reduce_sum3A_152 : vector<512xf32> to vector<512x1xf32>
    %div3A_154 = vector.broadcast %broadcast_in_dim3A_153 : vector<512x1xf32> to vector<512x512xf32>
    %div3A_155 = arith.divf %exp3A_150, %div3A_154 : vector<512x512xf32>
    %dot_general3A_156 = arith.constant dense<0.000000e+00> : vector<512x16xf32>
    %dot_general3A_157 = tpu.matmul %div3A_155, %slice3A_136, %dot_general3A_156 {dimension_numbers = #tpu.dot_dimension_numbers<[1], [0], [0], [1], [0, 0, 1, 1], [], []>, transpose_lhs_hint = false} : vector<512x512xf32>, vector<512x16xf32>, vector<512x16xf32> -> vector<512x16xf32>
    %slice3A_158 = vector.extract_strided_slice %add3A_45 {offsets = [0, 64], sizes = [512, 16], strides = [1, 1]} : vector<512x128xf32> to vector<512x16xf32>
    %slice3A_159 = vector.extract_strided_slice %add3A_55 {offsets = [0, 64], sizes = [512, 16], strides = [1, 1]} : vector<512x128xf32> to vector<512x16xf32>
    %slice3A_160 = vector.extract_strided_slice %add3A_65 {offsets = [0, 64], sizes = [512, 16], strides = [1, 1]} : vector<512x128xf32> to vector<512x16xf32>
    %dot_general3A_161 = arith.constant dense<0.000000e+00> : vector<512x512xf32>
    %dot_general3A_162 = tpu.matmul %slice3A_158, %slice3A_159, %dot_general3A_161 {dimension_numbers = #tpu.dot_dimension_numbers<[1], [1], [0], [0], [0, 0, 1, 0], [], []>, transpose_lhs_hint = false} : vector<512x16xf32>, vector<512x16xf32>, vector<512x512xf32> -> vector<512x512xf32>
    %div3A_163 = arith.constant 4.000000e+00 : f32
    %div3A_164 = vector.broadcast %div3A_163 : f32 to vector<512x512xf32>
    %div3A_165 = arith.divf %dot_general3A_162, %div3A_164 : vector<512x512xf32>
    %reduce_max3A_166 = arith.constant dense<0xFF800000> : vector<512xf32>
    %reduce_max3A_167 = vector.multi_reduction <maximumf>, %div3A_165, %reduce_max3A_166 [1] : vector<512x512xf32> to vector<512xf32>
    %max3A_168 = arith.constant 0xFF800000 : f32
    %max3A_169 = vector.broadcast %max3A_168 : f32 to vector<512xf32>
    %max3A_170 = arith.maximumf %max3A_169, %reduce_max3A_167 : vector<512xf32>
    %broadcast_in_dim3A_171 = vector.shape_cast %max3A_170 : vector<512xf32> to vector<512x1xf32>
    %sub3A_172 = vector.broadcast %broadcast_in_dim3A_171 : vector<512x1xf32> to vector<512x512xf32>
    %sub3A_173 = arith.subf %div3A_165, %sub3A_172 : vector<512x512xf32>
    %exp3A_174 = math.exp %sub3A_173 : vector<512x512xf32>
    %reduce_sum3A_175 = arith.constant dense<0.000000e+00> : vector<512xf32>
    %reduce_sum3A_176 = vector.multi_reduction <add>, %exp3A_174, %reduce_sum3A_175 [1] : vector<512x512xf32> to vector<512xf32>
    %broadcast_in_dim3A_177 = vector.shape_cast %reduce_sum3A_176 : vector<512xf32> to vector<512x1xf32>
    %div3A_178 = vector.broadcast %broadcast_in_dim3A_177 : vector<512x1xf32> to vector<512x512xf32>
    %div3A_179 = arith.divf %exp3A_174, %div3A_178 : vector<512x512xf32>
    %dot_general3A_180 = arith.constant dense<0.000000e+00> : vector<512x16xf32>
    %dot_general3A_181 = tpu.matmul %div3A_179, %slice3A_160, %dot_general3A_180 {dimension_numbers = #tpu.dot_dimension_numbers<[1], [0], [0], [1], [0, 0, 1, 1], [], []>, transpose_lhs_hint = false} : vector<512x512xf32>, vector<512x16xf32>, vector<512x16xf32> -> vector<512x16xf32>
    %slice3A_182 = vector.extract_strided_slice %add3A_45 {offsets = [0, 80], sizes = [512, 16], strides = [1, 1]} : vector<512x128xf32> to vector<512x16xf32>
    %slice3A_183 = vector.extract_strided_slice %add3A_55 {offsets = [0, 80], sizes = [512, 16], strides = [1, 1]} : vector<512x128xf32> to vector<512x16xf32>
    %slice3A_184 = vector.extract_strided_slice %add3A_65 {offsets = [0, 80], sizes = [512, 16], strides = [1, 1]} : vector<512x128xf32> to vector<512x16xf32>
    %dot_general3A_185 = arith.constant dense<0.000000e+00> : vector<512x512xf32>
    %dot_general3A_186 = tpu.matmul %slice3A_182, %slice3A_183, %dot_general3A_185 {dimension_numbers = #tpu.dot_dimension_numbers<[1], [1], [0], [0], [0, 0, 1, 0], [], []>, transpose_lhs_hint = false} : vector<512x16xf32>, vector<512x16xf32>, vector<512x512xf32> -> vector<512x512xf32>
    %div3A_187 = arith.constant 4.000000e+00 : f32
    %div3A_188 = vector.broadcast %div3A_187 : f32 to vector<512x512xf32>
    %div3A_189 = arith.divf %dot_general3A_186, %div3A_188 : vector<512x512xf32>
    %reduce_max3A_190 = arith.constant dense<0xFF800000> : vector<512xf32>
    %reduce_max3A_191 = vector.multi_reduction <maximumf>, %div3A_189, %reduce_max3A_190 [1] : vector<512x512xf32> to vector<512xf32>
    %max3A_192 = arith.constant 0xFF800000 : f32
    %max3A_193 = vector.broadcast %max3A_192 : f32 to vector<512xf32>
    %max3A_194 = arith.maximumf %max3A_193, %reduce_max3A_191 : vector<512xf32>
    %broadcast_in_dim3A_195 = vector.shape_cast %max3A_194 : vector<512xf32> to vector<512x1xf32>
    %sub3A_196 = vector.broadcast %broadcast_in_dim3A_195 : vector<512x1xf32> to vector<512x512xf32>
    %sub3A_197 = arith.subf %div3A_189, %sub3A_196 : vector<512x512xf32>
    %exp3A_198 = math.exp %sub3A_197 : vector<512x512xf32>
    %reduce_sum3A_199 = arith.constant dense<0.000000e+00> : vector<512xf32>
    %reduce_sum3A_200 = vector.multi_reduction <add>, %exp3A_198, %reduce_sum3A_199 [1] : vector<512x512xf32> to vector<512xf32>
    %broadcast_in_dim3A_201 = vector.shape_cast %reduce_sum3A_200 : vector<512xf32> to vector<512x1xf32>
    %div3A_202 = vector.broadcast %broadcast_in_dim3A_201 : vector<512x1xf32> to vector<512x512xf32>
    %div3A_203 = arith.divf %exp3A_198, %div3A_202 : vector<512x512xf32>
    %dot_general3A_204 = arith.constant dense<0.000000e+00> : vector<512x16xf32>
    %dot_general3A_205 = tpu.matmul %div3A_203, %slice3A_184, %dot_general3A_204 {dimension_numbers = #tpu.dot_dimension_numbers<[1], [0], [0], [1], [0, 0, 1, 1], [], []>, transpose_lhs_hint = false} : vector<512x512xf32>, vector<512x16xf32>, vector<512x16xf32> -> vector<512x16xf32>
    %slice3A_206 = vector.extract_strided_slice %add3A_45 {offsets = [0, 96], sizes = [512, 16], strides = [1, 1]} : vector<512x128xf32> to vector<512x16xf32>
    %slice3A_207 = vector.extract_strided_slice %add3A_55 {offsets = [0, 96], sizes = [512, 16], strides = [1, 1]} : vector<512x128xf32> to vector<512x16xf32>
    %slice3A_208 = vector.extract_strided_slice %add3A_65 {offsets = [0, 96], sizes = [512, 16], strides = [1, 1]} : vector<512x128xf32> to vector<512x16xf32>
    %dot_general3A_209 = arith.constant dense<0.000000e+00> : vector<512x512xf32>
    %dot_general3A_210 = tpu.matmul %slice3A_206, %slice3A_207, %dot_general3A_209 {dimension_numbers = #tpu.dot_dimension_numbers<[1], [1], [0], [0], [0, 0, 1, 0], [], []>, transpose_lhs_hint = false} : vector<512x16xf32>, vector<512x16xf32>, vector<512x512xf32> -> vector<512x512xf32>
    %div3A_211 = arith.constant 4.000000e+00 : f32
    %div3A_212 = vector.broadcast %div3A_211 : f32 to vector<512x512xf32>
    %div3A_213 = arith.divf %dot_general3A_210, %div3A_212 : vector<512x512xf32>
    %reduce_max3A_214 = arith.constant dense<0xFF800000> : vector<512xf32>
    %reduce_max3A_215 = vector.multi_reduction <maximumf>, %div3A_213, %reduce_max3A_214 [1] : vector<512x512xf32> to vector<512xf32>
    %max3A_216 = arith.constant 0xFF800000 : f32
    %max3A_217 = vector.broadcast %max3A_216 : f32 to vector<512xf32>
    %max3A_218 = arith.maximumf %max3A_217, %reduce_max3A_215 : vector<512xf32>
    %broadcast_in_dim3A_219 = vector.shape_cast %max3A_218 : vector<512xf32> to vector<512x1xf32>
    %sub3A_220 = vector.broadcast %broadcast_in_dim3A_219 : vector<512x1xf32> to vector<512x512xf32>
    %sub3A_221 = arith.subf %div3A_213, %sub3A_220 : vector<512x512xf32>
    %exp3A_222 = math.exp %sub3A_221 : vector<512x512xf32>
    %reduce_sum3A_223 = arith.constant dense<0.000000e+00> : vector<512xf32>
    %reduce_sum3A_224 = vector.multi_reduction <add>, %exp3A_222, %reduce_sum3A_223 [1] : vector<512x512xf32> to vector<512xf32>
    %broadcast_in_dim3A_225 = vector.shape_cast %reduce_sum3A_224 : vector<512xf32> to vector<512x1xf32>
    %div3A_226 = vector.broadcast %broadcast_in_dim3A_225 : vector<512x1xf32> to vector<512x512xf32>
    %div3A_227 = arith.divf %exp3A_222, %div3A_226 : vector<512x512xf32>
    %dot_general3A_228 = arith.constant dense<0.000000e+00> : vector<512x16xf32>
    %dot_general3A_229 = tpu.matmul %div3A_227, %slice3A_208, %dot_general3A_228 {dimension_numbers = #tpu.dot_dimension_numbers<[1], [0], [0], [1], [0, 0, 1, 1], [], []>, transpose_lhs_hint = false} : vector<512x512xf32>, vector<512x16xf32>, vector<512x16xf32> -> vector<512x16xf32>
    %slice3A_230 = vector.extract_strided_slice %add3A_45 {offsets = [0, 112], sizes = [512, 16], strides = [1, 1]} : vector<512x128xf32> to vector<512x16xf32>
    %slice3A_231 = vector.extract_strided_slice %add3A_55 {offsets = [0, 112], sizes = [512, 16], strides = [1, 1]} : vector<512x128xf32> to vector<512x16xf32>
    %slice3A_232 = vector.extract_strided_slice %add3A_65 {offsets = [0, 112], sizes = [512, 16], strides = [1, 1]} : vector<512x128xf32> to vector<512x16xf32>
    %dot_general3A_233 = arith.constant dense<0.000000e+00> : vector<512x512xf32>
    %dot_general3A_234 = tpu.matmul %slice3A_230, %slice3A_231, %dot_general3A_233 {dimension_numbers = #tpu.dot_dimension_numbers<[1], [1], [0], [0], [0, 0, 1, 0], [], []>, transpose_lhs_hint = false} : vector<512x16xf32>, vector<512x16xf32>, vector<512x512xf32> -> vector<512x512xf32>
    %div3A_235 = arith.constant 4.000000e+00 : f32
    %div3A_236 = vector.broadcast %div3A_235 : f32 to vector<512x512xf32>
    %div3A_237 = arith.divf %dot_general3A_234, %div3A_236 : vector<512x512xf32>
    %reduce_max3A_238 = arith.constant dense<0xFF800000> : vector<512xf32>
    %reduce_max3A_239 = vector.multi_reduction <maximumf>, %div3A_237, %reduce_max3A_238 [1] : vector<512x512xf32> to vector<512xf32>
    %max3A_240 = arith.constant 0xFF800000 : f32
    %max3A_241 = vector.broadcast %max3A_240 : f32 to vector<512xf32>
    %max3A_242 = arith.maximumf %max3A_241, %reduce_max3A_239 : vector<512xf32>
    %broadcast_in_dim3A_243 = vector.shape_cast %max3A_242 : vector<512xf32> to vector<512x1xf32>
    %sub3A_244 = vector.broadcast %broadcast_in_dim3A_243 : vector<512x1xf32> to vector<512x512xf32>
    %sub3A_245 = arith.subf %div3A_237, %sub3A_244 : vector<512x512xf32>
    %exp3A_246 = math.exp %sub3A_245 : vector<512x512xf32>
    %reduce_sum3A_247 = arith.constant dense<0.000000e+00> : vector<512xf32>
    %reduce_sum3A_248 = vector.multi_reduction <add>, %exp3A_246, %reduce_sum3A_247 [1] : vector<512x512xf32> to vector<512xf32>
    %broadcast_in_dim3A_249 = vector.shape_cast %reduce_sum3A_248 : vector<512xf32> to vector<512x1xf32>
    %div3A_250 = vector.broadcast %broadcast_in_dim3A_249 : vector<512x1xf32> to vector<512x512xf32>
    %div3A_251 = arith.divf %exp3A_246, %div3A_250 : vector<512x512xf32>
    %dot_general3A_252 = arith.constant dense<0.000000e+00> : vector<512x16xf32>
    %dot_general3A_253 = tpu.matmul %div3A_251, %slice3A_232, %dot_general3A_252 {dimension_numbers = #tpu.dot_dimension_numbers<[1], [0], [0], [1], [0, 0, 1, 1], [], []>, transpose_lhs_hint = false} : vector<512x512xf32>, vector<512x16xf32>, vector<512x16xf32> -> vector<512x16xf32>
    %concatenate3A = tpu.concatenate %dot_general3A_85, %dot_general3A_109, %dot_general3A_133, %dot_general3A_157, %dot_general3A_181, %dot_general3A_205, %dot_general3A_229, %dot_general3A_253 in 1 : vector<512x16xf32>, vector<512x16xf32>, vector<512x16xf32>, vector<512x16xf32>, vector<512x16xf32>, vector<512x16xf32>, vector<512x16xf32>, vector<512x16xf32> -> vector<512x128xf32>
    %get3A_254 = arith.constant 0 : index
    %get3A_255 = arith.constant 0 : index
    %get3A_256 = vector.load %arg9[%get3A_254, %get3A_255] : memref<128x128xf32, #tpu.memory_space<vmem>>, vector<128x128xf32>
    %dot_general3A_257 = arith.constant dense<0.000000e+00> : vector<512x128xf32>
    %dot_general3A_258 = tpu.matmul %concatenate3A, %get3A_256, %dot_general3A_257 {dimension_numbers = #tpu.dot_dimension_numbers<[1], [0], [0], [1], [0, 0, 1, 1], [], []>, transpose_lhs_hint = false} : vector<512x128xf32>, vector<128x128xf32>, vector<512x128xf32> -> vector<512x128xf32>
    %get3A_259 = arith.constant 0 : index
    %get3A_260 = arith.constant 0 : index
    %get3A_261 = vector.load %arg10[%get3A_259, %get3A_260] : memref<1x128xf32, #tpu.memory_space<vmem>>, vector<1x128xf32>
    %add3A_262 = vector.broadcast %get3A_261 : vector<1x128xf32> to vector<512x128xf32>
    %add3A_263 = arith.addf %dot_general3A_258, %add3A_262 : vector<512x128xf32>
    %swap3A = arith.constant 0 : index
    %swap3A_264 = arith.constant 0 : index
    %swap3A_265 = vector.load %arg12[%swap3A, %swap3A_264] : memref<512x128xf32, #tpu.memory_space<vmem>>, vector<512x128xf32>
    tpu.vector_store %arg12[%swap3A, %swap3A_264], %add3A_263 {strides = array<i32>} : memref<512x128xf32, #tpu.memory_space<vmem>>, vector<512x128xf32>,
    %get3A_266 = arith.constant 0 : index
    %get3A_267 = arith.constant 0 : index
    %get3A_268 = vector.load %arg11[%get3A_266, %get3A_267] : memref<128x128xf32, #tpu.memory_space<vmem>>, vector<128x128xf32>
    %dot_general3A_269 = arith.constant dense<0.000000e+00> : vector<512x128xf32>
    %dot_general3A_270 = tpu.matmul %add3A_263, %get3A_268, %dot_general3A_269 {dimension_numbers = #tpu.dot_dimension_numbers<[1], [0], [0], [1], [0, 0, 1, 1], [], []>, transpose_lhs_hint = false} : vector<512x128xf32>, vector<128x128xf32>, vector<512x128xf32> -> vector<512x128xf32>
    %swap3A_271 = arith.constant 0 : index
    %swap3A_272 = arith.constant 0 : index
    %swap3A_273 = vector.load %arg13[%swap3A_271, %swap3A_272] : memref<512x128xf32, #tpu.memory_space<vmem>>, vector<512x128xf32>
    tpu.vector_store %arg13[%swap3A_271, %swap3A_272], %dot_general3A_270 {strides = array<i32>} : memref<512x128xf32, #tpu.memory_space<vmem>>, vector<512x128xf32>,
    return
  }
}

module attributes {stable_mosaic.version = 14 : i64} {
  func.func @_post_body(%arg0: i32, %arg1: memref<2x2000x128xf32, #tpu.memory_space<vmem>>, %arg2: memref<128x128xf32, #tpu.memory_space<vmem>>, %arg3: memref<1x128xf32, #tpu.memory_space<vmem>>, %arg4: memref<128x128xf32, #tpu.memory_space<vmem>>, %arg5: memref<1x128xf32, #tpu.memory_space<vmem>>, %arg6: memref<128x128xf32, #tpu.memory_space<vmem>>, %arg7: memref<2000x128xf32, #tpu.memory_space<vmem>>, %arg8: memref<2000x128xf32, #tpu.memory_space<vmem>>) attributes {dimension_semantics = [#tpu.dimension_semantics<arbitrary>], iteration_bounds = array<i64: 5>, scalar_prefetch = 0 : i64, scratch_operands = 0 : i64, tpu.core_type = #tpu.core_type<tc>, window_params = [{transform_indices = @transform_0, window_bounds = array<i64: 2, 2000, 128>}, {pipeline_mode = #tpu.pipeline_mode<synchronous>, transform_indices = @transform_1, window_bounds = array<i64: 128, 128>}, {pipeline_mode = #tpu.pipeline_mode<synchronous>, transform_indices = @transform_2, window_bounds = array<i64: 1, 128>}, {pipeline_mode = #tpu.pipeline_mode<synchronous>, transform_indices = @transform_3, window_bounds = array<i64: 128, 128>}, {pipeline_mode = #tpu.pipeline_mode<synchronous>, transform_indices = @transform_4, window_bounds = array<i64: 1, 128>}, {pipeline_mode = #tpu.pipeline_mode<synchronous>, transform_indices = @transform_5, window_bounds = array<i64: 128, 128>}, {transform_indices = @transform_6, window_bounds = array<i64: 2000, 128>}, {transform_indices = @transform_7, window_bounds = array<i64: 2000, 128>}]} {
    %get3A = arith.constant 0 : index
    %get3A_0 = arith.constant 0 : index
    %get3A_1 = arith.constant 0 : index
    %get3A_2 = vector.load %arg1[%get3A, %get3A_0, %get3A_1] : memref<2x2000x128xf32, #tpu.memory_space<vmem>>, vector<1x2000x128xf32>
    %get3A_3 = vector.shape_cast %get3A_2 : vector<1x2000x128xf32> to vector<2000x128xf32>
    %get3A_4 = arith.constant 1 : index
    %get3A_5 = arith.constant 0 : index
    %get3A_6 = arith.constant 0 : index
    %get3A_7 = vector.load %arg1[%get3A_4, %get3A_5, %get3A_6] : memref<2x2000x128xf32, #tpu.memory_space<vmem>>, vector<1x2000x128xf32>
    %get3A_8 = vector.shape_cast %get3A_7 : vector<1x2000x128xf32> to vector<2000x128xf32>
    %add3A = arith.addf %get3A_3, %get3A_8 : vector<2000x128xf32>
    %get3A_9 = arith.constant 0 : index
    %get3A_10 = arith.constant 0 : index
    %get3A_11 = vector.load %arg2[%get3A_9, %get3A_10] : memref<128x128xf32, #tpu.memory_space<vmem>>, vector<128x128xf32>
    %dot_general3A = arith.constant dense<0.000000e+00> : vector<2000x128xf32>
    %dot_general3A_12 = tpu.matmul %add3A, %get3A_11, %dot_general3A {dimension_numbers = #tpu.dot_dimension_numbers<[1], [0], [0], [1], [0, 0, 1, 1], [], []>, transpose_lhs_hint = false} : vector<2000x128xf32>, vector<128x128xf32>, vector<2000x128xf32> -> vector<2000x128xf32>
    %get3A_13 = arith.constant 0 : index
    %get3A_14 = arith.constant 0 : index
    %get3A_15 = vector.load %arg3[%get3A_13, %get3A_14] : memref<1x128xf32, #tpu.memory_space<vmem>>, vector<1x128xf32>
    %add3A_16 = vector.broadcast %get3A_15 : vector<1x128xf32> to vector<2000x128xf32>
    %add3A_17 = arith.addf %dot_general3A_12, %add3A_16 : vector<2000x128xf32>
    %custom_jvp_call3A = arith.constant 0.000000e+00 : f32
    %max3A = vector.broadcast %custom_jvp_call3A : f32 to vector<2000x128xf32>
    %max3A_18 = arith.maximumf %add3A_17, %max3A : vector<2000x128xf32>
    %sub3A = vector.broadcast %custom_jvp_call3A : f32 to vector<2000x128xf32>
    %sub3A_19 = arith.subf %add3A_17, %sub3A : vector<2000x128xf32>
    %ne3A = arith.cmpf one, %sub3A_19, %sub3A_19 : vector<2000x128xf32>
    %add3A_20 = vector.broadcast %custom_jvp_call3A : f32 to vector<2000x128xf32>
    %add3A_21 = arith.addf %add3A_17, %add3A_20 : vector<2000x128xf32>
    %abs3A = math.absf %sub3A_19 : vector<2000x128xf32>
    %neg3A = arith.constant 0.000000e+00 : f32
    %neg3A_22 = vector.broadcast %neg3A : f32 to vector<2000x128xf32>
    %neg3A_23 = arith.subf %neg3A_22, %abs3A : vector<2000x128xf32>
    %exp3A = math.exp %neg3A_23 : vector<2000x128xf32>
    %log1p3A = math.log1p %exp3A : vector<2000x128xf32>
    %add3A_24 = arith.addf %max3A_18, %log1p3A : vector<2000x128xf32>
    %select_n3A = arith.select %ne3A, %add3A_21, %add3A_24 : vector<2000x128xi1>, vector<2000x128xf32>
    %log3A = arith.constant 2.000000e+00 : f32
    %log3A_25 = math.log %log3A : f32
    %sub3A_26 = vector.broadcast %log3A_25 : f32 to vector<2000x128xf32>
    %sub3A_27 = arith.subf %select_n3A, %sub3A_26 : vector<2000x128xf32>
    %get3A_28 = arith.constant 0 : index
    %get3A_29 = arith.constant 0 : index
    %get3A_30 = vector.load %arg4[%get3A_28, %get3A_29] : memref<128x128xf32, #tpu.memory_space<vmem>>, vector<128x128xf32>
    %dot_general3A_31 = arith.constant dense<0.000000e+00> : vector<2000x128xf32>
    %dot_general3A_32 = tpu.matmul %sub3A_27, %get3A_30, %dot_general3A_31 {dimension_numbers = #tpu.dot_dimension_numbers<[1], [0], [0], [1], [0, 0, 1, 1], [], []>, transpose_lhs_hint = false} : vector<2000x128xf32>, vector<128x128xf32>, vector<2000x128xf32> -> vector<2000x128xf32>
    %get3A_33 = arith.constant 0 : index
    %get3A_34 = arith.constant 0 : index
    %get3A_35 = vector.load %arg5[%get3A_33, %get3A_34] : memref<1x128xf32, #tpu.memory_space<vmem>>, vector<1x128xf32>
    %add3A_36 = vector.broadcast %get3A_35 : vector<1x128xf32> to vector<2000x128xf32>
    %add3A_37 = arith.addf %dot_general3A_32, %add3A_36 : vector<2000x128xf32>
    %swap3A = arith.constant 0 : index
    %swap3A_38 = arith.constant 0 : index
    %swap3A_39 = vector.load %arg7[%swap3A, %swap3A_38] : memref<2000x128xf32, #tpu.memory_space<vmem>>, vector<2000x128xf32>
    tpu.vector_store %arg7[%swap3A, %swap3A_38], %add3A_37 {strides = array<i32>} : memref<2000x128xf32, #tpu.memory_space<vmem>>, vector<2000x128xf32>,
    %get3A_40 = arith.constant 0 : index
    %get3A_41 = arith.constant 0 : index
    %get3A_42 = vector.load %arg6[%get3A_40, %get3A_41] : memref<128x128xf32, #tpu.memory_space<vmem>>, vector<128x128xf32>
    %dot_general3A_43 = arith.constant dense<0.000000e+00> : vector<2000x128xf32>
    %dot_general3A_44 = tpu.matmul %add3A_37, %get3A_42, %dot_general3A_43 {dimension_numbers = #tpu.dot_dimension_numbers<[1], [0], [0], [1], [0, 0, 1, 1], [], []>, transpose_lhs_hint = false} : vector<2000x128xf32>, vector<128x128xf32>, vector<2000x128xf32> -> vector<2000x128xf32>
    %swap3A_45 = arith.constant 0 : index
    %swap3A_46 = arith.constant 0 : index
    %swap3A_47 = vector.load %arg8[%swap3A_45, %swap3A_46] : memref<2000x128xf32, #tpu.memory_space<vmem>>, vector<2000x128xf32>
    tpu.vector_store %arg8[%swap3A_45, %swap3A_46], %dot_general3A_44 {strides = array<i32>} : memref<2000x128xf32, #tpu.memory_space<vmem>>, vector<2000x128xf32>,
    return
  }
  func.func @transform_0(%arg0: i32) -> (i32, i32, i32) {
    %c0_i32 = arith.constant 0 : i32
    %c0_i32_0 = arith.constant 0 : i32
    %c0_i32_1 = arith.constant 0 : i32
    return %c0_i32, %arg0, %c0_i32_0 : i32, i32, i32
  }
  func.func @transform_1(%arg0: i32) -> (i32, i32) {
    %c0_i32 = arith.constant 0 : i32
    %c0_i32_0 = arith.constant 0 : i32
    %c0_i32_1 = arith.constant 0 : i32
    return %c0_i32, %c0_i32_0 : i32, i32
  }
  func.func @transform_2(%arg0: i32) -> (i32, i32) {
    %c0_i32 = arith.constant 0 : i32
    %c0_i32_0 = arith.constant 0 : i32
    %c0_i32_1 = arith.constant 0 : i32
    return %c0_i32, %c0_i32_0 : i32, i32
  }
  func.func @transform_3(%arg0: i32) -> (i32, i32) {
    %c0_i32 = arith.constant 0 : i32
    %c0_i32_0 = arith.constant 0 : i32
    %c0_i32_1 = arith.constant 0 : i32
    return %c0_i32, %c0_i32_0 : i32, i32
  }
  func.func @transform_4(%arg0: i32) -> (i32, i32) {
    %c0_i32 = arith.constant 0 : i32
    %c0_i32_0 = arith.constant 0 : i32
    %c0_i32_1 = arith.constant 0 : i32
    return %c0_i32, %c0_i32_0 : i32, i32
  }
  func.func @transform_5(%arg0: i32) -> (i32, i32) {
    %c0_i32 = arith.constant 0 : i32
    %c0_i32_0 = arith.constant 0 : i32
    %c0_i32_1 = arith.constant 0 : i32
    return %c0_i32, %c0_i32_0 : i32, i32
  }
  func.func @transform_6(%arg0: i32) -> (i32, i32) {
    %c0_i32 = arith.constant 0 : i32
    %c0_i32_0 = arith.constant 0 : i32
    return %arg0, %c0_i32 : i32, i32
  }
  func.func @transform_7(%arg0: i32) -> (i32, i32) {
    %c0_i32 = arith.constant 0 : i32
    %c0_i32_0 = arith.constant 0 : i32
    return %arg0, %c0_i32 : i32, i32
  }
}

module attributes {stable_mosaic.version = 14 : i64} {
  func.func @_filter_body(%arg0: i32, %arg1: memref<1000x50xf32, #tpu.memory_space<vmem>>, %arg2: memref<1000x1xf32, #tpu.memory_space<vmem>>, %arg3: memref<1000x128xf32, #tpu.memory_space<vmem>>, %arg4: memref<50x128xf32, #tpu.memory_space<vmem>>, %arg5: memref<1x128xf32, #tpu.memory_space<vmem>>, %arg6: memref<128x128xf32, #tpu.memory_space<vmem>>, %arg7: memref<1x128xf32, #tpu.memory_space<vmem>>, %arg8: memref<1000x128xf32, #tpu.memory_space<vmem>>) attributes {dimension_semantics = [#tpu.dimension_semantics<arbitrary>], iteration_bounds = array<i64: 80>, scalar_prefetch = 0 : i64, scratch_operands = 0 : i64, tpu.core_type = #tpu.core_type<tc>, window_params = [{transform_indices = @transform_0, window_bounds = array<i64: 1000, 50>}, {transform_indices = @transform_1, window_bounds = array<i64: 1000, 1>}, {transform_indices = @transform_2, window_bounds = array<i64: 1000, 128>}, {pipeline_mode = #tpu.pipeline_mode<synchronous>, transform_indices = @transform_3, window_bounds = array<i64: 50, 128>}, {pipeline_mode = #tpu.pipeline_mode<synchronous>, transform_indices = @transform_4, window_bounds = array<i64: 1, 128>}, {pipeline_mode = #tpu.pipeline_mode<synchronous>, transform_indices = @transform_5, window_bounds = array<i64: 128, 128>}, {pipeline_mode = #tpu.pipeline_mode<synchronous>, transform_indices = @transform_6, window_bounds = array<i64: 1, 128>}, {transform_indices = @transform_7, window_bounds = array<i64: 1000, 128>}]} {
    %get3A = arith.constant 0 : index
    %get3A_0 = arith.constant 0 : index
    %get3A_1 = vector.load %arg1[%get3A, %get3A_0] : memref<1000x50xf32, #tpu.memory_space<vmem>>, vector<1000x50xf32>
    %get3A_2 = arith.constant 0 : index
    %get3A_3 = arith.constant 0 : index
    %get3A_4 = vector.load %arg4[%get3A_2, %get3A_3] : memref<50x128xf32, #tpu.memory_space<vmem>>, vector<50x128xf32>
    %dot_general3A = arith.constant dense<0.000000e+00> : vector<1000x128xf32>
    %dot_general3A_5 = tpu.matmul %get3A_1, %get3A_4, %dot_general3A {dimension_numbers = #tpu.dot_dimension_numbers<[1], [0], [0], [1], [0, 0, 1, 1], [], []>, transpose_lhs_hint = false} : vector<1000x50xf32>, vector<50x128xf32>, vector<1000x128xf32> -> vector<1000x128xf32>
    %get3A_6 = arith.constant 0 : index
    %get3A_7 = arith.constant 0 : index
    %get3A_8 = vector.load %arg5[%get3A_6, %get3A_7] : memref<1x128xf32, #tpu.memory_space<vmem>>, vector<1x128xf32>
    %add3A = vector.broadcast %get3A_8 : vector<1x128xf32> to vector<1000x128xf32>
    %add3A_9 = arith.addf %dot_general3A_5, %add3A : vector<1000x128xf32>
    %custom_jvp_call3A = arith.constant 0.000000e+00 : f32
    %max3A = vector.broadcast %custom_jvp_call3A : f32 to vector<1000x128xf32>
    %max3A_10 = arith.maximumf %add3A_9, %max3A : vector<1000x128xf32>
    %sub3A = vector.broadcast %custom_jvp_call3A : f32 to vector<1000x128xf32>
    %sub3A_11 = arith.subf %add3A_9, %sub3A : vector<1000x128xf32>
    %ne3A = arith.cmpf one, %sub3A_11, %sub3A_11 : vector<1000x128xf32>
    %add3A_12 = vector.broadcast %custom_jvp_call3A : f32 to vector<1000x128xf32>
    %add3A_13 = arith.addf %add3A_9, %add3A_12 : vector<1000x128xf32>
    %abs3A = math.absf %sub3A_11 : vector<1000x128xf32>
    %neg3A = arith.constant 0.000000e+00 : f32
    %neg3A_14 = vector.broadcast %neg3A : f32 to vector<1000x128xf32>
    %neg3A_15 = arith.subf %neg3A_14, %abs3A : vector<1000x128xf32>
    %exp3A = math.exp %neg3A_15 : vector<1000x128xf32>
    %log1p3A = math.log1p %exp3A : vector<1000x128xf32>
    %add3A_16 = arith.addf %max3A_10, %log1p3A : vector<1000x128xf32>
    %select_n3A = arith.select %ne3A, %add3A_13, %add3A_16 : vector<1000x128xi1>, vector<1000x128xf32>
    %log3A = arith.constant 2.000000e+00 : f32
    %log3A_17 = math.log %log3A : f32
    %sub3A_18 = vector.broadcast %log3A_17 : f32 to vector<1000x128xf32>
    %sub3A_19 = arith.subf %select_n3A, %sub3A_18 : vector<1000x128xf32>
    %get3A_20 = arith.constant 0 : index
    %get3A_21 = arith.constant 0 : index
    %get3A_22 = vector.load %arg6[%get3A_20, %get3A_21] : memref<128x128xf32, #tpu.memory_space<vmem>>, vector<128x128xf32>
    %dot_general3A_23 = arith.constant dense<0.000000e+00> : vector<1000x128xf32>
    %dot_general3A_24 = tpu.matmul %sub3A_19, %get3A_22, %dot_general3A_23 {dimension_numbers = #tpu.dot_dimension_numbers<[1], [0], [0], [1], [0, 0, 1, 1], [], []>, transpose_lhs_hint = false} : vector<1000x128xf32>, vector<128x128xf32>, vector<1000x128xf32> -> vector<1000x128xf32>
    %get3A_25 = arith.constant 0 : index
    %get3A_26 = arith.constant 0 : index
    %get3A_27 = vector.load %arg7[%get3A_25, %get3A_26] : memref<1x128xf32, #tpu.memory_space<vmem>>, vector<1x128xf32>
    %add3A_28 = vector.broadcast %get3A_27 : vector<1x128xf32> to vector<1000x128xf32>
    %add3A_29 = arith.addf %dot_general3A_24, %add3A_28 : vector<1000x128xf32>
    %get3A_30 = arith.constant 0 : index
    %get3A_31 = arith.constant 0 : index
    %get3A_32 = vector.load %arg2[%get3A_30, %get3A_31] : memref<1000x1xf32, #tpu.memory_space<vmem>>, vector<1000x1xf32>
    %mul3A = arith.constant 0.392699093 : f32
    %mul3A_33 = vector.broadcast %mul3A : f32 to vector<1000x1xf32>
    %mul3A_34 = arith.mulf %get3A_32, %mul3A_33 : vector<1000x1xf32>
    %cos3A = math.cos %mul3A_34 : vector<1000x1xf32>
    %add3A_35 = arith.constant 1.000000e+00 : f32
    %add3A_36 = vector.broadcast %add3A_35 : f32 to vector<1000x1xf32>
    %add3A_37 = arith.addf %cos3A, %add3A_36 : vector<1000x1xf32>
    %mul3A_38 = arith.constant 5.000000e-01 : f32
    %mul3A_39 = vector.broadcast %mul3A_38 : f32 to vector<1000x1xf32>
    %mul3A_40 = arith.mulf %mul3A_39, %add3A_37 : vector<1000x1xf32>
    %le3A = arith.constant 8.000000e+00 : f32
    %le3A_41 = vector.broadcast %le3A : f32 to vector<1000x1xf32>
    %le3A_42 = arith.cmpf ole, %get3A_32, %le3A_41 : vector<1000x1xf32>
    %jit3A = arith.constant 0.000000e+00 : f32
    %broadcast_in_dim3A = vector.broadcast %jit3A : f32 to vector<1000x1xf32>
    %select_n3A_43 = arith.select %le3A_42, %mul3A_40, %broadcast_in_dim3A : vector<1000x1xi1>, vector<1000x1xf32>
    %mul3A_44 = vector.broadcast %select_n3A_43 : vector<1000x1xf32> to vector<1000x128xf32>
    %mul3A_45 = arith.mulf %add3A_29, %mul3A_44 : vector<1000x128xf32>
    %get3A_46 = arith.constant 0 : index
    %get3A_47 = arith.constant 0 : index
    %get3A_48 = vector.load %arg3[%get3A_46, %get3A_47] : memref<1000x128xf32, #tpu.memory_space<vmem>>, vector<1000x128xf32>
    %mul3A_49 = arith.mulf %mul3A_45, %get3A_48 : vector<1000x128xf32>
    %swap3A = arith.constant 0 : index
    %swap3A_50 = arith.constant 0 : index
    %swap3A_51 = vector.load %arg8[%swap3A, %swap3A_50] : memref<1000x128xf32, #tpu.memory_space<vmem>>, vector<1000x128xf32>
    tpu.vector_store %arg8[%swap3A, %swap3A_50], %mul3A_49 {strides = array<i32>} : memref<1000x128xf32, #tpu.memory_space<vmem>>, vector<1000x128xf32>,
    return
  }
  func.func @transform_0(%arg0: i32) -> (i32, i32) {
    %c0_i32 = arith.constant 0 : i32
    %c0_i32_0 = arith.constant 0 : i32
    return %arg0, %c0_i32 : i32, i32
  }
  func.func @transform_1(%arg0: i32) -> (i32, i32) {
    %c0_i32 = arith.constant 0 : i32
    %c0_i32_0 = arith.constant 0 : i32
    return %arg0, %c0_i32 : i32, i32
  }
  func.func @transform_2(%arg0: i32) -> (i32, i32) {
    %c0_i32 = arith.constant 0 : i32
    %c0_i32_0 = arith.constant 0 : i32
    return %arg0, %c0_i32 : i32, i32
  }
  func.func @transform_3(%arg0: i32) -> (i32, i32) {
    %c0_i32 = arith.constant 0 : i32
    %c0_i32_0 = arith.constant 0 : i32
    %c0_i32_1 = arith.constant 0 : i32
    return %c0_i32, %c0_i32_0 : i32, i32
  }
  func.func @transform_4(%arg0: i32) -> (i32, i32) {
    %c0_i32 = arith.constant 0 : i32
    %c0_i32_0 = arith.constant 0 : i32
    %c0_i32_1 = arith.constant 0 : i32
    return %c0_i32, %c0_i32_0 : i32, i32
  }
  func.func @transform_5(%arg0: i32) -> (i32, i32) {
    %c0_i32 = arith.constant 0 : i32
    %c0_i32_0 = arith.constant 0 : i32
    %c0_i32_1 = arith.constant 0 : i32
    return %c0_i32, %c0_i32_0 : i32, i32
  }
  func.func @transform_6(%arg0: i32) -> (i32, i32) {
    %c0_i32 = arith.constant 0 : i32
    %c0_i32_0 = arith.constant 0 : i32
    %c0_i32_1 = arith.constant 0 : i32
    return %c0_i32, %c0_i32_0 : i32, i32
  }
  func.func @transform_7(%arg0: i32) -> (i32, i32) {
    %c0_i32 = arith.constant 0 : i32
    %c0_i32_0 = arith.constant 0 : i32
    return %arg0, %c0_i32 : i32, i32
  }
}

module attributes {stable_mosaic.version = 14 : i64} {
  func.func @_post_body(%arg0: i32, %arg1: memref<2x2000x128xf32, #tpu.memory_space<vmem>>, %arg2: memref<128x128xf32, #tpu.memory_space<vmem>>, %arg3: memref<1x128xf32, #tpu.memory_space<vmem>>, %arg4: memref<128x128xf32, #tpu.memory_space<vmem>>, %arg5: memref<1x128xf32, #tpu.memory_space<vmem>>, %arg6: memref<1x128xf32, #tpu.memory_space<vmem>>, %arg7: memref<1x128xf32, #tpu.memory_space<vmem>>, %arg8: memref<2000x128xf32, #tpu.memory_space<vmem>>, %arg9: memref<2000x128xf32, #tpu.memory_space<vmem>>, %arg10: memref<2000x128xf32, #tpu.memory_space<vmem>>) attributes {dimension_semantics = [#tpu.dimension_semantics<arbitrary>], iteration_bounds = array<i64: 5>, scalar_prefetch = 0 : i64, scratch_operands = 0 : i64, tpu.core_type = #tpu.core_type<tc>, window_params = [{transform_indices = @transform_0, window_bounds = array<i64: 2, 2000, 128>}, {pipeline_mode = #tpu.pipeline_mode<synchronous>, transform_indices = @transform_1, window_bounds = array<i64: 128, 128>}, {pipeline_mode = #tpu.pipeline_mode<synchronous>, transform_indices = @transform_2, window_bounds = array<i64: 1, 128>}, {pipeline_mode = #tpu.pipeline_mode<synchronous>, transform_indices = @transform_3, window_bounds = array<i64: 128, 128>}, {pipeline_mode = #tpu.pipeline_mode<synchronous>, transform_indices = @transform_4, window_bounds = array<i64: 1, 128>}, {pipeline_mode = #tpu.pipeline_mode<synchronous>, transform_indices = @transform_5, window_bounds = array<i64: 1, 128>}, {pipeline_mode = #tpu.pipeline_mode<synchronous>, transform_indices = @transform_6, window_bounds = array<i64: 1, 128>}, {transform_indices = @transform_7, window_bounds = array<i64: 2000, 128>}, {transform_indices = @transform_8, window_bounds = array<i64: 2000, 128>}, {transform_indices = @transform_9, window_bounds = array<i64: 2000, 128>}]} {
    %get3A = arith.constant 0 : index
    %get3A_0 = arith.constant 0 : index
    %get3A_1 = arith.constant 0 : index
    %get3A_2 = vector.load %arg1[%get3A, %get3A_0, %get3A_1] : memref<2x2000x128xf32, #tpu.memory_space<vmem>>, vector<1x2000x128xf32>
    %get3A_3 = vector.shape_cast %get3A_2 : vector<1x2000x128xf32> to vector<2000x128xf32>
    %get3A_4 = arith.constant 1 : index
    %get3A_5 = arith.constant 0 : index
    %get3A_6 = arith.constant 0 : index
    %get3A_7 = vector.load %arg1[%get3A_4, %get3A_5, %get3A_6] : memref<2x2000x128xf32, #tpu.memory_space<vmem>>, vector<1x2000x128xf32>
    %get3A_8 = vector.shape_cast %get3A_7 : vector<1x2000x128xf32> to vector<2000x128xf32>
    %add3A = arith.addf %get3A_3, %get3A_8 : vector<2000x128xf32>
    %get3A_9 = arith.constant 0 : index
    %get3A_10 = arith.constant 0 : index
    %get3A_11 = vector.load %arg2[%get3A_9, %get3A_10] : memref<128x128xf32, #tpu.memory_space<vmem>>, vector<128x128xf32>
    %dot_general3A = arith.constant dense<0.000000e+00> : vector<2000x128xf32>
    %dot_general3A_12 = tpu.matmul %add3A, %get3A_11, %dot_general3A {dimension_numbers = #tpu.dot_dimension_numbers<[1], [0], [0], [1], [0, 0, 1, 1], [], []>, transpose_lhs_hint = false} : vector<2000x128xf32>, vector<128x128xf32>, vector<2000x128xf32> -> vector<2000x128xf32>
    %get3A_13 = arith.constant 0 : index
    %get3A_14 = arith.constant 0 : index
    %get3A_15 = vector.load %arg3[%get3A_13, %get3A_14] : memref<1x128xf32, #tpu.memory_space<vmem>>, vector<1x128xf32>
    %add3A_16 = vector.broadcast %get3A_15 : vector<1x128xf32> to vector<2000x128xf32>
    %add3A_17 = arith.addf %dot_general3A_12, %add3A_16 : vector<2000x128xf32>
    %custom_jvp_call3A = arith.constant 0.000000e+00 : f32
    %max3A = vector.broadcast %custom_jvp_call3A : f32 to vector<2000x128xf32>
    %max3A_18 = arith.maximumf %add3A_17, %max3A : vector<2000x128xf32>
    %sub3A = vector.broadcast %custom_jvp_call3A : f32 to vector<2000x128xf32>
    %sub3A_19 = arith.subf %add3A_17, %sub3A : vector<2000x128xf32>
    %ne3A = arith.cmpf one, %sub3A_19, %sub3A_19 : vector<2000x128xf32>
    %add3A_20 = vector.broadcast %custom_jvp_call3A : f32 to vector<2000x128xf32>
    %add3A_21 = arith.addf %add3A_17, %add3A_20 : vector<2000x128xf32>
    %abs3A = math.absf %sub3A_19 : vector<2000x128xf32>
    %neg3A = arith.constant 0.000000e+00 : f32
    %neg3A_22 = vector.broadcast %neg3A : f32 to vector<2000x128xf32>
    %neg3A_23 = arith.subf %neg3A_22, %abs3A : vector<2000x128xf32>
    %exp3A = math.exp %neg3A_23 : vector<2000x128xf32>
    %log1p3A = math.log1p %exp3A : vector<2000x128xf32>
    %add3A_24 = arith.addf %max3A_18, %log1p3A : vector<2000x128xf32>
    %select_n3A = arith.select %ne3A, %add3A_21, %add3A_24 : vector<2000x128xi1>, vector<2000x128xf32>
    %log3A = arith.constant 2.000000e+00 : f32
    %log3A_25 = math.log %log3A : f32
    %sub3A_26 = vector.broadcast %log3A_25 : f32 to vector<2000x128xf32>
    %sub3A_27 = arith.subf %select_n3A, %sub3A_26 : vector<2000x128xf32>
    %get3A_28 = arith.constant 0 : index
    %get3A_29 = arith.constant 0 : index
    %get3A_30 = vector.load %arg4[%get3A_28, %get3A_29] : memref<128x128xf32, #tpu.memory_space<vmem>>, vector<128x128xf32>
    %dot_general3A_31 = arith.constant dense<0.000000e+00> : vector<2000x128xf32>
    %dot_general3A_32 = tpu.matmul %sub3A_27, %get3A_30, %dot_general3A_31 {dimension_numbers = #tpu.dot_dimension_numbers<[1], [0], [0], [1], [0, 0, 1, 1], [], []>, transpose_lhs_hint = false} : vector<2000x128xf32>, vector<128x128xf32>, vector<2000x128xf32> -> vector<2000x128xf32>
    %get3A_33 = arith.constant 0 : index
    %get3A_34 = arith.constant 0 : index
    %get3A_35 = vector.load %arg5[%get3A_33, %get3A_34] : memref<1x128xf32, #tpu.memory_space<vmem>>, vector<1x128xf32>
    %add3A_36 = vector.broadcast %get3A_35 : vector<1x128xf32> to vector<2000x128xf32>
    %add3A_37 = arith.addf %dot_general3A_32, %add3A_36 : vector<2000x128xf32>
    %get3A_38 = arith.constant 0 : index
    %get3A_39 = arith.constant 0 : index
    %get3A_40 = vector.load %arg8[%get3A_38, %get3A_39] : memref<2000x128xf32, #tpu.memory_space<vmem>>, vector<2000x128xf32>
    %get3A_41 = arith.constant 0 : index
    %get3A_42 = arith.constant 0 : index
    %get3A_43 = vector.load %arg6[%get3A_41, %get3A_42] : memref<1x128xf32, #tpu.memory_space<vmem>>, vector<1x128xf32>
    %get3A_44 = arith.constant 0 : index
    %get3A_45 = arith.constant 0 : index
    %get3A_46 = vector.load %arg7[%get3A_44, %get3A_45] : memref<1x128xf32, #tpu.memory_space<vmem>>, vector<1x128xf32>
    %reduce_sum3A = arith.constant dense<0.000000e+00> : vector<2000xf32>
    %reduce_sum3A_47 = vector.multi_reduction <add>, %add3A_37, %reduce_sum3A [1] : vector<2000x128xf32> to vector<2000xf32>
    %broadcast_in_dim3A = vector.shape_cast %reduce_sum3A_47 : vector<2000xf32> to vector<2000x1xf32>
    %div3A = arith.constant 1.280000e+02 : f32
    %div3A_48 = vector.broadcast %div3A : f32 to vector<2000x1xf32>
    %div3A_49 = arith.divf %broadcast_in_dim3A, %div3A_48 : vector<2000x1xf32>
    %jit3A = arith.constant 0 : i32
    %reduce_sum3A_50 = arith.constant dense<0.000000e+00> : vector<2000xf32>
    %reduce_sum3A_51 = vector.multi_reduction <add>, %add3A_37, %reduce_sum3A_50 [1] : vector<2000x128xf32> to vector<2000xf32>
    %broadcast_in_dim3A_52 = vector.shape_cast %reduce_sum3A_51 : vector<2000xf32> to vector<2000x1xf32>
    %div3A_53 = arith.constant 1.280000e+02 : f32
    %div3A_54 = vector.broadcast %div3A_53 : f32 to vector<2000x1xf32>
    %div3A_55 = arith.divf %broadcast_in_dim3A_52, %div3A_54 : vector<2000x1xf32>
    %sub3A_56 = vector.broadcast %div3A_55 : vector<2000x1xf32> to vector<2000x128xf32>
    %sub3A_57 = arith.subf %add3A_37, %sub3A_56 : vector<2000x128xf32>
    %square3A = arith.mulf %sub3A_57, %sub3A_57 : vector<2000x128xf32>
    %convert_element_type3A = arith.sitofp %jit3A : i32 to f32
    %sub3A_58 = arith.constant 1.280000e+02 : f32
    %sub3A_59 = arith.subf %sub3A_58, %convert_element_type3A : f32
    %reduce_sum3A_60 = arith.constant dense<0.000000e+00> : vector<2000xf32>
    %reduce_sum3A_61 = vector.multi_reduction <add>, %square3A, %reduce_sum3A_60 [1] : vector<2000x128xf32> to vector<2000xf32>
    %broadcast_in_dim3A_62 = vector.shape_cast %reduce_sum3A_61 : vector<2000xf32> to vector<2000x1xf32>
    %div3A_63 = vector.broadcast %sub3A_59 : f32 to vector<2000x1xf32>
    %div3A_64 = arith.divf %broadcast_in_dim3A_62, %div3A_63 : vector<2000x1xf32>
    %gt3A = arith.constant 0.000000e+00 : f32
    %gt3A_65 = arith.cmpf ogt, %sub3A_59, %gt3A : f32
    %jit3A_66 = arith.constant 0x7FC00000 : f32
    %broadcast_in_dim3A_67 = vector.broadcast %jit3A_66 : f32 to vector<2000x1xf32>
    %select_n3A_68 = arith.select %gt3A_65, %div3A_64, %broadcast_in_dim3A_67 : vector<2000x1xf32>
    %sub3A_69 = vector.broadcast %div3A_49 : vector<2000x1xf32> to vector<2000x128xf32>
    %sub3A_70 = arith.subf %add3A_37, %sub3A_69 : vector<2000x128xf32>
    %add3A_71 = arith.constant 9.99999974E-6 : f32
    %add3A_72 = vector.broadcast %add3A_71 : f32 to vector<2000x1xf32>
    %add3A_73 = arith.addf %select_n3A_68, %add3A_72 : vector<2000x1xf32>
    %sqrt3A = math.sqrt %add3A_73 : vector<2000x1xf32>
    %div3A_74 = vector.broadcast %sqrt3A : vector<2000x1xf32> to vector<2000x128xf32>
    %div3A_75 = arith.divf %sub3A_70, %div3A_74 : vector<2000x128xf32>
    %mul3A = vector.broadcast %get3A_43 : vector<1x128xf32> to vector<2000x128xf32>
    %mul3A_76 = arith.mulf %div3A_75, %mul3A : vector<2000x128xf32>
    %add3A_77 = vector.broadcast %get3A_46 : vector<1x128xf32> to vector<2000x128xf32>
    %add3A_78 = arith.addf %mul3A_76, %add3A_77 : vector<2000x128xf32>
    %add3A_79 = arith.addf %get3A_40, %add3A_78 : vector<2000x128xf32>
    %get3A_80 = arith.constant 0 : index
    %get3A_81 = arith.constant 0 : index
    %get3A_82 = vector.load %arg9[%get3A_80, %get3A_81] : memref<2000x128xf32, #tpu.memory_space<vmem>>, vector<2000x128xf32>
    %add3A_83 = arith.addf %add3A_79, %get3A_82 : vector<2000x128xf32>
    %swap3A = arith.constant 0 : index
    %swap3A_84 = arith.constant 0 : index
    %swap3A_85 = vector.load %arg10[%swap3A, %swap3A_84] : memref<2000x128xf32, #tpu.memory_space<vmem>>, vector<2000x128xf32>
    tpu.vector_store %arg10[%swap3A, %swap3A_84], %add3A_83 {strides = array<i32>} : memref<2000x128xf32, #tpu.memory_space<vmem>>, vector<2000x128xf32>,
    return
  }
  func.func @transform_0(%arg0: i32) -> (i32, i32, i32) {
    %c0_i32 = arith.constant 0 : i32
    %c0_i32_0 = arith.constant 0 : i32
    %c0_i32_1 = arith.constant 0 : i32
    return %c0_i32, %arg0, %c0_i32_0 : i32, i32, i32
  }
  func.func @transform_1(%arg0: i32) -> (i32, i32) {
    %c0_i32 = arith.constant 0 : i32
    %c0_i32_0 = arith.constant 0 : i32
    %c0_i32_1 = arith.constant 0 : i32
    return %c0_i32, %c0_i32_0 : i32, i32
  }
  func.func @transform_2(%arg0: i32) -> (i32, i32) {
    %c0_i32 = arith.constant 0 : i32
    %c0_i32_0 = arith.constant 0 : i32
    %c0_i32_1 = arith.constant 0 : i32
    return %c0_i32, %c0_i32_0 : i32, i32
  }
  func.func @transform_3(%arg0: i32) -> (i32, i32) {
    %c0_i32 = arith.constant 0 : i32
    %c0_i32_0 = arith.constant 0 : i32
    %c0_i32_1 = arith.constant 0 : i32
    return %c0_i32, %c0_i32_0 : i32, i32
  }
  func.func @transform_4(%arg0: i32) -> (i32, i32) {
    %c0_i32 = arith.constant 0 : i32
    %c0_i32_0 = arith.constant 0 : i32
    %c0_i32_1 = arith.constant 0 : i32
    return %c0_i32, %c0_i32_0 : i32, i32
  }
  func.func @transform_5(%arg0: i32) -> (i32, i32) {
    %c0_i32 = arith.constant 0 : i32
    %c0_i32_0 = arith.constant 0 : i32
    %c0_i32_1 = arith.constant 0 : i32
    return %c0_i32, %c0_i32_0 : i32, i32
  }
  func.func @transform_6(%arg0: i32) -> (i32, i32) {
    %c0_i32 = arith.constant 0 : i32
    %c0_i32_0 = arith.constant 0 : i32
    %c0_i32_1 = arith.constant 0 : i32
    return %c0_i32, %c0_i32_0 : i32, i32
  }
  func.func @transform_7(%arg0: i32) -> (i32, i32) {
    %c0_i32 = arith.constant 0 : i32
    %c0_i32_0 = arith.constant 0 : i32
    return %arg0, %c0_i32 : i32, i32
  }
  func.func @transform_8(%arg0: i32) -> (i32, i32) {
    %c0_i32 = arith.constant 0 : i32
    %c0_i32_0 = arith.constant 0 : i32
    return %arg0, %c0_i32 : i32, i32
  }
  func.func @transform_9(%arg0: i32) -> (i32, i32) {
    %c0_i32 = arith.constant 0 : i32
    %c0_i32_0 = arith.constant 0 : i32
    return %arg0, %c0_i32 : i32, i32
  }
}

module attributes {stable_mosaic.version = 14 : i64} {
  func.func @_post_body(%arg0: i32, %arg1: memref<2x512x128xf32, #tpu.memory_space<vmem>>, %arg2: memref<128x128xf32, #tpu.memory_space<vmem>>, %arg3: memref<1x128xf32, #tpu.memory_space<vmem>>, %arg4: memref<128x128xf32, #tpu.memory_space<vmem>>, %arg5: memref<1x128xf32, #tpu.memory_space<vmem>>, %arg6: memref<1x128xf32, #tpu.memory_space<vmem>>, %arg7: memref<1x128xf32, #tpu.memory_space<vmem>>, %arg8: memref<512x128xf32, #tpu.memory_space<vmem>>, %arg9: memref<512x128xf32, #tpu.memory_space<vmem>>, %arg10: memref<512x128xf32, #tpu.memory_space<vmem>>) attributes {dimension_semantics = [#tpu.dimension_semantics<arbitrary>], iteration_bounds = array<i64: 1>, scalar_prefetch = 0 : i64, scratch_operands = 0 : i64, tpu.core_type = #tpu.core_type<tc>, window_params = [{transform_indices = @transform_0, window_bounds = array<i64: 2, 512, 128>}, {pipeline_mode = #tpu.pipeline_mode<synchronous>, transform_indices = @transform_1, window_bounds = array<i64: 128, 128>}, {pipeline_mode = #tpu.pipeline_mode<synchronous>, transform_indices = @transform_2, window_bounds = array<i64: 1, 128>}, {pipeline_mode = #tpu.pipeline_mode<synchronous>, transform_indices = @transform_3, window_bounds = array<i64: 128, 128>}, {pipeline_mode = #tpu.pipeline_mode<synchronous>, transform_indices = @transform_4, window_bounds = array<i64: 1, 128>}, {pipeline_mode = #tpu.pipeline_mode<synchronous>, transform_indices = @transform_5, window_bounds = array<i64: 1, 128>}, {pipeline_mode = #tpu.pipeline_mode<synchronous>, transform_indices = @transform_6, window_bounds = array<i64: 1, 128>}, {transform_indices = @transform_7, window_bounds = array<i64: 512, 128>}, {transform_indices = @transform_8, window_bounds = array<i64: 512, 128>}, {transform_indices = @transform_9, window_bounds = array<i64: 512, 128>}]} {
    %get3A = arith.constant 0 : index
    %get3A_0 = arith.constant 0 : index
    %get3A_1 = arith.constant 0 : index
    %get3A_2 = vector.load %arg1[%get3A, %get3A_0, %get3A_1] : memref<2x512x128xf32, #tpu.memory_space<vmem>>, vector<1x512x128xf32>
    %get3A_3 = vector.shape_cast %get3A_2 : vector<1x512x128xf32> to vector<512x128xf32>
    %get3A_4 = arith.constant 1 : index
    %get3A_5 = arith.constant 0 : index
    %get3A_6 = arith.constant 0 : index
    %get3A_7 = vector.load %arg1[%get3A_4, %get3A_5, %get3A_6] : memref<2x512x128xf32, #tpu.memory_space<vmem>>, vector<1x512x128xf32>
    %get3A_8 = vector.shape_cast %get3A_7 : vector<1x512x128xf32> to vector<512x128xf32>
    %add3A = arith.addf %get3A_3, %get3A_8 : vector<512x128xf32>
    %get3A_9 = arith.constant 0 : index
    %get3A_10 = arith.constant 0 : index
    %get3A_11 = vector.load %arg2[%get3A_9, %get3A_10] : memref<128x128xf32, #tpu.memory_space<vmem>>, vector<128x128xf32>
    %dot_general3A = arith.constant dense<0.000000e+00> : vector<512x128xf32>
    %dot_general3A_12 = tpu.matmul %add3A, %get3A_11, %dot_general3A {dimension_numbers = #tpu.dot_dimension_numbers<[1], [0], [0], [1], [0, 0, 1, 1], [], []>, transpose_lhs_hint = false} : vector<512x128xf32>, vector<128x128xf32>, vector<512x128xf32> -> vector<512x128xf32>
    %get3A_13 = arith.constant 0 : index
    %get3A_14 = arith.constant 0 : index
    %get3A_15 = vector.load %arg3[%get3A_13, %get3A_14] : memref<1x128xf32, #tpu.memory_space<vmem>>, vector<1x128xf32>
    %add3A_16 = vector.broadcast %get3A_15 : vector<1x128xf32> to vector<512x128xf32>
    %add3A_17 = arith.addf %dot_general3A_12, %add3A_16 : vector<512x128xf32>
    %custom_jvp_call3A = arith.constant 0.000000e+00 : f32
    %max3A = vector.broadcast %custom_jvp_call3A : f32 to vector<512x128xf32>
    %max3A_18 = arith.maximumf %add3A_17, %max3A : vector<512x128xf32>
    %sub3A = vector.broadcast %custom_jvp_call3A : f32 to vector<512x128xf32>
    %sub3A_19 = arith.subf %add3A_17, %sub3A : vector<512x128xf32>
    %ne3A = arith.cmpf one, %sub3A_19, %sub3A_19 : vector<512x128xf32>
    %add3A_20 = vector.broadcast %custom_jvp_call3A : f32 to vector<512x128xf32>
    %add3A_21 = arith.addf %add3A_17, %add3A_20 : vector<512x128xf32>
    %abs3A = math.absf %sub3A_19 : vector<512x128xf32>
    %neg3A = arith.constant 0.000000e+00 : f32
    %neg3A_22 = vector.broadcast %neg3A : f32 to vector<512x128xf32>
    %neg3A_23 = arith.subf %neg3A_22, %abs3A : vector<512x128xf32>
    %exp3A = math.exp %neg3A_23 : vector<512x128xf32>
    %log1p3A = math.log1p %exp3A : vector<512x128xf32>
    %add3A_24 = arith.addf %max3A_18, %log1p3A : vector<512x128xf32>
    %select_n3A = arith.select %ne3A, %add3A_21, %add3A_24 : vector<512x128xi1>, vector<512x128xf32>
    %log3A = arith.constant 2.000000e+00 : f32
    %log3A_25 = math.log %log3A : f32
    %sub3A_26 = vector.broadcast %log3A_25 : f32 to vector<512x128xf32>
    %sub3A_27 = arith.subf %select_n3A, %sub3A_26 : vector<512x128xf32>
    %get3A_28 = arith.constant 0 : index
    %get3A_29 = arith.constant 0 : index
    %get3A_30 = vector.load %arg4[%get3A_28, %get3A_29] : memref<128x128xf32, #tpu.memory_space<vmem>>, vector<128x128xf32>
    %dot_general3A_31 = arith.constant dense<0.000000e+00> : vector<512x128xf32>
    %dot_general3A_32 = tpu.matmul %sub3A_27, %get3A_30, %dot_general3A_31 {dimension_numbers = #tpu.dot_dimension_numbers<[1], [0], [0], [1], [0, 0, 1, 1], [], []>, transpose_lhs_hint = false} : vector<512x128xf32>, vector<128x128xf32>, vector<512x128xf32> -> vector<512x128xf32>
    %get3A_33 = arith.constant 0 : index
    %get3A_34 = arith.constant 0 : index
    %get3A_35 = vector.load %arg5[%get3A_33, %get3A_34] : memref<1x128xf32, #tpu.memory_space<vmem>>, vector<1x128xf32>
    %add3A_36 = vector.broadcast %get3A_35 : vector<1x128xf32> to vector<512x128xf32>
    %add3A_37 = arith.addf %dot_general3A_32, %add3A_36 : vector<512x128xf32>
    %get3A_38 = arith.constant 0 : index
    %get3A_39 = arith.constant 0 : index
    %get3A_40 = vector.load %arg8[%get3A_38, %get3A_39] : memref<512x128xf32, #tpu.memory_space<vmem>>, vector<512x128xf32>
    %get3A_41 = arith.constant 0 : index
    %get3A_42 = arith.constant 0 : index
    %get3A_43 = vector.load %arg6[%get3A_41, %get3A_42] : memref<1x128xf32, #tpu.memory_space<vmem>>, vector<1x128xf32>
    %get3A_44 = arith.constant 0 : index
    %get3A_45 = arith.constant 0 : index
    %get3A_46 = vector.load %arg7[%get3A_44, %get3A_45] : memref<1x128xf32, #tpu.memory_space<vmem>>, vector<1x128xf32>
    %reduce_sum3A = arith.constant dense<0.000000e+00> : vector<512xf32>
    %reduce_sum3A_47 = vector.multi_reduction <add>, %add3A_37, %reduce_sum3A [1] : vector<512x128xf32> to vector<512xf32>
    %broadcast_in_dim3A = vector.shape_cast %reduce_sum3A_47 : vector<512xf32> to vector<512x1xf32>
    %div3A = arith.constant 1.280000e+02 : f32
    %div3A_48 = vector.broadcast %div3A : f32 to vector<512x1xf32>
    %div3A_49 = arith.divf %broadcast_in_dim3A, %div3A_48 : vector<512x1xf32>
    %jit3A = arith.constant 0 : i32
    %reduce_sum3A_50 = arith.constant dense<0.000000e+00> : vector<512xf32>
    %reduce_sum3A_51 = vector.multi_reduction <add>, %add3A_37, %reduce_sum3A_50 [1] : vector<512x128xf32> to vector<512xf32>
    %broadcast_in_dim3A_52 = vector.shape_cast %reduce_sum3A_51 : vector<512xf32> to vector<512x1xf32>
    %div3A_53 = arith.constant 1.280000e+02 : f32
    %div3A_54 = vector.broadcast %div3A_53 : f32 to vector<512x1xf32>
    %div3A_55 = arith.divf %broadcast_in_dim3A_52, %div3A_54 : vector<512x1xf32>
    %sub3A_56 = vector.broadcast %div3A_55 : vector<512x1xf32> to vector<512x128xf32>
    %sub3A_57 = arith.subf %add3A_37, %sub3A_56 : vector<512x128xf32>
    %square3A = arith.mulf %sub3A_57, %sub3A_57 : vector<512x128xf32>
    %convert_element_type3A = arith.sitofp %jit3A : i32 to f32
    %sub3A_58 = arith.constant 1.280000e+02 : f32
    %sub3A_59 = arith.subf %sub3A_58, %convert_element_type3A : f32
    %reduce_sum3A_60 = arith.constant dense<0.000000e+00> : vector<512xf32>
    %reduce_sum3A_61 = vector.multi_reduction <add>, %square3A, %reduce_sum3A_60 [1] : vector<512x128xf32> to vector<512xf32>
    %broadcast_in_dim3A_62 = vector.shape_cast %reduce_sum3A_61 : vector<512xf32> to vector<512x1xf32>
    %div3A_63 = vector.broadcast %sub3A_59 : f32 to vector<512x1xf32>
    %div3A_64 = arith.divf %broadcast_in_dim3A_62, %div3A_63 : vector<512x1xf32>
    %gt3A = arith.constant 0.000000e+00 : f32
    %gt3A_65 = arith.cmpf ogt, %sub3A_59, %gt3A : f32
    %jit3A_66 = arith.constant 0x7FC00000 : f32
    %broadcast_in_dim3A_67 = vector.broadcast %jit3A_66 : f32 to vector<512x1xf32>
    %select_n3A_68 = arith.select %gt3A_65, %div3A_64, %broadcast_in_dim3A_67 : vector<512x1xf32>
    %sub3A_69 = vector.broadcast %div3A_49 : vector<512x1xf32> to vector<512x128xf32>
    %sub3A_70 = arith.subf %add3A_37, %sub3A_69 : vector<512x128xf32>
    %add3A_71 = arith.constant 9.99999974E-6 : f32
    %add3A_72 = vector.broadcast %add3A_71 : f32 to vector<512x1xf32>
    %add3A_73 = arith.addf %select_n3A_68, %add3A_72 : vector<512x1xf32>
    %sqrt3A = math.sqrt %add3A_73 : vector<512x1xf32>
    %div3A_74 = vector.broadcast %sqrt3A : vector<512x1xf32> to vector<512x128xf32>
    %div3A_75 = arith.divf %sub3A_70, %div3A_74 : vector<512x128xf32>
    %mul3A = vector.broadcast %get3A_43 : vector<1x128xf32> to vector<512x128xf32>
    %mul3A_76 = arith.mulf %div3A_75, %mul3A : vector<512x128xf32>
    %add3A_77 = vector.broadcast %get3A_46 : vector<1x128xf32> to vector<512x128xf32>
    %add3A_78 = arith.addf %mul3A_76, %add3A_77 : vector<512x128xf32>
    %add3A_79 = arith.addf %get3A_40, %add3A_78 : vector<512x128xf32>
    %get3A_80 = arith.constant 0 : index
    %get3A_81 = arith.constant 0 : index
    %get3A_82 = vector.load %arg9[%get3A_80, %get3A_81] : memref<512x128xf32, #tpu.memory_space<vmem>>, vector<512x128xf32>
    %add3A_83 = arith.addf %add3A_79, %get3A_82 : vector<512x128xf32>
    %swap3A = arith.constant 0 : index
    %swap3A_84 = arith.constant 0 : index
    %swap3A_85 = vector.load %arg10[%swap3A, %swap3A_84] : memref<512x128xf32, #tpu.memory_space<vmem>>, vector<512x128xf32>
    tpu.vector_store %arg10[%swap3A, %swap3A_84], %add3A_83 {strides = array<i32>} : memref<512x128xf32, #tpu.memory_space<vmem>>, vector<512x128xf32>,
    return
  }
  func.func @transform_0(%arg0: i32) -> (i32, i32, i32) {
    %c0_i32 = arith.constant 0 : i32
    %c0_i32_0 = arith.constant 0 : i32
    %c0_i32_1 = arith.constant 0 : i32
    return %c0_i32, %arg0, %c0_i32_0 : i32, i32, i32
  }
  func.func @transform_1(%arg0: i32) -> (i32, i32) {
    %c0_i32 = arith.constant 0 : i32
    %c0_i32_0 = arith.constant 0 : i32
    %c0_i32_1 = arith.constant 0 : i32
    return %c0_i32, %c0_i32_0 : i32, i32
  }
  func.func @transform_2(%arg0: i32) -> (i32, i32) {
    %c0_i32 = arith.constant 0 : i32
    %c0_i32_0 = arith.constant 0 : i32
    %c0_i32_1 = arith.constant 0 : i32
    return %c0_i32, %c0_i32_0 : i32, i32
  }
  func.func @transform_3(%arg0: i32) -> (i32, i32) {
    %c0_i32 = arith.constant 0 : i32
    %c0_i32_0 = arith.constant 0 : i32
    %c0_i32_1 = arith.constant 0 : i32
    return %c0_i32, %c0_i32_0 : i32, i32
  }
  func.func @transform_4(%arg0: i32) -> (i32, i32) {
    %c0_i32 = arith.constant 0 : i32
    %c0_i32_0 = arith.constant 0 : i32
    %c0_i32_1 = arith.constant 0 : i32
    return %c0_i32, %c0_i32_0 : i32, i32
  }
  func.func @transform_5(%arg0: i32) -> (i32, i32) {
    %c0_i32 = arith.constant 0 : i32
    %c0_i32_0 = arith.constant 0 : i32
    %c0_i32_1 = arith.constant 0 : i32
    return %c0_i32, %c0_i32_0 : i32, i32
  }
  func.func @transform_6(%arg0: i32) -> (i32, i32) {
    %c0_i32 = arith.constant 0 : i32
    %c0_i32_0 = arith.constant 0 : i32
    %c0_i32_1 = arith.constant 0 : i32
    return %c0_i32, %c0_i32_0 : i32, i32
  }
  func.func @transform_7(%arg0: i32) -> (i32, i32) {
    %c0_i32 = arith.constant 0 : i32
    %c0_i32_0 = arith.constant 0 : i32
    return %arg0, %c0_i32 : i32, i32
  }
  func.func @transform_8(%arg0: i32) -> (i32, i32) {
    %c0_i32 = arith.constant 0 : i32
    %c0_i32_0 = arith.constant 0 : i32
    return %arg0, %c0_i32 : i32, i32
  }
  func.func @transform_9(%arg0: i32) -> (i32, i32) {
    %c0_i32 = arith.constant 0 : i32
    %c0_i32_0 = arith.constant 0 : i32
    return %arg0, %c0_i32 : i32, i32
  }
}

</mosaic_0001>

<sc_bundles>
// kernel: kernel.16.cloned.1.call-start
scs
__scs_entry_jumppad:
0x0: {  	(pc) =	sbr.rel $0x88, $3  }
0x1: {  	(tag) =	ssettag $0x0;
	lr =	simm.s32 $0x1  }
0x2: {  	[smem:$0x3F6B] =	sst lr;
	_ =	strace $0xD0000000  }
0x3: {  	_ = 	snop  }
0x4: {  	_ = 	snop  }
0x5: {  	_ = 	snop  }
0x6: {  	_ = 	snop  }
0x7: {  	_ = 	snop  }
__scs_overlays_trampoline_lowered:
0x8: {  	[smem:$0x3F7A] =	sst s0  }
0x9: {  	[smem:$0x3F7B] =	sst s1  }
0xa: {  	[smem:$0x3F7C] =	sst s2  }
0xb: {  	[smem:$0x3F7D] =	sst s3  }
0xc: {  	[smem:$0x3F7E] =	sst s4  }
0xd: {  	[smem:$0x3F7F] =	sst s5  }
0xe: {  	[smem:$0x3F80] =	sst s6  }
0xf: {  	[smem:$0x3F81] =	sst s7  }
0x10: {  	[smem:$0x3F82] =	sst s8  }
0x11: {  	[smem:$0x3F83] =	sst s9;
	s0 =	simm.s32 @!p0 $0x0  }
0x12: {  	s1 =	sld [smem:$0x3F69];
	s0 =	simm.s32 @p0 $0x1  }
0x13: {  	[smem:$0x3F84] =	sst s0;
	s0 =	simm.s32 @!p1 $0x0  }
0x14: {  	s2 =	sld [smem:$0x3F68];
	s0 =	simm.s32 @p1 $0x1  }
0x15: {  	[smem:$0x3F85] =	sst s0;
	s0 =	simm.s32 @!p2 $0x0  }
0x16: {  	s3 =	sld [smem:$0x3FDB];
	s0 =	simm.s32 @p2 $0x1  }
0x17: {  	s4 =	simm.s32 $0x1BF5;
	[smem:$0x3F87] =	sst s0  }
0x18: {  	s0 =	sld [smem:$0x3F6A];
	_ =	swait.ge [sflag:s4], $0x0  }
0x19: {  	s7 =	sld [smem:$0x3F6B]  }
0x1a: {  	s8 =	sadd.s32 $0xFFFFE003, lr  }
0x1b: {  	s9 =	sadd.s32 $0xFFFFFEF7, lr;
	s5 =	simm.s32 $0xFFFFFFFF;
	p2 =	slt.u32 s8, $0xFFFFF086  }
0x1c: {  	p1 =	slt.u32 s9, $0xF7A;
	s5 =	simm.s32 @!p2 $0x0  }
0x1d: {  	s5 =	simm.s32 @p1 $0x1;
	p0 =	seq.s32 s7, s2  }
0x1e: {  	s7 =	smul.u32 @!p0 $0xF7A, s2;
	p2 =	seq.s32 @!p0 s5, $0x0  }
0x1f: {  	s9 =	smul.u32 $0xF7A, s1;
	s8 =	simm.s32 @!p0 $0x1BF5;
	p2 =	por !p2, p0  }
0x20: {  	[sflag:s8] =	ssyncset.s32 @!p0 $0xFFFFF086;
	s6 =	sadd.s32 @!p0 s3, s7;
	s7 =	simm.s32 @!p0 $0x108  }
0x21: {  	s3 =	sadd.s32 s3, s9;
	s6 =	sadd.s32 @!p0 $0x88, s6;
	s7 =	simm.s32 @p2 $0x1082  }
0x22: {  	[simem:s7], [sflag:s8] =	dma.local @!p0 [hbm:s6], $0xF7A  }
0x23: {  	s9 =	sor.u32 $0xD0000000, s2;
	s6 =	simm.s32 $0x108;
	_ =	swait.ge @!p0 [sflag:s8], $0x0  }
0x24: {  	s3 =	sadd.s32 $0x88, s3;
	s6 =	simm.s32 @!p1 $0x1082;
	[sflag:s4] =	ssyncset.s32 $0xFFFFF086  }
0x25: {  	[simem:s6], [sflag:s4] =	dma.local [hbm:s3], $0xF7A  }
0x26: {  	[smem:$0x3F6B] =	sst s1;
	(tag) =	ssettag s2;
	_ =	strace s9  }
0x27: {  	s1 =	sld [smem:$0x3F7B]  }
0x28: {  	s2 =	sld [smem:$0x3F7C]  }
0x29: {  	s4 =	sld [smem:$0x3F7E]  }
0x2a: {  	p0 =	seq.s32 s5, $0x0;
	s5 =	sld [smem:$0x3F7F]  }
0x2b: {  	s6 =	sld [smem:$0x3F80]  }
0x2c: {  	s7 =	sld [smem:$0x3F81]  }
0x2d: {  	s3 =	simm.s32 $0x108;
	s8 =	sld [smem:$0x3F82]  }
0x2e: {  	s3 =	simm.s32 @!p0 $0x1082;
	s9 =	sld [smem:$0x3F83]  }
0x2f: {  	lr =	sadd.s32 s0, s3;
	s0 =	sld [smem:$0x3F7A]  }
0x30: {  	s3 =	sld [smem:$0x3F7D]  }
0x31: {  	[smem:$0x3F86] =	sst s10  }
0x32: {  	s10 =	sld [smem:$0x3F84];
	_ =	sdelay $0x3  }
0x33: {  	p0 =	seq.s32 s10, $0x1;
	s10 =	sld [smem:$0x3F86];
	_ =	sdelay $0x3  }
0x34: {  	[smem:$0x3F86] =	sst s10  }
0x35: {  	s10 =	sld [smem:$0x3F85];
	_ =	sdelay $0x3  }
0x36: {  	p1 =	seq.s32 s10, $0x1;
	s10 =	sld [smem:$0x3F86];
	_ =	sdelay $0x3  }
0x37: {  	[smem:$0x3F86] =	sst s10  }
0x38: {  	s10 =	sld [smem:$0x3F87]  }
0x39: {  	_ = 	snop;
	(pc) =	sbr.ind lr, $3  }
0x3a: {  	_ = 	snop  }
0x3b: {  	_ = 	snop  }
0x3c: {  	p2 =	seq.s32 s10, $0x1;
	s10 =	sld [smem:$0x3F86]  }
0x3d: {  	_ =	shalt  }
0x3e: {  	_ =	shalt  }
0x3f: {  	_ =	shalt  }
0x40: {  	_ =	shalt  }
0x41: {  	_ =	shalt  }
0x42: {  	_ =	shalt  }
0x43: {  	_ =	shalt  }
0x44: {  	_ =	shalt  }
0x45: {  	_ =	shalt  }
0x46: {  	_ =	shalt  }
0x47: {  	_ =	shalt  }
0x48: {  	_ =	shalt  }
0x49: {  	_ =	shalt  }
0x4a: {  	_ =	shalt  }
0x4b: {  	_ =	shalt  }
0x4c: {  	_ =	shalt  }
0x4d: {  	_ =	shalt  }
0x4e: {  	_ =	shalt  }
0x4f: {  	_ =	shalt  }
0x50: {  	_ =	shalt  }
0x51: {  	_ =	shalt  }
0x52: {  	_ =	shalt  }
0x53: {  	_ =	shalt  }
0x54: {  	_ =	shalt  }
0x55: {  	_ =	shalt  }
0x56: {  	_ =	shalt  }
0x57: {  	_ =	shalt  }
0x58: {  	_ =	shalt  }
0x59: {  	_ =	shalt  }
0x5a: {  	_ =	shalt  }
0x5b: {  	_ =	shalt  }
0x5c: {  	_ =	shalt  }
0x5d: {  	_ =	shalt  }
0x5e: {  	_ =	shalt  }
0x5f: {  	_ =	shalt  }
0x60: {  	_ =	shalt  }
0x61: {  	_ =	shalt  }
0x62: {  	_ =	shalt  }
0x63: {  	_ =	shalt  }
0x64: {  	_ =	shalt  }
0x65: {  	_ =	shalt  }
0x66: {  	_ =	shalt  }
0x67: {  	_ =	shalt  }
0x68: {  	_ =	shalt  }
0x69: {  	_ =	shalt  }
0x6a: {  	_ =	shalt  }
0x6b: {  	_ =	shalt  }
0x6c: {  	_ =	shalt  }
0x6d: {  	_ =	shalt  }
0x6e: {  	_ =	shalt  }
0x6f: {  	_ =	shalt  }
0x70: {  	_ =	shalt  }
0x71: {  	_ =	shalt  }
0x72: {  	_ =	shalt  }
0x73: {  	_ =	shalt  }
0x74: {  	_ =	shalt  }
0x75: {  	_ =	shalt  }
0x76: {  	_ =	shalt  }
0x77: {  	_ =	shalt  }
0x78: {  	_ =	shalt  }
0x79: {  	_ =	shalt  }
0x7a: {  	_ =	shalt  }
0x7b: {  	_ =	shalt  }
0x7c: {  	_ =	shalt  }
0x7d: {  	_ =	shalt  }
0x7e: {  	_ =	shalt  }
0x7f: {  	_ =	shalt  }
0x80: {  	_ =	shalt  }
0x81: {  	_ =	shalt  }
0x82: {  	_ =	shalt  }
0x83: {  	_ =	shalt  }
0x84: {  	_ =	shalt  }
0x85: {  	_ =	shalt  }
0x86: {  	_ =	shalt  }
0x87: {  	_ =	shalt  }
.Lfunc_end0:
.L_simem_size_0:
called_computation_lowered:
.L_overlay_start_0:
0x88: {  	s2 =	sld [smem:$0x3FD9]  }
0x89: {  	s3 =	sld [smem:$0x3FFE];
	_ =	sdelay $0x1  }
0x8a: {  	s1 =	srdreg.scid  }
0x8b: {  	s0 =	sand.u32 $0x1, s1  }
0x8c: {  	s14 =	sshll.u32 s0, $0xA;
	s2 =	sadd.s32 s3, s2  }
0x8d: {  	s2 =	sadd.s32 s2, s14  }
0x8e: {  	[smem:$0x3F92] =	sst s2  }
0x8f: {  	_ = 	snop  }
0x90: {  	s2 =	sld [smem:$0x3FD0];
	_ =	sdelay $0x2  }
0x91: {  	s15 =	simm.s32 $0xB;
	s4 =	simm.s32 $0x10  }
0x92: {  	[smem:s4], [sflag:s15] =	dma.local [hbm:s2], $0x1  }
0x93: {  	_ =	swait.eq [sflag:s15], $0x1  }
0x94: {  	[sflag:s15] =	ssyncset.done $0x0  }
0x95: {  	[sflag:s15] =	ssyncadd.s32 $0xFFFFFFFF  }
0x96: {  	s16 =	sld [smem:$0x10];
	(tm) =	ssettm $0x1  }
0x97: {  	s17 =	sld [smem:$0x3FFB];
	_ =	sdelay $0x3  }
0x98: {  	_ =	strace s17  }
0x99: {  	s3 =	sld [smem:$0x3FFC];
	_ =	sdelay $0x3  }
0x9a: {  	_ =	strace s3  }
0x9b: {  	s3 =	sld [smem:$0x3FFD];
	_ =	sdelay $0x3  }
0x9c: {  	_ =	strace s3  }
0x9d: {  	_ =	strace $0x8FFFFFFF  }
0x9e: {  	s18 =	sld [smem:$0x3FDB];
	_ =	sdelay $0x1  }
0x9f: {  	s19 =	simm.s32 $_scs_section_size  }
0xa0: {  	s5 =	simm.s32 $_size__tile_overlayer_lowered;
	s6 =	simm.s32 $_tile_overlayer_lowered  }
0xa1: {  	s22 =	simm.s32 $0x1BFF;
	s21 =	sshll.u32 s6, $0x1;
	s3 =	sadd.s32 s19, s18  }
0xa2: {  	s7 =	simm.s32 $0x0;
	s20 =	sshll.u32 s5, $0x1;
	s5 =	sadd.s32 s21, s3  }
0xa3: {  	[timem:s7], [sflag:s22] =	dma.local [hbm:s5], s20  }
0xa4: {  	_ =	swait.ge [sflag:s22], s20  }
0xa5: {  	s4 =	ssub.s32 $0x0, s20;
	[sflag:s22] =	ssyncset.done $0x0  }
0xa6: {  	[sflag:s22] =	ssyncadd.s32 s4;
	_ =	sdelay $0x1  }
0xa7: {  	s23 =	simm.s32 $0x1B8B  }
0xa8: {  	_ =	swait.ge [sflag:s23], $0x1  }
0xa9: {  	[sflag:s23] =	ssyncset.done $0x0  }
0xaa: {  	s25 =	simm.s32 $0x1B8E;
	s24 =	sld [smem:$0x3FFE];
	[sflag:s23] =	ssyncadd.s32 $0xFFFFFFFF  }
0xab: {  	s26 =	simm.s32 $execute0_lowered;
	[smem:$0x3FD2] =	sst s25  }
0xac: {  	s5 =	sshll.u32 s26, $0x1;
	_ =	strace $0x80000046;
	[dreg:$0x1] =	wrdreg $0xFFFFFFFF  }
0xad: {  	s28 =	simm.s32 $_size_execute0_lowered;
	s3 =	sadd.s32 s3, s5;
	[dreg:$0x0] =	wrdreg $0x0  }
0xae: {  	s5 =	sshll.u32 s28, $0x1;
	[dreg:$0x2] =	wrdreg s3  }
0xaf: {  	[dreg:$0x3] =	wrdreg s5  }
0xb0: {  	[dreg:$0x4] =	wrdreg $0xC0  }
0xb1: {  	_ =	task [dreg:s7], $0x5FFFF  }
0xb2: {  	[dreg:$0x1] =	wrdreg $0xFFFFFFFF  }
0xb3: {  	[dreg:$0x0] =	wrdreg $0x60  }
0xb4: {  	[dreg:$0x2] =	wrdreg s16  }
0xb5: {  	[dreg:$0x3] =	wrdreg s24  }
0xb6: {  	[dreg:$0x4] =	wrdreg $0x0  }
0xb7: {  	[dreg:$0x5] =	wrdreg $0x9  }
0xb8: {  	_ =	task.clear_ibuf [dreg:s7], $0x6FFFF;
	_ =	strace $0x90000046  }
0xb9: {  	s29 =	simm.s32 $0x9;
	_ =	strace $0x80000048  }
0xba: {  	_ =	swait.ge [sflag:s29], $0x1  }
0xbb: {  	[sflag:s29] =	ssyncadd.s32 $0xFFFFFFFF  }
0xbc: {  	_ =	strace $0x90000048  }
0xbd: {  	_ =	sfence  }
0xbe: {  	s30 =	sld [smem:$0x0];
	_ =	sdelay $0x2  }
0xbf: {  	s31 =	sshll.u32 s1, $0xD;
	s1 =	sshrl.u32 s1, $0x2  }
0xc0: {  	s3 =	sand.u32 $0x4000, s31;
	s1 =	sadd.s32 s1, s30  }
0xc1: {  	s0 =	sor.u32 s3, s0;
	s1 =	sshll.u32 s1, $0x11  }
0xc2: {  	s0 =	sor.u32 s1, s0  }
0xc3: {  	s0 =	sadd.s32 $0x8F2B, s0  }
0xc4: {  	[sflag:s0] =	ssyncadd.remote.s32 $0x1  }
0xc5: {  	_ =	sfence.sel $0xFFFF  }
0xc6: {  	[dreg:$0x0] =	wrdreg $0xFFFFFFFF;
	(pc) =	sbr.abs _section_cstart, $3  }
0xc7: {  	[dreg:$0x1] =	wrdreg $0xFFFFFFFF  }
0xc8: {  	_ =	task.clear_ibuf [dreg:s7], $0x2FFFF;
	_ =	strace $0x9FFFFFFF  }
0xc9: {  	(tm) =	ssettm $0x7FFFFFFF  }
tec
execute0_lowered:
.L_overlay_start_1:
0x0: {  	(tag) =	ssettag $0x1  }
0x1: {  	s8 =	rddreg [dreg:$0x0]  }
0x2: {  	s5 =	rddreg [dreg:$0x1]  }
0x3: {  	s2 =	rddreg [dreg:$0x2]  }
0x4: {  	s0 =	rddreg [dreg:$0x3];
	s3 =	simm.s32 $0x0  }
0x5: {  	s1 =	stileid.u32;
	s4 =	srdreg.scid;
	s14 =	simm.s32 $0x13880  }
0x6: {  	s15 =	simm.s32 $0x80;
	s16 =	simm.s32 $0x13900;
	s17 =	simm.s32 $0x0  }
0x7: {  	[smem:$0x7FF] =	sst s3;
	s6 =	sshll.u32 s1, $0xC;
	s9 =	sand.u32 $0x1, s4  }
0x8: {  	s4 =	sadd.s32 $0xB000, s5;
	s11 =	smin.u32 s1, $0x2;
	s7 =	smul.u32 $0x4E000, s1  }
0x9: {  	s12 =	sshll.u32 s1, $0x1;
	p0 =	slt.u32 s1, $0x2;
	s26 =	smul.u32 $0x2700, s1  }
0xa: {  	s30 =	sshll.u32 s1, $0x8;
	_ =	strace $0x80000047;
	s10 =	sadd.s32 s6, s5  }
0xb: {  	s24 =	ssub.s32 $0x2, s9;
	s13 =	sshll.u32 s11, $0xC;
	s5 =	simm.s32 $0x4F  }
0xc: {  	s12 =	sor.u32 s12, s9;
	s11 =	sshll.u32 s11, $0x7;
	s29 =	sshll.u32 s9, $0xB  }
0xd: {  	s31 =	sshll.u32 s9, $0x7;
	s25 =	sshrl.u32 s24, $0x1;
	s7 =	sadd.s32 s13, s7  }
0xe: {  	s5 =	simm.s32 @!p0 $0x4E;
	s8 =	sadd.s32 s26, s8;
	s12 =	ssub.s32 $0x9C3, s12  }
0xf: {  	s10 =	sadd.s32 s29, s10;
	s13 =	simm.s32 $0x1;
	s6 =	ssub.s32 s24, s25  }
0x10: {  	s7 =	sshrl.u32 s7, $0x2;
	s8 =	sadd.s32 s11, s8;
	s28 =	sshrl.u32 s12, $0x5  }
0x11: {  	s10 =	sadd.s32 $0x1EC00, s10;
	s11 =	sor.u32 s31, s30;
	s12 =	simm.s32 $0x17900  }
0x12: {  	s6 =	smax.u32 s6, $0x1;
	s7 =	sadd.s32 s7, s2;
	s9 =	sxor.u32 $0xFFFFFFFF, s28  }
.LBB2_1:
0x13: {  	[tilespmem:s12], [sflag:$0x1] =	stream.linear.gather [hbm4b:s8+s3], $0x400, $0x38;
	[tilespmem:$0x17D00] =	vst v63  }
0x14: {  	p0 =	sne.s32 s5, $0x1;
	_ =	swait.ge [sflag:s13], $0x400  }
.Ltmp0:
0x15: {  	[sflag:s13] =	ssyncset.done $0x0;
	(pc) =	sbr.rel @!p0 .LBB2_3-.Ltmp0, $4  }
0x16: {  	[sflag:s13] =	ssyncadd.s32 $0xFFFFFC00  }
0x17: {  	[spmem:s7] =	stream.linear.scatter [tilespmem:s12], [sflag:$0x1], $0x400, $0x38;
	[tilespmem:$0x17D00] =	vst v63  }
0x18: {  	s18 =	sadd.s32 $0xFFFFFFFF, s5;
	_ =	swait.ge [sflag:s13], $0x400  }
0x19: {  	s19 =	smov.u32 s7;
	s20 =	smov.u32 s8;
	[sflag:s13] =	ssyncset.done $0x0  }
.LBB2_2:
0x1a: {  	[sflag:s13] =	ssyncadd.s32 $0xFFFFFC00;
	s19 =	sadd.s32 $0x400, s19;
	s20 =	sadd.s32 $0x80, s20  }
0x1b: {  	[tilespmem:s12], [sflag:$0x1] =	stream.linear.gather [hbm4b:s20+s3], $0x400, $0x38;
	[tilespmem:$0x17D00] =	vst v63  }
0x1c: {  	p0 =	sne.s32 s18, $0x1;
	s18 =	sadd.s32 $0xFFFFFFFF, s18;
	_ =	swait.ge [sflag:s13], $0x400  }
.Ltmp1:
0x1d: {  	[sflag:s13] =	ssyncset.done $0x0;
	(pc) =	sbr.rel @p0 .LBB2_2-.Ltmp1, $4  }
0x1e: {  	[sflag:s13] =	ssyncadd.s32 $0xFFFFFC00  }
0x1f: {  	[spmem:s19] =	stream.linear.scatter [tilespmem:s12], [sflag:$0x1], $0x400, $0x38;
	[tilespmem:$0x17D00] =	vst v63  }
0x20: {  	_ =	swait.ge [sflag:s13], $0x400  }
0x21: {  	[sflag:s13] =	ssyncset.done $0x0  }
.LBB2_3:
0x22: {  	s18 =	sadd.s32 $0x1, s9  }
0x23: {  	p1 =	seq.s32 s18, $0x0  }
.Ltmp2:
0x24: {  	_ = 	snop;
	(pc) =	sbr.rel @p1 .LBB2_4-.Ltmp2, $4  }
0x25: {  	_ = 	snop  }
0x26: {  	[sflag:s13] =	ssyncadd.s32 $0xFFFFFC00  }
0x27: {  	[bflag:$0x0] =	sbarrier.arrive $0xFFFF  }
0x28: {  	s21 =	sshrl.u32 s11, $0x3;
	p0 =	por $0x0, $0x0  }
0x29: {  	s19 =	sadd.s32 s4, s21  }
0x2a: {  	[tilespmem:s14], [sflag:$0x1] =	stream.linear.gather [hbm4b:s19+s3], $0x80, $0x38;
	[tilespmem:$0x17D00] =	vst v63  }
0x2b: {  	_ =	swait.ge [sflag:s13], $0x80  }
0x2c: {  	[sflag:s13] =	ssyncset.done $0x0  }
0x2d: {  	s19 =	sadd.s32 $0x1, s18;
	[sflag:s13] =	ssyncadd.s32 $0xFFFFFF80  }
0x2e: {  	[tilespmem:s16], [sflag:$0x1] =	stream.indirect.gather [spmem:s2], $0x80, s14, s15, $0xb8;
	[tilespmem:$0x17D00] =	vst v63  }
0x2f: {  	p1 =	seq.s32 s19, $0x0;
	_ =	swait.ge [sflag:s13], $0x4000  }
.Ltmp3:
0x30: {  	[sflag:s13] =	ssyncset.done $0x0;
	(pc) =	sbr.rel @p1 .LBB2_7-.Ltmp3, $4  }
0x31: {  	[sflag:s13] =	ssyncadd.s32 $0xFFFFC000  }
0x32: {  	[hbm4b:s10+s3] =	stream.linear.scatter [tilespmem:s16], [sflag:$0x1], $0x4000, $0x38;
	[tilespmem:$0x17D00] =	vst v63  }
0x33: {  	s20 =	sadd.s32 $0x1000, s11;
	p0 =	por $0x1, $0x1;
	_ =	swait.ge [sflag:s13], $0x4000  }
0x34: {  	s21 =	sshrl.u32 s20, $0x3;
	s18 =	sadd.s32 $0x10000, s10;
	[sflag:s13] =	ssyncset.done $0x0  }
.LBB2_6:
0x35: {  	s19 =	sadd.s32 $0x1, s19;
	s21 =	sadd.s32 s4, s21;
	[sflag:s13] =	ssyncadd.s32 $0xFFFFC000  }
0x36: {  	[tilespmem:s14], [sflag:$0x1] =	stream.linear.gather [hbm4b:s21+s3], $0x80, $0x38;
	[tilespmem:$0x17D00] =	vst v63  }
0x37: {  	p1 =	seq.s32 s19, $0x0;
	_ =	swait.ge [sflag:s13], $0x80  }
0x38: {  	[sflag:s13] =	ssyncset.done $0x0  }
0x39: {  	[sflag:s13] =	ssyncadd.s32 $0xFFFFFF80  }
0x3a: {  	[tilespmem:s16], [sflag:$0x1] =	stream.indirect.gather [spmem:s2], $0x80, s14, s15, $0xb8;
	[tilespmem:$0x17D00] =	vst v63  }
0x3b: {  	_ =	swait.ge [sflag:s13], $0x4000  }
.Ltmp4:
0x3c: {  	[sflag:s13] =	ssyncset.done $0x0;
	(pc) =	sbr.rel @!p1 .LBB2_6-.Ltmp4, $4  }
0x3d: {  	[sflag:s13] =	ssyncadd.s32 $0xFFFFC000  }
0x3e: {  	[hbm4b:s18+s3] =	stream.linear.scatter [tilespmem:s16], [sflag:$0x1], $0x4000, $0x38;
	[tilespmem:$0x17D00] =	vst v63  }
0x3f: {  	s20 =	sadd.s32 $0x1000, s20;
	_ =	swait.ge [sflag:s13], $0x4000  }
0x40: {  	s21 =	sshrl.u32 s20, $0x3;
	s18 =	sadd.s32 $0x10000, s18;
	[sflag:s13] =	ssyncset.done $0x0  }
.LBB2_7:
0x41: {  	s19 =	sadd.s32 s4, s21;
	[sflag:s13] =	ssyncadd.s32 @p0 $0xFFFFC000  }
0x42: {  	[tilespmem:s14], [sflag:$0x1] =	stream.linear.gather [hbm4b:s19+s3], $0x80, $0x38;
	[tilespmem:$0x17D00] =	vst v63  }
0x43: {  	_ =	swait.ge [sflag:s13], $0x80  }
0x44: {  	[sflag:s13] =	ssyncset.done $0x0  }
0x45: {  	[sflag:s13] =	ssyncadd.s32 $0xFFFFFF80  }
0x46: {  	[tilespmem:s16], [sflag:$0x1] =	stream.indirect.gather [spmem:s2], $0x80, s14, s15, $0xb8;
	[tilespmem:$0x17D00] =	vst v63  }
0x47: {  	_ =	swait.ge [sflag:s13], $0x4000  }
0x48: {  	s17 =	sadd.s32 $0x1, s17;
	[sflag:s13] =	ssyncset.done $0x0  }
0x49: {  	p0 =	sne.s32 s17, s6;
	[sflag:s13] =	ssyncadd.s32 $0xFFFFC000  }
0x4a: {  	[hbm4b:s18+s3] =	stream.linear.scatter [tilespmem:s16], [sflag:$0x1], $0x4000, $0x38;
	[tilespmem:$0x17D00] =	vst v63  }
.Ltmp5:
0x4b: {  	_ = 	snop;
	(pc) =	sbr.rel @p0 .LBB2_1-.Ltmp5, $4  }
.Ltmp6:
0x4c: {  	_ = 	snop;
	(pc) =	sbr.rel @!p0 .LBB2_8-.Ltmp6, $4  }
0x4d: {  	_ =	swait.ge [sflag:s13], $0x4000  }
0x4e: {  	[sflag:s13] =	ssyncset.done $0x0  }
0x4f: {  	[sflag:s13] =	ssyncadd.s32 $0xFFFFC000  }
0x50: {  	_ = 	snop  }
.LBB2_4:
.Ltmp7:
0x51: {  	(pc) =	sbr.rel .LBB2_7-.Ltmp7, $2  }
0x52: {  	_ =	sdelay $0x2  }
0x53: {  	s18 =	smov.u32 s10  }
.LBB2_8:
0x54: {  	_ =	sfence.sel $0x180000  }
0x55: {  	[bflag:$0x0] =	sbarrier.arrive $0xFFFF  }
0x56: {  	p0 =	sne.s32 s1, $0x0;
	_ =	strace $0x90000047  }
0x57: {  	s0 =	sadd.s32 @!p0 $0x100000, s0;
	[bflag:$0x2] =	sbarrier.arrive $0xFFFF  }
0x58: {  	[sflag:s0] =	ssyncadd.tile.s32 @!p0 $0x1;
	_ =	shalt  }
.Lfunc_end2:
_tile_overlayer_lowered:
.L_overlay_start_2:
0x59: {  	(tag) =	ssettag $0x2  }
0x5a: {  	s0 =	rddreg [dreg:$0x0];
	s2 =	stileid.u32  }
0x5b: {  	s1 =	rddreg [dreg:$0x1];
	p0 =	sne.s32 s2, $0x0  }
0x5c: {  	s3 =	rddreg [dreg:$0x2];
	[bflag:$0x3] =	sbarrier.arrive $0xFFFF;
	s2 =	simm.s32 @!p0 $0x1C01  }
0x5d: {  	[timem:s3], [sflag:s2] =	dma.local @!p0 [hbm:s0], s1  }
0x5e: {  	s0 =	simm.s32 @!p0 $0x1  }
0x5f: {  	_ =	swait.ge @!p0 [sflag:s0], s1  }
0x60: {  	s1 =	ssub.s32 @!p0 $0x0, s1;
	[sflag:s0] =	ssyncset.done @!p0 $0x0  }
0x61: {  	[sflag:s0] =	ssyncadd.s32 @!p0 s1  }
0x62: {  	[bflag:$0x3] =	sbarrier.arrive $0xFFFF  }
0x63: {  	_ =	shalt  }

// kernel: kernel.19.cloned.1.call-start
scs
__scs_entry_jumppad:
0x0: {  	(pc) =	sbr.rel $0x88, $3  }
0x1: {  	(tag) =	ssettag $0x0;
	lr =	simm.s32 $0x1  }
0x2: {  	[smem:$0x3F6B] =	sst lr;
	_ =	strace $0xD0000000  }
0x3: {  	_ = 	snop  }
0x4: {  	_ = 	snop  }
0x5: {  	_ = 	snop  }
0x6: {  	_ = 	snop  }
0x7: {  	_ = 	snop  }
__scs_overlays_trampoline_lowered:
0x8: {  	[smem:$0x3F7A] =	sst s0  }
0x9: {  	[smem:$0x3F7B] =	sst s1  }
0xa: {  	[smem:$0x3F7C] =	sst s2  }
0xb: {  	[smem:$0x3F7D] =	sst s3  }
0xc: {  	[smem:$0x3F7E] =	sst s4  }
0xd: {  	[smem:$0x3F7F] =	sst s5  }
0xe: {  	[smem:$0x3F80] =	sst s6  }
0xf: {  	[smem:$0x3F81] =	sst s7  }
0x10: {  	[smem:$0x3F82] =	sst s8  }
0x11: {  	[smem:$0x3F83] =	sst s9;
	s0 =	simm.s32 @!p0 $0x0  }
0x12: {  	s1 =	sld [smem:$0x3F69];
	s0 =	simm.s32 @p0 $0x1  }
0x13: {  	[smem:$0x3F84] =	sst s0;
	s0 =	simm.s32 @!p1 $0x0  }
0x14: {  	s2 =	sld [smem:$0x3F68];
	s0 =	simm.s32 @p1 $0x1  }
0x15: {  	[smem:$0x3F85] =	sst s0;
	s0 =	simm.s32 @!p2 $0x0  }
0x16: {  	s3 =	sld [smem:$0x3FDB];
	s0 =	simm.s32 @p2 $0x1  }
0x17: {  	s4 =	simm.s32 $0x1BF5;
	[smem:$0x3F87] =	sst s0  }
0x18: {  	s0 =	sld [smem:$0x3F6A];
	_ =	swait.ge [sflag:s4], $0x0  }
0x19: {  	s7 =	sld [smem:$0x3F6B]  }
0x1a: {  	s8 =	sadd.s32 $0xFFFFE003, lr  }
0x1b: {  	s9 =	sadd.s32 $0xFFFFFEF7, lr;
	s5 =	simm.s32 $0xFFFFFFFF;
	p2 =	slt.u32 s8, $0xFFFFF086  }
0x1c: {  	p1 =	slt.u32 s9, $0xF7A;
	s5 =	simm.s32 @!p2 $0x0  }
0x1d: {  	s5 =	simm.s32 @p1 $0x1;
	p0 =	seq.s32 s7, s2  }
0x1e: {  	s7 =	smul.u32 @!p0 $0xF7A, s2;
	p2 =	seq.s32 @!p0 s5, $0x0  }
0x1f: {  	s9 =	smul.u32 $0xF7A, s1;
	s8 =	simm.s32 @!p0 $0x1BF5;
	p2 =	por !p2, p0  }
0x20: {  	[sflag:s8] =	ssyncset.s32 @!p0 $0xFFFFF086;
	s6 =	sadd.s32 @!p0 s3, s7;
	s7 =	simm.s32 @!p0 $0x108  }
0x21: {  	s3 =	sadd.s32 s3, s9;
	s6 =	sadd.s32 @!p0 $0x88, s6;
	s7 =	simm.s32 @p2 $0x1082  }
0x22: {  	[simem:s7], [sflag:s8] =	dma.local @!p0 [hbm:s6], $0xF7A  }
0x23: {  	s9 =	sor.u32 $0xD0000000, s2;
	s6 =	simm.s32 $0x108;
	_ =	swait.ge @!p0 [sflag:s8], $0x0  }
0x24: {  	s3 =	sadd.s32 $0x88, s3;
	s6 =	simm.s32 @!p1 $0x1082;
	[sflag:s4] =	ssyncset.s32 $0xFFFFF086  }
0x25: {  	[simem:s6], [sflag:s4] =	dma.local [hbm:s3], $0xF7A  }
0x26: {  	[smem:$0x3F6B] =	sst s1;
	(tag) =	ssettag s2;
	_ =	strace s9  }
0x27: {  	s1 =	sld [smem:$0x3F7B]  }
0x28: {  	s2 =	sld [smem:$0x3F7C]  }
0x29: {  	s4 =	sld [smem:$0x3F7E]  }
0x2a: {  	p0 =	seq.s32 s5, $0x0;
	s5 =	sld [smem:$0x3F7F]  }
0x2b: {  	s6 =	sld [smem:$0x3F80]  }
0x2c: {  	s7 =	sld [smem:$0x3F81]  }
0x2d: {  	s3 =	simm.s32 $0x108;
	s8 =	sld [smem:$0x3F82]  }
0x2e: {  	s3 =	simm.s32 @!p0 $0x1082;
	s9 =	sld [smem:$0x3F83]  }
0x2f: {  	lr =	sadd.s32 s0, s3;
	s0 =	sld [smem:$0x3F7A]  }
0x30: {  	s3 =	sld [smem:$0x3F7D]  }
0x31: {  	[smem:$0x3F86] =	sst s10  }
0x32: {  	s10 =	sld [smem:$0x3F84];
	_ =	sdelay $0x3  }
0x33: {  	p0 =	seq.s32 s10, $0x1;
	s10 =	sld [smem:$0x3F86];
	_ =	sdelay $0x3  }
0x34: {  	[smem:$0x3F86] =	sst s10  }
0x35: {  	s10 =	sld [smem:$0x3F85];
	_ =	sdelay $0x3  }
0x36: {  	p1 =	seq.s32 s10, $0x1;
	s10 =	sld [smem:$0x3F86];
	_ =	sdelay $0x3  }
0x37: {  	[smem:$0x3F86] =	sst s10  }
0x38: {  	s10 =	sld [smem:$0x3F87]  }
0x39: {  	_ = 	snop;
	(pc) =	sbr.ind lr, $3  }
0x3a: {  	_ = 	snop  }
0x3b: {  	_ = 	snop  }
0x3c: {  	p2 =	seq.s32 s10, $0x1;
	s10 =	sld [smem:$0x3F86]  }
0x3d: {  	_ =	shalt  }
0x3e: {  	_ =	shalt  }
0x3f: {  	_ =	shalt  }
0x40: {  	_ =	shalt  }
0x41: {  	_ =	shalt  }
0x42: {  	_ =	shalt  }
0x43: {  	_ =	shalt  }
0x44: {  	_ =	shalt  }
0x45: {  	_ =	shalt  }
0x46: {  	_ =	shalt  }
0x47: {  	_ =	shalt  }
0x48: {  	_ =	shalt  }
0x49: {  	_ =	shalt  }
0x4a: {  	_ =	shalt  }
0x4b: {  	_ =	shalt  }
0x4c: {  	_ =	shalt  }
0x4d: {  	_ =	shalt  }
0x4e: {  	_ =	shalt  }
0x4f: {  	_ =	shalt  }
0x50: {  	_ =	shalt  }
0x51: {  	_ =	shalt  }
0x52: {  	_ =	shalt  }
0x53: {  	_ =	shalt  }
0x54: {  	_ =	shalt  }
0x55: {  	_ =	shalt  }
0x56: {  	_ =	shalt  }
0x57: {  	_ =	shalt  }
0x58: {  	_ =	shalt  }
0x59: {  	_ =	shalt  }
0x5a: {  	_ =	shalt  }
0x5b: {  	_ =	shalt  }
0x5c: {  	_ =	shalt  }
0x5d: {  	_ =	shalt  }
0x5e: {  	_ =	shalt  }
0x5f: {  	_ =	shalt  }
0x60: {  	_ =	shalt  }
0x61: {  	_ =	shalt  }
0x62: {  	_ =	shalt  }
0x63: {  	_ =	shalt  }
0x64: {  	_ =	shalt  }
0x65: {  	_ =	shalt  }
0x66: {  	_ =	shalt  }
0x67: {  	_ =	shalt  }
0x68: {  	_ =	shalt  }
0x69: {  	_ =	shalt  }
0x6a: {  	_ =	shalt  }
0x6b: {  	_ =	shalt  }
0x6c: {  	_ =	shalt  }
0x6d: {  	_ =	shalt  }
0x6e: {  	_ =	shalt  }
0x6f: {  	_ =	shalt  }
0x70: {  	_ =	shalt  }
0x71: {  	_ =	shalt  }
0x72: {  	_ =	shalt  }
0x73: {  	_ =	shalt  }
0x74: {  	_ =	shalt  }
0x75: {  	_ =	shalt  }
0x76: {  	_ =	shalt  }
0x77: {  	_ =	shalt  }
0x78: {  	_ =	shalt  }
0x79: {  	_ =	shalt  }
0x7a: {  	_ =	shalt  }
0x7b: {  	_ =	shalt  }
0x7c: {  	_ =	shalt  }
0x7d: {  	_ =	shalt  }
0x7e: {  	_ =	shalt  }
0x7f: {  	_ =	shalt  }
0x80: {  	_ =	shalt  }
0x81: {  	_ =	shalt  }
0x82: {  	_ =	shalt  }
0x83: {  	_ =	shalt  }
0x84: {  	_ =	shalt  }
0x85: {  	_ =	shalt  }
0x86: {  	_ =	shalt  }
0x87: {  	_ =	shalt  }
.Lfunc_end0:
.L_simem_size_0:
called_computation.1_lowered:
.L_overlay_start_0:
0x88: {  	s2 =	sld [smem:$0x3FD9]  }
0x89: {  	s3 =	sld [smem:$0x3FFE];
	_ =	sdelay $0x1  }
0x8a: {  	s1 =	srdreg.scid  }
0x8b: {  	s0 =	sand.u32 $0x1, s1  }
0x8c: {  	s15 =	sshll.u32 s0, $0xA;
	s2 =	sadd.s32 s3, s2  }
0x8d: {  	s2 =	sadd.s32 s2, s15  }
0x8e: {  	[smem:$0x3F92] =	sst s2  }
0x8f: {  	_ = 	snop  }
0x90: {  	s2 =	sld [smem:$0x3FD0];
	_ =	sdelay $0x2  }
0x91: {  	s16 =	simm.s32 $0xB;
	s4 =	simm.s32 $0x10  }
0x92: {  	[smem:s4], [sflag:s16] =	dma.local [hbm:s2], $0x1  }
0x93: {  	_ =	swait.eq [sflag:s16], $0x1  }
0x94: {  	[sflag:s16] =	ssyncset.done $0x0  }
0x95: {  	[sflag:s16] =	ssyncadd.s32 $0xFFFFFFFF  }
0x96: {  	s17 =	sld [smem:$0x11];
	(tm) =	ssettm $0x1  }
0x97: {  	s18 =	sld [smem:$0x3FFB];
	_ =	sdelay $0x3  }
0x98: {  	_ =	strace s18  }
0x99: {  	s2 =	sld [smem:$0x3FFC];
	_ =	sdelay $0x3  }
0x9a: {  	_ =	strace s2  }
0x9b: {  	s2 =	sld [smem:$0x3FFD];
	_ =	sdelay $0x3  }
0x9c: {  	_ =	strace s2  }
0x9d: {  	_ =	strace $0x8FFFFFFF  }
0x9e: {  	s19 =	sld [smem:$0x3FDB];
	_ =	sdelay $0x1  }
0x9f: {  	s20 =	simm.s32 $_scs_section_size  }
0xa0: {  	s5 =	simm.s32 $_size__tile_overlayer_lowered;
	s6 =	simm.s32 $_tile_overlayer_lowered  }
0xa1: {  	s7 =	simm.s32 $0x1BFF;
	s21 =	sshll.u32 s6, $0x1;
	s4 =	sadd.s32 s20, s19  }
0xa2: {  	s22 =	simm.s32 $0x0;
	s5 =	sshll.u32 s5, $0x1;
	s6 =	sadd.s32 s21, s4  }
0xa3: {  	[timem:s22], [sflag:s7] =	dma.local [hbm:s6], s5  }
0xa4: {  	_ =	swait.ge [sflag:s7], s5  }
0xa5: {  	s5 =	ssub.s32 $0x0, s5;
	[sflag:s7] =	ssyncset.done $0x0  }
0xa6: {  	[sflag:s7] =	ssyncadd.s32 s5;
	_ =	sdelay $0x1  }
0xa7: {  	s23 =	simm.s32 $0x1B8B  }
0xa8: {  	_ =	swait.ge [sflag:s23], $0x1  }
0xa9: {  	[sflag:s23] =	ssyncset.done $0x0  }
0xaa: {  	[sflag:s23] =	ssyncadd.s32 $0xFFFFFFFF  }
0xab: {  	s5 =	sld [smem:$0x0]  }
0xac: {  	s6 =	sand.u32 $0xFFFFFFFE, s1  }
0xad: {  	p0 =	sne.s32 s1, s6  }
0xae: {  	s6 =	sshll.u32 @p0 s6, $0xE  }
0xaf: {  	s6 =	sadd.s32 @p0 $0x11B8D, s6;
	s7 =	sshll.u32 @p0 s5, $0x11  }
0xb0: {  	s6 =	sor.u32 @p0 s7, s6  }
0xb1: {  	[sflag:s6] =	ssyncadd.remote.s32 @p0 $0x1;
	_ =	sdelay $0x1  }
0xb2: {  	s6 =	simm.s32 @p0 $0x1B8D  }
0xb3: {  	_ =	swait.eq @p0 [sflag:s6], $0x1  }
0xb4: {  	[sflag:s6] =	ssyncadd.s32 @p0 $0xFFFFFFFF  }
0xb5: {  	s7 =	sshll.u32 @!p0 s1, $0xE  }
0xb6: {  	s7 =	sor.u32 @!p0 $0x4000, s7;
	s6 =	simm.s32 @!p0 $0x1B8D  }
0xb7: {  	s5 =	sshll.u32 @!p0 s5, $0x11;
	s7 =	sadd.s32 @!p0 $0x11B8D, s7;
	_ =	swait.eq @!p0 [sflag:s6], $0x1  }
0xb8: {  	s5 =	sor.u32 @!p0 s5, s7;
	[sflag:s6] =	ssyncadd.s32 @!p0 $0xFFFFFFFF  }
0xb9: {  	s25 =	simm.s32 $0x1B8E;
	s24 =	sld [smem:$0x3FFE];
	[sflag:s5] =	ssyncadd.remote.s32 @!p0 $0x1  }
0xba: {  	s26 =	simm.s32 $execute0_lowered;
	[smem:$0x3FD2] =	sst s25  }
0xbb: {  	s6 =	sshll.u32 s26, $0x1;
	_ =	strace $0x8000004C;
	[dreg:$0x1] =	wrdreg $0xFFFFFFFF  }
0xbc: {  	s28 =	simm.s32 $_size_execute0_lowered;
	s4 =	sadd.s32 s4, s6;
	[dreg:$0x0] =	wrdreg $0x0  }
0xbd: {  	s6 =	sshll.u32 s28, $0x1;
	[dreg:$0x2] =	wrdreg s4  }
0xbe: {  	[dreg:$0x3] =	wrdreg s6  }
0xbf: {  	[dreg:$0x4] =	wrdreg $0xC0  }
0xc0: {  	_ =	task [dreg:s22], $0x5FFFF  }
0xc1: {  	[dreg:$0x1] =	wrdreg $0xFFFFFFFF  }
0xc2: {  	[dreg:$0x0] =	wrdreg $0x60  }
0xc3: {  	[dreg:$0x2] =	wrdreg s17  }
0xc4: {  	[dreg:$0x3] =	wrdreg s24  }
0xc5: {  	[dreg:$0x4] =	wrdreg $0x0  }
0xc6: {  	[dreg:$0x5] =	wrdreg $0x9  }
0xc7: {  	_ =	task.clear_ibuf [dreg:s22], $0x6FFFF;
	_ =	strace $0x9000004C  }
0xc8: {  	s29 =	simm.s32 $0x9;
	_ =	strace $0x8000004E  }
0xc9: {  	_ =	swait.ge [sflag:s29], $0x1  }
0xca: {  	[sflag:s29] =	ssyncadd.s32 $0xFFFFFFFF  }
0xcb: {  	_ =	strace $0x9000004E  }
0xcc: {  	_ =	sfence  }
0xcd: {  	s30 =	sld [smem:$0x0];
	_ =	sdelay $0x2  }
0xce: {  	s31 =	sshll.u32 s1, $0xD;
	s1 =	sshrl.u32 s1, $0x2  }
0xcf: {  	s4 =	sand.u32 $0x4000, s31;
	s1 =	sadd.s32 s1, s30  }
0xd0: {  	s0 =	sor.u32 s4, s0;
	s1 =	sshll.u32 s1, $0x11  }
0xd1: {  	s0 =	sor.u32 s1, s0  }
0xd2: {  	s0 =	sadd.s32 $0x8F2B, s0  }
0xd3: {  	[sflag:s0] =	ssyncadd.remote.s32 $0x1  }
0xd4: {  	_ =	sfence.sel $0xFFFF  }
0xd5: {  	[dreg:$0x0] =	wrdreg $0xFFFFFFFF;
	(pc) =	sbr.abs _section_cstart, $3  }
0xd6: {  	[dreg:$0x1] =	wrdreg $0xFFFFFFFF  }
0xd7: {  	_ =	task.clear_ibuf [dreg:s22], $0x2FFFF;
	_ =	strace $0x9FFFFFFF  }
0xd8: {  	(tm) =	ssettm $0x7FFFFFFF  }
0xd9: {  	_ =	shalt  }
tec
execute0_lowered:
.L_overlay_start_1:
0x0: {  	(tag) =	ssettag $0x1  }
0x1: {  	s12 =	rddreg [dreg:$0x0]  }
0x2: {  	s5 =	rddreg [dreg:$0x1]  }
0x3: {  	s1 =	rddreg [dreg:$0x2]  }
0x4: {  	s0 =	rddreg [dreg:$0x3];
	s2 =	simm.s32 $0x0  }
0x5: {  	s3 =	srdreg.scid;
	s19 =	simm.s32 $0x1000;
	s20 =	simm.s32 $0x80  }
0x6: {  	[smem:$0x7FF] =	sst s2;
	s14 =	sand.u32 $0x1, s3;
	s3 =	stileid.u32  }
0x7: {  	s4 =	sadd.s32 $0xD000, s5;
	_ =	strace $0x8000004D;
	s6 =	ssub.s32 $0x2, s14  }
0x8: {  	s7 =	sshll.u32 s3, $0xC;
	s13 =	sshll.u32 s3, $0x1;
	s11 =	sshll.u32 s3, $0x5  }
0x9: {  	s22 =	sshll.u32 s3, $0x9;
	s30 =	sshll.u32 s14, $0xB;
	s31 =	sshll.u32 s3, $0x8  }
0xa: {  	s18 =	sshll.u32 s14, $0x7;
	s8 =	sshrl.u32 s6, $0x1;
	s15 =	sadd.s32 s7, s5  }
0xb: {  	s7 =	sadd.s32 s7, s1;
	s23 =	sor.u32 $0x8, s11;
	s16 =	sor.u32 $0x10, s11  }
0xc: {  	s17 =	sor.u32 $0x18, s11;
	s13 =	sor.u32 s13, s14;
	s21 =	ssub.s32 s6, s8  }
0xd: {  	s6 =	sadd.s32 s12, s22;
	s9 =	sshll.u32 s23, $0x4;
	s10 =	sshll.u32 s23, $0x7  }
0xe: {  	s24 =	sshll.u32 s16, $0x4;
	s16 =	sshll.u32 s16, $0x7;
	s25 =	sshll.u32 s17, $0x4  }
0xf: {  	s26 =	sshll.u32 s17, $0x7;
	s28 =	ssub.s32 $0x270, s13;
	s15 =	sadd.s32 s30, s15  }
0x10: {  	s17 =	simm.s32 $0x5080;
	s22 =	simm.s32 $0x0;
	s5 =	smax.u32 s21, $0x1  }
0x11: {  	s8 =	sadd.s32 s12, s9;
	s9 =	sadd.s32 s10, s1;
	s10 =	sadd.s32 s12, s24  }
0x12: {  	s11 =	sadd.s32 s16, s1;
	s12 =	sadd.s32 s12, s25;
	s13 =	sadd.s32 s26, s1  }
0x13: {  	s29 =	sshrl.u32 s28, $0x5;
	s15 =	sadd.s32 $0x6CE00, s15;
	s16 =	sor.u32 s18, s31  }
0x14: {  	s18 =	simm.s32 $0x1;
	s21 =	simm.s32 $0x1080;
	s14 =	sxor.u32 $0xFFFFFFFF, s29  }
.LBB2_1:
0x15: {  	[tilespmem:s17], [sflag:$0x1] =	stream.linear.gather [hbm4b:s6+s2], $0x400, $0x38;
	[tilespmem:$0x5480] =	vst v63  }
0x16: {  	_ =	swait.ge [sflag:s18], $0x400  }
0x17: {  	[sflag:s18] =	ssyncset.done $0x0  }
0x18: {  	[sflag:s18] =	ssyncadd.s32 $0xFFFFFC00  }
0x19: {  	[spmem:s7] =	stream.linear.scatter [tilespmem:s17], [sflag:$0x1], $0x400, $0x38;
	[tilespmem:$0x5480] =	vst v63  }
0x1a: {  	_ =	swait.ge [sflag:s18], $0x400  }
0x1b: {  	[sflag:s18] =	ssyncset.done $0x0  }
0x1c: {  	[sflag:s18] =	ssyncadd.s32 $0xFFFFFC00  }
0x1d: {  	[tilespmem:s17], [sflag:$0x1] =	stream.linear.gather [hbm4b:s8+s2], $0x400, $0x38;
	[tilespmem:$0x5480] =	vst v63  }
0x1e: {  	_ =	swait.ge [sflag:s18], $0x400  }
0x1f: {  	[sflag:s18] =	ssyncset.done $0x0  }
0x20: {  	[sflag:s18] =	ssyncadd.s32 $0xFFFFFC00  }
0x21: {  	[spmem:s9] =	stream.linear.scatter [tilespmem:s17], [sflag:$0x1], $0x400, $0x38;
	[tilespmem:$0x5480] =	vst v63  }
0x22: {  	_ =	swait.ge [sflag:s18], $0x400  }
0x23: {  	[sflag:s18] =	ssyncset.done $0x0  }
0x24: {  	[sflag:s18] =	ssyncadd.s32 $0xFFFFFC00  }
0x25: {  	[tilespmem:s17], [sflag:$0x1] =	stream.linear.gather [hbm4b:s10+s2], $0x400, $0x38;
	[tilespmem:$0x5480] =	vst v63  }
0x26: {  	_ =	swait.ge [sflag:s18], $0x400  }
0x27: {  	[sflag:s18] =	ssyncset.done $0x0  }
0x28: {  	[sflag:s18] =	ssyncadd.s32 $0xFFFFFC00  }
0x29: {  	[spmem:s11] =	stream.linear.scatter [tilespmem:s17], [sflag:$0x1], $0x400, $0x38;
	[tilespmem:$0x5480] =	vst v63  }
0x2a: {  	_ =	swait.ge [sflag:s18], $0x400  }
0x2b: {  	[sflag:s18] =	ssyncset.done $0x0  }
0x2c: {  	[sflag:s18] =	ssyncadd.s32 $0xFFFFFC00  }
0x2d: {  	[tilespmem:s17], [sflag:$0x1] =	stream.linear.gather [hbm4b:s12+s2], $0x400, $0x38;
	[tilespmem:$0x5480] =	vst v63  }
0x2e: {  	_ =	swait.ge [sflag:s18], $0x400  }
0x2f: {  	s23 =	sadd.s32 $0x1, s14;
	[sflag:s18] =	ssyncset.done $0x0  }
0x30: {  	p1 =	seq.s32 s23, $0x0;
	[sflag:s18] =	ssyncadd.s32 $0xFFFFFC00  }
0x31: {  	[spmem:s13] =	stream.linear.scatter [tilespmem:s17], [sflag:$0x1], $0x400, $0x38;
	[tilespmem:$0x5480] =	vst v63  }
.Ltmp0:
0x32: {  	_ =	swait.ge [sflag:s18], $0x400;
	(pc) =	sbr.rel @p1 .LBB2_2-.Ltmp0, $4  }
0x33: {  	[sflag:s18] =	ssyncset.done $0x0  }
0x34: {  	[sflag:s18] =	ssyncadd.s32 $0xFFFFFC00  }
0x35: {  	[bflag:$0x0] =	sbarrier.arrive $0xFFFF  }
0x36: {  	s26 =	sshrl.u32 s16, $0x3;
	p0 =	por $0x0, $0x0  }
0x37: {  	s24 =	sadd.s32 s4, s26  }
0x38: {  	[tilespmem:s19], [sflag:$0x1] =	stream.linear.gather [hbm4b:s24+s2], $0x80, $0x38;
	[tilespmem:$0x5480] =	vst v63  }
0x39: {  	_ =	swait.ge [sflag:s18], $0x80  }
0x3a: {  	[sflag:s18] =	ssyncset.done $0x0  }
0x3b: {  	s24 =	sadd.s32 $0x1, s23;
	[sflag:s18] =	ssyncadd.s32 $0xFFFFFF80  }
0x3c: {  	[tilespmem:s21], [sflag:$0x1] =	stream.indirect.gather [spmem:s1], $0x80, s19, s20, $0xb8;
	[tilespmem:$0x5480] =	vst v63  }
0x3d: {  	p1 =	seq.s32 s24, $0x0;
	_ =	swait.ge [sflag:s18], $0x4000  }
.Ltmp1:
0x3e: {  	[sflag:s18] =	ssyncset.done $0x0;
	(pc) =	sbr.rel @p1 .LBB2_5-.Ltmp1, $4  }
0x3f: {  	[sflag:s18] =	ssyncadd.s32 $0xFFFFC000  }
0x40: {  	[hbm4b:s15+s2] =	stream.linear.scatter [tilespmem:s21], [sflag:$0x1], $0x4000, $0x38;
	[tilespmem:$0x5480] =	vst v63  }
0x41: {  	s25 =	sadd.s32 $0x1000, s16;
	p0 =	por $0x1, $0x1;
	_ =	swait.ge [sflag:s18], $0x4000  }
0x42: {  	s26 =	sshrl.u32 s25, $0x3;
	s23 =	sadd.s32 $0x10000, s15;
	[sflag:s18] =	ssyncset.done $0x0  }
.LBB2_4:
0x43: {  	s24 =	sadd.s32 $0x1, s24;
	s26 =	sadd.s32 s4, s26;
	[sflag:s18] =	ssyncadd.s32 $0xFFFFC000  }
0x44: {  	[tilespmem:s19], [sflag:$0x1] =	stream.linear.gather [hbm4b:s26+s2], $0x80, $0x38;
	[tilespmem:$0x5480] =	vst v63  }
0x45: {  	p1 =	seq.s32 s24, $0x0;
	_ =	swait.ge [sflag:s18], $0x80  }
0x46: {  	[sflag:s18] =	ssyncset.done $0x0  }
0x47: {  	[sflag:s18] =	ssyncadd.s32 $0xFFFFFF80  }
0x48: {  	[tilespmem:s21], [sflag:$0x1] =	stream.indirect.gather [spmem:s1], $0x80, s19, s20, $0xb8;
	[tilespmem:$0x5480] =	vst v63  }
0x49: {  	_ =	swait.ge [sflag:s18], $0x4000  }
.Ltmp2:
0x4a: {  	[sflag:s18] =	ssyncset.done $0x0;
	(pc) =	sbr.rel @!p1 .LBB2_4-.Ltmp2, $4  }
0x4b: {  	[sflag:s18] =	ssyncadd.s32 $0xFFFFC000  }
0x4c: {  	[hbm4b:s23+s2] =	stream.linear.scatter [tilespmem:s21], [sflag:$0x1], $0x4000, $0x38;
	[tilespmem:$0x5480] =	vst v63  }
0x4d: {  	s25 =	sadd.s32 $0x1000, s25;
	_ =	swait.ge [sflag:s18], $0x4000  }
0x4e: {  	s26 =	sshrl.u32 s25, $0x3;
	s23 =	sadd.s32 $0x10000, s23;
	[sflag:s18] =	ssyncset.done $0x0  }
.LBB2_5:
0x4f: {  	s24 =	sadd.s32 s4, s26;
	[sflag:s18] =	ssyncadd.s32 @p0 $0xFFFFC000  }
0x50: {  	[tilespmem:s19], [sflag:$0x1] =	stream.linear.gather [hbm4b:s24+s2], $0x80, $0x38;
	[tilespmem:$0x5480] =	vst v63  }
0x51: {  	_ =	swait.ge [sflag:s18], $0x80  }
0x52: {  	[sflag:s18] =	ssyncset.done $0x0  }
0x53: {  	[sflag:s18] =	ssyncadd.s32 $0xFFFFFF80  }
0x54: {  	[tilespmem:s21], [sflag:$0x1] =	stream.indirect.gather [spmem:s1], $0x80, s19, s20, $0xb8;
	[tilespmem:$0x5480] =	vst v63  }
0x55: {  	_ =	swait.ge [sflag:s18], $0x4000  }
0x56: {  	s22 =	sadd.s32 $0x1, s22;
	[sflag:s18] =	ssyncset.done $0x0  }
0x57: {  	p0 =	sne.s32 s22, s5;
	[sflag:s18] =	ssyncadd.s32 $0xFFFFC000  }
0x58: {  	[hbm4b:s23+s2] =	stream.linear.scatter [tilespmem:s21], [sflag:$0x1], $0x4000, $0x38;
	[tilespmem:$0x5480] =	vst v63  }
.Ltmp3:
0x59: {  	_ = 	snop;
	(pc) =	sbr.rel @p0 .LBB2_1-.Ltmp3, $4  }
.Ltmp4:
0x5a: {  	_ = 	snop;
	(pc) =	sbr.rel @!p0 .LBB2_6-.Ltmp4, $4  }
0x5b: {  	_ =	swait.ge [sflag:s18], $0x4000  }
0x5c: {  	[sflag:s18] =	ssyncset.done $0x0  }
0x5d: {  	[sflag:s18] =	ssyncadd.s32 $0xFFFFC000  }
0x5e: {  	_ = 	snop  }
.LBB2_2:
.Ltmp5:
0x5f: {  	(pc) =	sbr.rel .LBB2_5-.Ltmp5, $2  }
0x60: {  	_ =	sdelay $0x2  }
0x61: {  	s23 =	smov.u32 s15  }
.LBB2_6:
0x62: {  	_ =	sfence.sel $0x180000  }
0x63: {  	[bflag:$0x0] =	sbarrier.arrive $0xFFFF  }
0x64: {  	p0 =	sne.s32 s3, $0x0;
	_ =	strace $0x9000004D  }
0x65: {  	s0 =	sadd.s32 @!p0 $0x100000, s0;
	[bflag:$0x2] =	sbarrier.arrive $0xFFFF  }
0x66: {  	[sflag:s0] =	ssyncadd.tile.s32 @!p0 $0x1;
	_ =	shalt  }
.Lfunc_end2:
_tile_overlayer_lowered:
.L_overlay_start_2:
0x67: {  	(tag) =	ssettag $0x2  }
0x68: {  	s0 =	rddreg [dreg:$0x0];
	s2 =	stileid.u32  }
0x69: {  	s1 =	rddreg [dreg:$0x1];
	p0 =	sne.s32 s2, $0x0  }
0x6a: {  	s3 =	rddreg [dreg:$0x2];
	[bflag:$0x3] =	sbarrier.arrive $0xFFFF;
	s2 =	simm.s32 @!p0 $0x1C01  }
0x6b: {  	[timem:s3], [sflag:s2] =	dma.local @!p0 [hbm:s0], s1  }
0x6c: {  	s0 =	simm.s32 @!p0 $0x1  }
0x6d: {  	_ =	swait.ge @!p0 [sflag:s0], s1  }
0x6e: {  	s1 =	ssub.s32 @!p0 $0x0, s1;
	[sflag:s0] =	ssyncset.done @!p0 $0x0  }
0x6f: {  	[sflag:s0] =	ssyncadd.s32 @!p0 s1  }
0x70: {  	[bflag:$0x3] =	sbarrier.arrive $0xFFFF  }
0x71: {  	_ =	shalt  }

// kernel: kernel.22.cloned.1.call-start
scs
__scs_entry_jumppad:
0x0: {  	(pc) =	sbr.rel $0x88, $3  }
0x1: {  	(tag) =	ssettag $0x0;
	lr =	simm.s32 $0x1  }
0x2: {  	[smem:$0x3F6B] =	sst lr;
	_ =	strace $0xD0000000  }
0x3: {  	_ = 	snop  }
0x4: {  	_ = 	snop  }
0x5: {  	_ = 	snop  }
0x6: {  	_ = 	snop  }
0x7: {  	_ = 	snop  }
__scs_overlays_trampoline_lowered:
0x8: {  	[smem:$0x3F7A] =	sst s0  }
0x9: {  	[smem:$0x3F7B] =	sst s1  }
0xa: {  	[smem:$0x3F7C] =	sst s2  }
0xb: {  	[smem:$0x3F7D] =	sst s3  }
0xc: {  	[smem:$0x3F7E] =	sst s4  }
0xd: {  	[smem:$0x3F7F] =	sst s5  }
0xe: {  	[smem:$0x3F80] =	sst s6  }
0xf: {  	[smem:$0x3F81] =	sst s7  }
0x10: {  	[smem:$0x3F82] =	sst s8  }
0x11: {  	[smem:$0x3F83] =	sst s9;
	s0 =	simm.s32 @!p0 $0x0  }
0x12: {  	s1 =	sld [smem:$0x3F69];
	s0 =	simm.s32 @p0 $0x1  }
0x13: {  	[smem:$0x3F84] =	sst s0;
	s0 =	simm.s32 @!p1 $0x0  }
0x14: {  	s2 =	sld [smem:$0x3F68];
	s0 =	simm.s32 @p1 $0x1  }
0x15: {  	[smem:$0x3F85] =	sst s0;
	s0 =	simm.s32 @!p2 $0x0  }
0x16: {  	s3 =	sld [smem:$0x3FDB];
	s0 =	simm.s32 @p2 $0x1  }
0x17: {  	s4 =	simm.s32 $0x1BF5;
	[smem:$0x3F87] =	sst s0  }
0x18: {  	s0 =	sld [smem:$0x3F6A];
	_ =	swait.ge [sflag:s4], $0x0  }
0x19: {  	s7 =	sld [smem:$0x3F6B]  }
0x1a: {  	s8 =	sadd.s32 $0xFFFFE003, lr  }
0x1b: {  	s9 =	sadd.s32 $0xFFFFFEF7, lr;
	s5 =	simm.s32 $0xFFFFFFFF;
	p2 =	slt.u32 s8, $0xFFFFF086  }
0x1c: {  	p1 =	slt.u32 s9, $0xF7A;
	s5 =	simm.s32 @!p2 $0x0  }
0x1d: {  	s5 =	simm.s32 @p1 $0x1;
	p0 =	seq.s32 s7, s2  }
0x1e: {  	s7 =	smul.u32 @!p0 $0xF7A, s2;
	p2 =	seq.s32 @!p0 s5, $0x0  }
0x1f: {  	s9 =	smul.u32 $0xF7A, s1;
	s8 =	simm.s32 @!p0 $0x1BF5;
	p2 =	por !p2, p0  }
0x20: {  	[sflag:s8] =	ssyncset.s32 @!p0 $0xFFFFF086;
	s6 =	sadd.s32 @!p0 s3, s7;
	s7 =	simm.s32 @!p0 $0x108  }
0x21: {  	s3 =	sadd.s32 s3, s9;
	s6 =	sadd.s32 @!p0 $0x88, s6;
	s7 =	simm.s32 @p2 $0x1082  }
0x22: {  	[simem:s7], [sflag:s8] =	dma.local @!p0 [hbm:s6], $0xF7A  }
0x23: {  	s9 =	sor.u32 $0xD0000000, s2;
	s6 =	simm.s32 $0x108;
	_ =	swait.ge @!p0 [sflag:s8], $0x0  }
0x24: {  	s3 =	sadd.s32 $0x88, s3;
	s6 =	simm.s32 @!p1 $0x1082;
	[sflag:s4] =	ssyncset.s32 $0xFFFFF086  }
0x25: {  	[simem:s6], [sflag:s4] =	dma.local [hbm:s3], $0xF7A  }
0x26: {  	[smem:$0x3F6B] =	sst s1;
	(tag) =	ssettag s2;
	_ =	strace s9  }
0x27: {  	s1 =	sld [smem:$0x3F7B]  }
0x28: {  	s2 =	sld [smem:$0x3F7C]  }
0x29: {  	s4 =	sld [smem:$0x3F7E]  }
0x2a: {  	p0 =	seq.s32 s5, $0x0;
	s5 =	sld [smem:$0x3F7F]  }
0x2b: {  	s6 =	sld [smem:$0x3F80]  }
0x2c: {  	s7 =	sld [smem:$0x3F81]  }
0x2d: {  	s3 =	simm.s32 $0x108;
	s8 =	sld [smem:$0x3F82]  }
0x2e: {  	s3 =	simm.s32 @!p0 $0x1082;
	s9 =	sld [smem:$0x3F83]  }
0x2f: {  	lr =	sadd.s32 s0, s3;
	s0 =	sld [smem:$0x3F7A]  }
0x30: {  	s3 =	sld [smem:$0x3F7D]  }
0x31: {  	[smem:$0x3F86] =	sst s10  }
0x32: {  	s10 =	sld [smem:$0x3F84];
	_ =	sdelay $0x3  }
0x33: {  	p0 =	seq.s32 s10, $0x1;
	s10 =	sld [smem:$0x3F86];
	_ =	sdelay $0x3  }
0x34: {  	[smem:$0x3F86] =	sst s10  }
0x35: {  	s10 =	sld [smem:$0x3F85];
	_ =	sdelay $0x3  }
0x36: {  	p1 =	seq.s32 s10, $0x1;
	s10 =	sld [smem:$0x3F86];
	_ =	sdelay $0x3  }
0x37: {  	[smem:$0x3F86] =	sst s10  }
0x38: {  	s10 =	sld [smem:$0x3F87]  }
0x39: {  	_ = 	snop;
	(pc) =	sbr.ind lr, $3  }
0x3a: {  	_ = 	snop  }
0x3b: {  	_ = 	snop  }
0x3c: {  	p2 =	seq.s32 s10, $0x1;
	s10 =	sld [smem:$0x3F86]  }
0x3d: {  	_ =	shalt  }
0x3e: {  	_ =	shalt  }
0x3f: {  	_ =	shalt  }
0x40: {  	_ =	shalt  }
0x41: {  	_ =	shalt  }
0x42: {  	_ =	shalt  }
0x43: {  	_ =	shalt  }
0x44: {  	_ =	shalt  }
0x45: {  	_ =	shalt  }
0x46: {  	_ =	shalt  }
0x47: {  	_ =	shalt  }
0x48: {  	_ =	shalt  }
0x49: {  	_ =	shalt  }
0x4a: {  	_ =	shalt  }
0x4b: {  	_ =	shalt  }
0x4c: {  	_ =	shalt  }
0x4d: {  	_ =	shalt  }
0x4e: {  	_ =	shalt  }
0x4f: {  	_ =	shalt  }
0x50: {  	_ =	shalt  }
0x51: {  	_ =	shalt  }
0x52: {  	_ =	shalt  }
0x53: {  	_ =	shalt  }
0x54: {  	_ =	shalt  }
0x55: {  	_ =	shalt  }
0x56: {  	_ =	shalt  }
0x57: {  	_ =	shalt  }
0x58: {  	_ =	shalt  }
0x59: {  	_ =	shalt  }
0x5a: {  	_ =	shalt  }
0x5b: {  	_ =	shalt  }
0x5c: {  	_ =	shalt  }
0x5d: {  	_ =	shalt  }
0x5e: {  	_ =	shalt  }
0x5f: {  	_ =	shalt  }
0x60: {  	_ =	shalt  }
0x61: {  	_ =	shalt  }
0x62: {  	_ =	shalt  }
0x63: {  	_ =	shalt  }
0x64: {  	_ =	shalt  }
0x65: {  	_ =	shalt  }
0x66: {  	_ =	shalt  }
0x67: {  	_ =	shalt  }
0x68: {  	_ =	shalt  }
0x69: {  	_ =	shalt  }
0x6a: {  	_ =	shalt  }
0x6b: {  	_ =	shalt  }
0x6c: {  	_ =	shalt  }
0x6d: {  	_ =	shalt  }
0x6e: {  	_ =	shalt  }
0x6f: {  	_ =	shalt  }
0x70: {  	_ =	shalt  }
0x71: {  	_ =	shalt  }
0x72: {  	_ =	shalt  }
0x73: {  	_ =	shalt  }
0x74: {  	_ =	shalt  }
0x75: {  	_ =	shalt  }
0x76: {  	_ =	shalt  }
0x77: {  	_ =	shalt  }
0x78: {  	_ =	shalt  }
0x79: {  	_ =	shalt  }
0x7a: {  	_ =	shalt  }
0x7b: {  	_ =	shalt  }
0x7c: {  	_ =	shalt  }
0x7d: {  	_ =	shalt  }
0x7e: {  	_ =	shalt  }
0x7f: {  	_ =	shalt  }
0x80: {  	_ =	shalt  }
0x81: {  	_ =	shalt  }
0x82: {  	_ =	shalt  }
0x83: {  	_ =	shalt  }
0x84: {  	_ =	shalt  }
0x85: {  	_ =	shalt  }
0x86: {  	_ =	shalt  }
0x87: {  	_ =	shalt  }
.Lfunc_end0:
.L_simem_size_0:
called_computation.2_lowered:
.L_overlay_start_0:
0x88: {  	s2 =	sld [smem:$0x3FD9]  }
0x89: {  	s3 =	sld [smem:$0x3FFE];
	_ =	sdelay $0x1  }
0x8a: {  	s1 =	srdreg.scid  }
0x8b: {  	s0 =	sand.u32 $0x1, s1  }
0x8c: {  	s16 =	sshll.u32 s0, $0xA;
	s2 =	sadd.s32 s3, s2  }
0x8d: {  	s2 =	sadd.s32 s2, s16  }
0x8e: {  	[smem:$0x3F92] =	sst s2  }
0x8f: {  	_ = 	snop  }
0x90: {  	(tm) =	ssettm $0x1  }
0x91: {  	s17 =	sld [smem:$0x3FFB];
	_ =	sdelay $0x3  }
0x92: {  	_ =	strace s17  }
0x93: {  	s2 =	sld [smem:$0x3FFC];
	_ =	sdelay $0x3  }
0x94: {  	_ =	strace s2  }
0x95: {  	s2 =	sld [smem:$0x3FFD];
	_ =	sdelay $0x3  }
0x96: {  	_ =	strace s2  }
0x97: {  	_ =	strace $0x8FFFFFFF  }
0x98: {  	s18 =	sld [smem:$0x3FDB];
	_ =	sdelay $0x1  }
0x99: {  	s19 =	simm.s32 $_scs_section_size  }
0x9a: {  	s4 =	simm.s32 $_size__tile_overlayer_lowered;
	s5 =	simm.s32 $_tile_overlayer_lowered  }
0x9b: {  	s22 =	simm.s32 $0x1BFF;
	s21 =	sshll.u32 s5, $0x1;
	s2 =	sadd.s32 s19, s18  }
0x9c: {  	s6 =	simm.s32 $0x0;
	s20 =	sshll.u32 s4, $0x1;
	s4 =	sadd.s32 s21, s2  }
0x9d: {  	[timem:s6], [sflag:s22] =	dma.local [hbm:s4], s20  }
0x9e: {  	_ =	swait.ge [sflag:s22], s20  }
0x9f: {  	s3 =	ssub.s32 $0x0, s20;
	[sflag:s22] =	ssyncset.done $0x0  }
0xa0: {  	[sflag:s22] =	ssyncadd.s32 s3;
	_ =	sdelay $0x1  }
0xa1: {  	s23 =	simm.s32 $0x1B8B  }
0xa2: {  	_ =	swait.ge [sflag:s23], $0x1  }
0xa3: {  	[sflag:s23] =	ssyncset.done $0x0  }
0xa4: {  	s25 =	simm.s32 $0x1B8E;
	s24 =	sld [smem:$0x3FFE];
	[sflag:s23] =	ssyncadd.s32 $0xFFFFFFFF  }
0xa5: {  	s26 =	simm.s32 $execute0_lowered;
	[smem:$0x3FD2] =	sst s25  }
0xa6: {  	s4 =	sshll.u32 s26, $0x1;
	_ =	strace $0x80000049;
	[dreg:$0x1] =	wrdreg $0xFFFFFFFF  }
0xa7: {  	s28 =	simm.s32 $_size_execute0_lowered;
	s2 =	sadd.s32 s2, s4;
	[dreg:$0x0] =	wrdreg $0x0  }
0xa8: {  	s4 =	sshll.u32 s28, $0x1;
	[dreg:$0x2] =	wrdreg s2  }
0xa9: {  	[dreg:$0x3] =	wrdreg s4  }
0xaa: {  	[dreg:$0x4] =	wrdreg $0xC0  }
0xab: {  	_ =	task [dreg:s6], $0x5FFFF  }
0xac: {  	[dreg:$0x1] =	wrdreg $0xFFFFFFFF  }
0xad: {  	[dreg:$0x0] =	wrdreg $0x60  }
0xae: {  	[dreg:$0x2] =	wrdreg s24  }
0xaf: {  	[dreg:$0x3] =	wrdreg $0x0  }
0xb0: {  	[dreg:$0x4] =	wrdreg $0xA  }
0xb1: {  	_ =	task.clear_ibuf [dreg:s6], $0x5FFFF;
	_ =	strace $0x90000049  }
0xb2: {  	s29 =	simm.s32 $0xA;
	_ =	strace $0x8000004B  }
0xb3: {  	_ =	swait.ge [sflag:s29], $0x1  }
0xb4: {  	[sflag:s29] =	ssyncadd.s32 $0xFFFFFFFF  }
0xb5: {  	_ =	strace $0x9000004B  }
0xb6: {  	_ =	sfence  }
0xb7: {  	s30 =	sld [smem:$0x0];
	_ =	sdelay $0x2  }
0xb8: {  	s31 =	sshll.u32 s1, $0xD;
	s1 =	sshrl.u32 s1, $0x2  }
0xb9: {  	s3 =	sand.u32 $0x4000, s31;
	s1 =	sadd.s32 s1, s30  }
0xba: {  	s0 =	sor.u32 s3, s0;
	s1 =	sshll.u32 s1, $0x11  }
0xbb: {  	s0 =	sor.u32 s1, s0  }
0xbc: {  	s0 =	sadd.s32 $0x8F2B, s0  }
0xbd: {  	[sflag:s0] =	ssyncadd.remote.s32 $0x1  }
0xbe: {  	_ =	sfence.sel $0xFFFF  }
0xbf: {  	[dreg:$0x0] =	wrdreg $0xFFFFFFFF;
	(pc) =	sbr.abs _section_cstart, $3  }
0xc0: {  	[dreg:$0x1] =	wrdreg $0xFFFFFFFF  }
0xc1: {  	_ =	task.clear_ibuf [dreg:s6], $0x2FFFF;
	_ =	strace $0x9FFFFFFF  }
0xc2: {  	(tm) =	ssettm $0x7FFFFFFF  }
0xc3: {  	_ =	shalt  }
tec
execute0_lowered:
.L_overlay_start_1:
0x0: {  	(tag) =	ssettag $0x1  }
0x1: {  	s5 =	rddreg [dreg:$0x0]  }
0x2: {  	s2 =	rddreg [dreg:$0x1]  }
0x3: {  	s0 =	srdreg.scid;
	s1 =	rddreg [dreg:$0x2]  }
0x4: {  	s3 =	simm.s32 $0x0;
	s14 =	simm.s32 $0x13880;
	s15 =	simm.s32 $0x13900  }
0x5: {  	s16 =	simm.s32 $0x17D00;
	s17 =	simm.s32 $0x17D80;
	s18 =	simm.s32 $0x1  }
0x6: {  	s19 =	simm.s32 $0x80;
	s20 =	simm.s32 $0x2;
	s8 =	sand.u32 $0x1, s0  }
0x7: {  	s21 =	simm.s32 $0x0;
	s0 =	stileid.u32;
	s4 =	smul.u32 $0x138800, s8  }
0x8: {  	[smem:$0x7FF] =	sst s3;
	s6 =	smul.u32 $0x13800, s0;
	s7 =	smin.u32 s0, $0x2  }
0x9: {  	_ =	strace $0x8000004A;
	s9 =	sshll.u32 s0, $0xD;
	s10 =	ssub.s32 $0x2, s8  }
0xa: {  	s28 =	sshll.u32 s0, $0x1;
	s12 =	smul.u32 $0x4E000, s0;
	p0 =	slt.u32 s0, $0x2  }
0xb: {  	s29 =	sshll.u32 s8, $0xC;
	s30 =	sshll.u32 s0, $0x9;
	s13 =	sshll.u32 s8, $0x8  }
0xc: {  	s24 =	sshll.u32 s7, $0xA;
	s9 =	sadd.s32 s9, s5;
	s25 =	sshrl.u32 s10, $0x1  }
0xd: {  	s7 =	sshll.u32 s7, $0xC;
	s31 =	sor.u32 s13, s30;
	s13 =	simm.s32 $0x3  }
0xe: {  	s4 =	sadd.s32 s6, s4;
	s26 =	ssub.s32 s10, s25;
	s7 =	sadd.s32 s7, s12  }
0xf: {  	s10 =	sor.u32 s28, s8;
	s9 =	sadd.s32 s29, s9;
	s12 =	simm.s32 $0x17900  }
0x10: {  	s4 =	sadd.s32 s24, s4;
	s7 =	sshrl.u32 s7, $0x2;
	s10 =	ssub.s32 $0x4E1, s10  }
0x11: {  	s9 =	sadd.s32 $0xEC4C00, s9;
	s6 =	sshrl.u32 s4, $0x3;
	s4 =	sadd.s32 $0x14E00, s5  }
0x12: {  	s7 =	sadd.s32 s7, s2;
	s10 =	sshrl.u32 s10, $0x5;
	s11 =	sadd.s32 s6, s5  }
0x13: {  	s5 =	simm.s32 $0x4F;
	s6 =	smax.u32 s26, $0x1;
	s8 =	sxor.u32 $0xFFFFFFFF, s10  }
0x14: {  	v0 =	vimm.f32 $0.0e+00;
	s10 =	sor.u32 $0x80, s31;
	s5 =	simm.s32 @!p0 $0x4E;
	s11 =	sadd.s32 $0x1EC00, s11  }
.LBB2_1:
0x15: {  	[tilespmem:$0x17900] =	vst v0  }
0x16: {  	[tilespmem:$0x17910] =	vst v0  }
0x17: {  	[tilespmem:$0x17920] =	vst v0  }
0x18: {  	[tilespmem:$0x17930] =	vst v0  }
0x19: {  	[tilespmem:$0x17940] =	vst v0  }
0x1a: {  	[tilespmem:$0x17950] =	vst v0  }
0x1b: {  	[tilespmem:$0x17960] =	vst v0  }
0x1c: {  	[tilespmem:$0x17970] =	vst v0  }
0x1d: {  	[tilespmem:$0x17980] =	vst v0  }
0x1e: {  	[tilespmem:$0x17990] =	vst v0  }
0x1f: {  	[tilespmem:$0x179A0] =	vst v0  }
0x20: {  	[tilespmem:$0x179B0] =	vst v0  }
0x21: {  	[tilespmem:$0x179C0] =	vst v0  }
0x22: {  	[tilespmem:$0x179D0] =	vst v0  }
0x23: {  	[tilespmem:$0x179E0] =	vst v0  }
0x24: {  	[tilespmem:$0x179F0] =	vst v0  }
0x25: {  	[tilespmem:$0x17A00] =	vst v0  }
0x26: {  	[tilespmem:$0x17A10] =	vst v0  }
0x27: {  	[tilespmem:$0x17A20] =	vst v0  }
0x28: {  	[tilespmem:$0x17A30] =	vst v0  }
0x29: {  	[tilespmem:$0x17A40] =	vst v0  }
0x2a: {  	[tilespmem:$0x17A50] =	vst v0  }
0x2b: {  	[tilespmem:$0x17A60] =	vst v0  }
0x2c: {  	[tilespmem:$0x17A70] =	vst v0  }
0x2d: {  	[tilespmem:$0x17A80] =	vst v0  }
0x2e: {  	[tilespmem:$0x17A90] =	vst v0  }
0x2f: {  	[tilespmem:$0x17AA0] =	vst v0  }
0x30: {  	[tilespmem:$0x17AB0] =	vst v0  }
0x31: {  	[tilespmem:$0x17AC0] =	vst v0  }
0x32: {  	[tilespmem:$0x17AD0] =	vst v0  }
0x33: {  	[tilespmem:$0x17AE0] =	vst v0  }
0x34: {  	[tilespmem:$0x17AF0] =	vst v0  }
0x35: {  	[tilespmem:$0x17B00] =	vst v0  }
0x36: {  	[tilespmem:$0x17B10] =	vst v0  }
0x37: {  	[tilespmem:$0x17B20] =	vst v0  }
0x38: {  	[tilespmem:$0x17B30] =	vst v0  }
0x39: {  	[tilespmem:$0x17B40] =	vst v0  }
0x3a: {  	[tilespmem:$0x17B50] =	vst v0  }
0x3b: {  	[tilespmem:$0x17B60] =	vst v0  }
0x3c: {  	[tilespmem:$0x17B70] =	vst v0  }
0x3d: {  	[tilespmem:$0x17B80] =	vst v0  }
0x3e: {  	[tilespmem:$0x17B90] =	vst v0  }
0x3f: {  	[tilespmem:$0x17BA0] =	vst v0  }
0x40: {  	[tilespmem:$0x17BB0] =	vst v0  }
0x41: {  	[tilespmem:$0x17BC0] =	vst v0  }
0x42: {  	[tilespmem:$0x17BD0] =	vst v0  }
0x43: {  	[tilespmem:$0x17BE0] =	vst v0  }
0x44: {  	[tilespmem:$0x17BF0] =	vst v0  }
0x45: {  	[tilespmem:$0x17C00] =	vst v0  }
0x46: {  	[tilespmem:$0x17C10] =	vst v0  }
0x47: {  	[tilespmem:$0x17C20] =	vst v0  }
0x48: {  	[tilespmem:$0x17C30] =	vst v0  }
0x49: {  	[tilespmem:$0x17C40] =	vst v0  }
0x4a: {  	[tilespmem:$0x17C50] =	vst v0  }
0x4b: {  	[tilespmem:$0x17C60] =	vst v0  }
0x4c: {  	[tilespmem:$0x17C70] =	vst v0  }
0x4d: {  	[tilespmem:$0x17C80] =	vst v0  }
0x4e: {  	[tilespmem:$0x17C90] =	vst v0  }
0x4f: {  	[tilespmem:$0x17CA0] =	vst v0  }
0x50: {  	[tilespmem:$0x17CB0] =	vst v0  }
0x51: {  	[tilespmem:$0x17CC0] =	vst v0  }
0x52: {  	[tilespmem:$0x17CD0] =	vst v0;
	p0 =	sne.s32 s5, $0x1  }
.Ltmp0:
0x53: {  	[tilespmem:$0x17CE0] =	vst v0;
	(pc) =	sbr.rel @!p0 .LBB2_3-.Ltmp0, $4  }
0x54: {  	[tilespmem:$0x17CF0] =	vst v0  }
0x55: {  	[spmem:s7] =	stream.linear.scatter [tilespmem:s12], [sflag:$0x3], $0x400, $0x38;
	[tilespmem:$0x1BD80] =	vst v63  }
0x56: {  	_ =	swait.ge [sflag:s13], $0x400  }
0x57: {  	s22 =	sadd.s32 $0xFFFFFFFF, s5;
	s23 =	smov.u32 s7;
	[sflag:s13] =	ssyncset.done $0x0  }
.LBB2_2:
0x58: {  	p1 =	sne.s32 s22, $0x1;
	[sflag:s13] =	ssyncadd.s32 $0xFFFFFC00;
	s23 =	sadd.s32 $0x400, s23  }
.Ltmp1:
0x59: {  	s22 =	sadd.s32 $0xFFFFFFFF, s22;
	(pc) =	sbr.rel @p1 .LBB2_2-.Ltmp1, $4  }
0x5a: {  	_ = 	snop  }
0x5b: {  	[spmem:s23] =	stream.linear.scatter [tilespmem:s12], [sflag:$0x3], $0x400, $0x38;
	[tilespmem:$0x1BD80] =	vst v63  }
0x5c: {  	_ =	swait.ge [sflag:s13], $0x400  }
0x5d: {  	[sflag:s13] =	ssyncset.done $0x0  }
.LBB2_3:
0x5e: {  	s23 =	sadd.s32 $0x1, s8  }
0x5f: {  	p2 =	seq.s32 s23, $0x0  }
.Ltmp2:
0x60: {  	_ = 	snop;
	(pc) =	sbr.rel @p2 .LBB2_4-.Ltmp2, $4  }
0x61: {  	_ = 	snop  }
0x62: {  	[sflag:s13] =	ssyncadd.s32 $0xFFFFFC00  }
0x63: {  	s22 =	sadd.s32 $0xFFFFFF80, s10;
	[bflag:$0x0] =	sbarrier.arrive $0xFFFF  }
0x64: {  	p1 =	por $0x0, $0x0;
	s25 =	sshrl.u32 s22, $0x3  }
0x65: {  	s22 =	sadd.s32 s4, s25  }
0x66: {  	[tilespmem:s14], [sflag:$0x3] =	stream.linear.gather [hbm4b:s22+s3], $0x80, $0x38;
	[tilespmem:$0x1BD80] =	vst v63  }
0x67: {  	_ =	swait.ge [sflag:s13], $0x80  }
0x68: {  	[sflag:s13] =	ssyncset.done $0x0  }
0x69: {  	s29 =	sshrl.u32 s10, $0x3;
	[sflag:s13] =	ssyncadd.s32 $0xFFFFFF80  }
0x6a: {  	[tilespmem:s15], [sflag:$0x1] =	stream.linear.gather [hbm4b:s9+s3], $0x4000, $0x38;
	[tilespmem:$0x1BD80] =	vst v63  }
0x6b: {  	s22 =	sadd.s32 s4, s29  }
0x6c: {  	[tilespmem:s16], [sflag:$0x3] =	stream.linear.gather [hbm4b:s22+s3], $0x80, $0x38;
	[tilespmem:$0x1BD80] =	vst v63  }
0x6d: {  	_ =	swait.ge [sflag:s13], $0x80  }
0x6e: {  	[sflag:s13] =	ssyncset.done $0x0  }
0x6f: {  	s30 =	sadd.s32 $0x800, s9;
	[sflag:s13] =	ssyncadd.s32 $0xFFFFFF80  }
0x70: {  	[tilespmem:s17], [sflag:$0x2] =	stream.linear.gather [hbm4b:s30+s3], $0x4000, $0x38;
	[tilespmem:$0x1BD80] =	vst v63  }
0x71: {  	_ =	swait.ge [sflag:s18], $0x4000  }
0x72: {  	[sflag:s18] =	ssyncset.done $0x0  }
0x73: {  	[sflag:s18] =	ssyncadd.s32 $0xFFFFC000  }
0x74: {  	[spmem:s2] =	stream.indirect.scatter.add.f32 [tilespmem:s15], [sflag:$0x3], $0x80, s14, s19, $0xb8;
	[tilespmem:$0x1BD80] =	vst v63  }
0x75: {  	_ =	swait.ge [sflag:s13], $0x4000  }
0x76: {  	[sflag:s13] =	ssyncset.done $0x0  }
0x77: {  	s24 =	sadd.s32 $0x1, s23;
	[sflag:s13] =	ssyncadd.s32 $0xFFFFC000  }
0x78: {  	p2 =	seq.s32 s24, $0x0;
	_ =	swait.ge [sflag:s20], $0x4000  }
.Ltmp3:
0x79: {  	[sflag:s20] =	ssyncset.done $0x0;
	(pc) =	sbr.rel @p2 .LBB2_7-.Ltmp3, $4  }
0x7a: {  	s22 =	sadd.s32 $0x2000, s10;
	[sflag:s20] =	ssyncadd.s32 $0xFFFFC000  }
0x7b: {  	[spmem:s2] =	stream.indirect.scatter.add.f32 [tilespmem:s17], [sflag:$0x3], $0x80, s16, s19, $0xb8;
	[tilespmem:$0x1BD80] =	vst v63  }
0x7c: {  	s23 =	sadd.s32 $0x20000, s9;
	s31 =	sadd.s32 $0xFFFFFF80, s22;
	_ =	swait.ge [sflag:s13], $0x4000  }
0x7d: {  	p1 =	por $0x1, $0x1;
	s25 =	sshrl.u32 s31, $0x3;
	[sflag:s13] =	ssyncset.done $0x0  }
.LBB2_6:
0x7e: {  	s24 =	sadd.s32 $0x1, s24;
	s25 =	sadd.s32 s4, s25;
	[sflag:s13] =	ssyncadd.s32 $0xFFFFC000  }
0x7f: {  	[tilespmem:s14], [sflag:$0x3] =	stream.linear.gather [hbm4b:s25+s3], $0x80, $0x38;
	[tilespmem:$0x1BD80] =	vst v63  }
0x80: {  	p2 =	seq.s32 s24, $0x0;
	_ =	swait.ge [sflag:s13], $0x80  }
0x81: {  	[sflag:s13] =	ssyncset.done $0x0  }
0x82: {  	s25 =	sshrl.u32 s22, $0x3;
	[sflag:s13] =	ssyncadd.s32 $0xFFFFFF80  }
0x83: {  	[tilespmem:s15], [sflag:$0x1] =	stream.linear.gather [hbm4b:s23+s3], $0x4000, $0x38;
	[tilespmem:$0x1BD80] =	vst v63  }
0x84: {  	s25 =	sadd.s32 s4, s25  }
0x85: {  	[tilespmem:s16], [sflag:$0x3] =	stream.linear.gather [hbm4b:s25+s3], $0x80, $0x38;
	[tilespmem:$0x1BD80] =	vst v63  }
0x86: {  	_ =	swait.ge [sflag:s13], $0x80  }
0x87: {  	[sflag:s13] =	ssyncset.done $0x0  }
0x88: {  	s25 =	sadd.s32 $0x800, s23;
	[sflag:s13] =	ssyncadd.s32 $0xFFFFFF80  }
0x89: {  	[tilespmem:s17], [sflag:$0x2] =	stream.linear.gather [hbm4b:s25+s3], $0x4000, $0x38;
	[tilespmem:$0x1BD80] =	vst v63  }
0x8a: {  	_ =	swait.ge [sflag:s18], $0x4000  }
0x8b: {  	[sflag:s18] =	ssyncset.done $0x0  }
0x8c: {  	[sflag:s18] =	ssyncadd.s32 $0xFFFFC000  }
0x8d: {  	[spmem:s2] =	stream.indirect.scatter.add.f32 [tilespmem:s15], [sflag:$0x3], $0x80, s14, s19, $0xb8;
	[tilespmem:$0x1BD80] =	vst v63  }
0x8e: {  	_ =	swait.ge [sflag:s13], $0x4000  }
0x8f: {  	[sflag:s13] =	ssyncset.done $0x0  }
0x90: {  	[sflag:s13] =	ssyncadd.s32 $0xFFFFC000  }
0x91: {  	_ =	swait.ge [sflag:s20], $0x4000  }
.Ltmp4:
0x92: {  	[sflag:s20] =	ssyncset.done $0x0;
	(pc) =	sbr.rel @!p2 .LBB2_6-.Ltmp4, $4  }
0x93: {  	s22 =	sadd.s32 $0x2000, s22;
	[sflag:s20] =	ssyncadd.s32 $0xFFFFC000  }
0x94: {  	[spmem:s2] =	stream.indirect.scatter.add.f32 [tilespmem:s17], [sflag:$0x3], $0x80, s16, s19, $0xb8;
	[tilespmem:$0x1BD80] =	vst v63  }
0x95: {  	s25 =	sadd.s32 $0xFFFFFF80, s22;
	_ =	swait.ge [sflag:s13], $0x4000  }
0x96: {  	s23 =	sadd.s32 $0x20000, s23;
	s25 =	sshrl.u32 s25, $0x3;
	[sflag:s13] =	ssyncset.done $0x0  }
.LBB2_7:
0x97: {  	s24 =	sadd.s32 s4, s25;
	[sflag:s13] =	ssyncadd.s32 @p1 $0xFFFFC000  }
0x98: {  	[tilespmem:s14], [sflag:$0x3] =	stream.linear.gather [hbm4b:s24+s3], $0x80, $0x38;
	[tilespmem:$0x1BD80] =	vst v63  }
0x99: {  	_ =	swait.ge [sflag:s13], $0x80  }
0x9a: {  	[sflag:s13] =	ssyncset.done $0x0  }
0x9b: {  	s22 =	sshrl.u32 s22, $0x3;
	[sflag:s13] =	ssyncadd.s32 $0xFFFFFF80  }
0x9c: {  	[tilespmem:s15], [sflag:$0x1] =	stream.linear.gather [hbm4b:s23+s3], $0x4000, $0x38;
	[tilespmem:$0x1BD80] =	vst v63  }
0x9d: {  	s22 =	sadd.s32 s4, s22  }
0x9e: {  	[tilespmem:s16], [sflag:$0x3] =	stream.linear.gather [hbm4b:s22+s3], $0x80, $0x38;
	[tilespmem:$0x1BD80] =	vst v63  }
0x9f: {  	_ =	swait.ge [sflag:s13], $0x80  }
0xa0: {  	[sflag:s13] =	ssyncset.done $0x0  }
0xa1: {  	s31 =	sadd.s32 $0x800, s23;
	[sflag:s13] =	ssyncadd.s32 $0xFFFFFF80  }
0xa2: {  	[tilespmem:s17], [sflag:$0x2] =	stream.linear.gather [hbm4b:s31+s3], $0x4000, $0x38;
	[tilespmem:$0x1BD80] =	vst v63  }
0xa3: {  	_ =	swait.ge [sflag:s18], $0x4000  }
0xa4: {  	[sflag:s18] =	ssyncset.done $0x0  }
0xa5: {  	[sflag:s18] =	ssyncadd.s32 $0xFFFFC000  }
0xa6: {  	[spmem:s2] =	stream.indirect.scatter.add.f32 [tilespmem:s15], [sflag:$0x3], $0x80, s14, s19, $0xb8;
	[tilespmem:$0x1BD80] =	vst v63  }
0xa7: {  	_ =	swait.ge [sflag:s13], $0x4000  }
0xa8: {  	[sflag:s13] =	ssyncset.done $0x0  }
0xa9: {  	[sflag:s13] =	ssyncadd.s32 $0xFFFFC000  }
0xaa: {  	_ =	swait.ge [sflag:s20], $0x4000  }
0xab: {  	[sflag:s20] =	ssyncset.done $0x0  }
0xac: {  	[sflag:s20] =	ssyncadd.s32 $0xFFFFC000  }
0xad: {  	[spmem:s2] =	stream.indirect.scatter.add.f32 [tilespmem:s17], [sflag:$0x3], $0x80, s16, s19, $0xb8;
	[tilespmem:$0x1BD80] =	vst v63  }
0xae: {  	_ =	swait.ge [sflag:s13], $0x4000  }
0xaf: {  	[sflag:s13] =	ssyncset.done $0x0  }
0xb0: {  	[sflag:s13] =	ssyncadd.s32 $0xFFFFC000  }
0xb1: {  	[bflag:$0x0] =	sbarrier.arrive $0xFFFF  }
0xb2: {  	[tilespmem:s12], [sflag:$0x3] =	stream.linear.gather [spmem:s7], $0x400, $0x38;
	[tilespmem:$0x1BD80] =	vst v63  }
0xb3: {  	_ =	swait.ge [sflag:s13], $0x400  }
.Ltmp5:
0xb4: {  	[sflag:s13] =	ssyncset.done $0x0;
	(pc) =	sbr.rel @!p0 .LBB2_9-.Ltmp5, $4  }
0xb5: {  	[sflag:s13] =	ssyncadd.s32 $0xFFFFFC00  }
0xb6: {  	[hbm4b:s11+s3] =	stream.linear.scatter [tilespmem:s12], [sflag:$0x3], $0x400, $0x38;
	[tilespmem:$0x1BD80] =	vst v63  }
0xb7: {  	s24 =	smov.u32 s7;
	_ =	swait.ge [sflag:s13], $0x400  }
0xb8: {  	s23 =	smov.u32 s11;
	s22 =	sadd.s32 $0xFFFFFFFF, s5;
	[sflag:s13] =	ssyncset.done $0x0  }
.LBB2_8:
0xb9: {  	[sflag:s13] =	ssyncadd.s32 $0xFFFFFC00;
	s23 =	sadd.s32 $0x80, s23;
	s24 =	sadd.s32 $0x400, s24  }
0xba: {  	[tilespmem:s12], [sflag:$0x3] =	stream.linear.gather [spmem:s24], $0x400, $0x38;
	[tilespmem:$0x1BD80] =	vst v63  }
0xbb: {  	p0 =	sne.s32 s22, $0x1;
	s22 =	sadd.s32 $0xFFFFFFFF, s22;
	_ =	swait.ge [sflag:s13], $0x400  }
.Ltmp6:
0xbc: {  	[sflag:s13] =	ssyncset.done $0x0;
	(pc) =	sbr.rel @p0 .LBB2_8-.Ltmp6, $4  }
0xbd: {  	[sflag:s13] =	ssyncadd.s32 $0xFFFFFC00  }
0xbe: {  	[hbm4b:s23+s3] =	stream.linear.scatter [tilespmem:s12], [sflag:$0x3], $0x400, $0x38;
	[tilespmem:$0x1BD80] =	vst v63  }
0xbf: {  	_ =	swait.ge [sflag:s13], $0x400  }
0xc0: {  	[sflag:s13] =	ssyncset.done $0x0  }
.LBB2_9:
0xc1: {  	s21 =	sadd.s32 $0x1, s21  }
0xc2: {  	p0 =	sne.s32 s21, s6  }
.Ltmp7:
0xc3: {  	_ = 	snop;
	(pc) =	sbr.rel @p0 .LBB2_1-.Ltmp7, $4  }
.Ltmp8:
0xc4: {  	_ = 	snop;
	(pc) =	sbr.rel @!p0 .LBB2_10-.Ltmp8, $4  }
0xc5: {  	_ = 	snop  }
0xc6: {  	_ = 	snop  }
0xc7: {  	[sflag:s13] =	ssyncadd.s32 $0xFFFFFC00  }
0xc8: {  	_ = 	snop  }
.LBB2_4:
.Ltmp9:
0xc9: {  	(pc) =	sbr.rel .LBB2_7-.Ltmp9, $2  }
0xca: {  	_ =	sdelay $0x2  }
0xcb: {  	s22 =	smov.u32 s10;
	s23 =	smov.u32 s9  }
.LBB2_10:
0xcc: {  	_ =	sfence.sel $0x180000  }
0xcd: {  	[bflag:$0x0] =	sbarrier.arrive $0xFFFF  }
0xce: {  	p0 =	sne.s32 s0, $0x0;
	_ =	strace $0x9000004A  }
0xcf: {  	s0 =	sadd.s32 @!p0 $0x100000, s1;
	[bflag:$0x2] =	sbarrier.arrive $0xFFFF  }
0xd0: {  	[sflag:s0] =	ssyncadd.tile.s32 @!p0 $0x1;
	_ =	shalt  }
.Lfunc_end2:
_tile_overlayer_lowered:
.L_overlay_start_2:
0xd1: {  	(tag) =	ssettag $0x2  }
0xd2: {  	s0 =	rddreg [dreg:$0x0];
	s2 =	stileid.u32  }
0xd3: {  	s1 =	rddreg [dreg:$0x1];
	p0 =	sne.s32 s2, $0x0  }
0xd4: {  	s3 =	rddreg [dreg:$0x2];
	[bflag:$0x3] =	sbarrier.arrive $0xFFFF;
	s2 =	simm.s32 @!p0 $0x1C03  }
0xd5: {  	[timem:s3], [sflag:s2] =	dma.local @!p0 [hbm:s0], s1  }
0xd6: {  	s0 =	simm.s32 @!p0 $0x3  }
0xd7: {  	_ =	swait.ge @!p0 [sflag:s0], s1  }
0xd8: {  	s1 =	ssub.s32 @!p0 $0x0, s1;
	[sflag:s0] =	ssyncset.done @!p0 $0x0  }
0xd9: {  	[sflag:s0] =	ssyncadd.s32 @!p0 s1  }
0xda: {  	[bflag:$0x3] =	sbarrier.arrive $0xFFFF  }
0xdb: {  	_ =	shalt  }

// kernel: kernel.25.cloned.1.call-start
scs
__scs_entry_jumppad:
0x0: {  	(pc) =	sbr.rel $0x88, $3  }
0x1: {  	(tag) =	ssettag $0x0;
	lr =	simm.s32 $0x1  }
0x2: {  	[smem:$0x3F6B] =	sst lr;
	_ =	strace $0xD0000000  }
0x3: {  	_ = 	snop  }
0x4: {  	_ = 	snop  }
0x5: {  	_ = 	snop  }
0x6: {  	_ = 	snop  }
0x7: {  	_ = 	snop  }
__scs_overlays_trampoline_lowered:
0x8: {  	[smem:$0x3F7A] =	sst s0  }
0x9: {  	[smem:$0x3F7B] =	sst s1  }
0xa: {  	[smem:$0x3F7C] =	sst s2  }
0xb: {  	[smem:$0x3F7D] =	sst s3  }
0xc: {  	[smem:$0x3F7E] =	sst s4  }
0xd: {  	[smem:$0x3F7F] =	sst s5  }
0xe: {  	[smem:$0x3F80] =	sst s6  }
0xf: {  	[smem:$0x3F81] =	sst s7  }
0x10: {  	[smem:$0x3F82] =	sst s8  }
0x11: {  	[smem:$0x3F83] =	sst s9;
	s0 =	simm.s32 @!p0 $0x0  }
0x12: {  	s1 =	sld [smem:$0x3F69];
	s0 =	simm.s32 @p0 $0x1  }
0x13: {  	[smem:$0x3F84] =	sst s0;
	s0 =	simm.s32 @!p1 $0x0  }
0x14: {  	s2 =	sld [smem:$0x3F68];
	s0 =	simm.s32 @p1 $0x1  }
0x15: {  	[smem:$0x3F85] =	sst s0;
	s0 =	simm.s32 @!p2 $0x0  }
0x16: {  	s3 =	sld [smem:$0x3FDB];
	s0 =	simm.s32 @p2 $0x1  }
0x17: {  	s4 =	simm.s32 $0x1BF5;
	[smem:$0x3F87] =	sst s0  }
0x18: {  	s0 =	sld [smem:$0x3F6A];
	_ =	swait.ge [sflag:s4], $0x0  }
0x19: {  	s7 =	sld [smem:$0x3F6B]  }
0x1a: {  	s8 =	sadd.s32 $0xFFFFE003, lr  }
0x1b: {  	s9 =	sadd.s32 $0xFFFFFEF7, lr;
	s5 =	simm.s32 $0xFFFFFFFF;
	p2 =	slt.u32 s8, $0xFFFFF086  }
0x1c: {  	p1 =	slt.u32 s9, $0xF7A;
	s5 =	simm.s32 @!p2 $0x0  }
0x1d: {  	s5 =	simm.s32 @p1 $0x1;
	p0 =	seq.s32 s7, s2  }
0x1e: {  	s7 =	smul.u32 @!p0 $0xF7A, s2;
	p2 =	seq.s32 @!p0 s5, $0x0  }
0x1f: {  	s9 =	smul.u32 $0xF7A, s1;
	s8 =	simm.s32 @!p0 $0x1BF5;
	p2 =	por !p2, p0  }
0x20: {  	[sflag:s8] =	ssyncset.s32 @!p0 $0xFFFFF086;
	s6 =	sadd.s32 @!p0 s3, s7;
	s7 =	simm.s32 @!p0 $0x108  }
0x21: {  	s3 =	sadd.s32 s3, s9;
	s6 =	sadd.s32 @!p0 $0x88, s6;
	s7 =	simm.s32 @p2 $0x1082  }
0x22: {  	[simem:s7], [sflag:s8] =	dma.local @!p0 [hbm:s6], $0xF7A  }
0x23: {  	s9 =	sor.u32 $0xD0000000, s2;
	s6 =	simm.s32 $0x108;
	_ =	swait.ge @!p0 [sflag:s8], $0x0  }
0x24: {  	s3 =	sadd.s32 $0x88, s3;
	s6 =	simm.s32 @!p1 $0x1082;
	[sflag:s4] =	ssyncset.s32 $0xFFFFF086  }
0x25: {  	[simem:s6], [sflag:s4] =	dma.local [hbm:s3], $0xF7A  }
0x26: {  	[smem:$0x3F6B] =	sst s1;
	(tag) =	ssettag s2;
	_ =	strace s9  }
0x27: {  	s1 =	sld [smem:$0x3F7B]  }
0x28: {  	s2 =	sld [smem:$0x3F7C]  }
0x29: {  	s4 =	sld [smem:$0x3F7E]  }
0x2a: {  	p0 =	seq.s32 s5, $0x0;
	s5 =	sld [smem:$0x3F7F]  }
0x2b: {  	s6 =	sld [smem:$0x3F80]  }
0x2c: {  	s7 =	sld [smem:$0x3F81]  }
0x2d: {  	s3 =	simm.s32 $0x108;
	s8 =	sld [smem:$0x3F82]  }
0x2e: {  	s3 =	simm.s32 @!p0 $0x1082;
	s9 =	sld [smem:$0x3F83]  }
0x2f: {  	lr =	sadd.s32 s0, s3;
	s0 =	sld [smem:$0x3F7A]  }
0x30: {  	s3 =	sld [smem:$0x3F7D]  }
0x31: {  	[smem:$0x3F86] =	sst s10  }
0x32: {  	s10 =	sld [smem:$0x3F84];
	_ =	sdelay $0x3  }
0x33: {  	p0 =	seq.s32 s10, $0x1;
	s10 =	sld [smem:$0x3F86];
	_ =	sdelay $0x3  }
0x34: {  	[smem:$0x3F86] =	sst s10  }
0x35: {  	s10 =	sld [smem:$0x3F85];
	_ =	sdelay $0x3  }
0x36: {  	p1 =	seq.s32 s10, $0x1;
	s10 =	sld [smem:$0x3F86];
	_ =	sdelay $0x3  }
0x37: {  	[smem:$0x3F86] =	sst s10  }
0x38: {  	s10 =	sld [smem:$0x3F87]  }
0x39: {  	_ = 	snop;
	(pc) =	sbr.ind lr, $3  }
0x3a: {  	_ = 	snop  }
0x3b: {  	_ = 	snop  }
0x3c: {  	p2 =	seq.s32 s10, $0x1;
	s10 =	sld [smem:$0x3F86]  }
0x3d: {  	_ =	shalt  }
0x3e: {  	_ =	shalt  }
0x3f: {  	_ =	shalt  }
0x40: {  	_ =	shalt  }
0x41: {  	_ =	shalt  }
0x42: {  	_ =	shalt  }
0x43: {  	_ =	shalt  }
0x44: {  	_ =	shalt  }
0x45: {  	_ =	shalt  }
0x46: {  	_ =	shalt  }
0x47: {  	_ =	shalt  }
0x48: {  	_ =	shalt  }
0x49: {  	_ =	shalt  }
0x4a: {  	_ =	shalt  }
0x4b: {  	_ =	shalt  }
0x4c: {  	_ =	shalt  }
0x4d: {  	_ =	shalt  }
0x4e: {  	_ =	shalt  }
0x4f: {  	_ =	shalt  }
0x50: {  	_ =	shalt  }
0x51: {  	_ =	shalt  }
0x52: {  	_ =	shalt  }
0x53: {  	_ =	shalt  }
0x54: {  	_ =	shalt  }
0x55: {  	_ =	shalt  }
0x56: {  	_ =	shalt  }
0x57: {  	_ =	shalt  }
0x58: {  	_ =	shalt  }
0x59: {  	_ =	shalt  }
0x5a: {  	_ =	shalt  }
0x5b: {  	_ =	shalt  }
0x5c: {  	_ =	shalt  }
0x5d: {  	_ =	shalt  }
0x5e: {  	_ =	shalt  }
0x5f: {  	_ =	shalt  }
0x60: {  	_ =	shalt  }
0x61: {  	_ =	shalt  }
0x62: {  	_ =	shalt  }
0x63: {  	_ =	shalt  }
0x64: {  	_ =	shalt  }
0x65: {  	_ =	shalt  }
0x66: {  	_ =	shalt  }
0x67: {  	_ =	shalt  }
0x68: {  	_ =	shalt  }
0x69: {  	_ =	shalt  }
0x6a: {  	_ =	shalt  }
0x6b: {  	_ =	shalt  }
0x6c: {  	_ =	shalt  }
0x6d: {  	_ =	shalt  }
0x6e: {  	_ =	shalt  }
0x6f: {  	_ =	shalt  }
0x70: {  	_ =	shalt  }
0x71: {  	_ =	shalt  }
0x72: {  	_ =	shalt  }
0x73: {  	_ =	shalt  }
0x74: {  	_ =	shalt  }
0x75: {  	_ =	shalt  }
0x76: {  	_ =	shalt  }
0x77: {  	_ =	shalt  }
0x78: {  	_ =	shalt  }
0x79: {  	_ =	shalt  }
0x7a: {  	_ =	shalt  }
0x7b: {  	_ =	shalt  }
0x7c: {  	_ =	shalt  }
0x7d: {  	_ =	shalt  }
0x7e: {  	_ =	shalt  }
0x7f: {  	_ =	shalt  }
0x80: {  	_ =	shalt  }
0x81: {  	_ =	shalt  }
0x82: {  	_ =	shalt  }
0x83: {  	_ =	shalt  }
0x84: {  	_ =	shalt  }
0x85: {  	_ =	shalt  }
0x86: {  	_ =	shalt  }
0x87: {  	_ =	shalt  }
.Lfunc_end0:
.L_simem_size_0:
called_computation.3_lowered:
.L_overlay_start_0:
0x88: {  	s2 =	sld [smem:$0x3FD9]  }
0x89: {  	s3 =	sld [smem:$0x3FFE];
	_ =	sdelay $0x1  }
0x8a: {  	s1 =	srdreg.scid  }
0x8b: {  	s0 =	sand.u32 $0x1, s1  }
0x8c: {  	s17 =	sshll.u32 s0, $0xA;
	s2 =	sadd.s32 s3, s2  }
0x8d: {  	s2 =	sadd.s32 s2, s17  }
0x8e: {  	[smem:$0x3F92] =	sst s2  }
0x8f: {  	_ = 	snop  }
0x90: {  	(tm) =	ssettm $0x1  }
0x91: {  	s18 =	sld [smem:$0x3FFB];
	_ =	sdelay $0x3  }
0x92: {  	_ =	strace s18  }
0x93: {  	s2 =	sld [smem:$0x3FFC];
	_ =	sdelay $0x3  }
0x94: {  	_ =	strace s2  }
0x95: {  	s2 =	sld [smem:$0x3FFD];
	_ =	sdelay $0x3  }
0x96: {  	_ =	strace s2  }
0x97: {  	_ =	strace $0x8FFFFFFF  }
0x98: {  	s19 =	sld [smem:$0x3FDB];
	_ =	sdelay $0x1  }
0x99: {  	s20 =	simm.s32 $_scs_section_size  }
0x9a: {  	s4 =	simm.s32 $_size__tile_overlayer_lowered;
	s5 =	simm.s32 $_tile_overlayer_lowered  }
0x9b: {  	s6 =	simm.s32 $0x1BFF;
	s21 =	sshll.u32 s5, $0x1;
	s3 =	sadd.s32 s20, s19  }
0x9c: {  	s22 =	simm.s32 $0x0;
	s4 =	sshll.u32 s4, $0x1;
	s5 =	sadd.s32 s21, s3  }
0x9d: {  	[timem:s22], [sflag:s6] =	dma.local [hbm:s5], s4  }
0x9e: {  	_ =	swait.ge [sflag:s6], s4  }
0x9f: {  	s4 =	ssub.s32 $0x0, s4;
	[sflag:s6] =	ssyncset.done $0x0  }
0xa0: {  	[sflag:s6] =	ssyncadd.s32 s4;
	_ =	sdelay $0x1  }
0xa1: {  	s23 =	simm.s32 $0x1B8B  }
0xa2: {  	_ =	swait.ge [sflag:s23], $0x1  }
0xa3: {  	[sflag:s23] =	ssyncset.done $0x0  }
0xa4: {  	[sflag:s23] =	ssyncadd.s32 $0xFFFFFFFF  }
0xa5: {  	s4 =	sld [smem:$0x0]  }
0xa6: {  	s5 =	sand.u32 $0xFFFFFFFE, s1  }
0xa7: {  	p0 =	sne.s32 s1, s5  }
0xa8: {  	s5 =	sshll.u32 @p0 s5, $0xE  }
0xa9: {  	s5 =	sadd.s32 @p0 $0x11B8D, s5;
	s6 =	sshll.u32 @p0 s4, $0x11  }
0xaa: {  	s5 =	sor.u32 @p0 s6, s5  }
0xab: {  	[sflag:s5] =	ssyncadd.remote.s32 @p0 $0x1;
	_ =	sdelay $0x1  }
0xac: {  	s5 =	simm.s32 @p0 $0x1B8D  }
0xad: {  	_ =	swait.eq @p0 [sflag:s5], $0x1  }
0xae: {  	[sflag:s5] =	ssyncadd.s32 @p0 $0xFFFFFFFF  }
0xaf: {  	s6 =	sshll.u32 @!p0 s1, $0xE  }
0xb0: {  	s6 =	sor.u32 @!p0 $0x4000, s6;
	s5 =	simm.s32 @!p0 $0x1B8D  }
0xb1: {  	s4 =	sshll.u32 @!p0 s4, $0x11;
	s6 =	sadd.s32 @!p0 $0x11B8D, s6;
	_ =	swait.eq @!p0 [sflag:s5], $0x1  }
0xb2: {  	s4 =	sor.u32 @!p0 s4, s6;
	[sflag:s5] =	ssyncadd.s32 @!p0 $0xFFFFFFFF  }
0xb3: {  	s25 =	simm.s32 $0x1B8E;
	s24 =	sld [smem:$0x3FFE];
	[sflag:s4] =	ssyncadd.remote.s32 @!p0 $0x1  }
0xb4: {  	s26 =	simm.s32 $execute0_lowered;
	[smem:$0x3FD2] =	sst s25  }
0xb5: {  	s5 =	sshll.u32 s26, $0x1;
	_ =	strace $0x80000052;
	[dreg:$0x1] =	wrdreg $0xFFFFFFFF  }
0xb6: {  	s28 =	simm.s32 $_size_execute0_lowered;
	s3 =	sadd.s32 s3, s5;
	[dreg:$0x0] =	wrdreg $0x0  }
0xb7: {  	s5 =	sshll.u32 s28, $0x1;
	[dreg:$0x2] =	wrdreg s3  }
0xb8: {  	[dreg:$0x3] =	wrdreg s5  }
0xb9: {  	[dreg:$0x4] =	wrdreg $0xC0  }
0xba: {  	_ =	task [dreg:s22], $0x5FFFF  }
0xbb: {  	[dreg:$0x1] =	wrdreg $0xFFFFFFFF  }
0xbc: {  	[dreg:$0x0] =	wrdreg $0x60  }
0xbd: {  	[dreg:$0x2] =	wrdreg s24  }
0xbe: {  	[dreg:$0x3] =	wrdreg $0x0  }
0xbf: {  	[dreg:$0x4] =	wrdreg $0x9  }
0xc0: {  	_ =	task.clear_ibuf [dreg:s22], $0x5FFFF;
	_ =	strace $0x90000052  }
0xc1: {  	s29 =	simm.s32 $0x9;
	_ =	strace $0x80000054  }
0xc2: {  	_ =	swait.ge [sflag:s29], $0x1  }
0xc3: {  	[sflag:s29] =	ssyncadd.s32 $0xFFFFFFFF  }
0xc4: {  	_ =	strace $0x90000054  }
0xc5: {  	_ =	sfence  }
0xc6: {  	s30 =	sld [smem:$0x0];
	_ =	sdelay $0x2  }
0xc7: {  	s31 =	sshll.u32 s1, $0xD;
	s1 =	sshrl.u32 s1, $0x2  }
0xc8: {  	s4 =	sand.u32 $0x4000, s31;
	s1 =	sadd.s32 s1, s30  }
0xc9: {  	s0 =	sor.u32 s4, s0;
	s1 =	sshll.u32 s1, $0x11  }
0xca: {  	s0 =	sor.u32 s1, s0  }
0xcb: {  	s0 =	sadd.s32 $0x8F2B, s0  }
0xcc: {  	[sflag:s0] =	ssyncadd.remote.s32 $0x1  }
0xcd: {  	_ =	sfence.sel $0xFFFF  }
0xce: {  	[dreg:$0x0] =	wrdreg $0xFFFFFFFF;
	(pc) =	sbr.abs _section_cstart, $3  }
0xcf: {  	[dreg:$0x1] =	wrdreg $0xFFFFFFFF  }
0xd0: {  	_ =	task.clear_ibuf [dreg:s22], $0x2FFFF;
	_ =	strace $0x9FFFFFFF  }
0xd1: {  	(tm) =	ssettm $0x7FFFFFFF  }
tec
execute0_lowered:
.L_overlay_start_1:
0x0: {  	(tag) =	ssettag $0x1  }
0x1: {  	s5 =	rddreg [dreg:$0x0];
	s0 =	srdreg.scid  }
0x2: {  	s2 =	rddreg [dreg:$0x1];
	s1 =	stileid.u32;
	s3 =	simm.s32 $0x0  }
0x3: {  	s14 =	simm.s32 $0x13880;
	s15 =	simm.s32 $0x13900;
	s16 =	simm.s32 $0x80  }
0x4: {  	s17 =	simm.s32 $0x0;
	s9 =	sand.u32 $0x1, s0;
	s0 =	rddreg [dreg:$0x2]  }
0x5: {  	s6 =	smul.u32 $0x13800, s1;
	[smem:$0x7FF] =	sst s3;
	s7 =	smin.u32 s1, $0x2  }
0x6: {  	s8 =	sshll.u32 s1, $0xC;
	s28 =	sshll.u32 s1, $0x1;
	s29 =	smul.u32 $0x4E000, s1  }
0x7: {  	p0 =	slt.u32 s1, $0x2;
	s31 =	sshll.u32 s1, $0x8;
	s4 =	smul.u32 $0x138800, s9  }
0x8: {  	_ =	strace $0x80000053;
	s24 =	sshll.u32 s7, $0xA;
	s25 =	ssub.s32 $0x2, s9  }
0x9: {  	s10 =	sadd.s32 s8, s5;
	s7 =	sshll.u32 s7, $0xC;
	s8 =	sor.u32 s28, s9  }
0xa: {  	s30 =	sshll.u32 s9, $0xB;
	s13 =	sshll.u32 s9, $0x7;
	s11 =	sshrl.u32 s25, $0x1  }
0xb: {  	s7 =	sadd.s32 s7, s29;
	s8 =	ssub.s32 $0x270, s8;
	s10 =	sadd.s32 s30, s10  }
0xc: {  	s4 =	sadd.s32 s6, s4;
	s6 =	ssub.s32 s25, s11;
	s7 =	sshrl.u32 s7, $0x2  }
0xd: {  	s8 =	sshrl.u32 s8, $0x5;
	s9 =	sadd.s32 $0x551600, s10;
	s10 =	sor.u32 s13, s31  }
0xe: {  	s13 =	simm.s32 $0x1;
	s4 =	sadd.s32 s24, s4;
	s6 =	smax.u32 s6, $0x1  }
0xf: {  	s7 =	sadd.s32 s7, s2;
	s8 =	sxor.u32 $0xFFFFFFFF, s8;
	s26 =	sshrl.u32 s4, $0x3  }
0x10: {  	s4 =	sadd.s32 $0xF800, s5;
	s12 =	sadd.s32 s26, s5;
	s5 =	simm.s32 $0x4F  }
0x11: {  	v0 =	vimm.f32 $0.0e+00;
	s5 =	simm.s32 @!p0 $0x4E;
	s11 =	sadd.s32 $0x3BA00, s12;
	s12 =	simm.s32 $0x17900  }
.LBB2_1:
0x12: {  	[tilespmem:$0x17900] =	vst v0  }
0x13: {  	[tilespmem:$0x17910] =	vst v0  }
0x14: {  	[tilespmem:$0x17920] =	vst v0  }
0x15: {  	[tilespmem:$0x17930] =	vst v0  }
0x16: {  	[tilespmem:$0x17940] =	vst v0  }
0x17: {  	[tilespmem:$0x17950] =	vst v0  }
0x18: {  	[tilespmem:$0x17960] =	vst v0  }
0x19: {  	[tilespmem:$0x17970] =	vst v0  }
0x1a: {  	[tilespmem:$0x17980] =	vst v0  }
0x1b: {  	[tilespmem:$0x17990] =	vst v0  }
0x1c: {  	[tilespmem:$0x179A0] =	vst v0  }
0x1d: {  	[tilespmem:$0x179B0] =	vst v0  }
0x1e: {  	[tilespmem:$0x179C0] =	vst v0  }
0x1f: {  	[tilespmem:$0x179D0] =	vst v0  }
0x20: {  	[tilespmem:$0x179E0] =	vst v0  }
0x21: {  	[tilespmem:$0x179F0] =	vst v0  }
0x22: {  	[tilespmem:$0x17A00] =	vst v0  }
0x23: {  	[tilespmem:$0x17A10] =	vst v0  }
0x24: {  	[tilespmem:$0x17A20] =	vst v0  }
0x25: {  	[tilespmem:$0x17A30] =	vst v0  }
0x26: {  	[tilespmem:$0x17A40] =	vst v0  }
0x27: {  	[tilespmem:$0x17A50] =	vst v0  }
0x28: {  	[tilespmem:$0x17A60] =	vst v0  }
0x29: {  	[tilespmem:$0x17A70] =	vst v0  }
0x2a: {  	[tilespmem:$0x17A80] =	vst v0  }
0x2b: {  	[tilespmem:$0x17A90] =	vst v0  }
0x2c: {  	[tilespmem:$0x17AA0] =	vst v0  }
0x2d: {  	[tilespmem:$0x17AB0] =	vst v0  }
0x2e: {  	[tilespmem:$0x17AC0] =	vst v0  }
0x2f: {  	[tilespmem:$0x17AD0] =	vst v0  }
0x30: {  	[tilespmem:$0x17AE0] =	vst v0  }
0x31: {  	[tilespmem:$0x17AF0] =	vst v0  }
0x32: {  	[tilespmem:$0x17B00] =	vst v0  }
0x33: {  	[tilespmem:$0x17B10] =	vst v0  }
0x34: {  	[tilespmem:$0x17B20] =	vst v0  }
0x35: {  	[tilespmem:$0x17B30] =	vst v0  }
0x36: {  	[tilespmem:$0x17B40] =	vst v0  }
0x37: {  	[tilespmem:$0x17B50] =	vst v0  }
0x38: {  	[tilespmem:$0x17B60] =	vst v0  }
0x39: {  	[tilespmem:$0x17B70] =	vst v0  }
0x3a: {  	[tilespmem:$0x17B80] =	vst v0  }
0x3b: {  	[tilespmem:$0x17B90] =	vst v0  }
0x3c: {  	[tilespmem:$0x17BA0] =	vst v0  }
0x3d: {  	[tilespmem:$0x17BB0] =	vst v0  }
0x3e: {  	[tilespmem:$0x17BC0] =	vst v0  }
0x3f: {  	[tilespmem:$0x17BD0] =	vst v0  }
0x40: {  	[tilespmem:$0x17BE0] =	vst v0  }
0x41: {  	[tilespmem:$0x17BF0] =	vst v0  }
0x42: {  	[tilespmem:$0x17C00] =	vst v0  }
0x43: {  	[tilespmem:$0x17C10] =	vst v0  }
0x44: {  	[tilespmem:$0x17C20] =	vst v0  }
0x45: {  	[tilespmem:$0x17C30] =	vst v0  }
0x46: {  	[tilespmem:$0x17C40] =	vst v0  }
0x47: {  	[tilespmem:$0x17C50] =	vst v0  }
0x48: {  	[tilespmem:$0x17C60] =	vst v0  }
0x49: {  	[tilespmem:$0x17C70] =	vst v0  }
0x4a: {  	[tilespmem:$0x17C80] =	vst v0  }
0x4b: {  	[tilespmem:$0x17C90] =	vst v0  }
0x4c: {  	[tilespmem:$0x17CA0] =	vst v0  }
0x4d: {  	[tilespmem:$0x17CB0] =	vst v0  }
0x4e: {  	[tilespmem:$0x17CC0] =	vst v0  }
0x4f: {  	[tilespmem:$0x17CD0] =	vst v0;
	p0 =	sne.s32 s5, $0x1  }
.Ltmp0:
0x50: {  	[tilespmem:$0x17CE0] =	vst v0;
	(pc) =	sbr.rel @!p0 .LBB2_3-.Ltmp0, $4  }
0x51: {  	[tilespmem:$0x17CF0] =	vst v0  }
0x52: {  	[spmem:s7] =	stream.linear.scatter [tilespmem:s12], [sflag:$0x1], $0x400, $0x38;
	[tilespmem:$0x17D00] =	vst v63  }
0x53: {  	_ =	swait.ge [sflag:s13], $0x400  }
0x54: {  	s18 =	sadd.s32 $0xFFFFFFFF, s5;
	s19 =	smov.u32 s7;
	[sflag:s13] =	ssyncset.done $0x0  }
.LBB2_2:
0x55: {  	p1 =	sne.s32 s18, $0x1;
	[sflag:s13] =	ssyncadd.s32 $0xFFFFFC00;
	s19 =	sadd.s32 $0x400, s19  }
.Ltmp1:
0x56: {  	s18 =	sadd.s32 $0xFFFFFFFF, s18;
	(pc) =	sbr.rel @p1 .LBB2_2-.Ltmp1, $4  }
0x57: {  	_ = 	snop  }
0x58: {  	[spmem:s19] =	stream.linear.scatter [tilespmem:s12], [sflag:$0x1], $0x400, $0x38;
	[tilespmem:$0x17D00] =	vst v63  }
0x59: {  	_ =	swait.ge [sflag:s13], $0x400  }
0x5a: {  	[sflag:s13] =	ssyncset.done $0x0  }
.LBB2_3:
0x5b: {  	s18 =	sadd.s32 $0x1, s8  }
0x5c: {  	p2 =	seq.s32 s18, $0x0  }
.Ltmp2:
0x5d: {  	_ = 	snop;
	(pc) =	sbr.rel @p2 .LBB2_4-.Ltmp2, $4  }
0x5e: {  	_ = 	snop  }
0x5f: {  	[sflag:s13] =	ssyncadd.s32 $0xFFFFFC00  }
0x60: {  	[bflag:$0x0] =	sbarrier.arrive $0xFFFF  }
0x61: {  	s21 =	sshrl.u32 s10, $0x3;
	p1 =	por $0x0, $0x0  }
0x62: {  	s19 =	sadd.s32 s4, s21  }
0x63: {  	[tilespmem:s14], [sflag:$0x1] =	stream.linear.gather [hbm4b:s19+s3], $0x80, $0x38;
	[tilespmem:$0x17D00] =	vst v63  }
0x64: {  	_ =	swait.ge [sflag:s13], $0x80  }
0x65: {  	[sflag:s13] =	ssyncset.done $0x0  }
0x66: {  	s19 =	sadd.s32 $0x1, s18;
	[sflag:s13] =	ssyncadd.s32 $0xFFFFFF80  }
0x67: {  	[tilespmem:s15], [sflag:$0x1] =	stream.linear.gather [hbm4b:s9+s3], $0x4000, $0x38;
	[tilespmem:$0x17D00] =	vst v63  }
0x68: {  	p2 =	seq.s32 s19, $0x0;
	_ =	swait.ge [sflag:s13], $0x4000  }
.Ltmp3:
0x69: {  	[sflag:s13] =	ssyncset.done $0x0;
	(pc) =	sbr.rel @p2 .LBB2_7-.Ltmp3, $4  }
0x6a: {  	[sflag:s13] =	ssyncadd.s32 $0xFFFFC000  }
0x6b: {  	[spmem:s2] =	stream.indirect.scatter.add.f32 [tilespmem:s15], [sflag:$0x1], $0x80, s14, s16, $0xb8;
	[tilespmem:$0x17D00] =	vst v63  }
0x6c: {  	s20 =	sadd.s32 $0x1000, s10;
	p1 =	por $0x1, $0x1;
	_ =	swait.ge [sflag:s13], $0x4000  }
0x6d: {  	s21 =	sshrl.u32 s20, $0x3;
	s18 =	sadd.s32 $0x10000, s9;
	[sflag:s13] =	ssyncset.done $0x0  }
.LBB2_6:
0x6e: {  	s19 =	sadd.s32 $0x1, s19;
	s21 =	sadd.s32 s4, s21;
	[sflag:s13] =	ssyncadd.s32 $0xFFFFC000  }
0x6f: {  	[tilespmem:s14], [sflag:$0x1] =	stream.linear.gather [hbm4b:s21+s3], $0x80, $0x38;
	[tilespmem:$0x17D00] =	vst v63  }
0x70: {  	p2 =	seq.s32 s19, $0x0;
	_ =	swait.ge [sflag:s13], $0x80  }
0x71: {  	[sflag:s13] =	ssyncset.done $0x0  }
0x72: {  	[sflag:s13] =	ssyncadd.s32 $0xFFFFFF80  }
0x73: {  	[tilespmem:s15], [sflag:$0x1] =	stream.linear.gather [hbm4b:s18+s3], $0x4000, $0x38;
	[tilespmem:$0x17D00] =	vst v63  }
0x74: {  	_ =	swait.ge [sflag:s13], $0x4000  }
.Ltmp4:
0x75: {  	[sflag:s13] =	ssyncset.done $0x0;
	(pc) =	sbr.rel @!p2 .LBB2_6-.Ltmp4, $4  }
0x76: {  	[sflag:s13] =	ssyncadd.s32 $0xFFFFC000  }
0x77: {  	[spmem:s2] =	stream.indirect.scatter.add.f32 [tilespmem:s15], [sflag:$0x1], $0x80, s14, s16, $0xb8;
	[tilespmem:$0x17D00] =	vst v63  }
0x78: {  	s20 =	sadd.s32 $0x1000, s20;
	_ =	swait.ge [sflag:s13], $0x4000  }
0x79: {  	s21 =	sshrl.u32 s20, $0x3;
	s18 =	sadd.s32 $0x10000, s18;
	[sflag:s13] =	ssyncset.done $0x0  }
.LBB2_7:
0x7a: {  	s19 =	sadd.s32 s4, s21;
	[sflag:s13] =	ssyncadd.s32 @p1 $0xFFFFC000  }
0x7b: {  	[tilespmem:s14], [sflag:$0x1] =	stream.linear.gather [hbm4b:s19+s3], $0x80, $0x38;
	[tilespmem:$0x17D00] =	vst v63  }
0x7c: {  	_ =	swait.ge [sflag:s13], $0x80  }
0x7d: {  	[sflag:s13] =	ssyncset.done $0x0  }
0x7e: {  	[sflag:s13] =	ssyncadd.s32 $0xFFFFFF80  }
0x7f: {  	[tilespmem:s15], [sflag:$0x1] =	stream.linear.gather [hbm4b:s18+s3], $0x4000, $0x38;
	[tilespmem:$0x17D00] =	vst v63  }
0x80: {  	_ =	swait.ge [sflag:s13], $0x4000  }
0x81: {  	[sflag:s13] =	ssyncset.done $0x0  }
0x82: {  	[sflag:s13] =	ssyncadd.s32 $0xFFFFC000  }
0x83: {  	[spmem:s2] =	stream.indirect.scatter.add.f32 [tilespmem:s15], [sflag:$0x1], $0x80, s14, s16, $0xb8;
	[tilespmem:$0x17D00] =	vst v63  }
0x84: {  	_ =	swait.ge [sflag:s13], $0x4000  }
0x85: {  	[sflag:s13] =	ssyncset.done $0x0  }
0x86: {  	[sflag:s13] =	ssyncadd.s32 $0xFFFFC000  }
0x87: {  	[bflag:$0x0] =	sbarrier.arrive $0xFFFF  }
0x88: {  	[tilespmem:s12], [sflag:$0x1] =	stream.linear.gather [spmem:s7], $0x400, $0x38;
	[tilespmem:$0x17D00] =	vst v63  }
0x89: {  	_ =	swait.ge [sflag:s13], $0x400  }
.Ltmp5:
0x8a: {  	[sflag:s13] =	ssyncset.done $0x0;
	(pc) =	sbr.rel @!p0 .LBB2_9-.Ltmp5, $4  }
0x8b: {  	[sflag:s13] =	ssyncadd.s32 $0xFFFFFC00  }
0x8c: {  	[hbm4b:s11+s3] =	stream.linear.scatter [tilespmem:s12], [sflag:$0x1], $0x400, $0x38;
	[tilespmem:$0x17D00] =	vst v63  }
0x8d: {  	s20 =	smov.u32 s7;
	_ =	swait.ge [sflag:s13], $0x400  }
0x8e: {  	s19 =	smov.u32 s11;
	s18 =	sadd.s32 $0xFFFFFFFF, s5;
	[sflag:s13] =	ssyncset.done $0x0  }
.LBB2_8:
0x8f: {  	[sflag:s13] =	ssyncadd.s32 $0xFFFFFC00;
	s19 =	sadd.s32 $0x80, s19;
	s20 =	sadd.s32 $0x400, s20  }
0x90: {  	[tilespmem:s12], [sflag:$0x1] =	stream.linear.gather [spmem:s20], $0x400, $0x38;
	[tilespmem:$0x17D00] =	vst v63  }
0x91: {  	p0 =	sne.s32 s18, $0x1;
	s18 =	sadd.s32 $0xFFFFFFFF, s18;
	_ =	swait.ge [sflag:s13], $0x400  }
.Ltmp6:
0x92: {  	[sflag:s13] =	ssyncset.done $0x0;
	(pc) =	sbr.rel @p0 .LBB2_8-.Ltmp6, $4  }
0x93: {  	[sflag:s13] =	ssyncadd.s32 $0xFFFFFC00  }
0x94: {  	[hbm4b:s19+s3] =	stream.linear.scatter [tilespmem:s12], [sflag:$0x1], $0x400, $0x38;
	[tilespmem:$0x17D00] =	vst v63  }
0x95: {  	_ =	swait.ge [sflag:s13], $0x400  }
0x96: {  	[sflag:s13] =	ssyncset.done $0x0  }
.LBB2_9:
0x97: {  	s17 =	sadd.s32 $0x1, s17  }
0x98: {  	p0 =	sne.s32 s17, s6  }
.Ltmp7:
0x99: {  	_ = 	snop;
	(pc) =	sbr.rel @p0 .LBB2_1-.Ltmp7, $4  }
.Ltmp8:
0x9a: {  	_ = 	snop;
	(pc) =	sbr.rel @!p0 .LBB2_10-.Ltmp8, $4  }
0x9b: {  	_ = 	snop  }
0x9c: {  	_ = 	snop  }
0x9d: {  	[sflag:s13] =	ssyncadd.s32 $0xFFFFFC00  }
0x9e: {  	_ = 	snop  }
.LBB2_4:
.Ltmp9:
0x9f: {  	(pc) =	sbr.rel .LBB2_7-.Ltmp9, $2  }
0xa0: {  	_ =	sdelay $0x2  }
0xa1: {  	s18 =	smov.u32 s9  }
.LBB2_10:
0xa2: {  	_ =	sfence.sel $0x180000  }
0xa3: {  	[bflag:$0x0] =	sbarrier.arrive $0xFFFF  }
0xa4: {  	p0 =	sne.s32 s1, $0x0;
	_ =	strace $0x90000053  }
0xa5: {  	s0 =	sadd.s32 @!p0 $0x100000, s0;
	[bflag:$0x2] =	sbarrier.arrive $0xFFFF  }
0xa6: {  	[sflag:s0] =	ssyncadd.tile.s32 @!p0 $0x1;
	_ =	shalt  }
.Lfunc_end2:
_tile_overlayer_lowered:
.L_overlay_start_2:
0xa7: {  	(tag) =	ssettag $0x2  }
0xa8: {  	s0 =	rddreg [dreg:$0x0];
	s2 =	stileid.u32  }
0xa9: {  	s1 =	rddreg [dreg:$0x1];
	p0 =	sne.s32 s2, $0x0  }
0xaa: {  	s3 =	rddreg [dreg:$0x2];
	[bflag:$0x3] =	sbarrier.arrive $0xFFFF;
	s2 =	simm.s32 @!p0 $0x1C01  }
0xab: {  	[timem:s3], [sflag:s2] =	dma.local @!p0 [hbm:s0], s1  }
0xac: {  	s0 =	simm.s32 @!p0 $0x1  }
0xad: {  	_ =	swait.ge @!p0 [sflag:s0], s1  }
0xae: {  	s1 =	ssub.s32 @!p0 $0x0, s1;
	[sflag:s0] =	ssyncset.done @!p0 $0x0  }
0xaf: {  	[sflag:s0] =	ssyncadd.s32 @!p0 s1  }
0xb0: {  	[bflag:$0x3] =	sbarrier.arrive $0xFFFF  }
0xb1: {  	_ =	shalt  }

// kernel: kernel.28.cloned.1.call-start
scs
__scs_entry_jumppad:
0x0: {  	(pc) =	sbr.rel $0x88, $3  }
0x1: {  	(tag) =	ssettag $0x0;
	lr =	simm.s32 $0x1  }
0x2: {  	[smem:$0x3F6B] =	sst lr;
	_ =	strace $0xD0000000  }
0x3: {  	_ = 	snop  }
0x4: {  	_ = 	snop  }
0x5: {  	_ = 	snop  }
0x6: {  	_ = 	snop  }
0x7: {  	_ = 	snop  }
__scs_overlays_trampoline_lowered:
0x8: {  	[smem:$0x3F7A] =	sst s0  }
0x9: {  	[smem:$0x3F7B] =	sst s1  }
0xa: {  	[smem:$0x3F7C] =	sst s2  }
0xb: {  	[smem:$0x3F7D] =	sst s3  }
0xc: {  	[smem:$0x3F7E] =	sst s4  }
0xd: {  	[smem:$0x3F7F] =	sst s5  }
0xe: {  	[smem:$0x3F80] =	sst s6  }
0xf: {  	[smem:$0x3F81] =	sst s7  }
0x10: {  	[smem:$0x3F82] =	sst s8  }
0x11: {  	[smem:$0x3F83] =	sst s9;
	s0 =	simm.s32 @!p0 $0x0  }
0x12: {  	s1 =	sld [smem:$0x3F69];
	s0 =	simm.s32 @p0 $0x1  }
0x13: {  	[smem:$0x3F84] =	sst s0;
	s0 =	simm.s32 @!p1 $0x0  }
0x14: {  	s2 =	sld [smem:$0x3F68];
	s0 =	simm.s32 @p1 $0x1  }
0x15: {  	[smem:$0x3F85] =	sst s0;
	s0 =	simm.s32 @!p2 $0x0  }
0x16: {  	s3 =	sld [smem:$0x3FDB];
	s0 =	simm.s32 @p2 $0x1  }
0x17: {  	s4 =	simm.s32 $0x1BF5;
	[smem:$0x3F87] =	sst s0  }
0x18: {  	s0 =	sld [smem:$0x3F6A];
	_ =	swait.ge [sflag:s4], $0x0  }
0x19: {  	s7 =	sld [smem:$0x3F6B]  }
0x1a: {  	s8 =	sadd.s32 $0xFFFFE003, lr  }
0x1b: {  	s9 =	sadd.s32 $0xFFFFFEF7, lr;
	s5 =	simm.s32 $0xFFFFFFFF;
	p2 =	slt.u32 s8, $0xFFFFF086  }
0x1c: {  	p1 =	slt.u32 s9, $0xF7A;
	s5 =	simm.s32 @!p2 $0x0  }
0x1d: {  	s5 =	simm.s32 @p1 $0x1;
	p0 =	seq.s32 s7, s2  }
0x1e: {  	s7 =	smul.u32 @!p0 $0xF7A, s2;
	p2 =	seq.s32 @!p0 s5, $0x0  }
0x1f: {  	s9 =	smul.u32 $0xF7A, s1;
	s8 =	simm.s32 @!p0 $0x1BF5;
	p2 =	por !p2, p0  }
0x20: {  	[sflag:s8] =	ssyncset.s32 @!p0 $0xFFFFF086;
	s6 =	sadd.s32 @!p0 s3, s7;
	s7 =	simm.s32 @!p0 $0x108  }
0x21: {  	s3 =	sadd.s32 s3, s9;
	s6 =	sadd.s32 @!p0 $0x88, s6;
	s7 =	simm.s32 @p2 $0x1082  }
0x22: {  	[simem:s7], [sflag:s8] =	dma.local @!p0 [hbm:s6], $0xF7A  }
0x23: {  	s9 =	sor.u32 $0xD0000000, s2;
	s6 =	simm.s32 $0x108;
	_ =	swait.ge @!p0 [sflag:s8], $0x0  }
0x24: {  	s3 =	sadd.s32 $0x88, s3;
	s6 =	simm.s32 @!p1 $0x1082;
	[sflag:s4] =	ssyncset.s32 $0xFFFFF086  }
0x25: {  	[simem:s6], [sflag:s4] =	dma.local [hbm:s3], $0xF7A  }
0x26: {  	[smem:$0x3F6B] =	sst s1;
	(tag) =	ssettag s2;
	_ =	strace s9  }
0x27: {  	s1 =	sld [smem:$0x3F7B]  }
0x28: {  	s2 =	sld [smem:$0x3F7C]  }
0x29: {  	s4 =	sld [smem:$0x3F7E]  }
0x2a: {  	p0 =	seq.s32 s5, $0x0;
	s5 =	sld [smem:$0x3F7F]  }
0x2b: {  	s6 =	sld [smem:$0x3F80]  }
0x2c: {  	s7 =	sld [smem:$0x3F81]  }
0x2d: {  	s3 =	simm.s32 $0x108;
	s8 =	sld [smem:$0x3F82]  }
0x2e: {  	s3 =	simm.s32 @!p0 $0x1082;
	s9 =	sld [smem:$0x3F83]  }
0x2f: {  	lr =	sadd.s32 s0, s3;
	s0 =	sld [smem:$0x3F7A]  }
0x30: {  	s3 =	sld [smem:$0x3F7D]  }
0x31: {  	[smem:$0x3F86] =	sst s10  }
0x32: {  	s10 =	sld [smem:$0x3F84];
	_ =	sdelay $0x3  }
0x33: {  	p0 =	seq.s32 s10, $0x1;
	s10 =	sld [smem:$0x3F86];
	_ =	sdelay $0x3  }
0x34: {  	[smem:$0x3F86] =	sst s10  }
0x35: {  	s10 =	sld [smem:$0x3F85];
	_ =	sdelay $0x3  }
0x36: {  	p1 =	seq.s32 s10, $0x1;
	s10 =	sld [smem:$0x3F86];
	_ =	sdelay $0x3  }
0x37: {  	[smem:$0x3F86] =	sst s10  }
0x38: {  	s10 =	sld [smem:$0x3F87]  }
0x39: {  	_ = 	snop;
	(pc) =	sbr.ind lr, $3  }
0x3a: {  	_ = 	snop  }
0x3b: {  	_ = 	snop  }
0x3c: {  	p2 =	seq.s32 s10, $0x1;
	s10 =	sld [smem:$0x3F86]  }
0x3d: {  	_ =	shalt  }
0x3e: {  	_ =	shalt  }
0x3f: {  	_ =	shalt  }
0x40: {  	_ =	shalt  }
0x41: {  	_ =	shalt  }
0x42: {  	_ =	shalt  }
0x43: {  	_ =	shalt  }
0x44: {  	_ =	shalt  }
0x45: {  	_ =	shalt  }
0x46: {  	_ =	shalt  }
0x47: {  	_ =	shalt  }
0x48: {  	_ =	shalt  }
0x49: {  	_ =	shalt  }
0x4a: {  	_ =	shalt  }
0x4b: {  	_ =	shalt  }
0x4c: {  	_ =	shalt  }
0x4d: {  	_ =	shalt  }
0x4e: {  	_ =	shalt  }
0x4f: {  	_ =	shalt  }
0x50: {  	_ =	shalt  }
0x51: {  	_ =	shalt  }
0x52: {  	_ =	shalt  }
0x53: {  	_ =	shalt  }
0x54: {  	_ =	shalt  }
0x55: {  	_ =	shalt  }
0x56: {  	_ =	shalt  }
0x57: {  	_ =	shalt  }
0x58: {  	_ =	shalt  }
0x59: {  	_ =	shalt  }
0x5a: {  	_ =	shalt  }
0x5b: {  	_ =	shalt  }
0x5c: {  	_ =	shalt  }
0x5d: {  	_ =	shalt  }
0x5e: {  	_ =	shalt  }
0x5f: {  	_ =	shalt  }
0x60: {  	_ =	shalt  }
0x61: {  	_ =	shalt  }
0x62: {  	_ =	shalt  }
0x63: {  	_ =	shalt  }
0x64: {  	_ =	shalt  }
0x65: {  	_ =	shalt  }
0x66: {  	_ =	shalt  }
0x67: {  	_ =	shalt  }
0x68: {  	_ =	shalt  }
0x69: {  	_ =	shalt  }
0x6a: {  	_ =	shalt  }
0x6b: {  	_ =	shalt  }
0x6c: {  	_ =	shalt  }
0x6d: {  	_ =	shalt  }
0x6e: {  	_ =	shalt  }
0x6f: {  	_ =	shalt  }
0x70: {  	_ =	shalt  }
0x71: {  	_ =	shalt  }
0x72: {  	_ =	shalt  }
0x73: {  	_ =	shalt  }
0x74: {  	_ =	shalt  }
0x75: {  	_ =	shalt  }
0x76: {  	_ =	shalt  }
0x77: {  	_ =	shalt  }
0x78: {  	_ =	shalt  }
0x79: {  	_ =	shalt  }
0x7a: {  	_ =	shalt  }
0x7b: {  	_ =	shalt  }
0x7c: {  	_ =	shalt  }
0x7d: {  	_ =	shalt  }
0x7e: {  	_ =	shalt  }
0x7f: {  	_ =	shalt  }
0x80: {  	_ =	shalt  }
0x81: {  	_ =	shalt  }
0x82: {  	_ =	shalt  }
0x83: {  	_ =	shalt  }
0x84: {  	_ =	shalt  }
0x85: {  	_ =	shalt  }
0x86: {  	_ =	shalt  }
0x87: {  	_ =	shalt  }
.Lfunc_end0:
.L_simem_size_0:
called_computation.4_lowered:
.L_overlay_start_0:
0x88: {  	s2 =	sld [smem:$0x3FD9]  }
0x89: {  	s3 =	sld [smem:$0x3FFE];
	_ =	sdelay $0x1  }
0x8a: {  	s1 =	srdreg.scid  }
0x8b: {  	s0 =	sand.u32 $0x1, s1  }
0x8c: {  	s17 =	sshll.u32 s0, $0xA;
	s2 =	sadd.s32 s3, s2  }
0x8d: {  	s2 =	sadd.s32 s2, s17  }
0x8e: {  	[smem:$0x3F92] =	sst s2  }
0x8f: {  	_ = 	snop  }
0x90: {  	(tm) =	ssettm $0x1  }
0x91: {  	s18 =	sld [smem:$0x3FFB];
	_ =	sdelay $0x3  }
0x92: {  	_ =	strace s18  }
0x93: {  	s2 =	sld [smem:$0x3FFC];
	_ =	sdelay $0x3  }
0x94: {  	_ =	strace s2  }
0x95: {  	s2 =	sld [smem:$0x3FFD];
	_ =	sdelay $0x3  }
0x96: {  	_ =	strace s2  }
0x97: {  	_ =	strace $0x8FFFFFFF  }
0x98: {  	s19 =	sld [smem:$0x3FDB];
	_ =	sdelay $0x1  }
0x99: {  	s20 =	simm.s32 $_scs_section_size  }
0x9a: {  	s4 =	simm.s32 $_size__tile_overlayer_lowered;
	s5 =	simm.s32 $_tile_overlayer_lowered  }
0x9b: {  	s6 =	simm.s32 $0x1BFF;
	s21 =	sshll.u32 s5, $0x1;
	s3 =	sadd.s32 s20, s19  }
0x9c: {  	s22 =	simm.s32 $0x0;
	s4 =	sshll.u32 s4, $0x1;
	s5 =	sadd.s32 s21, s3  }
0x9d: {  	[timem:s22], [sflag:s6] =	dma.local [hbm:s5], s4  }
0x9e: {  	_ =	swait.ge [sflag:s6], s4  }
0x9f: {  	s4 =	ssub.s32 $0x0, s4;
	[sflag:s6] =	ssyncset.done $0x0  }
0xa0: {  	[sflag:s6] =	ssyncadd.s32 s4;
	_ =	sdelay $0x1  }
0xa1: {  	s23 =	simm.s32 $0x1B8B  }
0xa2: {  	_ =	swait.ge [sflag:s23], $0x1  }
0xa3: {  	[sflag:s23] =	ssyncset.done $0x0  }
0xa4: {  	[sflag:s23] =	ssyncadd.s32 $0xFFFFFFFF  }
0xa5: {  	s4 =	sld [smem:$0x0]  }
0xa6: {  	s5 =	sand.u32 $0xFFFFFFFE, s1  }
0xa7: {  	p0 =	sne.s32 s1, s5  }
0xa8: {  	s5 =	sshll.u32 @p0 s5, $0xE  }
0xa9: {  	s5 =	sadd.s32 @p0 $0x11B8D, s5;
	s6 =	sshll.u32 @p0 s4, $0x11  }
0xaa: {  	s5 =	sor.u32 @p0 s6, s5  }
0xab: {  	[sflag:s5] =	ssyncadd.remote.s32 @p0 $0x1;
	_ =	sdelay $0x1  }
0xac: {  	s5 =	simm.s32 @p0 $0x1B8D  }
0xad: {  	_ =	swait.eq @p0 [sflag:s5], $0x1  }
0xae: {  	[sflag:s5] =	ssyncadd.s32 @p0 $0xFFFFFFFF  }
0xaf: {  	s6 =	sshll.u32 @!p0 s1, $0xE  }
0xb0: {  	s6 =	sor.u32 @!p0 $0x4000, s6;
	s5 =	simm.s32 @!p0 $0x1B8D  }
0xb1: {  	s4 =	sshll.u32 @!p0 s4, $0x11;
	s6 =	sadd.s32 @!p0 $0x11B8D, s6;
	_ =	swait.eq @!p0 [sflag:s5], $0x1  }
0xb2: {  	s4 =	sor.u32 @!p0 s4, s6;
	[sflag:s5] =	ssyncadd.s32 @!p0 $0xFFFFFFFF  }
0xb3: {  	s25 =	simm.s32 $0x1B8E;
	s24 =	sld [smem:$0x3FFE];
	[sflag:s4] =	ssyncadd.remote.s32 @!p0 $0x1  }
0xb4: {  	s26 =	simm.s32 $execute0_lowered;
	[smem:$0x3FD2] =	sst s25  }
0xb5: {  	s5 =	sshll.u32 s26, $0x1;
	_ =	strace $0x8000004F;
	[dreg:$0x1] =	wrdreg $0xFFFFFFFF  }
0xb6: {  	s28 =	simm.s32 $_size_execute0_lowered;
	s3 =	sadd.s32 s3, s5;
	[dreg:$0x0] =	wrdreg $0x0  }
0xb7: {  	s5 =	sshll.u32 s28, $0x1;
	[dreg:$0x2] =	wrdreg s3  }
0xb8: {  	[dreg:$0x3] =	wrdreg s5  }
0xb9: {  	[dreg:$0x4] =	wrdreg $0xC0  }
0xba: {  	_ =	task [dreg:s22], $0x5FFFF  }
0xbb: {  	[dreg:$0x1] =	wrdreg $0xFFFFFFFF  }
0xbc: {  	[dreg:$0x0] =	wrdreg $0x60  }
0xbd: {  	[dreg:$0x2] =	wrdreg s24  }
0xbe: {  	[dreg:$0x3] =	wrdreg $0x0  }
0xbf: {  	[dreg:$0x4] =	wrdreg $0xA  }
0xc0: {  	_ =	task.clear_ibuf [dreg:s22], $0x5FFFF;
	_ =	strace $0x9000004F  }
0xc1: {  	s29 =	simm.s32 $0xA;
	_ =	strace $0x80000051  }
0xc2: {  	_ =	swait.ge [sflag:s29], $0x1  }
0xc3: {  	[sflag:s29] =	ssyncadd.s32 $0xFFFFFFFF  }
0xc4: {  	_ =	strace $0x90000051  }
0xc5: {  	_ =	sfence  }
0xc6: {  	s30 =	sld [smem:$0x0];
	_ =	sdelay $0x2  }
0xc7: {  	s31 =	sshll.u32 s1, $0xD;
	s1 =	sshrl.u32 s1, $0x2  }
0xc8: {  	s4 =	sand.u32 $0x4000, s31;
	s1 =	sadd.s32 s1, s30  }
0xc9: {  	s0 =	sor.u32 s4, s0;
	s1 =	sshll.u32 s1, $0x11  }
0xca: {  	s0 =	sor.u32 s1, s0  }
0xcb: {  	s0 =	sadd.s32 $0x8F2B, s0  }
0xcc: {  	[sflag:s0] =	ssyncadd.remote.s32 $0x1  }
0xcd: {  	_ =	sfence.sel $0xFFFF  }
0xce: {  	[dreg:$0x0] =	wrdreg $0xFFFFFFFF;
	(pc) =	sbr.abs _section_cstart, $3  }
0xcf: {  	[dreg:$0x1] =	wrdreg $0xFFFFFFFF  }
0xd0: {  	_ =	task.clear_ibuf [dreg:s22], $0x2FFFF;
	_ =	strace $0x9FFFFFFF  }
0xd1: {  	(tm) =	ssettm $0x7FFFFFFF  }
tec
execute0_lowered:
.L_overlay_start_1:
0x0: {  	(tag) =	ssettag $0x1  }
0x1: {  	s5 =	rddreg [dreg:$0x0]  }
0x2: {  	s2 =	rddreg [dreg:$0x1]  }
0x3: {  	s0 =	rddreg [dreg:$0x2];
	s3 =	simm.s32 $0x0;
	s1 =	stileid.u32  }
0x4: {  	s4 =	srdreg.scid;
	s14 =	simm.s32 $0x13880;
	s15 =	simm.s32 $0x80  }
0x5: {  	s16 =	simm.s32 $0x13900;
	s17 =	simm.s32 $0x0;
	[smem:$0x7FF] =	sst s3  }
0x6: {  	s6 =	smul.u32 $0x2700, s1;
	s9 =	sand.u32 $0x1, s4;
	s22 =	sshll.u32 s1, $0xC  }
0x7: {  	s4 =	sadd.s32 $0x12000, s5;
	s24 =	sshll.u32 s1, $0x1;
	s25 =	smin.u32 s1, $0x2  }
0x8: {  	s12 =	smul.u32 $0x4E000, s1;
	p0 =	slt.u32 s1, $0x2;
	s30 =	sshll.u32 s1, $0x8  }
0x9: {  	_ =	strace $0x80000050;
	s7 =	ssub.s32 $0x2, s9;
	s11 =	sadd.s32 s22, s5  }
0xa: {  	s13 =	sshll.u32 s25, $0xC;
	s26 =	sor.u32 s24, s9;
	s29 =	sshll.u32 s9, $0xB  }
0xb: {  	s31 =	sshll.u32 s9, $0x7;
	s8 =	sadd.s32 s6, s5;
	s10 =	sshrl.u32 s7, $0x1  }
0xc: {  	s5 =	simm.s32 $0x4F;
	s12 =	sadd.s32 s13, s12;
	s28 =	ssub.s32 $0x270, s26  }
0xd: {  	s11 =	sadd.s32 s29, s11;
	s13 =	simm.s32 $0x1;
	s23 =	ssub.s32 s7, s10  }
0xe: {  	s5 =	simm.s32 @!p0 $0x4E;
	s12 =	sshrl.u32 s12, $0x2;
	s10 =	sshll.u32 s25, $0x7  }
0xf: {  	s6 =	smax.u32 s23, $0x1;
	s7 =	sadd.s32 s12, s2;
	s8 =	sadd.s32 s10, s8  }
0x10: {  	s10 =	sshrl.u32 s28, $0x5;
	s12 =	simm.s32 $0x17900;
	s8 =	sadd.s32 $0x14800, s8  }
0x11: {  	s9 =	sxor.u32 $0xFFFFFFFF, s10;
	s10 =	sadd.s32 $0x1A7E00, s11;
	s11 =	sor.u32 s31, s30  }
.LBB2_1:
0x12: {  	[tilespmem:s12], [sflag:$0x1] =	stream.linear.gather [hbm4b:s8+s3], $0x400, $0x38;
	[tilespmem:$0x17D00] =	vst v63  }
0x13: {  	p0 =	sne.s32 s5, $0x1;
	_ =	swait.ge [sflag:s13], $0x400  }
.Ltmp0:
0x14: {  	[sflag:s13] =	ssyncset.done $0x0;
	(pc) =	sbr.rel @!p0 .LBB2_3-.Ltmp0, $4  }
0x15: {  	[sflag:s13] =	ssyncadd.s32 $0xFFFFFC00  }
0x16: {  	[spmem:s7] =	stream.linear.scatter [tilespmem:s12], [sflag:$0x1], $0x400, $0x38;
	[tilespmem:$0x17D00] =	vst v63  }
0x17: {  	s18 =	sadd.s32 $0xFFFFFFFF, s5;
	_ =	swait.ge [sflag:s13], $0x400  }
0x18: {  	s19 =	smov.u32 s7;
	s20 =	smov.u32 s8;
	[sflag:s13] =	ssyncset.done $0x0  }
.LBB2_2:
0x19: {  	[sflag:s13] =	ssyncadd.s32 $0xFFFFFC00;
	s19 =	sadd.s32 $0x400, s19;
	s20 =	sadd.s32 $0x80, s20  }
0x1a: {  	[tilespmem:s12], [sflag:$0x1] =	stream.linear.gather [hbm4b:s20+s3], $0x400, $0x38;
	[tilespmem:$0x17D00] =	vst v63  }
0x1b: {  	p0 =	sne.s32 s18, $0x1;
	s18 =	sadd.s32 $0xFFFFFFFF, s18;
	_ =	swait.ge [sflag:s13], $0x400  }
.Ltmp1:
0x1c: {  	[sflag:s13] =	ssyncset.done $0x0;
	(pc) =	sbr.rel @p0 .LBB2_2-.Ltmp1, $4  }
0x1d: {  	[sflag:s13] =	ssyncadd.s32 $0xFFFFFC00  }
0x1e: {  	[spmem:s19] =	stream.linear.scatter [tilespmem:s12], [sflag:$0x1], $0x400, $0x38;
	[tilespmem:$0x17D00] =	vst v63  }
0x1f: {  	_ =	swait.ge [sflag:s13], $0x400  }
0x20: {  	[sflag:s13] =	ssyncset.done $0x0  }
.LBB2_3:
0x21: {  	s18 =	sadd.s32 $0x1, s9  }
0x22: {  	p1 =	seq.s32 s18, $0x0  }
.Ltmp2:
0x23: {  	_ = 	snop;
	(pc) =	sbr.rel @p1 .LBB2_4-.Ltmp2, $4  }
0x24: {  	_ = 	snop  }
0x25: {  	[sflag:s13] =	ssyncadd.s32 $0xFFFFFC00  }
0x26: {  	[bflag:$0x0] =	sbarrier.arrive $0xFFFF  }
0x27: {  	s21 =	sshrl.u32 s11, $0x3;
	p0 =	por $0x0, $0x0  }
0x28: {  	s19 =	sadd.s32 s4, s21  }
0x29: {  	[tilespmem:s14], [sflag:$0x1] =	stream.linear.gather [hbm4b:s19+s3], $0x80, $0x38;
	[tilespmem:$0x17D00] =	vst v63  }
0x2a: {  	_ =	swait.ge [sflag:s13], $0x80  }
0x2b: {  	[sflag:s13] =	ssyncset.done $0x0  }
0x2c: {  	s19 =	sadd.s32 $0x1, s18;
	[sflag:s13] =	ssyncadd.s32 $0xFFFFFF80  }
0x2d: {  	[tilespmem:s16], [sflag:$0x1] =	stream.indirect.gather [spmem:s2], $0x80, s14, s15, $0xb8;
	[tilespmem:$0x17D00] =	vst v63  }
0x2e: {  	p1 =	seq.s32 s19, $0x0;
	_ =	swait.ge [sflag:s13], $0x4000  }
.Ltmp3:
0x2f: {  	[sflag:s13] =	ssyncset.done $0x0;
	(pc) =	sbr.rel @p1 .LBB2_7-.Ltmp3, $4  }
0x30: {  	[sflag:s13] =	ssyncadd.s32 $0xFFFFC000  }
0x31: {  	[hbm4b:s10+s3] =	stream.linear.scatter [tilespmem:s16], [sflag:$0x1], $0x4000, $0x38;
	[tilespmem:$0x17D00] =	vst v63  }
0x32: {  	s20 =	sadd.s32 $0x1000, s11;
	p0 =	por $0x1, $0x1;
	_ =	swait.ge [sflag:s13], $0x4000  }
0x33: {  	s21 =	sshrl.u32 s20, $0x3;
	s18 =	sadd.s32 $0x10000, s10;
	[sflag:s13] =	ssyncset.done $0x0  }
.LBB2_6:
0x34: {  	s19 =	sadd.s32 $0x1, s19;
	s21 =	sadd.s32 s4, s21;
	[sflag:s13] =	ssyncadd.s32 $0xFFFFC000  }
0x35: {  	[tilespmem:s14], [sflag:$0x1] =	stream.linear.gather [hbm4b:s21+s3], $0x80, $0x38;
	[tilespmem:$0x17D00] =	vst v63  }
0x36: {  	p1 =	seq.s32 s19, $0x0;
	_ =	swait.ge [sflag:s13], $0x80  }
0x37: {  	[sflag:s13] =	ssyncset.done $0x0  }
0x38: {  	[sflag:s13] =	ssyncadd.s32 $0xFFFFFF80  }
0x39: {  	[tilespmem:s16], [sflag:$0x1] =	stream.indirect.gather [spmem:s2], $0x80, s14, s15, $0xb8;
	[tilespmem:$0x17D00] =	vst v63  }
0x3a: {  	_ =	swait.ge [sflag:s13], $0x4000  }
.Ltmp4:
0x3b: {  	[sflag:s13] =	ssyncset.done $0x0;
	(pc) =	sbr.rel @!p1 .LBB2_6-.Ltmp4, $4  }
0x3c: {  	[sflag:s13] =	ssyncadd.s32 $0xFFFFC000  }
0x3d: {  	[hbm4b:s18+s3] =	stream.linear.scatter [tilespmem:s16], [sflag:$0x1], $0x4000, $0x38;
	[tilespmem:$0x17D00] =	vst v63  }
0x3e: {  	s20 =	sadd.s32 $0x1000, s20;
	_ =	swait.ge [sflag:s13], $0x4000  }
0x3f: {  	s21 =	sshrl.u32 s20, $0x3;
	s18 =	sadd.s32 $0x10000, s18;
	[sflag:s13] =	ssyncset.done $0x0  }
.LBB2_7:
0x40: {  	s19 =	sadd.s32 s4, s21;
	[sflag:s13] =	ssyncadd.s32 @p0 $0xFFFFC000  }
0x41: {  	[tilespmem:s14], [sflag:$0x1] =	stream.linear.gather [hbm4b:s19+s3], $0x80, $0x38;
	[tilespmem:$0x17D00] =	vst v63  }
0x42: {  	_ =	swait.ge [sflag:s13], $0x80  }
0x43: {  	[sflag:s13] =	ssyncset.done $0x0  }
0x44: {  	[sflag:s13] =	ssyncadd.s32 $0xFFFFFF80  }
0x45: {  	[tilespmem:s16], [sflag:$0x1] =	stream.indirect.gather [spmem:s2], $0x80, s14, s15, $0xb8;
	[tilespmem:$0x17D00] =	vst v63  }
0x46: {  	_ =	swait.ge [sflag:s13], $0x4000  }
0x47: {  	s17 =	sadd.s32 $0x1, s17;
	[sflag:s13] =	ssyncset.done $0x0  }
0x48: {  	p0 =	sne.s32 s17, s6;
	[sflag:s13] =	ssyncadd.s32 $0xFFFFC000  }
0x49: {  	[hbm4b:s18+s3] =	stream.linear.scatter [tilespmem:s16], [sflag:$0x1], $0x4000, $0x38;
	[tilespmem:$0x17D00] =	vst v63  }
.Ltmp5:
0x4a: {  	_ = 	snop;
	(pc) =	sbr.rel @p0 .LBB2_1-.Ltmp5, $4  }
.Ltmp6:
0x4b: {  	_ = 	snop;
	(pc) =	sbr.rel @!p0 .LBB2_8-.Ltmp6, $4  }
0x4c: {  	_ =	swait.ge [sflag:s13], $0x4000  }
0x4d: {  	[sflag:s13] =	ssyncset.done $0x0  }
0x4e: {  	[sflag:s13] =	ssyncadd.s32 $0xFFFFC000  }
0x4f: {  	_ = 	snop  }
.LBB2_4:
.Ltmp7:
0x50: {  	(pc) =	sbr.rel .LBB2_7-.Ltmp7, $2  }
0x51: {  	_ =	sdelay $0x2  }
0x52: {  	s18 =	smov.u32 s10  }
.LBB2_8:
0x53: {  	_ =	sfence.sel $0x180000  }
0x54: {  	[bflag:$0x0] =	sbarrier.arrive $0xFFFF  }
0x55: {  	p0 =	sne.s32 s1, $0x0;
	_ =	strace $0x90000050  }
0x56: {  	s0 =	sadd.s32 @!p0 $0x100000, s0;
	[bflag:$0x2] =	sbarrier.arrive $0xFFFF  }
0x57: {  	[sflag:s0] =	ssyncadd.tile.s32 @!p0 $0x1;
	_ =	shalt  }
.Lfunc_end2:
_tile_overlayer_lowered:
.L_overlay_start_2:
0x58: {  	(tag) =	ssettag $0x2  }
0x59: {  	s0 =	rddreg [dreg:$0x0];
	s2 =	stileid.u32  }
0x5a: {  	s1 =	rddreg [dreg:$0x1];
	p0 =	sne.s32 s2, $0x0  }
0x5b: {  	s3 =	rddreg [dreg:$0x2];
	[bflag:$0x3] =	sbarrier.arrive $0xFFFF;
	s2 =	simm.s32 @!p0 $0x1C01  }
0x5c: {  	[timem:s3], [sflag:s2] =	dma.local @!p0 [hbm:s0], s1  }
0x5d: {  	s0 =	simm.s32 @!p0 $0x1  }
0x5e: {  	_ =	swait.ge @!p0 [sflag:s0], s1  }
0x5f: {  	s1 =	ssub.s32 @!p0 $0x0, s1;
	[sflag:s0] =	ssyncset.done @!p0 $0x0  }
0x60: {  	[sflag:s0] =	ssyncadd.s32 @!p0 s1  }
0x61: {  	[bflag:$0x3] =	sbarrier.arrive $0xFFFF  }
0x62: {  	_ =	shalt  }

// kernel: kernel.31.cloned.1.call-start
scs
__scs_entry_jumppad:
0x0: {  	(pc) =	sbr.rel $0x88, $3  }
0x1: {  	(tag) =	ssettag $0x0;
	lr =	simm.s32 $0x1  }
0x2: {  	[smem:$0x3F6B] =	sst lr;
	_ =	strace $0xD0000000  }
0x3: {  	_ = 	snop  }
0x4: {  	_ = 	snop  }
0x5: {  	_ = 	snop  }
0x6: {  	_ = 	snop  }
0x7: {  	_ = 	snop  }
__scs_overlays_trampoline_lowered:
0x8: {  	[smem:$0x3F7A] =	sst s0  }
0x9: {  	[smem:$0x3F7B] =	sst s1  }
0xa: {  	[smem:$0x3F7C] =	sst s2  }
0xb: {  	[smem:$0x3F7D] =	sst s3  }
0xc: {  	[smem:$0x3F7E] =	sst s4  }
0xd: {  	[smem:$0x3F7F] =	sst s5  }
0xe: {  	[smem:$0x3F80] =	sst s6  }
0xf: {  	[smem:$0x3F81] =	sst s7  }
0x10: {  	[smem:$0x3F82] =	sst s8  }
0x11: {  	[smem:$0x3F83] =	sst s9;
	s0 =	simm.s32 @!p0 $0x0  }
0x12: {  	s1 =	sld [smem:$0x3F69];
	s0 =	simm.s32 @p0 $0x1  }
0x13: {  	[smem:$0x3F84] =	sst s0;
	s0 =	simm.s32 @!p1 $0x0  }
0x14: {  	s2 =	sld [smem:$0x3F68];
	s0 =	simm.s32 @p1 $0x1  }
0x15: {  	[smem:$0x3F85] =	sst s0;
	s0 =	simm.s32 @!p2 $0x0  }
0x16: {  	s3 =	sld [smem:$0x3FDB];
	s0 =	simm.s32 @p2 $0x1  }
0x17: {  	s4 =	simm.s32 $0x1BF5;
	[smem:$0x3F87] =	sst s0  }
0x18: {  	s0 =	sld [smem:$0x3F6A];
	_ =	swait.ge [sflag:s4], $0x0  }
0x19: {  	s7 =	sld [smem:$0x3F6B]  }
0x1a: {  	s8 =	sadd.s32 $0xFFFFE003, lr  }
0x1b: {  	s9 =	sadd.s32 $0xFFFFFEF7, lr;
	s5 =	simm.s32 $0xFFFFFFFF;
	p2 =	slt.u32 s8, $0xFFFFF086  }
0x1c: {  	p1 =	slt.u32 s9, $0xF7A;
	s5 =	simm.s32 @!p2 $0x0  }
0x1d: {  	s5 =	simm.s32 @p1 $0x1;
	p0 =	seq.s32 s7, s2  }
0x1e: {  	s7 =	smul.u32 @!p0 $0xF7A, s2;
	p2 =	seq.s32 @!p0 s5, $0x0  }
0x1f: {  	s9 =	smul.u32 $0xF7A, s1;
	s8 =	simm.s32 @!p0 $0x1BF5;
	p2 =	por !p2, p0  }
0x20: {  	[sflag:s8] =	ssyncset.s32 @!p0 $0xFFFFF086;
	s6 =	sadd.s32 @!p0 s3, s7;
	s7 =	simm.s32 @!p0 $0x108  }
0x21: {  	s3 =	sadd.s32 s3, s9;
	s6 =	sadd.s32 @!p0 $0x88, s6;
	s7 =	simm.s32 @p2 $0x1082  }
0x22: {  	[simem:s7], [sflag:s8] =	dma.local @!p0 [hbm:s6], $0xF7A  }
0x23: {  	s9 =	sor.u32 $0xD0000000, s2;
	s6 =	simm.s32 $0x108;
	_ =	swait.ge @!p0 [sflag:s8], $0x0  }
0x24: {  	s3 =	sadd.s32 $0x88, s3;
	s6 =	simm.s32 @!p1 $0x1082;
	[sflag:s4] =	ssyncset.s32 $0xFFFFF086  }
0x25: {  	[simem:s6], [sflag:s4] =	dma.local [hbm:s3], $0xF7A  }
0x26: {  	[smem:$0x3F6B] =	sst s1;
	(tag) =	ssettag s2;
	_ =	strace s9  }
0x27: {  	s1 =	sld [smem:$0x3F7B]  }
0x28: {  	s2 =	sld [smem:$0x3F7C]  }
0x29: {  	s4 =	sld [smem:$0x3F7E]  }
0x2a: {  	p0 =	seq.s32 s5, $0x0;
	s5 =	sld [smem:$0x3F7F]  }
0x2b: {  	s6 =	sld [smem:$0x3F80]  }
0x2c: {  	s7 =	sld [smem:$0x3F81]  }
0x2d: {  	s3 =	simm.s32 $0x108;
	s8 =	sld [smem:$0x3F82]  }
0x2e: {  	s3 =	simm.s32 @!p0 $0x1082;
	s9 =	sld [smem:$0x3F83]  }
0x2f: {  	lr =	sadd.s32 s0, s3;
	s0 =	sld [smem:$0x3F7A]  }
0x30: {  	s3 =	sld [smem:$0x3F7D]  }
0x31: {  	[smem:$0x3F86] =	sst s10  }
0x32: {  	s10 =	sld [smem:$0x3F84];
	_ =	sdelay $0x3  }
0x33: {  	p0 =	seq.s32 s10, $0x1;
	s10 =	sld [smem:$0x3F86];
	_ =	sdelay $0x3  }
0x34: {  	[smem:$0x3F86] =	sst s10  }
0x35: {  	s10 =	sld [smem:$0x3F85];
	_ =	sdelay $0x3  }
0x36: {  	p1 =	seq.s32 s10, $0x1;
	s10 =	sld [smem:$0x3F86];
	_ =	sdelay $0x3  }
0x37: {  	[smem:$0x3F86] =	sst s10  }
0x38: {  	s10 =	sld [smem:$0x3F87]  }
0x39: {  	_ = 	snop;
	(pc) =	sbr.ind lr, $3  }
0x3a: {  	_ = 	snop  }
0x3b: {  	_ = 	snop  }
0x3c: {  	p2 =	seq.s32 s10, $0x1;
	s10 =	sld [smem:$0x3F86]  }
0x3d: {  	_ =	shalt  }
0x3e: {  	_ =	shalt  }
0x3f: {  	_ =	shalt  }
0x40: {  	_ =	shalt  }
0x41: {  	_ =	shalt  }
0x42: {  	_ =	shalt  }
0x43: {  	_ =	shalt  }
0x44: {  	_ =	shalt  }
0x45: {  	_ =	shalt  }
0x46: {  	_ =	shalt  }
0x47: {  	_ =	shalt  }
0x48: {  	_ =	shalt  }
0x49: {  	_ =	shalt  }
0x4a: {  	_ =	shalt  }
0x4b: {  	_ =	shalt  }
0x4c: {  	_ =	shalt  }
0x4d: {  	_ =	shalt  }
0x4e: {  	_ =	shalt  }
0x4f: {  	_ =	shalt  }
0x50: {  	_ =	shalt  }
0x51: {  	_ =	shalt  }
0x52: {  	_ =	shalt  }
0x53: {  	_ =	shalt  }
0x54: {  	_ =	shalt  }
0x55: {  	_ =	shalt  }
0x56: {  	_ =	shalt  }
0x57: {  	_ =	shalt  }
0x58: {  	_ =	shalt  }
0x59: {  	_ =	shalt  }
0x5a: {  	_ =	shalt  }
0x5b: {  	_ =	shalt  }
0x5c: {  	_ =	shalt  }
0x5d: {  	_ =	shalt  }
0x5e: {  	_ =	shalt  }
0x5f: {  	_ =	shalt  }
0x60: {  	_ =	shalt  }
0x61: {  	_ =	shalt  }
0x62: {  	_ =	shalt  }
0x63: {  	_ =	shalt  }
0x64: {  	_ =	shalt  }
0x65: {  	_ =	shalt  }
0x66: {  	_ =	shalt  }
0x67: {  	_ =	shalt  }
0x68: {  	_ =	shalt  }
0x69: {  	_ =	shalt  }
0x6a: {  	_ =	shalt  }
0x6b: {  	_ =	shalt  }
0x6c: {  	_ =	shalt  }
0x6d: {  	_ =	shalt  }
0x6e: {  	_ =	shalt  }
0x6f: {  	_ =	shalt  }
0x70: {  	_ =	shalt  }
0x71: {  	_ =	shalt  }
0x72: {  	_ =	shalt  }
0x73: {  	_ =	shalt  }
0x74: {  	_ =	shalt  }
0x75: {  	_ =	shalt  }
0x76: {  	_ =	shalt  }
0x77: {  	_ =	shalt  }
0x78: {  	_ =	shalt  }
0x79: {  	_ =	shalt  }
0x7a: {  	_ =	shalt  }
0x7b: {  	_ =	shalt  }
0x7c: {  	_ =	shalt  }
0x7d: {  	_ =	shalt  }
0x7e: {  	_ =	shalt  }
0x7f: {  	_ =	shalt  }
0x80: {  	_ =	shalt  }
0x81: {  	_ =	shalt  }
0x82: {  	_ =	shalt  }
0x83: {  	_ =	shalt  }
0x84: {  	_ =	shalt  }
0x85: {  	_ =	shalt  }
0x86: {  	_ =	shalt  }
0x87: {  	_ =	shalt  }
.Lfunc_end0:
.L_simem_size_0:
called_computation.5_lowered:
.L_overlay_start_0:
0x88: {  	s2 =	sld [smem:$0x3FD9]  }
0x89: {  	s3 =	sld [smem:$0x3FFE];
	_ =	sdelay $0x1  }
0x8a: {  	s1 =	srdreg.scid  }
0x8b: {  	s0 =	sand.u32 $0x1, s1  }
0x8c: {  	s17 =	sshll.u32 s0, $0xA;
	s2 =	sadd.s32 s3, s2  }
0x8d: {  	s2 =	sadd.s32 s2, s17  }
0x8e: {  	[smem:$0x3F92] =	sst s2  }
0x8f: {  	_ = 	snop  }
0x90: {  	(tm) =	ssettm $0x1  }
0x91: {  	s18 =	sld [smem:$0x3FFB];
	_ =	sdelay $0x3  }
0x92: {  	_ =	strace s18  }
0x93: {  	s2 =	sld [smem:$0x3FFC];
	_ =	sdelay $0x3  }
0x94: {  	_ =	strace s2  }
0x95: {  	s2 =	sld [smem:$0x3FFD];
	_ =	sdelay $0x3  }
0x96: {  	_ =	strace s2  }
0x97: {  	_ =	strace $0x8FFFFFFF  }
0x98: {  	s19 =	sld [smem:$0x3FDB];
	_ =	sdelay $0x1  }
0x99: {  	s20 =	simm.s32 $_scs_section_size  }
0x9a: {  	s4 =	simm.s32 $_size__tile_overlayer_lowered;
	s5 =	simm.s32 $_tile_overlayer_lowered  }
0x9b: {  	s6 =	simm.s32 $0x1BFF;
	s21 =	sshll.u32 s5, $0x1;
	s3 =	sadd.s32 s20, s19  }
0x9c: {  	s22 =	simm.s32 $0x0;
	s4 =	sshll.u32 s4, $0x1;
	s5 =	sadd.s32 s21, s3  }
0x9d: {  	[timem:s22], [sflag:s6] =	dma.local [hbm:s5], s4  }
0x9e: {  	_ =	swait.ge [sflag:s6], s4  }
0x9f: {  	s4 =	ssub.s32 $0x0, s4;
	[sflag:s6] =	ssyncset.done $0x0  }
0xa0: {  	[sflag:s6] =	ssyncadd.s32 s4;
	_ =	sdelay $0x1  }
0xa1: {  	s23 =	simm.s32 $0x1B8B  }
0xa2: {  	_ =	swait.ge [sflag:s23], $0x1  }
0xa3: {  	[sflag:s23] =	ssyncset.done $0x0  }
0xa4: {  	[sflag:s23] =	ssyncadd.s32 $0xFFFFFFFF  }
0xa5: {  	s4 =	sld [smem:$0x0]  }
0xa6: {  	s5 =	sand.u32 $0xFFFFFFFE, s1  }
0xa7: {  	p0 =	sne.s32 s1, s5  }
0xa8: {  	s5 =	sshll.u32 @p0 s5, $0xE  }
0xa9: {  	s5 =	sadd.s32 @p0 $0x11B8D, s5;
	s6 =	sshll.u32 @p0 s4, $0x11  }
0xaa: {  	s5 =	sor.u32 @p0 s6, s5  }
0xab: {  	[sflag:s5] =	ssyncadd.remote.s32 @p0 $0x1;
	_ =	sdelay $0x1  }
0xac: {  	s5 =	simm.s32 @p0 $0x1B8D  }
0xad: {  	_ =	swait.eq @p0 [sflag:s5], $0x1  }
0xae: {  	[sflag:s5] =	ssyncadd.s32 @p0 $0xFFFFFFFF  }
0xaf: {  	s6 =	sshll.u32 @!p0 s1, $0xE  }
0xb0: {  	s6 =	sor.u32 @!p0 $0x4000, s6;
	s5 =	simm.s32 @!p0 $0x1B8D  }
0xb1: {  	s4 =	sshll.u32 @!p0 s4, $0x11;
	s6 =	sadd.s32 @!p0 $0x11B8D, s6;
	_ =	swait.eq @!p0 [sflag:s5], $0x1  }
0xb2: {  	s4 =	sor.u32 @!p0 s4, s6;
	[sflag:s5] =	ssyncadd.s32 @!p0 $0xFFFFFFFF  }
0xb3: {  	s25 =	simm.s32 $0x1B8E;
	s24 =	sld [smem:$0x3FFE];
	[sflag:s4] =	ssyncadd.remote.s32 @!p0 $0x1  }
0xb4: {  	s26 =	simm.s32 $execute0_lowered;
	[smem:$0x3FD2] =	sst s25  }
0xb5: {  	s5 =	sshll.u32 s26, $0x1;
	_ =	strace $0x80000055;
	[dreg:$0x1] =	wrdreg $0xFFFFFFFF  }
0xb6: {  	s28 =	simm.s32 $_size_execute0_lowered;
	s3 =	sadd.s32 s3, s5;
	[dreg:$0x0] =	wrdreg $0x0  }
0xb7: {  	s5 =	sshll.u32 s28, $0x1;
	[dreg:$0x2] =	wrdreg s3  }
0xb8: {  	[dreg:$0x3] =	wrdreg s5  }
0xb9: {  	[dreg:$0x4] =	wrdreg $0xC0  }
0xba: {  	_ =	task [dreg:s22], $0x5FFFF  }
0xbb: {  	[dreg:$0x1] =	wrdreg $0xFFFFFFFF  }
0xbc: {  	[dreg:$0x0] =	wrdreg $0x60  }
0xbd: {  	[dreg:$0x2] =	wrdreg s24  }
0xbe: {  	[dreg:$0x3] =	wrdreg $0x0  }
0xbf: {  	[dreg:$0x4] =	wrdreg $0xA  }
0xc0: {  	_ =	task.clear_ibuf [dreg:s22], $0x5FFFF;
	_ =	strace $0x90000055  }
0xc1: {  	s29 =	simm.s32 $0xA;
	_ =	strace $0x80000057  }
0xc2: {  	_ =	swait.ge [sflag:s29], $0x1  }
0xc3: {  	[sflag:s29] =	ssyncadd.s32 $0xFFFFFFFF  }
0xc4: {  	_ =	strace $0x90000057  }
0xc5: {  	_ =	sfence  }
0xc6: {  	s30 =	sld [smem:$0x0];
	_ =	sdelay $0x2  }
0xc7: {  	s31 =	sshll.u32 s1, $0xD;
	s1 =	sshrl.u32 s1, $0x2  }
0xc8: {  	s4 =	sand.u32 $0x4000, s31;
	s1 =	sadd.s32 s1, s30  }
0xc9: {  	s0 =	sor.u32 s4, s0;
	s1 =	sshll.u32 s1, $0x11  }
0xca: {  	s0 =	sor.u32 s1, s0  }
0xcb: {  	s0 =	sadd.s32 $0x8F2B, s0  }
0xcc: {  	[sflag:s0] =	ssyncadd.remote.s32 $0x1  }
0xcd: {  	_ =	sfence.sel $0xFFFF  }
0xce: {  	[dreg:$0x0] =	wrdreg $0xFFFFFFFF;
	(pc) =	sbr.abs _section_cstart, $3  }
0xcf: {  	[dreg:$0x1] =	wrdreg $0xFFFFFFFF  }
0xd0: {  	_ =	task.clear_ibuf [dreg:s22], $0x2FFFF;
	_ =	strace $0x9FFFFFFF  }
0xd1: {  	(tm) =	ssettm $0x7FFFFFFF  }
tec
execute0_lowered:
.L_overlay_start_1:
0x0: {  	(tag) =	ssettag $0x1  }
0x1: {  	s5 =	rddreg [dreg:$0x0]  }
0x2: {  	s2 =	rddreg [dreg:$0x1]  }
0x3: {  	s0 =	rddreg [dreg:$0x2];
	s3 =	simm.s32 $0x0;
	s1 =	stileid.u32  }
0x4: {  	s4 =	srdreg.scid;
	[smem:$0x7FF] =	sst s3  }
0x5: {  	s6 =	sshll.u32 s1, $0xC;
	s17 =	sand.u32 $0x1, s4;
	s4 =	sadd.s32 $0x1A5600, s5  }
0x6: {  	s15 =	sshll.u32 s1, $0x1;
	s14 =	sshll.u32 s1, $0x5;
	s10 =	sshll.u32 s1, $0x9  }
0x7: {  	s30 =	sshll.u32 s1, $0x8;
	_ =	strace $0x80000056;
	s18 =	sadd.s32 s6, s5  }
0x8: {  	s7 =	sshll.u32 s17, $0xD;
	s8 =	ssub.s32 $0x2, s17;
	s11 =	sor.u32 $0x8, s14  }
0x9: {  	s19 =	sor.u32 $0x10, s14;
	s20 =	sor.u32 $0x18, s14;
	s21 =	sor.u32 s15, s17  }
0xa: {  	s29 =	sshll.u32 s17, $0xB;
	s31 =	sshll.u32 s17, $0x7;
	s7 =	sadd.s32 s7, s5  }
0xb: {  	s22 =	sshrl.u32 s8, $0x1;
	s5 =	sadd.s32 s6, s2;
	s12 =	sshll.u32 s11, $0x7  }
0xc: {  	s13 =	sshll.u32 s11, $0x4;
	s23 =	sshll.u32 s19, $0x7;
	s19 =	sshll.u32 s19, $0x4  }
0xd: {  	s24 =	sshll.u32 s20, $0x7;
	s25 =	sshll.u32 s20, $0x4;
	s26 =	ssub.s32 $0x270, s21  }
0xe: {  	s18 =	sadd.s32 s29, s18;
	s20 =	simm.s32 $0x5080;
	s21 =	simm.s32 $0x1  }
0xf: {  	s8 =	ssub.s32 s8, s22;
	s16 =	sadd.s32 $0x12000, s7;
	s7 =	sadd.s32 $0x400, s5  }
0x10: {  	s9 =	sadd.s32 $0xC00, s5;
	s11 =	sadd.s32 s12, s2;
	s15 =	sadd.s32 s24, s2  }
0x11: {  	s28 =	sshrl.u32 s26, $0x5;
	s18 =	sadd.s32 $0x689E00, s18;
	s22 =	simm.s32 $0x1000  }
0x12: {  	s24 =	simm.s32 $0x80;
	s6 =	smax.u32 s8, $0x1;
	s8 =	sadd.s32 $0x800, s5  }
0x13: {  	s10 =	sadd.s32 s10, s16;
	s12 =	sadd.s32 s13, s16;
	s13 =	sadd.s32 s23, s2  }
0x14: {  	s14 =	sadd.s32 s19, s16;
	s16 =	sadd.s32 s25, s16;
	s17 =	sxor.u32 $0xFFFFFFFF, s28  }
0x15: {  	v0 =	vimm.f32 $0.0e+00;
	s19 =	sor.u32 s31, s30;
	s23 =	simm.s32 $0x1080;
	s25 =	simm.s32 $0x0  }
.LBB2_1:
0x16: {  	[tilespmem:$0x5080] =	vst v0  }
0x17: {  	[tilespmem:$0x5090] =	vst v0  }
0x18: {  	[tilespmem:$0x50A0] =	vst v0  }
0x19: {  	[tilespmem:$0x50B0] =	vst v0  }
0x1a: {  	[tilespmem:$0x50C0] =	vst v0  }
0x1b: {  	[tilespmem:$0x50D0] =	vst v0  }
0x1c: {  	[tilespmem:$0x50E0] =	vst v0  }
0x1d: {  	[tilespmem:$0x50F0] =	vst v0  }
0x1e: {  	[tilespmem:$0x5100] =	vst v0  }
0x1f: {  	[tilespmem:$0x5110] =	vst v0  }
0x20: {  	[tilespmem:$0x5120] =	vst v0  }
0x21: {  	[tilespmem:$0x5130] =	vst v0  }
0x22: {  	[tilespmem:$0x5140] =	vst v0  }
0x23: {  	[tilespmem:$0x5150] =	vst v0  }
0x24: {  	[tilespmem:$0x5160] =	vst v0  }
0x25: {  	[tilespmem:$0x5170] =	vst v0  }
0x26: {  	[tilespmem:$0x5180] =	vst v0  }
0x27: {  	[tilespmem:$0x5190] =	vst v0  }
0x28: {  	[tilespmem:$0x51A0] =	vst v0  }
0x29: {  	[tilespmem:$0x51B0] =	vst v0  }
0x2a: {  	[tilespmem:$0x51C0] =	vst v0  }
0x2b: {  	[tilespmem:$0x51D0] =	vst v0  }
0x2c: {  	[tilespmem:$0x51E0] =	vst v0  }
0x2d: {  	[tilespmem:$0x51F0] =	vst v0  }
0x2e: {  	[tilespmem:$0x5200] =	vst v0  }
0x2f: {  	[tilespmem:$0x5210] =	vst v0  }
0x30: {  	[tilespmem:$0x5220] =	vst v0  }
0x31: {  	[tilespmem:$0x5230] =	vst v0  }
0x32: {  	[tilespmem:$0x5240] =	vst v0  }
0x33: {  	[tilespmem:$0x5250] =	vst v0  }
0x34: {  	[tilespmem:$0x5260] =	vst v0  }
0x35: {  	[tilespmem:$0x5270] =	vst v0  }
0x36: {  	[tilespmem:$0x5280] =	vst v0  }
0x37: {  	[tilespmem:$0x5290] =	vst v0  }
0x38: {  	[tilespmem:$0x52A0] =	vst v0  }
0x39: {  	[tilespmem:$0x52B0] =	vst v0  }
0x3a: {  	[tilespmem:$0x52C0] =	vst v0  }
0x3b: {  	[tilespmem:$0x52D0] =	vst v0  }
0x3c: {  	[tilespmem:$0x52E0] =	vst v0  }
0x3d: {  	[tilespmem:$0x52F0] =	vst v0  }
0x3e: {  	[tilespmem:$0x5300] =	vst v0  }
0x3f: {  	[tilespmem:$0x5310] =	vst v0  }
0x40: {  	[tilespmem:$0x5320] =	vst v0  }
0x41: {  	[tilespmem:$0x5330] =	vst v0  }
0x42: {  	[tilespmem:$0x5340] =	vst v0  }
0x43: {  	[tilespmem:$0x5350] =	vst v0  }
0x44: {  	[tilespmem:$0x5360] =	vst v0  }
0x45: {  	[tilespmem:$0x5370] =	vst v0  }
0x46: {  	[tilespmem:$0x5380] =	vst v0  }
0x47: {  	[tilespmem:$0x5390] =	vst v0  }
0x48: {  	[tilespmem:$0x53A0] =	vst v0  }
0x49: {  	[tilespmem:$0x53B0] =	vst v0  }
0x4a: {  	[tilespmem:$0x53C0] =	vst v0  }
0x4b: {  	[tilespmem:$0x53D0] =	vst v0  }
0x4c: {  	[tilespmem:$0x53E0] =	vst v0  }
0x4d: {  	[tilespmem:$0x53F0] =	vst v0  }
0x4e: {  	[tilespmem:$0x5400] =	vst v0  }
0x4f: {  	[tilespmem:$0x5410] =	vst v0  }
0x50: {  	[tilespmem:$0x5420] =	vst v0  }
0x51: {  	[tilespmem:$0x5430] =	vst v0  }
0x52: {  	[tilespmem:$0x5440] =	vst v0  }
0x53: {  	[tilespmem:$0x5450] =	vst v0  }
0x54: {  	[tilespmem:$0x5460] =	vst v0  }
0x55: {  	[tilespmem:$0x5470] =	vst v0  }
0x56: {  	[spmem:s5] =	stream.linear.scatter [tilespmem:s20], [sflag:$0x1], $0x400, $0x38;
	[tilespmem:$0x5480] =	vst v63  }
0x57: {  	_ =	swait.ge [sflag:s21], $0x400  }
0x58: {  	[sflag:s21] =	ssyncset.done $0x0  }
0x59: {  	[sflag:s21] =	ssyncadd.s32 $0xFFFFFC00  }
0x5a: {  	[spmem:s7] =	stream.linear.scatter [tilespmem:s20], [sflag:$0x1], $0x400, $0x38;
	[tilespmem:$0x5480] =	vst v63  }
0x5b: {  	_ =	swait.ge [sflag:s21], $0x400  }
0x5c: {  	[sflag:s21] =	ssyncset.done $0x0  }
0x5d: {  	[sflag:s21] =	ssyncadd.s32 $0xFFFFFC00  }
0x5e: {  	[spmem:s8] =	stream.linear.scatter [tilespmem:s20], [sflag:$0x1], $0x400, $0x38;
	[tilespmem:$0x5480] =	vst v63  }
0x5f: {  	_ =	swait.ge [sflag:s21], $0x400  }
0x60: {  	s26 =	sadd.s32 $0x1, s17;
	[sflag:s21] =	ssyncset.done $0x0  }
0x61: {  	p1 =	seq.s32 s26, $0x0;
	[sflag:s21] =	ssyncadd.s32 $0xFFFFFC00  }
0x62: {  	[spmem:s9] =	stream.linear.scatter [tilespmem:s20], [sflag:$0x1], $0x400, $0x38;
	[tilespmem:$0x5480] =	vst v63  }
.Ltmp0:
0x63: {  	_ =	swait.ge [sflag:s21], $0x400;
	(pc) =	sbr.rel @p1 .LBB2_2-.Ltmp0, $4  }
0x64: {  	[sflag:s21] =	ssyncset.done $0x0  }
0x65: {  	[sflag:s21] =	ssyncadd.s32 $0xFFFFFC00  }
0x66: {  	[bflag:$0x0] =	sbarrier.arrive $0xFFFF  }
0x67: {  	s30 =	sshrl.u32 s19, $0x3;
	p0 =	por $0x0, $0x0  }
0x68: {  	s28 =	sadd.s32 s4, s30  }
0x69: {  	[tilespmem:s22], [sflag:$0x1] =	stream.linear.gather [hbm4b:s28+s3], $0x80, $0x38;
	[tilespmem:$0x5480] =	vst v63  }
0x6a: {  	_ =	swait.ge [sflag:s21], $0x80  }
0x6b: {  	[sflag:s21] =	ssyncset.done $0x0  }
0x6c: {  	s28 =	sadd.s32 $0x1, s26;
	[sflag:s21] =	ssyncadd.s32 $0xFFFFFF80  }
0x6d: {  	[tilespmem:s23], [sflag:$0x1] =	stream.linear.gather [hbm4b:s18+s3], $0x4000, $0x38;
	[tilespmem:$0x5480] =	vst v63  }
0x6e: {  	p1 =	seq.s32 s28, $0x0;
	_ =	swait.ge [sflag:s21], $0x4000  }
.Ltmp1:
0x6f: {  	[sflag:s21] =	ssyncset.done $0x0;
	(pc) =	sbr.rel @p1 .LBB2_5-.Ltmp1, $4  }
0x70: {  	[sflag:s21] =	ssyncadd.s32 $0xFFFFC000  }
0x71: {  	[spmem:s2] =	stream.indirect.scatter.add.f32 [tilespmem:s23], [sflag:$0x1], $0x80, s22, s24, $0xb8;
	[tilespmem:$0x5480] =	vst v63  }
0x72: {  	s29 =	sadd.s32 $0x1000, s19;
	p0 =	por $0x1, $0x1;
	_ =	swait.ge [sflag:s21], $0x4000  }
0x73: {  	s30 =	sshrl.u32 s29, $0x3;
	s26 =	sadd.s32 $0x10000, s18;
	[sflag:s21] =	ssyncset.done $0x0  }
.LBB2_4:
0x74: {  	s28 =	sadd.s32 $0x1, s28;
	s30 =	sadd.s32 s4, s30;
	[sflag:s21] =	ssyncadd.s32 $0xFFFFC000  }
0x75: {  	[tilespmem:s22], [sflag:$0x1] =	stream.linear.gather [hbm4b:s30+s3], $0x80, $0x38;
	[tilespmem:$0x5480] =	vst v63  }
0x76: {  	p1 =	seq.s32 s28, $0x0;
	_ =	swait.ge [sflag:s21], $0x80  }
0x77: {  	[sflag:s21] =	ssyncset.done $0x0  }
0x78: {  	[sflag:s21] =	ssyncadd.s32 $0xFFFFFF80  }
0x79: {  	[tilespmem:s23], [sflag:$0x1] =	stream.linear.gather [hbm4b:s26+s3], $0x4000, $0x38;
	[tilespmem:$0x5480] =	vst v63  }
0x7a: {  	_ =	swait.ge [sflag:s21], $0x4000  }
.Ltmp2:
0x7b: {  	[sflag:s21] =	ssyncset.done $0x0;
	(pc) =	sbr.rel @!p1 .LBB2_4-.Ltmp2, $4  }
0x7c: {  	[sflag:s21] =	ssyncadd.s32 $0xFFFFC000  }
0x7d: {  	[spmem:s2] =	stream.indirect.scatter.add.f32 [tilespmem:s23], [sflag:$0x1], $0x80, s22, s24, $0xb8;
	[tilespmem:$0x5480] =	vst v63  }
0x7e: {  	s29 =	sadd.s32 $0x1000, s29;
	_ =	swait.ge [sflag:s21], $0x4000  }
0x7f: {  	s30 =	sshrl.u32 s29, $0x3;
	s26 =	sadd.s32 $0x10000, s26;
	[sflag:s21] =	ssyncset.done $0x0  }
.LBB2_5:
0x80: {  	s28 =	sadd.s32 s4, s30;
	[sflag:s21] =	ssyncadd.s32 @p0 $0xFFFFC000  }
0x81: {  	[tilespmem:s22], [sflag:$0x1] =	stream.linear.gather [hbm4b:s28+s3], $0x80, $0x38;
	[tilespmem:$0x5480] =	vst v63  }
0x82: {  	_ =	swait.ge [sflag:s21], $0x80  }
0x83: {  	[sflag:s21] =	ssyncset.done $0x0  }
0x84: {  	[sflag:s21] =	ssyncadd.s32 $0xFFFFFF80  }
0x85: {  	[tilespmem:s23], [sflag:$0x1] =	stream.linear.gather [hbm4b:s26+s3], $0x4000, $0x38;
	[tilespmem:$0x5480] =	vst v63  }
0x86: {  	_ =	swait.ge [sflag:s21], $0x4000  }
0x87: {  	[sflag:s21] =	ssyncset.done $0x0  }
0x88: {  	[sflag:s21] =	ssyncadd.s32 $0xFFFFC000  }
0x89: {  	[spmem:s2] =	stream.indirect.scatter.add.f32 [tilespmem:s23], [sflag:$0x1], $0x80, s22, s24, $0xb8;
	[tilespmem:$0x5480] =	vst v63  }
0x8a: {  	_ =	swait.ge [sflag:s21], $0x4000  }
0x8b: {  	[sflag:s21] =	ssyncset.done $0x0  }
0x8c: {  	[sflag:s21] =	ssyncadd.s32 $0xFFFFC000  }
0x8d: {  	[bflag:$0x0] =	sbarrier.arrive $0xFFFF  }
0x8e: {  	[tilespmem:s20], [sflag:$0x1] =	stream.linear.gather [spmem:s5], $0x400, $0x38;
	[tilespmem:$0x5480] =	vst v63  }
0x8f: {  	_ =	swait.ge [sflag:s21], $0x400  }
0x90: {  	[sflag:s21] =	ssyncset.done $0x0  }
0x91: {  	[sflag:s21] =	ssyncadd.s32 $0xFFFFFC00  }
0x92: {  	[hbm4b:s10+s3] =	stream.linear.scatter [tilespmem:s20], [sflag:$0x1], $0x400, $0x38;
	[tilespmem:$0x5480] =	vst v63  }
0x93: {  	_ =	swait.ge [sflag:s21], $0x400  }
0x94: {  	[sflag:s21] =	ssyncset.done $0x0  }
0x95: {  	[sflag:s21] =	ssyncadd.s32 $0xFFFFFC00  }
0x96: {  	[tilespmem:s20], [sflag:$0x1] =	stream.linear.gather [spmem:s11], $0x400, $0x38;
	[tilespmem:$0x5480] =	vst v63  }
0x97: {  	_ =	swait.ge [sflag:s21], $0x400  }
0x98: {  	[sflag:s21] =	ssyncset.done $0x0  }
0x99: {  	[sflag:s21] =	ssyncadd.s32 $0xFFFFFC00  }
0x9a: {  	[hbm4b:s12+s3] =	stream.linear.scatter [tilespmem:s20], [sflag:$0x1], $0x400, $0x38;
	[tilespmem:$0x5480] =	vst v63  }
0x9b: {  	_ =	swait.ge [sflag:s21], $0x400  }
0x9c: {  	[sflag:s21] =	ssyncset.done $0x0  }
0x9d: {  	[sflag:s21] =	ssyncadd.s32 $0xFFFFFC00  }
0x9e: {  	[tilespmem:s20], [sflag:$0x1] =	stream.linear.gather [spmem:s13], $0x400, $0x38;
	[tilespmem:$0x5480] =	vst v63  }
0x9f: {  	_ =	swait.ge [sflag:s21], $0x400  }
0xa0: {  	[sflag:s21] =	ssyncset.done $0x0  }
0xa1: {  	[sflag:s21] =	ssyncadd.s32 $0xFFFFFC00  }
0xa2: {  	[hbm4b:s14+s3] =	stream.linear.scatter [tilespmem:s20], [sflag:$0x1], $0x400, $0x38;
	[tilespmem:$0x5480] =	vst v63  }
0xa3: {  	_ =	swait.ge [sflag:s21], $0x400  }
0xa4: {  	[sflag:s21] =	ssyncset.done $0x0  }
0xa5: {  	[sflag:s21] =	ssyncadd.s32 $0xFFFFFC00  }
0xa6: {  	[tilespmem:s20], [sflag:$0x1] =	stream.linear.gather [spmem:s15], $0x400, $0x38;
	[tilespmem:$0x5480] =	vst v63  }
0xa7: {  	_ =	swait.ge [sflag:s21], $0x400  }
0xa8: {  	s25 =	sadd.s32 $0x1, s25;
	[sflag:s21] =	ssyncset.done $0x0  }
0xa9: {  	p0 =	sne.s32 s25, s6;
	[sflag:s21] =	ssyncadd.s32 $0xFFFFFC00  }
0xaa: {  	[hbm4b:s16+s3] =	stream.linear.scatter [tilespmem:s20], [sflag:$0x1], $0x400, $0x38;
	[tilespmem:$0x5480] =	vst v63  }
.Ltmp3:
0xab: {  	_ = 	snop;
	(pc) =	sbr.rel @p0 .LBB2_1-.Ltmp3, $4  }
.Ltmp4:
0xac: {  	_ = 	snop;
	(pc) =	sbr.rel @!p0 .LBB2_6-.Ltmp4, $4  }
0xad: {  	_ =	swait.ge [sflag:s21], $0x400  }
0xae: {  	[sflag:s21] =	ssyncset.done $0x0  }
0xaf: {  	[sflag:s21] =	ssyncadd.s32 $0xFFFFFC00  }
0xb0: {  	_ = 	snop  }
.LBB2_2:
.Ltmp5:
0xb1: {  	(pc) =	sbr.rel .LBB2_5-.Ltmp5, $2  }
0xb2: {  	_ =	sdelay $0x2  }
0xb3: {  	s26 =	smov.u32 s18  }
.LBB2_6:
0xb4: {  	_ =	sfence.sel $0x180000  }
0xb5: {  	[bflag:$0x0] =	sbarrier.arrive $0xFFFF  }
0xb6: {  	p0 =	sne.s32 s1, $0x0;
	_ =	strace $0x90000056  }
0xb7: {  	s0 =	sadd.s32 @!p0 $0x100000, s0;
	[bflag:$0x2] =	sbarrier.arrive $0xFFFF  }
0xb8: {  	[sflag:s0] =	ssyncadd.tile.s32 @!p0 $0x1;
	_ =	shalt  }
.Lfunc_end2:
_tile_overlayer_lowered:
.L_overlay_start_2:
0xb9: {  	(tag) =	ssettag $0x2  }
0xba: {  	s0 =	rddreg [dreg:$0x0];
	s2 =	stileid.u32  }
0xbb: {  	s1 =	rddreg [dreg:$0x1];
	p0 =	sne.s32 s2, $0x0  }
0xbc: {  	s3 =	rddreg [dreg:$0x2];
	[bflag:$0x3] =	sbarrier.arrive $0xFFFF;
	s2 =	simm.s32 @!p0 $0x1C01  }
0xbd: {  	[timem:s3], [sflag:s2] =	dma.local @!p0 [hbm:s0], s1  }
0xbe: {  	s0 =	simm.s32 @!p0 $0x1  }
0xbf: {  	_ =	swait.ge @!p0 [sflag:s0], s1  }
0xc0: {  	s1 =	ssub.s32 @!p0 $0x0, s1;
	[sflag:s0] =	ssyncset.done @!p0 $0x0  }
0xc1: {  	[sflag:s0] =	ssyncadd.s32 @!p0 s1  }
0xc2: {  	[bflag:$0x3] =	sbarrier.arrive $0xFFFF  }
0xc3: {  	_ =	shalt  }

</sc_bundles>
